<compile_context>
chip_gen: v7x
topology: tpu7x:2x2x1
jax: 0.10.2.dev20260603
libtpu: 0.0.44.dev20260713+nightly
codegen_flags: <defaults>
</compile_context>

<pallas_src>
import functools

import jax
import jax.numpy as jnp
from jax import lax
from jax.experimental import pallas as pl
from jax.experimental.pallas import tpu as pltpu
from jax.experimental.pallas import tpu_sc as plsc

BATCH = 16384
EMBED_DIM = 32
NROWS = 1000000
NUM_CORES = 2
NUM_SUBCORES = 16
LANES = 16
NUM_WORKERS = NUM_CORES * NUM_SUBCORES
BPW = BATCH // NUM_WORKERS
OCT = 8
NOCT = BPW // OCT
MAX_BASE = (NROWS - 128) // 128 * 128
TAIL = NROWS - 128
TAIL_CUT = MAX_BASE + 128


def _gmf_sc(user, item, embed_u_t, embed_i_t, u_tail, i_tail, params):
    mesh = plsc.VectorSubcoreMesh(core_axis_name="c", subcore_axis_name="s")

    slot_types = [pltpu.VMEM((2, EMBED_DIM, 128), jnp.float32)
                  for _ in range(OCT)]

    @functools.partial(
        pl.kernel,
        out_type=jax.ShapeDtypeStruct((BATCH,), jnp.float32),
        mesh=mesh,
        scratch_types=[
            pltpu.VMEM((BPW + 16,), jnp.int32),
            pltpu.VMEM((BPW + 16,), jnp.int32),
            pltpu.VMEM((EMBED_DIM, 128), jnp.float32),
            pltpu.VMEM((EMBED_DIM, 128), jnp.float32),
            pltpu.VMEM((48,), jnp.float32),
            pltpu.VMEM((256,), jnp.float32),
            pltpu.VMEM((BPW + 8,), jnp.float32),
            pltpu.SemaphoreType.DMA,
            pltpu.SemaphoreType.DMA,
        ] + slot_types,
        compiler_params=pltpu.CompilerParams(
            use_tc_tiling_on_sc=True, needs_layout_passes=False),
    )
    def k(u_hbm, i_hbm, eu_hbm, ei_hbm, ut_hbm, it_hbm, p_hbm, o_hbm,
          uix, iix, utail, itail, pv, stage, ov, sem_u, sem_i, *slots):
        uslots = [s.at[0] for s in slots]
        islots = [s.at[1] for s in slots]
        wid = lax.axis_index("s") * NUM_CORES + lax.axis_index("c")
        base = wid * BPW
        pltpu.sync_copy(u_hbm.at[pl.ds(base, BPW)], uix.at[pl.ds(0, BPW)])
        pltpu.sync_copy(i_hbm.at[pl.ds(base, BPW)], iix.at[pl.ds(0, BPW)])
        pltpu.sync_copy(p_hbm, pv)
        pltpu.sync_copy(ut_hbm, utail)
        pltpu.sync_copy(it_hbm, itail)

        h0 = pv[pl.ds(0, LANES)]
        h1 = pv[pl.ds(LANES, LANES)]
        hb = pv[pl.ds(2 * LANES, LANES)][0]
        rows16 = lax.iota(jnp.int32, LANES)
        lane16x16 = rows16 * LANES

        def fire_row(j, ur, ir):
            ub = jnp.minimum(ur & -128, MAX_BASE)
            ib = jnp.minimum(ir & -128, MAX_BASE)
            pltpu.async_copy(
                eu_hbm.at[:, pl.ds(pl.multiple_of(ub, 128), 128)],
                uslots[j], sem_u)
            pltpu.async_copy(
                ei_hbm.at[:, pl.ds(pl.multiple_of(ib, 128), 128)],
                islots[j], sem_i)

        def fire(o):
            uch = jnp.clip(uix[pl.ds(o * OCT, LANES)], 0, NROWS - 1)
            ich = jnp.clip(iix[pl.ds(o * OCT, LANES)], 0, NROWS - 1)
            for j in range(OCT):
                fire_row(j, uch[j], ich[j])

        def drain_row(j):
            pltpu.make_async_copy(
                eu_hbm.at[:, pl.ds(0, 128)], uslots[j], sem_u).wait()
            pltpu.make_async_copy(
                ei_hbm.at[:, pl.ds(0, 128)], islots[j], sem_i).wait()

        def compute_row(j, ur, ir):
            ul = jnp.minimum(ur - jnp.minimum(ur & -128, MAX_BASE), 127)
            il = jnp.minimum(ir - jnp.minimum(ir & -128, MAX_BASE), 127)
            ucol = jnp.full((LANES,), ul, jnp.int32)
            icol = jnp.full((LANES,), il, jnp.int32)
            u0 = plsc.load_gather(uslots[j], [rows16, ucol])
            u1 = plsc.load_gather(uslots[j], [rows16 + LANES, ucol])
            i0 = plsc.load_gather(islots[j], [rows16, icol])
            i1 = plsc.load_gather(islots[j], [rows16 + LANES, icol])
            utc = jnp.full((LANES,), jnp.clip(ur - TAIL, 0, 127), jnp.int32)
            itc = jnp.full((LANES,), jnp.clip(ir - TAIL, 0, 127), jnp.int32)
            um = jnp.full((LANES,), ur >= TAIL_CUT)
            im = jnp.full((LANES,), ir >= TAIL_CUT)
            u0 = jnp.where(um, plsc.load_gather(utail, [rows16, utc]), u0)
            u1 = jnp.where(
                um, plsc.load_gather(utail, [rows16 + LANES, utc]), u1)
            i0 = jnp.where(im, plsc.load_gather(itail, [rows16, itc]), i0)
            i1 = jnp.where(
                im, plsc.load_gather(itail, [rows16 + LANES, itc]), i1)
            stage[pl.ds(j * LANES, LANES)] = u0 * i0 * h0 + u1 * i1 * h1

        def reduce_store(o):
            acc = jnp.zeros((LANES,), jnp.float32)
            for m in range(LANES):
                acc = acc + plsc.load_gather(stage, [lane16x16 + m])
            ov[pl.ds(o * OCT, LANES)] = 1.0 / (1.0 + jnp.exp(-(acc + hb)))

        fire(0)

        @pl.loop(0, NOCT - 1)
        def _(o):
            uch = jnp.clip(uix[pl.ds(o * OCT, LANES)], 0, NROWS - 1)
            ich = jnp.clip(iix[pl.ds(o * OCT, LANES)], 0, NROWS - 1)
            nuch = jnp.clip(uix[pl.ds(o * OCT + OCT, LANES)], 0, NROWS - 1)
            nich = jnp.clip(iix[pl.ds(o * OCT + OCT, LANES)], 0, NROWS - 1)
            for j in range(OCT):
                drain_row(j)
                compute_row(j, uch[j], ich[j])
                fire_row(j, nuch[j], nich[j])
            reduce_store(o)

        uch = jnp.clip(uix[pl.ds((NOCT - 1) * OCT, LANES)], 0, NROWS - 1)
        ich = jnp.clip(iix[pl.ds((NOCT - 1) * OCT, LANES)], 0, NROWS - 1)
        for j in range(OCT):
            drain_row(j)
            compute_row(j, uch[j], ich[j])
        reduce_store(NOCT - 1)

        pltpu.sync_copy(ov.at[pl.ds(0, BPW)], o_hbm.at[pl.ds(base, BPW)])

    return k(user, item, embed_u_t, embed_i_t, u_tail, i_tail, params)


def kernel(user, item, binary, embed_u, embed_i, H_w, H_b):
    del binary
    user = user.astype(jnp.int32)
    item = item.astype(jnp.int32)
    params = jnp.concatenate(
        [H_w.reshape(-1), H_b.reshape(-1),
         jnp.zeros((15,), jnp.float32)]).astype(jnp.float32)
    u_tail = embed_u[TAIL:].T
    i_tail = embed_i[TAIL:].T
    out = _gmf_sc(user, item, embed_u.T, embed_i.T, u_tail, i_tail, params)
    return out.reshape(BATCH, 1)

# --- scband reference (transcript-rebuilt; emitter-appended) ---
"""Pipeline reference for scband-gmf-86973087744142 (READ-ONLY COPY).

The authoritative reference and input builder live on the scoring server;
editing this copy changes nothing except your own understanding.
"""

import jax, jax.numpy as jnp
import numpy as np

N_USER = 1000000
N_ITEM = 1000000
EMBED_DIM = 32
BATCH = 16384


def setup_inputs(seed: int = 0) -> dict:
    key = jax.random.key(seed)
    k1, k2, k3, k4, k5, k6, k7 = jax.random.split(key, 7)
    user = jax.random.randint(k1, (BATCH,), 0, N_USER)
    item = jax.random.randint(k2, (BATCH,), 0, N_ITEM)
    binary = jax.random.randint(k3, (BATCH,), 0, 2)
    embed_u = jax.random.normal(k4, (N_USER, EMBED_DIM), dtype=jnp.float32)
    embed_i = jax.random.normal(k5, (N_ITEM, EMBED_DIM), dtype=jnp.float32)
    H_w = jax.random.normal(k6, (EMBED_DIM, 1), dtype=jnp.float32) * (1.0 / np.sqrt(EMBED_DIM))
    H_b = jax.random.normal(k7, (1,), dtype=jnp.float32) * 0.01
    return {"user": user, "item": item, "binary": binary,
            "embed_u": embed_u, "embed_i": embed_i, "H_w": H_w, "H_b": H_b}


def reference(user, item, binary, embed_u, embed_i, H_w, H_b):
    # P_u = self.embed_u(user)
    P_u = jnp.take(embed_u, user, axis=0)
    # Q_i = self.embed_i(item)
    Q_i = jnp.take(embed_i, item, axis=0)
    # Calculate = P_u * Q_i
    calc = P_u * Q_i
    # Calculate = self.H(Calculate)
    calc = calc @ H_w + H_b
    # Calculate = self.sigmoid(Calculate)
    return jax.nn.sigmoid(calc)

if __name__ == "__main__":
    import jax
    _d = setup_inputs()
    print(jax.jit(kernel)(*tuple(_d.values())))

</pallas_src>

<mosaic_0001>
#map = affine_map<(d0, d1) -> (0)>
#map1 = affine_map<(d0, d1) -> (0, 0)>
module attributes {stable_mosaic.version = 14 : i64} {
  func.func @k(%arg0: i32, %arg1: i32, %arg2: memref<16384xi32, #tpu.memory_space<hbm>>, %arg3: memref<16384xi32, #tpu.memory_space<hbm>>, %arg4: memref<32x1000000xf32, #tpu.memory_space<hbm>>, %arg5: memref<32x1000000xf32, #tpu.memory_space<hbm>>, %arg6: memref<32x128xf32, #tpu.memory_space<hbm>>, %arg7: memref<32x128xf32, #tpu.memory_space<hbm>>, %arg8: memref<48xf32, #tpu.memory_space<hbm>>, %arg9: memref<16384xf32, #tpu.memory_space<hbm>>, %arg10: memref<528xi32, #tpu.memory_space<vmem>>, %arg11: memref<528xi32, #tpu.memory_space<vmem>>, %arg12: memref<32x128xf32, #tpu.memory_space<vmem>>, %arg13: memref<32x128xf32, #tpu.memory_space<vmem>>, %arg14: memref<48xf32, #tpu.memory_space<vmem>>, %arg15: memref<256xf32, #tpu.memory_space<vmem>>, %arg16: memref<520xf32, #tpu.memory_space<vmem>>, %arg17: memref<!tpu.dma_semaphore, #tpu.memory_space<semaphore_mem>>, %arg18: memref<!tpu.dma_semaphore, #tpu.memory_space<semaphore_mem>>, %arg19: memref<2x32x128xf32, #tpu.memory_space<vmem>>, %arg20: memref<2x32x128xf32, #tpu.memory_space<vmem>>, %arg21: memref<2x32x128xf32, #tpu.memory_space<vmem>>, %arg22: memref<2x32x128xf32, #tpu.memory_space<vmem>>, %arg23: memref<2x32x128xf32, #tpu.memory_space<vmem>>, %arg24: memref<2x32x128xf32, #tpu.memory_space<vmem>>, %arg25: memref<2x32x128xf32, #tpu.memory_space<vmem>>, %arg26: memref<2x32x128xf32, #tpu.memory_space<vmem>>) attributes {dimension_semantics = [#tpu.dimension_semantics<core_parallel>, #tpu.dimension_semantics<subcore_parallel>], iteration_bounds = array<i64: 2, 16>, scalar_prefetch = 0 : i64, scratch_operands = 17 : i64, tpu.core_type = #tpu.core_type<sc_vector_subcore>, window_params = [{transform_indices = #map}, {transform_indices = #map}, {transform_indices = #map1}, {transform_indices = #map1}, {transform_indices = #map1}, {transform_indices = #map1}, {transform_indices = #map}, {transform_indices = #map}]} {
    %mul3A = arith.constant 2 : i32
    %mul3A_0 = arith.muli %arg1, %mul3A : i32
    %add3A = arith.addi %mul3A_0, %arg0 : i32
    %mul3A_1 = arith.constant 512 : i32
    %mul3A_2 = arith.muli %add3A, %mul3A_1 : i32
    "tpu.region"() ({
      %run_scoped3A = tpu.sem_alloc : memref<!tpu.dma_semaphore, #tpu.memory_space<semaphore_mem>>
      %dma_start3A_1431 = arith.constant 0 : i32
      %dma_start3A_1432 = tpu.memref_slice %arg10[%dma_start3A_1431] : memref<528xi32, #tpu.memory_space<vmem>> -> memref<512xi32, #tpu.memory_space<vmem>>
      %dma_start3A_1433 = tpu.memref_slice %arg2[%mul3A_2] : memref<16384xi32, #tpu.memory_space<hbm>> -> memref<512xi32, #tpu.memory_space<hbm>>
      %dma_start3A_1434 = arith.constant 0 : i32
      %dma_start3A_1435 = tpu.memref_slice %arg10[%dma_start3A_1434] : memref<528xi32, #tpu.memory_space<vmem>> -> memref<512xi32, #tpu.memory_space<vmem>>
      %dma_start3A_1436 = tpu.memref_slice %arg2[%mul3A_2] : memref<16384xi32, #tpu.memory_space<hbm>> -> memref<512xi32, #tpu.memory_space<hbm>>
      tpu.enqueue_dma source(%dma_start3A_1436 : memref<512xi32, #tpu.memory_space<hbm>>) target(%dma_start3A_1435 : memref<512xi32, #tpu.memory_space<vmem>>) target_semaphore(%run_scoped3A : memref<!tpu.dma_semaphore, #tpu.memory_space<semaphore_mem>>)
      %dma_wait3A_1437 = arith.constant 0 : i32
      %dma_wait3A_1438 = tpu.memref_slice %arg10[%dma_wait3A_1437] : memref<528xi32, #tpu.memory_space<vmem>> -> memref<512xi32, #tpu.memory_space<vmem>>
      %dma_wait3A_1439 = tpu.memref_slice %arg2[%mul3A_2] : memref<16384xi32, #tpu.memory_space<hbm>> -> memref<512xi32, #tpu.memory_space<hbm>>
      %dma_wait3A_1440 = arith.constant 0 : i32
      %dma_wait3A_1441 = tpu.memref_slice %arg10[%dma_wait3A_1440] : memref<528xi32, #tpu.memory_space<vmem>> -> memref<512xi32, #tpu.memory_space<vmem>>
      %dma_wait3A_1442 = tpu.memref_slice %arg2[%mul3A_2] : memref<16384xi32, #tpu.memory_space<hbm>> -> memref<512xi32, #tpu.memory_space<hbm>>
      tpu.wait_dma2 semaphore(%run_scoped3A : memref<!tpu.dma_semaphore, #tpu.memory_space<semaphore_mem>>) src(%dma_wait3A_1442 : memref<512xi32, #tpu.memory_space<hbm>>) dst(%dma_wait3A_1441 : memref<512xi32, #tpu.memory_space<vmem>>)
      tpu.yield
    }) : () -> ()
    "tpu.region"() ({
      %run_scoped3A = tpu.sem_alloc : memref<!tpu.dma_semaphore, #tpu.memory_space<semaphore_mem>>
      %dma_start3A_1431 = arith.constant 0 : i32
      %dma_start3A_1432 = tpu.memref_slice %arg11[%dma_start3A_1431] : memref<528xi32, #tpu.memory_space<vmem>> -> memref<512xi32, #tpu.memory_space<vmem>>
      %dma_start3A_1433 = tpu.memref_slice %arg3[%mul3A_2] : memref<16384xi32, #tpu.memory_space<hbm>> -> memref<512xi32, #tpu.memory_space<hbm>>
      %dma_start3A_1434 = arith.constant 0 : i32
      %dma_start3A_1435 = tpu.memref_slice %arg11[%dma_start3A_1434] : memref<528xi32, #tpu.memory_space<vmem>> -> memref<512xi32, #tpu.memory_space<vmem>>
      %dma_start3A_1436 = tpu.memref_slice %arg3[%mul3A_2] : memref<16384xi32, #tpu.memory_space<hbm>> -> memref<512xi32, #tpu.memory_space<hbm>>
      tpu.enqueue_dma source(%dma_start3A_1436 : memref<512xi32, #tpu.memory_space<hbm>>) target(%dma_start3A_1435 : memref<512xi32, #tpu.memory_space<vmem>>) target_semaphore(%run_scoped3A : memref<!tpu.dma_semaphore, #tpu.memory_space<semaphore_mem>>)
      %dma_wait3A_1437 = arith.constant 0 : i32
      %dma_wait3A_1438 = tpu.memref_slice %arg11[%dma_wait3A_1437] : memref<528xi32, #tpu.memory_space<vmem>> -> memref<512xi32, #tpu.memory_space<vmem>>
      %dma_wait3A_1439 = tpu.memref_slice %arg3[%mul3A_2] : memref<16384xi32, #tpu.memory_space<hbm>> -> memref<512xi32, #tpu.memory_space<hbm>>
      %dma_wait3A_1440 = arith.constant 0 : i32
      %dma_wait3A_1441 = tpu.memref_slice %arg11[%dma_wait3A_1440] : memref<528xi32, #tpu.memory_space<vmem>> -> memref<512xi32, #tpu.memory_space<vmem>>
      %dma_wait3A_1442 = tpu.memref_slice %arg3[%mul3A_2] : memref<16384xi32, #tpu.memory_space<hbm>> -> memref<512xi32, #tpu.memory_space<hbm>>
      tpu.wait_dma2 semaphore(%run_scoped3A : memref<!tpu.dma_semaphore, #tpu.memory_space<semaphore_mem>>) src(%dma_wait3A_1442 : memref<512xi32, #tpu.memory_space<hbm>>) dst(%dma_wait3A_1441 : memref<512xi32, #tpu.memory_space<vmem>>)
      tpu.yield
    }) : () -> ()
    "tpu.region"() ({
      %run_scoped3A = tpu.sem_alloc : memref<!tpu.dma_semaphore, #tpu.memory_space<semaphore_mem>>
      tpu.enqueue_dma source(%arg8 : memref<48xf32, #tpu.memory_space<hbm>>) target(%arg14 : memref<48xf32, #tpu.memory_space<vmem>>) target_semaphore(%run_scoped3A : memref<!tpu.dma_semaphore, #tpu.memory_space<semaphore_mem>>)
      tpu.wait_dma2 semaphore(%run_scoped3A : memref<!tpu.dma_semaphore, #tpu.memory_space<semaphore_mem>>) src(%arg8 : memref<48xf32, #tpu.memory_space<hbm>>) dst(%arg14 : memref<48xf32, #tpu.memory_space<vmem>>)
      tpu.yield
    }) : () -> ()
    "tpu.region"() ({
      %run_scoped3A = tpu.sem_alloc : memref<!tpu.dma_semaphore, #tpu.memory_space<semaphore_mem>>
      tpu.enqueue_dma source(%arg6 : memref<32x128xf32, #tpu.memory_space<hbm>>) target(%arg12 : memref<32x128xf32, #tpu.memory_space<vmem>>) target_semaphore(%run_scoped3A : memref<!tpu.dma_semaphore, #tpu.memory_space<semaphore_mem>>)
      tpu.wait_dma2 semaphore(%run_scoped3A : memref<!tpu.dma_semaphore, #tpu.memory_space<semaphore_mem>>) src(%arg6 : memref<32x128xf32, #tpu.memory_space<hbm>>) dst(%arg12 : memref<32x128xf32, #tpu.memory_space<vmem>>)
      tpu.yield
    }) : () -> ()
    "tpu.region"() ({
      %run_scoped3A = tpu.sem_alloc : memref<!tpu.dma_semaphore, #tpu.memory_space<semaphore_mem>>
      tpu.enqueue_dma source(%arg7 : memref<32x128xf32, #tpu.memory_space<hbm>>) target(%arg13 : memref<32x128xf32, #tpu.memory_space<vmem>>) target_semaphore(%run_scoped3A : memref<!tpu.dma_semaphore, #tpu.memory_space<semaphore_mem>>)
      tpu.wait_dma2 semaphore(%run_scoped3A : memref<!tpu.dma_semaphore, #tpu.memory_space<semaphore_mem>>) src(%arg7 : memref<32x128xf32, #tpu.memory_space<hbm>>) dst(%arg13 : memref<32x128xf32, #tpu.memory_space<vmem>>)
      tpu.yield
    }) : () -> ()
    %get3A = arith.constant 0 : index
    %get3A_3 = tpu.vector_load %arg14[%get3A] {strides = array<i32>} : memref<48xf32, #tpu.memory_space<vmem>>, vector<16xf32>,
    %get3A_4 = arith.constant 16 : index
    %get3A_5 = tpu.vector_load %arg14[%get3A_4] {strides = array<i32>} : memref<48xf32, #tpu.memory_space<vmem>>, vector<16xf32>,
    %get3A_6 = arith.constant 32 : index
    %get3A_7 = tpu.vector_load %arg14[%get3A_6] {strides = array<i32>} : memref<48xf32, #tpu.memory_space<vmem>>, vector<16xf32>,
    %slice3A = vector.extract_strided_slice %get3A_7 {offsets = [0], sizes = [1], strides = [1]} : vector<16xf32> to vector<1xf32>
    %squeeze3A = vector.extract %slice3A[0] : f32 from vector<1xf32>
    %iota3A = tpu.iota {dimensions = array<i32: 0>} : vector<16xi32>
    %mul3A_8 = arith.constant 16 : i32
    %mul3A_9 = vector.broadcast %mul3A_8 : i32 to vector<16xi32>
    %mul3A_10 = arith.muli %iota3A, %mul3A_9 : vector<16xi32>
    %get3A_11 = arith.constant 0 : index
    %get3A_12 = tpu.vector_load %arg10[%get3A_11] {strides = array<i32>} : memref<528xi32, #tpu.memory_space<vmem>>, vector<16xi32>,
    %jit3A = arith.constant 0 : i32
    %jit3A_13 = arith.constant 999999 : i32
    %max3A = vector.broadcast %jit3A : i32 to vector<16xi32>
    %max3A_14 = arith.maxsi %max3A, %get3A_12 : vector<16xi32>
    %min3A = vector.broadcast %jit3A_13 : i32 to vector<16xi32>
    %min3A_15 = arith.minsi %min3A, %max3A_14 : vector<16xi32>
    %get3A_16 = arith.constant 0 : index
    %get3A_17 = tpu.vector_load %arg11[%get3A_16] {strides = array<i32>} : memref<528xi32, #tpu.memory_space<vmem>>, vector<16xi32>,
    %jit3A_18 = arith.constant 0 : i32
    %jit3A_19 = arith.constant 999999 : i32
    %max3A_20 = vector.broadcast %jit3A_18 : i32 to vector<16xi32>
    %max3A_21 = arith.maxsi %max3A_20, %get3A_17 : vector<16xi32>
    %min3A_22 = vector.broadcast %jit3A_19 : i32 to vector<16xi32>
    %min3A_23 = arith.minsi %min3A_22, %max3A_21 : vector<16xi32>
    %slice3A_24 = vector.extract_strided_slice %min3A_15 {offsets = [0], sizes = [1], strides = [1]} : vector<16xi32> to vector<1xi32>
    %squeeze3A_25 = vector.extract %slice3A_24[0] : i32 from vector<1xi32>
    %slice3A_26 = vector.extract_strided_slice %min3A_23 {offsets = [0], sizes = [1], strides = [1]} : vector<16xi32> to vector<1xi32>
    %squeeze3A_27 = vector.extract %slice3A_26[0] : i32 from vector<1xi32>
    %and3A = arith.constant -128 : i32
    %and3A_28 = arith.andi %squeeze3A_25, %and3A : i32
    %min3A_29 = arith.constant 999808 : i32
    %min3A_30 = arith.minsi %and3A_28, %min3A_29 : i32
    %and3A_31 = arith.constant -128 : i32
    %and3A_32 = arith.andi %squeeze3A_27, %and3A_31 : i32
    %min3A_33 = arith.constant 999808 : i32
    %min3A_34 = arith.minsi %and3A_32, %min3A_33 : i32
    %multiple_of3A = tpu.assume_multiple %min3A_30, 128 : i32
    %dma_start3A = arith.constant 0 : i32
    %dma_start3A_35 = arith.constant 0 : i32
    %dma_start3A_36 = arith.constant 0 : i32
    %dma_start3A_37 = tpu.memref_slice %arg19[%dma_start3A, %dma_start3A_35, %dma_start3A_36] : memref<2x32x128xf32, #tpu.memory_space<vmem>> -> memref<1x32x128xf32, #tpu.memory_space<vmem>>
    %dma_start3A_38 = tpu.memref_squeeze %dma_start3A_37 : memref<1x32x128xf32, #tpu.memory_space<vmem>> -> memref<32x128xf32, #tpu.memory_space<vmem>>
    %dma_start3A_39 = arith.constant 0 : i32
    %dma_start3A_40 = tpu.memref_slice %arg4[%dma_start3A_39, %multiple_of3A] : memref<32x1000000xf32, #tpu.memory_space<hbm>> -> memref<32x128xf32, #tpu.memory_space<hbm>>
    %dma_start3A_41 = arith.constant 0 : i32
    %dma_start3A_42 = arith.constant 0 : i32
    %dma_start3A_43 = tpu.memref_slice %arg19[%dma_start3A, %dma_start3A_41, %dma_start3A_42] : memref<2x32x128xf32, #tpu.memory_space<vmem>> -> memref<1x32x128xf32, #tpu.memory_space<vmem>>
    %dma_start3A_44 = tpu.memref_squeeze %dma_start3A_43 : memref<1x32x128xf32, #tpu.memory_space<vmem>> -> memref<32x128xf32, #tpu.memory_space<vmem>>
    %dma_start3A_45 = arith.constant 0 : i32
    %dma_start3A_46 = tpu.memref_slice %arg4[%dma_start3A_45, %multiple_of3A] : memref<32x1000000xf32, #tpu.memory_space<hbm>> -> memref<32x128xf32, #tpu.memory_space<hbm>>
    tpu.enqueue_dma source(%dma_start3A_46 : memref<32x128xf32, #tpu.memory_space<hbm>>) target(%dma_start3A_44 : memref<32x128xf32, #tpu.memory_space<vmem>>) target_semaphore(%arg17 : memref<!tpu.dma_semaphore, #tpu.memory_space<semaphore_mem>>)
    %multiple_of3A_47 = tpu.assume_multiple %min3A_34, 128 : i32
    %dma_start3A_48 = arith.constant 1 : i32
    %dma_start3A_49 = arith.constant 0 : i32
    %dma_start3A_50 = arith.constant 0 : i32
    %dma_start3A_51 = tpu.memref_slice %arg19[%dma_start3A_48, %dma_start3A_49, %dma_start3A_50] : memref<2x32x128xf32, #tpu.memory_space<vmem>> -> memref<1x32x128xf32, #tpu.memory_space<vmem>>
    %dma_start3A_52 = tpu.memref_squeeze %dma_start3A_51 : memref<1x32x128xf32, #tpu.memory_space<vmem>> -> memref<32x128xf32, #tpu.memory_space<vmem>>
    %dma_start3A_53 = arith.constant 0 : i32
    %dma_start3A_54 = tpu.memref_slice %arg5[%dma_start3A_53, %multiple_of3A_47] : memref<32x1000000xf32, #tpu.memory_space<hbm>> -> memref<32x128xf32, #tpu.memory_space<hbm>>
    %dma_start3A_55 = arith.constant 0 : i32
    %dma_start3A_56 = arith.constant 0 : i32
    %dma_start3A_57 = tpu.memref_slice %arg19[%dma_start3A_48, %dma_start3A_55, %dma_start3A_56] : memref<2x32x128xf32, #tpu.memory_space<vmem>> -> memref<1x32x128xf32, #tpu.memory_space<vmem>>
    %dma_start3A_58 = tpu.memref_squeeze %dma_start3A_57 : memref<1x32x128xf32, #tpu.memory_space<vmem>> -> memref<32x128xf32, #tpu.memory_space<vmem>>
    %dma_start3A_59 = arith.constant 0 : i32
    %dma_start3A_60 = tpu.memref_slice %arg5[%dma_start3A_59, %multiple_of3A_47] : memref<32x1000000xf32, #tpu.memory_space<hbm>> -> memref<32x128xf32, #tpu.memory_space<hbm>>
    tpu.enqueue_dma source(%dma_start3A_60 : memref<32x128xf32, #tpu.memory_space<hbm>>) target(%dma_start3A_58 : memref<32x128xf32, #tpu.memory_space<vmem>>) target_semaphore(%arg18 : memref<!tpu.dma_semaphore, #tpu.memory_space<semaphore_mem>>)
    %slice3A_61 = vector.extract_strided_slice %min3A_15 {offsets = [1], sizes = [1], strides = [1]} : vector<16xi32> to vector<1xi32>
    %squeeze3A_62 = vector.extract %slice3A_61[0] : i32 from vector<1xi32>
    %slice3A_63 = vector.extract_strided_slice %min3A_23 {offsets = [1], sizes = [1], strides = [1]} : vector<16xi32> to vector<1xi32>
    %squeeze3A_64 = vector.extract %slice3A_63[0] : i32 from vector<1xi32>
    %and3A_65 = arith.constant -128 : i32
    %and3A_66 = arith.andi %squeeze3A_62, %and3A_65 : i32
    %min3A_67 = arith.constant 999808 : i32
    %min3A_68 = arith.minsi %and3A_66, %min3A_67 : i32
    %and3A_69 = arith.constant -128 : i32
    %and3A_70 = arith.andi %squeeze3A_64, %and3A_69 : i32
    %min3A_71 = arith.constant 999808 : i32
    %min3A_72 = arith.minsi %and3A_70, %min3A_71 : i32
    %multiple_of3A_73 = tpu.assume_multiple %min3A_68, 128 : i32
    %dma_start3A_74 = arith.constant 0 : i32
    %dma_start3A_75 = arith.constant 0 : i32
    %dma_start3A_76 = arith.constant 0 : i32
    %dma_start3A_77 = tpu.memref_slice %arg20[%dma_start3A_74, %dma_start3A_75, %dma_start3A_76] : memref<2x32x128xf32, #tpu.memory_space<vmem>> -> memref<1x32x128xf32, #tpu.memory_space<vmem>>
    %dma_start3A_78 = tpu.memref_squeeze %dma_start3A_77 : memref<1x32x128xf32, #tpu.memory_space<vmem>> -> memref<32x128xf32, #tpu.memory_space<vmem>>
    %dma_start3A_79 = arith.constant 0 : i32
    %dma_start3A_80 = tpu.memref_slice %arg4[%dma_start3A_79, %multiple_of3A_73] : memref<32x1000000xf32, #tpu.memory_space<hbm>> -> memref<32x128xf32, #tpu.memory_space<hbm>>
    %dma_start3A_81 = arith.constant 0 : i32
    %dma_start3A_82 = arith.constant 0 : i32
    %dma_start3A_83 = tpu.memref_slice %arg20[%dma_start3A_74, %dma_start3A_81, %dma_start3A_82] : memref<2x32x128xf32, #tpu.memory_space<vmem>> -> memref<1x32x128xf32, #tpu.memory_space<vmem>>
    %dma_start3A_84 = tpu.memref_squeeze %dma_start3A_83 : memref<1x32x128xf32, #tpu.memory_space<vmem>> -> memref<32x128xf32, #tpu.memory_space<vmem>>
    %dma_start3A_85 = arith.constant 0 : i32
    %dma_start3A_86 = tpu.memref_slice %arg4[%dma_start3A_85, %multiple_of3A_73] : memref<32x1000000xf32, #tpu.memory_space<hbm>> -> memref<32x128xf32, #tpu.memory_space<hbm>>
    tpu.enqueue_dma source(%dma_start3A_86 : memref<32x128xf32, #tpu.memory_space<hbm>>) target(%dma_start3A_84 : memref<32x128xf32, #tpu.memory_space<vmem>>) target_semaphore(%arg17 : memref<!tpu.dma_semaphore, #tpu.memory_space<semaphore_mem>>)
    %multiple_of3A_87 = tpu.assume_multiple %min3A_72, 128 : i32
    %dma_start3A_88 = arith.constant 1 : i32
    %dma_start3A_89 = arith.constant 0 : i32
    %dma_start3A_90 = arith.constant 0 : i32
    %dma_start3A_91 = tpu.memref_slice %arg20[%dma_start3A_88, %dma_start3A_89, %dma_start3A_90] : memref<2x32x128xf32, #tpu.memory_space<vmem>> -> memref<1x32x128xf32, #tpu.memory_space<vmem>>
    %dma_start3A_92 = tpu.memref_squeeze %dma_start3A_91 : memref<1x32x128xf32, #tpu.memory_space<vmem>> -> memref<32x128xf32, #tpu.memory_space<vmem>>
    %dma_start3A_93 = arith.constant 0 : i32
    %dma_start3A_94 = tpu.memref_slice %arg5[%dma_start3A_93, %multiple_of3A_87] : memref<32x1000000xf32, #tpu.memory_space<hbm>> -> memref<32x128xf32, #tpu.memory_space<hbm>>
    %dma_start3A_95 = arith.constant 0 : i32
    %dma_start3A_96 = arith.constant 0 : i32
    %dma_start3A_97 = tpu.memref_slice %arg20[%dma_start3A_88, %dma_start3A_95, %dma_start3A_96] : memref<2x32x128xf32, #tpu.memory_space<vmem>> -> memref<1x32x128xf32, #tpu.memory_space<vmem>>
    %dma_start3A_98 = tpu.memref_squeeze %dma_start3A_97 : memref<1x32x128xf32, #tpu.memory_space<vmem>> -> memref<32x128xf32, #tpu.memory_space<vmem>>
    %dma_start3A_99 = arith.constant 0 : i32
    %dma_start3A_100 = tpu.memref_slice %arg5[%dma_start3A_99, %multiple_of3A_87] : memref<32x1000000xf32, #tpu.memory_space<hbm>> -> memref<32x128xf32, #tpu.memory_space<hbm>>
    tpu.enqueue_dma source(%dma_start3A_100 : memref<32x128xf32, #tpu.memory_space<hbm>>) target(%dma_start3A_98 : memref<32x128xf32, #tpu.memory_space<vmem>>) target_semaphore(%arg18 : memref<!tpu.dma_semaphore, #tpu.memory_space<semaphore_mem>>)
    %slice3A_101 = vector.extract_strided_slice %min3A_15 {offsets = [2], sizes = [1], strides = [1]} : vector<16xi32> to vector<1xi32>
    %squeeze3A_102 = vector.extract %slice3A_101[0] : i32 from vector<1xi32>
    %slice3A_103 = vector.extract_strided_slice %min3A_23 {offsets = [2], sizes = [1], strides = [1]} : vector<16xi32> to vector<1xi32>
    %squeeze3A_104 = vector.extract %slice3A_103[0] : i32 from vector<1xi32>
    %and3A_105 = arith.constant -128 : i32
    %and3A_106 = arith.andi %squeeze3A_102, %and3A_105 : i32
    %min3A_107 = arith.constant 999808 : i32
    %min3A_108 = arith.minsi %and3A_106, %min3A_107 : i32
    %and3A_109 = arith.constant -128 : i32
    %and3A_110 = arith.andi %squeeze3A_104, %and3A_109 : i32
    %min3A_111 = arith.constant 999808 : i32
    %min3A_112 = arith.minsi %and3A_110, %min3A_111 : i32
    %multiple_of3A_113 = tpu.assume_multiple %min3A_108, 128 : i32
    %dma_start3A_114 = arith.constant 0 : i32
    %dma_start3A_115 = arith.constant 0 : i32
    %dma_start3A_116 = arith.constant 0 : i32
    %dma_start3A_117 = tpu.memref_slice %arg21[%dma_start3A_114, %dma_start3A_115, %dma_start3A_116] : memref<2x32x128xf32, #tpu.memory_space<vmem>> -> memref<1x32x128xf32, #tpu.memory_space<vmem>>
    %dma_start3A_118 = tpu.memref_squeeze %dma_start3A_117 : memref<1x32x128xf32, #tpu.memory_space<vmem>> -> memref<32x128xf32, #tpu.memory_space<vmem>>
    %dma_start3A_119 = arith.constant 0 : i32
    %dma_start3A_120 = tpu.memref_slice %arg4[%dma_start3A_119, %multiple_of3A_113] : memref<32x1000000xf32, #tpu.memory_space<hbm>> -> memref<32x128xf32, #tpu.memory_space<hbm>>
    %dma_start3A_121 = arith.constant 0 : i32
    %dma_start3A_122 = arith.constant 0 : i32
    %dma_start3A_123 = tpu.memref_slice %arg21[%dma_start3A_114, %dma_start3A_121, %dma_start3A_122] : memref<2x32x128xf32, #tpu.memory_space<vmem>> -> memref<1x32x128xf32, #tpu.memory_space<vmem>>
    %dma_start3A_124 = tpu.memref_squeeze %dma_start3A_123 : memref<1x32x128xf32, #tpu.memory_space<vmem>> -> memref<32x128xf32, #tpu.memory_space<vmem>>
    %dma_start3A_125 = arith.constant 0 : i32
    %dma_start3A_126 = tpu.memref_slice %arg4[%dma_start3A_125, %multiple_of3A_113] : memref<32x1000000xf32, #tpu.memory_space<hbm>> -> memref<32x128xf32, #tpu.memory_space<hbm>>
    tpu.enqueue_dma source(%dma_start3A_126 : memref<32x128xf32, #tpu.memory_space<hbm>>) target(%dma_start3A_124 : memref<32x128xf32, #tpu.memory_space<vmem>>) target_semaphore(%arg17 : memref<!tpu.dma_semaphore, #tpu.memory_space<semaphore_mem>>)
    %multiple_of3A_127 = tpu.assume_multiple %min3A_112, 128 : i32
    %dma_start3A_128 = arith.constant 1 : i32
    %dma_start3A_129 = arith.constant 0 : i32
    %dma_start3A_130 = arith.constant 0 : i32
    %dma_start3A_131 = tpu.memref_slice %arg21[%dma_start3A_128, %dma_start3A_129, %dma_start3A_130] : memref<2x32x128xf32, #tpu.memory_space<vmem>> -> memref<1x32x128xf32, #tpu.memory_space<vmem>>
    %dma_start3A_132 = tpu.memref_squeeze %dma_start3A_131 : memref<1x32x128xf32, #tpu.memory_space<vmem>> -> memref<32x128xf32, #tpu.memory_space<vmem>>
    %dma_start3A_133 = arith.constant 0 : i32
    %dma_start3A_134 = tpu.memref_slice %arg5[%dma_start3A_133, %multiple_of3A_127] : memref<32x1000000xf32, #tpu.memory_space<hbm>> -> memref<32x128xf32, #tpu.memory_space<hbm>>
    %dma_start3A_135 = arith.constant 0 : i32
    %dma_start3A_136 = arith.constant 0 : i32
    %dma_start3A_137 = tpu.memref_slice %arg21[%dma_start3A_128, %dma_start3A_135, %dma_start3A_136] : memref<2x32x128xf32, #tpu.memory_space<vmem>> -> memref<1x32x128xf32, #tpu.memory_space<vmem>>
    %dma_start3A_138 = tpu.memref_squeeze %dma_start3A_137 : memref<1x32x128xf32, #tpu.memory_space<vmem>> -> memref<32x128xf32, #tpu.memory_space<vmem>>
    %dma_start3A_139 = arith.constant 0 : i32
    %dma_start3A_140 = tpu.memref_slice %arg5[%dma_start3A_139, %multiple_of3A_127] : memref<32x1000000xf32, #tpu.memory_space<hbm>> -> memref<32x128xf32, #tpu.memory_space<hbm>>
    tpu.enqueue_dma source(%dma_start3A_140 : memref<32x128xf32, #tpu.memory_space<hbm>>) target(%dma_start3A_138 : memref<32x128xf32, #tpu.memory_space<vmem>>) target_semaphore(%arg18 : memref<!tpu.dma_semaphore, #tpu.memory_space<semaphore_mem>>)
    %slice3A_141 = vector.extract_strided_slice %min3A_15 {offsets = [3], sizes = [1], strides = [1]} : vector<16xi32> to vector<1xi32>
    %squeeze3A_142 = vector.extract %slice3A_141[0] : i32 from vector<1xi32>
    %slice3A_143 = vector.extract_strided_slice %min3A_23 {offsets = [3], sizes = [1], strides = [1]} : vector<16xi32> to vector<1xi32>
    %squeeze3A_144 = vector.extract %slice3A_143[0] : i32 from vector<1xi32>
    %and3A_145 = arith.constant -128 : i32
    %and3A_146 = arith.andi %squeeze3A_142, %and3A_145 : i32
    %min3A_147 = arith.constant 999808 : i32
    %min3A_148 = arith.minsi %and3A_146, %min3A_147 : i32
    %and3A_149 = arith.constant -128 : i32
    %and3A_150 = arith.andi %squeeze3A_144, %and3A_149 : i32
    %min3A_151 = arith.constant 999808 : i32
    %min3A_152 = arith.minsi %and3A_150, %min3A_151 : i32
    %multiple_of3A_153 = tpu.assume_multiple %min3A_148, 128 : i32
    %dma_start3A_154 = arith.constant 0 : i32
    %dma_start3A_155 = arith.constant 0 : i32
    %dma_start3A_156 = arith.constant 0 : i32
    %dma_start3A_157 = tpu.memref_slice %arg22[%dma_start3A_154, %dma_start3A_155, %dma_start3A_156] : memref<2x32x128xf32, #tpu.memory_space<vmem>> -> memref<1x32x128xf32, #tpu.memory_space<vmem>>
    %dma_start3A_158 = tpu.memref_squeeze %dma_start3A_157 : memref<1x32x128xf32, #tpu.memory_space<vmem>> -> memref<32x128xf32, #tpu.memory_space<vmem>>
    %dma_start3A_159 = arith.constant 0 : i32
    %dma_start3A_160 = tpu.memref_slice %arg4[%dma_start3A_159, %multiple_of3A_153] : memref<32x1000000xf32, #tpu.memory_space<hbm>> -> memref<32x128xf32, #tpu.memory_space<hbm>>
    %dma_start3A_161 = arith.constant 0 : i32
    %dma_start3A_162 = arith.constant 0 : i32
    %dma_start3A_163 = tpu.memref_slice %arg22[%dma_start3A_154, %dma_start3A_161, %dma_start3A_162] : memref<2x32x128xf32, #tpu.memory_space<vmem>> -> memref<1x32x128xf32, #tpu.memory_space<vmem>>
    %dma_start3A_164 = tpu.memref_squeeze %dma_start3A_163 : memref<1x32x128xf32, #tpu.memory_space<vmem>> -> memref<32x128xf32, #tpu.memory_space<vmem>>
    %dma_start3A_165 = arith.constant 0 : i32
    %dma_start3A_166 = tpu.memref_slice %arg4[%dma_start3A_165, %multiple_of3A_153] : memref<32x1000000xf32, #tpu.memory_space<hbm>> -> memref<32x128xf32, #tpu.memory_space<hbm>>
    tpu.enqueue_dma source(%dma_start3A_166 : memref<32x128xf32, #tpu.memory_space<hbm>>) target(%dma_start3A_164 : memref<32x128xf32, #tpu.memory_space<vmem>>) target_semaphore(%arg17 : memref<!tpu.dma_semaphore, #tpu.memory_space<semaphore_mem>>)
    %multiple_of3A_167 = tpu.assume_multiple %min3A_152, 128 : i32
    %dma_start3A_168 = arith.constant 1 : i32
    %dma_start3A_169 = arith.constant 0 : i32
    %dma_start3A_170 = arith.constant 0 : i32
    %dma_start3A_171 = tpu.memref_slice %arg22[%dma_start3A_168, %dma_start3A_169, %dma_start3A_170] : memref<2x32x128xf32, #tpu.memory_space<vmem>> -> memref<1x32x128xf32, #tpu.memory_space<vmem>>
    %dma_start3A_172 = tpu.memref_squeeze %dma_start3A_171 : memref<1x32x128xf32, #tpu.memory_space<vmem>> -> memref<32x128xf32, #tpu.memory_space<vmem>>
    %dma_start3A_173 = arith.constant 0 : i32
    %dma_start3A_174 = tpu.memref_slice %arg5[%dma_start3A_173, %multiple_of3A_167] : memref<32x1000000xf32, #tpu.memory_space<hbm>> -> memref<32x128xf32, #tpu.memory_space<hbm>>
    %dma_start3A_175 = arith.constant 0 : i32
    %dma_start3A_176 = arith.constant 0 : i32
    %dma_start3A_177 = tpu.memref_slice %arg22[%dma_start3A_168, %dma_start3A_175, %dma_start3A_176] : memref<2x32x128xf32, #tpu.memory_space<vmem>> -> memref<1x32x128xf32, #tpu.memory_space<vmem>>
    %dma_start3A_178 = tpu.memref_squeeze %dma_start3A_177 : memref<1x32x128xf32, #tpu.memory_space<vmem>> -> memref<32x128xf32, #tpu.memory_space<vmem>>
    %dma_start3A_179 = arith.constant 0 : i32
    %dma_start3A_180 = tpu.memref_slice %arg5[%dma_start3A_179, %multiple_of3A_167] : memref<32x1000000xf32, #tpu.memory_space<hbm>> -> memref<32x128xf32, #tpu.memory_space<hbm>>
    tpu.enqueue_dma source(%dma_start3A_180 : memref<32x128xf32, #tpu.memory_space<hbm>>) target(%dma_start3A_178 : memref<32x128xf32, #tpu.memory_space<vmem>>) target_semaphore(%arg18 : memref<!tpu.dma_semaphore, #tpu.memory_space<semaphore_mem>>)
    %slice3A_181 = vector.extract_strided_slice %min3A_15 {offsets = [4], sizes = [1], strides = [1]} : vector<16xi32> to vector<1xi32>
    %squeeze3A_182 = vector.extract %slice3A_181[0] : i32 from vector<1xi32>
    %slice3A_183 = vector.extract_strided_slice %min3A_23 {offsets = [4], sizes = [1], strides = [1]} : vector<16xi32> to vector<1xi32>
    %squeeze3A_184 = vector.extract %slice3A_183[0] : i32 from vector<1xi32>
    %and3A_185 = arith.constant -128 : i32
    %and3A_186 = arith.andi %squeeze3A_182, %and3A_185 : i32
    %min3A_187 = arith.constant 999808 : i32
    %min3A_188 = arith.minsi %and3A_186, %min3A_187 : i32
    %and3A_189 = arith.constant -128 : i32
    %and3A_190 = arith.andi %squeeze3A_184, %and3A_189 : i32
    %min3A_191 = arith.constant 999808 : i32
    %min3A_192 = arith.minsi %and3A_190, %min3A_191 : i32
    %multiple_of3A_193 = tpu.assume_multiple %min3A_188, 128 : i32
    %dma_start3A_194 = arith.constant 0 : i32
    %dma_start3A_195 = arith.constant 0 : i32
    %dma_start3A_196 = arith.constant 0 : i32
    %dma_start3A_197 = tpu.memref_slice %arg23[%dma_start3A_194, %dma_start3A_195, %dma_start3A_196] : memref<2x32x128xf32, #tpu.memory_space<vmem>> -> memref<1x32x128xf32, #tpu.memory_space<vmem>>
    %dma_start3A_198 = tpu.memref_squeeze %dma_start3A_197 : memref<1x32x128xf32, #tpu.memory_space<vmem>> -> memref<32x128xf32, #tpu.memory_space<vmem>>
    %dma_start3A_199 = arith.constant 0 : i32
    %dma_start3A_200 = tpu.memref_slice %arg4[%dma_start3A_199, %multiple_of3A_193] : memref<32x1000000xf32, #tpu.memory_space<hbm>> -> memref<32x128xf32, #tpu.memory_space<hbm>>
    %dma_start3A_201 = arith.constant 0 : i32
    %dma_start3A_202 = arith.constant 0 : i32
    %dma_start3A_203 = tpu.memref_slice %arg23[%dma_start3A_194, %dma_start3A_201, %dma_start3A_202] : memref<2x32x128xf32, #tpu.memory_space<vmem>> -> memref<1x32x128xf32, #tpu.memory_space<vmem>>
    %dma_start3A_204 = tpu.memref_squeeze %dma_start3A_203 : memref<1x32x128xf32, #tpu.memory_space<vmem>> -> memref<32x128xf32, #tpu.memory_space<vmem>>
    %dma_start3A_205 = arith.constant 0 : i32
    %dma_start3A_206 = tpu.memref_slice %arg4[%dma_start3A_205, %multiple_of3A_193] : memref<32x1000000xf32, #tpu.memory_space<hbm>> -> memref<32x128xf32, #tpu.memory_space<hbm>>
    tpu.enqueue_dma source(%dma_start3A_206 : memref<32x128xf32, #tpu.memory_space<hbm>>) target(%dma_start3A_204 : memref<32x128xf32, #tpu.memory_space<vmem>>) target_semaphore(%arg17 : memref<!tpu.dma_semaphore, #tpu.memory_space<semaphore_mem>>)
    %multiple_of3A_207 = tpu.assume_multiple %min3A_192, 128 : i32
    %dma_start3A_208 = arith.constant 1 : i32
    %dma_start3A_209 = arith.constant 0 : i32
    %dma_start3A_210 = arith.constant 0 : i32
    %dma_start3A_211 = tpu.memref_slice %arg23[%dma_start3A_208, %dma_start3A_209, %dma_start3A_210] : memref<2x32x128xf32, #tpu.memory_space<vmem>> -> memref<1x32x128xf32, #tpu.memory_space<vmem>>
    %dma_start3A_212 = tpu.memref_squeeze %dma_start3A_211 : memref<1x32x128xf32, #tpu.memory_space<vmem>> -> memref<32x128xf32, #tpu.memory_space<vmem>>
    %dma_start3A_213 = arith.constant 0 : i32
    %dma_start3A_214 = tpu.memref_slice %arg5[%dma_start3A_213, %multiple_of3A_207] : memref<32x1000000xf32, #tpu.memory_space<hbm>> -> memref<32x128xf32, #tpu.memory_space<hbm>>
    %dma_start3A_215 = arith.constant 0 : i32
    %dma_start3A_216 = arith.constant 0 : i32
    %dma_start3A_217 = tpu.memref_slice %arg23[%dma_start3A_208, %dma_start3A_215, %dma_start3A_216] : memref<2x32x128xf32, #tpu.memory_space<vmem>> -> memref<1x32x128xf32, #tpu.memory_space<vmem>>
    %dma_start3A_218 = tpu.memref_squeeze %dma_start3A_217 : memref<1x32x128xf32, #tpu.memory_space<vmem>> -> memref<32x128xf32, #tpu.memory_space<vmem>>
    %dma_start3A_219 = arith.constant 0 : i32
    %dma_start3A_220 = tpu.memref_slice %arg5[%dma_start3A_219, %multiple_of3A_207] : memref<32x1000000xf32, #tpu.memory_space<hbm>> -> memref<32x128xf32, #tpu.memory_space<hbm>>
    tpu.enqueue_dma source(%dma_start3A_220 : memref<32x128xf32, #tpu.memory_space<hbm>>) target(%dma_start3A_218 : memref<32x128xf32, #tpu.memory_space<vmem>>) target_semaphore(%arg18 : memref<!tpu.dma_semaphore, #tpu.memory_space<semaphore_mem>>)
    %slice3A_221 = vector.extract_strided_slice %min3A_15 {offsets = [5], sizes = [1], strides = [1]} : vector<16xi32> to vector<1xi32>
    %squeeze3A_222 = vector.extract %slice3A_221[0] : i32 from vector<1xi32>
    %slice3A_223 = vector.extract_strided_slice %min3A_23 {offsets = [5], sizes = [1], strides = [1]} : vector<16xi32> to vector<1xi32>
    %squeeze3A_224 = vector.extract %slice3A_223[0] : i32 from vector<1xi32>
    %and3A_225 = arith.constant -128 : i32
    %and3A_226 = arith.andi %squeeze3A_222, %and3A_225 : i32
    %min3A_227 = arith.constant 999808 : i32
    %min3A_228 = arith.minsi %and3A_226, %min3A_227 : i32
    %and3A_229 = arith.constant -128 : i32
    %and3A_230 = arith.andi %squeeze3A_224, %and3A_229 : i32
    %min3A_231 = arith.constant 999808 : i32
    %min3A_232 = arith.minsi %and3A_230, %min3A_231 : i32
    %multiple_of3A_233 = tpu.assume_multiple %min3A_228, 128 : i32
    %dma_start3A_234 = arith.constant 0 : i32
    %dma_start3A_235 = arith.constant 0 : i32
    %dma_start3A_236 = arith.constant 0 : i32
    %dma_start3A_237 = tpu.memref_slice %arg24[%dma_start3A_234, %dma_start3A_235, %dma_start3A_236] : memref<2x32x128xf32, #tpu.memory_space<vmem>> -> memref<1x32x128xf32, #tpu.memory_space<vmem>>
    %dma_start3A_238 = tpu.memref_squeeze %dma_start3A_237 : memref<1x32x128xf32, #tpu.memory_space<vmem>> -> memref<32x128xf32, #tpu.memory_space<vmem>>
    %dma_start3A_239 = arith.constant 0 : i32
    %dma_start3A_240 = tpu.memref_slice %arg4[%dma_start3A_239, %multiple_of3A_233] : memref<32x1000000xf32, #tpu.memory_space<hbm>> -> memref<32x128xf32, #tpu.memory_space<hbm>>
    %dma_start3A_241 = arith.constant 0 : i32
    %dma_start3A_242 = arith.constant 0 : i32
    %dma_start3A_243 = tpu.memref_slice %arg24[%dma_start3A_234, %dma_start3A_241, %dma_start3A_242] : memref<2x32x128xf32, #tpu.memory_space<vmem>> -> memref<1x32x128xf32, #tpu.memory_space<vmem>>
    %dma_start3A_244 = tpu.memref_squeeze %dma_start3A_243 : memref<1x32x128xf32, #tpu.memory_space<vmem>> -> memref<32x128xf32, #tpu.memory_space<vmem>>
    %dma_start3A_245 = arith.constant 0 : i32
    %dma_start3A_246 = tpu.memref_slice %arg4[%dma_start3A_245, %multiple_of3A_233] : memref<32x1000000xf32, #tpu.memory_space<hbm>> -> memref<32x128xf32, #tpu.memory_space<hbm>>
    tpu.enqueue_dma source(%dma_start3A_246 : memref<32x128xf32, #tpu.memory_space<hbm>>) target(%dma_start3A_244 : memref<32x128xf32, #tpu.memory_space<vmem>>) target_semaphore(%arg17 : memref<!tpu.dma_semaphore, #tpu.memory_space<semaphore_mem>>)
    %multiple_of3A_247 = tpu.assume_multiple %min3A_232, 128 : i32
    %dma_start3A_248 = arith.constant 1 : i32
    %dma_start3A_249 = arith.constant 0 : i32
    %dma_start3A_250 = arith.constant 0 : i32
    %dma_start3A_251 = tpu.memref_slice %arg24[%dma_start3A_248, %dma_start3A_249, %dma_start3A_250] : memref<2x32x128xf32, #tpu.memory_space<vmem>> -> memref<1x32x128xf32, #tpu.memory_space<vmem>>
    %dma_start3A_252 = tpu.memref_squeeze %dma_start3A_251 : memref<1x32x128xf32, #tpu.memory_space<vmem>> -> memref<32x128xf32, #tpu.memory_space<vmem>>
    %dma_start3A_253 = arith.constant 0 : i32
    %dma_start3A_254 = tpu.memref_slice %arg5[%dma_start3A_253, %multiple_of3A_247] : memref<32x1000000xf32, #tpu.memory_space<hbm>> -> memref<32x128xf32, #tpu.memory_space<hbm>>
    %dma_start3A_255 = arith.constant 0 : i32
    %dma_start3A_256 = arith.constant 0 : i32
    %dma_start3A_257 = tpu.memref_slice %arg24[%dma_start3A_248, %dma_start3A_255, %dma_start3A_256] : memref<2x32x128xf32, #tpu.memory_space<vmem>> -> memref<1x32x128xf32, #tpu.memory_space<vmem>>
    %dma_start3A_258 = tpu.memref_squeeze %dma_start3A_257 : memref<1x32x128xf32, #tpu.memory_space<vmem>> -> memref<32x128xf32, #tpu.memory_space<vmem>>
    %dma_start3A_259 = arith.constant 0 : i32
    %dma_start3A_260 = tpu.memref_slice %arg5[%dma_start3A_259, %multiple_of3A_247] : memref<32x1000000xf32, #tpu.memory_space<hbm>> -> memref<32x128xf32, #tpu.memory_space<hbm>>
    tpu.enqueue_dma source(%dma_start3A_260 : memref<32x128xf32, #tpu.memory_space<hbm>>) target(%dma_start3A_258 : memref<32x128xf32, #tpu.memory_space<vmem>>) target_semaphore(%arg18 : memref<!tpu.dma_semaphore, #tpu.memory_space<semaphore_mem>>)
    %slice3A_261 = vector.extract_strided_slice %min3A_15 {offsets = [6], sizes = [1], strides = [1]} : vector<16xi32> to vector<1xi32>
    %squeeze3A_262 = vector.extract %slice3A_261[0] : i32 from vector<1xi32>
    %slice3A_263 = vector.extract_strided_slice %min3A_23 {offsets = [6], sizes = [1], strides = [1]} : vector<16xi32> to vector<1xi32>
    %squeeze3A_264 = vector.extract %slice3A_263[0] : i32 from vector<1xi32>
    %and3A_265 = arith.constant -128 : i32
    %and3A_266 = arith.andi %squeeze3A_262, %and3A_265 : i32
    %min3A_267 = arith.constant 999808 : i32
    %min3A_268 = arith.minsi %and3A_266, %min3A_267 : i32
    %and3A_269 = arith.constant -128 : i32
    %and3A_270 = arith.andi %squeeze3A_264, %and3A_269 : i32
    %min3A_271 = arith.constant 999808 : i32
    %min3A_272 = arith.minsi %and3A_270, %min3A_271 : i32
    %multiple_of3A_273 = tpu.assume_multiple %min3A_268, 128 : i32
    %dma_start3A_274 = arith.constant 0 : i32
    %dma_start3A_275 = arith.constant 0 : i32
    %dma_start3A_276 = arith.constant 0 : i32
    %dma_start3A_277 = tpu.memref_slice %arg25[%dma_start3A_274, %dma_start3A_275, %dma_start3A_276] : memref<2x32x128xf32, #tpu.memory_space<vmem>> -> memref<1x32x128xf32, #tpu.memory_space<vmem>>
    %dma_start3A_278 = tpu.memref_squeeze %dma_start3A_277 : memref<1x32x128xf32, #tpu.memory_space<vmem>> -> memref<32x128xf32, #tpu.memory_space<vmem>>
    %dma_start3A_279 = arith.constant 0 : i32
    %dma_start3A_280 = tpu.memref_slice %arg4[%dma_start3A_279, %multiple_of3A_273] : memref<32x1000000xf32, #tpu.memory_space<hbm>> -> memref<32x128xf32, #tpu.memory_space<hbm>>
    %dma_start3A_281 = arith.constant 0 : i32
    %dma_start3A_282 = arith.constant 0 : i32
    %dma_start3A_283 = tpu.memref_slice %arg25[%dma_start3A_274, %dma_start3A_281, %dma_start3A_282] : memref<2x32x128xf32, #tpu.memory_space<vmem>> -> memref<1x32x128xf32, #tpu.memory_space<vmem>>
    %dma_start3A_284 = tpu.memref_squeeze %dma_start3A_283 : memref<1x32x128xf32, #tpu.memory_space<vmem>> -> memref<32x128xf32, #tpu.memory_space<vmem>>
    %dma_start3A_285 = arith.constant 0 : i32
    %dma_start3A_286 = tpu.memref_slice %arg4[%dma_start3A_285, %multiple_of3A_273] : memref<32x1000000xf32, #tpu.memory_space<hbm>> -> memref<32x128xf32, #tpu.memory_space<hbm>>
    tpu.enqueue_dma source(%dma_start3A_286 : memref<32x128xf32, #tpu.memory_space<hbm>>) target(%dma_start3A_284 : memref<32x128xf32, #tpu.memory_space<vmem>>) target_semaphore(%arg17 : memref<!tpu.dma_semaphore, #tpu.memory_space<semaphore_mem>>)
    %multiple_of3A_287 = tpu.assume_multiple %min3A_272, 128 : i32
    %dma_start3A_288 = arith.constant 1 : i32
    %dma_start3A_289 = arith.constant 0 : i32
    %dma_start3A_290 = arith.constant 0 : i32
    %dma_start3A_291 = tpu.memref_slice %arg25[%dma_start3A_288, %dma_start3A_289, %dma_start3A_290] : memref<2x32x128xf32, #tpu.memory_space<vmem>> -> memref<1x32x128xf32, #tpu.memory_space<vmem>>
    %dma_start3A_292 = tpu.memref_squeeze %dma_start3A_291 : memref<1x32x128xf32, #tpu.memory_space<vmem>> -> memref<32x128xf32, #tpu.memory_space<vmem>>
    %dma_start3A_293 = arith.constant 0 : i32
    %dma_start3A_294 = tpu.memref_slice %arg5[%dma_start3A_293, %multiple_of3A_287] : memref<32x1000000xf32, #tpu.memory_space<hbm>> -> memref<32x128xf32, #tpu.memory_space<hbm>>
    %dma_start3A_295 = arith.constant 0 : i32
    %dma_start3A_296 = arith.constant 0 : i32
    %dma_start3A_297 = tpu.memref_slice %arg25[%dma_start3A_288, %dma_start3A_295, %dma_start3A_296] : memref<2x32x128xf32, #tpu.memory_space<vmem>> -> memref<1x32x128xf32, #tpu.memory_space<vmem>>
    %dma_start3A_298 = tpu.memref_squeeze %dma_start3A_297 : memref<1x32x128xf32, #tpu.memory_space<vmem>> -> memref<32x128xf32, #tpu.memory_space<vmem>>
    %dma_start3A_299 = arith.constant 0 : i32
    %dma_start3A_300 = tpu.memref_slice %arg5[%dma_start3A_299, %multiple_of3A_287] : memref<32x1000000xf32, #tpu.memory_space<hbm>> -> memref<32x128xf32, #tpu.memory_space<hbm>>
    tpu.enqueue_dma source(%dma_start3A_300 : memref<32x128xf32, #tpu.memory_space<hbm>>) target(%dma_start3A_298 : memref<32x128xf32, #tpu.memory_space<vmem>>) target_semaphore(%arg18 : memref<!tpu.dma_semaphore, #tpu.memory_space<semaphore_mem>>)
    %slice3A_301 = vector.extract_strided_slice %min3A_15 {offsets = [7], sizes = [1], strides = [1]} : vector<16xi32> to vector<1xi32>
    %squeeze3A_302 = vector.extract %slice3A_301[0] : i32 from vector<1xi32>
    %slice3A_303 = vector.extract_strided_slice %min3A_23 {offsets = [7], sizes = [1], strides = [1]} : vector<16xi32> to vector<1xi32>
    %squeeze3A_304 = vector.extract %slice3A_303[0] : i32 from vector<1xi32>
    %and3A_305 = arith.constant -128 : i32
    %and3A_306 = arith.andi %squeeze3A_302, %and3A_305 : i32
    %min3A_307 = arith.constant 999808 : i32
    %min3A_308 = arith.minsi %and3A_306, %min3A_307 : i32
    %and3A_309 = arith.constant -128 : i32
    %and3A_310 = arith.andi %squeeze3A_304, %and3A_309 : i32
    %min3A_311 = arith.constant 999808 : i32
    %min3A_312 = arith.minsi %and3A_310, %min3A_311 : i32
    %multiple_of3A_313 = tpu.assume_multiple %min3A_308, 128 : i32
    %dma_start3A_314 = arith.constant 0 : i32
    %dma_start3A_315 = arith.constant 0 : i32
    %dma_start3A_316 = arith.constant 0 : i32
    %dma_start3A_317 = tpu.memref_slice %arg26[%dma_start3A_314, %dma_start3A_315, %dma_start3A_316] : memref<2x32x128xf32, #tpu.memory_space<vmem>> -> memref<1x32x128xf32, #tpu.memory_space<vmem>>
    %dma_start3A_318 = tpu.memref_squeeze %dma_start3A_317 : memref<1x32x128xf32, #tpu.memory_space<vmem>> -> memref<32x128xf32, #tpu.memory_space<vmem>>
    %dma_start3A_319 = arith.constant 0 : i32
    %dma_start3A_320 = tpu.memref_slice %arg4[%dma_start3A_319, %multiple_of3A_313] : memref<32x1000000xf32, #tpu.memory_space<hbm>> -> memref<32x128xf32, #tpu.memory_space<hbm>>
    %dma_start3A_321 = arith.constant 0 : i32
    %dma_start3A_322 = arith.constant 0 : i32
    %dma_start3A_323 = tpu.memref_slice %arg26[%dma_start3A_314, %dma_start3A_321, %dma_start3A_322] : memref<2x32x128xf32, #tpu.memory_space<vmem>> -> memref<1x32x128xf32, #tpu.memory_space<vmem>>
    %dma_start3A_324 = tpu.memref_squeeze %dma_start3A_323 : memref<1x32x128xf32, #tpu.memory_space<vmem>> -> memref<32x128xf32, #tpu.memory_space<vmem>>
    %dma_start3A_325 = arith.constant 0 : i32
    %dma_start3A_326 = tpu.memref_slice %arg4[%dma_start3A_325, %multiple_of3A_313] : memref<32x1000000xf32, #tpu.memory_space<hbm>> -> memref<32x128xf32, #tpu.memory_space<hbm>>
    tpu.enqueue_dma source(%dma_start3A_326 : memref<32x128xf32, #tpu.memory_space<hbm>>) target(%dma_start3A_324 : memref<32x128xf32, #tpu.memory_space<vmem>>) target_semaphore(%arg17 : memref<!tpu.dma_semaphore, #tpu.memory_space<semaphore_mem>>)
    %multiple_of3A_327 = tpu.assume_multiple %min3A_312, 128 : i32
    %dma_start3A_328 = arith.constant 1 : i32
    %dma_start3A_329 = arith.constant 0 : i32
    %dma_start3A_330 = arith.constant 0 : i32
    %dma_start3A_331 = tpu.memref_slice %arg26[%dma_start3A_328, %dma_start3A_329, %dma_start3A_330] : memref<2x32x128xf32, #tpu.memory_space<vmem>> -> memref<1x32x128xf32, #tpu.memory_space<vmem>>
    %dma_start3A_332 = tpu.memref_squeeze %dma_start3A_331 : memref<1x32x128xf32, #tpu.memory_space<vmem>> -> memref<32x128xf32, #tpu.memory_space<vmem>>
    %dma_start3A_333 = arith.constant 0 : i32
    %dma_start3A_334 = tpu.memref_slice %arg5[%dma_start3A_333, %multiple_of3A_327] : memref<32x1000000xf32, #tpu.memory_space<hbm>> -> memref<32x128xf32, #tpu.memory_space<hbm>>
    %dma_start3A_335 = arith.constant 0 : i32
    %dma_start3A_336 = arith.constant 0 : i32
    %dma_start3A_337 = tpu.memref_slice %arg26[%dma_start3A_328, %dma_start3A_335, %dma_start3A_336] : memref<2x32x128xf32, #tpu.memory_space<vmem>> -> memref<1x32x128xf32, #tpu.memory_space<vmem>>
    %dma_start3A_338 = tpu.memref_squeeze %dma_start3A_337 : memref<1x32x128xf32, #tpu.memory_space<vmem>> -> memref<32x128xf32, #tpu.memory_space<vmem>>
    %dma_start3A_339 = arith.constant 0 : i32
    %dma_start3A_340 = tpu.memref_slice %arg5[%dma_start3A_339, %multiple_of3A_327] : memref<32x1000000xf32, #tpu.memory_space<hbm>> -> memref<32x128xf32, #tpu.memory_space<hbm>>
    tpu.enqueue_dma source(%dma_start3A_340 : memref<32x128xf32, #tpu.memory_space<hbm>>) target(%dma_start3A_338 : memref<32x128xf32, #tpu.memory_space<vmem>>) target_semaphore(%arg18 : memref<!tpu.dma_semaphore, #tpu.memory_space<semaphore_mem>>)
    %scan3A = arith.constant 0 : i32
    %scan3A_341 = arith.constant 1 : i32
    %scan3A_342 = arith.constant 0 : i32
    %scan3A_343 = arith.constant 1 : i32
    %scan3A_344 = arith.constant 0 : i32
    %scan3A_345 = arith.constant 1 : i32
    %scan3A_346 = arith.constant 0 : i32
    %scan3A_347 = arith.constant 1 : i32
    %scan3A_348 = arith.constant 0 : i32
    %scan3A_349 = arith.constant 1 : i32
    %scan3A_350 = arith.constant 0 : i32
    %scan3A_351 = arith.constant 1 : i32
    %scan3A_352 = arith.constant 0 : i32
    %scan3A_353 = arith.constant 1 : i32
    %scan3A_354 = arith.constant 0 : i32
    %scan3A_355 = arith.constant 1 : i32
    %scan3A_356 = arith.constant 0 : i32
    %scan3A_357 = arith.constant 63 : i32
    %scan3A_358 = arith.addi %scan3A_356, %scan3A_357 : i32
    %scan3A_359 = arith.constant 1 : i32
    scf.for %scan3A_1431 = %scan3A_356 to %scan3A_358 step %scan3A_359  : i32 {
      %mul3A_1432 = arith.constant 1 : i32
      %mul3A_1433 = arith.muli %scan3A_1431, %mul3A_1432 : i32
      %add3A_1434 = arith.constant 0 : i32
      %add3A_1435 = arith.addi %add3A_1434, %mul3A_1433 : i32
      %mul3A_1436 = arith.constant 8 : i32
      %mul3A_1437 = arith.muli %add3A_1435, %mul3A_1436 : i32
      %get3A_1438 = arith.index_cast %mul3A_1437 : i32 to index
      %get3A_1439 = tpu.vector_load %arg10[%get3A_1438] {strides = array<i32>} : memref<528xi32, #tpu.memory_space<vmem>>, vector<16xi32>,
      %jit3A_1440 = arith.constant 0 : i32
      %jit3A_1441 = arith.constant 999999 : i32
      %max3A_1442 = vector.broadcast %jit3A_1440 : i32 to vector<16xi32>
      %max3A_1443 = arith.maxsi %max3A_1442, %get3A_1439 : vector<16xi32>
      %min3A_1444 = vector.broadcast %jit3A_1441 : i32 to vector<16xi32>
      %min3A_1445 = arith.minsi %min3A_1444, %max3A_1443 : vector<16xi32>
      %mul3A_1446 = arith.constant 8 : i32
      %mul3A_1447 = arith.muli %add3A_1435, %mul3A_1446 : i32
      %get3A_1448 = arith.index_cast %mul3A_1447 : i32 to index
      %get3A_1449 = tpu.vector_load %arg11[%get3A_1448] {strides = array<i32>} : memref<528xi32, #tpu.memory_space<vmem>>, vector<16xi32>,
      %jit3A_1450 = arith.constant 0 : i32
      %jit3A_1451 = arith.constant 999999 : i32
      %max3A_1452 = vector.broadcast %jit3A_1450 : i32 to vector<16xi32>
      %max3A_1453 = arith.maxsi %max3A_1452, %get3A_1449 : vector<16xi32>
      %min3A_1454 = vector.broadcast %jit3A_1451 : i32 to vector<16xi32>
      %min3A_1455 = arith.minsi %min3A_1454, %max3A_1453 : vector<16xi32>
      %mul3A_1456 = arith.constant 8 : i32
      %mul3A_1457 = arith.muli %add3A_1435, %mul3A_1456 : i32
      %add3A_1458 = arith.constant 8 : i32
      %add3A_1459 = arith.addi %mul3A_1457, %add3A_1458 : i32
      %get3A_1460 = arith.index_cast %add3A_1459 : i32 to index
      %get3A_1461 = tpu.vector_load %arg10[%get3A_1460] {strides = array<i32>} : memref<528xi32, #tpu.memory_space<vmem>>, vector<16xi32>,
      %jit3A_1462 = arith.constant 0 : i32
      %jit3A_1463 = arith.constant 999999 : i32
      %max3A_1464 = vector.broadcast %jit3A_1462 : i32 to vector<16xi32>
      %max3A_1465 = arith.maxsi %max3A_1464, %get3A_1461 : vector<16xi32>
      %min3A_1466 = vector.broadcast %jit3A_1463 : i32 to vector<16xi32>
      %min3A_1467 = arith.minsi %min3A_1466, %max3A_1465 : vector<16xi32>
      %mul3A_1468 = arith.constant 8 : i32
      %mul3A_1469 = arith.muli %add3A_1435, %mul3A_1468 : i32
      %add3A_1470 = arith.constant 8 : i32
      %add3A_1471 = arith.addi %mul3A_1469, %add3A_1470 : i32
      %get3A_1472 = arith.index_cast %add3A_1471 : i32 to index
      %get3A_1473 = tpu.vector_load %arg11[%get3A_1472] {strides = array<i32>} : memref<528xi32, #tpu.memory_space<vmem>>, vector<16xi32>,
      %jit3A_1474 = arith.constant 0 : i32
      %jit3A_1475 = arith.constant 999999 : i32
      %max3A_1476 = vector.broadcast %jit3A_1474 : i32 to vector<16xi32>
      %max3A_1477 = arith.maxsi %max3A_1476, %get3A_1473 : vector<16xi32>
      %min3A_1478 = vector.broadcast %jit3A_1475 : i32 to vector<16xi32>
      %min3A_1479 = arith.minsi %min3A_1478, %max3A_1477 : vector<16xi32>
      %dma_wait3A_1480 = arith.constant 0 : i32
      %dma_wait3A_1481 = arith.constant 0 : i32
      %dma_wait3A_1482 = tpu.memref_slice %arg19[%scan3A, %dma_wait3A_1480, %dma_wait3A_1481] : memref<2x32x128xf32, #tpu.memory_space<vmem>> -> memref<1x32x128xf32, #tpu.memory_space<vmem>>
      %dma_wait3A_1483 = tpu.memref_squeeze %dma_wait3A_1482 : memref<1x32x128xf32, #tpu.memory_space<vmem>> -> memref<32x128xf32, #tpu.memory_space<vmem>>
      %dma_wait3A_1484 = arith.constant 0 : i32
      %dma_wait3A_1485 = arith.constant 0 : i32
      %dma_wait3A_1486 = tpu.memref_slice %arg4[%dma_wait3A_1484, %dma_wait3A_1485] : memref<32x1000000xf32, #tpu.memory_space<hbm>> -> memref<32x128xf32, #tpu.memory_space<hbm>>
      %dma_wait3A_1487 = arith.constant 0 : i32
      %dma_wait3A_1488 = arith.constant 0 : i32
      %dma_wait3A_1489 = tpu.memref_slice %arg19[%scan3A, %dma_wait3A_1487, %dma_wait3A_1488] : memref<2x32x128xf32, #tpu.memory_space<vmem>> -> memref<1x32x128xf32, #tpu.memory_space<vmem>>
      %dma_wait3A_1490 = tpu.memref_squeeze %dma_wait3A_1489 : memref<1x32x128xf32, #tpu.memory_space<vmem>> -> memref<32x128xf32, #tpu.memory_space<vmem>>
      %dma_wait3A_1491 = arith.constant 0 : i32
      %dma_wait3A_1492 = arith.constant 0 : i32
      %dma_wait3A_1493 = tpu.memref_slice %arg4[%dma_wait3A_1491, %dma_wait3A_1492] : memref<32x1000000xf32, #tpu.memory_space<hbm>> -> memref<32x128xf32, #tpu.memory_space<hbm>>
      tpu.wait_dma2 semaphore(%arg17 : memref<!tpu.dma_semaphore, #tpu.memory_space<semaphore_mem>>) src(%dma_wait3A_1493 : memref<32x128xf32, #tpu.memory_space<hbm>>) dst(%dma_wait3A_1490 : memref<32x128xf32, #tpu.memory_space<vmem>>)
      %dma_wait3A_1494 = arith.constant 0 : i32
      %dma_wait3A_1495 = arith.constant 0 : i32
      %dma_wait3A_1496 = tpu.memref_slice %arg19[%scan3A_341, %dma_wait3A_1494, %dma_wait3A_1495] : memref<2x32x128xf32, #tpu.memory_space<vmem>> -> memref<1x32x128xf32, #tpu.memory_space<vmem>>
      %dma_wait3A_1497 = tpu.memref_squeeze %dma_wait3A_1496 : memref<1x32x128xf32, #tpu.memory_space<vmem>> -> memref<32x128xf32, #tpu.memory_space<vmem>>
      %dma_wait3A_1498 = arith.constant 0 : i32
      %dma_wait3A_1499 = arith.constant 0 : i32
      %dma_wait3A_1500 = tpu.memref_slice %arg5[%dma_wait3A_1498, %dma_wait3A_1499] : memref<32x1000000xf32, #tpu.memory_space<hbm>> -> memref<32x128xf32, #tpu.memory_space<hbm>>
      %dma_wait3A_1501 = arith.constant 0 : i32
      %dma_wait3A_1502 = arith.constant 0 : i32
      %dma_wait3A_1503 = tpu.memref_slice %arg19[%scan3A_341, %dma_wait3A_1501, %dma_wait3A_1502] : memref<2x32x128xf32, #tpu.memory_space<vmem>> -> memref<1x32x128xf32, #tpu.memory_space<vmem>>
      %dma_wait3A_1504 = tpu.memref_squeeze %dma_wait3A_1503 : memref<1x32x128xf32, #tpu.memory_space<vmem>> -> memref<32x128xf32, #tpu.memory_space<vmem>>
      %dma_wait3A_1505 = arith.constant 0 : i32
      %dma_wait3A_1506 = arith.constant 0 : i32
      %dma_wait3A_1507 = tpu.memref_slice %arg5[%dma_wait3A_1505, %dma_wait3A_1506] : memref<32x1000000xf32, #tpu.memory_space<hbm>> -> memref<32x128xf32, #tpu.memory_space<hbm>>
      tpu.wait_dma2 semaphore(%arg18 : memref<!tpu.dma_semaphore, #tpu.memory_space<semaphore_mem>>) src(%dma_wait3A_1507 : memref<32x128xf32, #tpu.memory_space<hbm>>) dst(%dma_wait3A_1504 : memref<32x128xf32, #tpu.memory_space<vmem>>)
      %slice3A_1508 = vector.extract_strided_slice %min3A_1445 {offsets = [0], sizes = [1], strides = [1]} : vector<16xi32> to vector<1xi32>
      %squeeze3A_1509 = vector.extract %slice3A_1508[0] : i32 from vector<1xi32>
      %slice3A_1510 = vector.extract_strided_slice %min3A_1455 {offsets = [0], sizes = [1], strides = [1]} : vector<16xi32> to vector<1xi32>
      %squeeze3A_1511 = vector.extract %slice3A_1510[0] : i32 from vector<1xi32>
      %and3A_1512 = arith.constant -128 : i32
      %and3A_1513 = arith.andi %squeeze3A_1509, %and3A_1512 : i32
      %min3A_1514 = arith.constant 999808 : i32
      %min3A_1515 = arith.minsi %and3A_1513, %min3A_1514 : i32
      %sub3A_1516 = arith.subi %squeeze3A_1509, %min3A_1515 : i32
      %min3A_1517 = arith.constant 127 : i32
      %min3A_1518 = arith.minsi %sub3A_1516, %min3A_1517 : i32
      %and3A_1519 = arith.constant -128 : i32
      %and3A_1520 = arith.andi %squeeze3A_1511, %and3A_1519 : i32
      %min3A_1521 = arith.constant 999808 : i32
      %min3A_1522 = arith.minsi %and3A_1520, %min3A_1521 : i32
      %sub3A_1523 = arith.subi %squeeze3A_1511, %min3A_1522 : i32
      %min3A_1524 = arith.constant 127 : i32
      %min3A_1525 = arith.minsi %sub3A_1523, %min3A_1524 : i32
      %broadcast_in_dim3A_1526 = vector.broadcast %min3A_1518 : i32 to vector<16xi32>
      %broadcast_in_dim3A_1527 = vector.broadcast %min3A_1525 : i32 to vector<16xi32>
      %gather3A_1528 = arith.constant 0 : i32
      %gather3A_1529 = arith.constant 0 : i32
      %gather3A_1530 = tpu.memref_slice %arg19[%scan3A, %gather3A_1528, %gather3A_1529] : memref<2x32x128xf32, #tpu.memory_space<vmem>> -> memref<1x32x128xf32, #tpu.memory_space<vmem>>
      %gather3A_1531 = tpu.memref_squeeze %gather3A_1530 : memref<1x32x128xf32, #tpu.memory_space<vmem>> -> memref<32x128xf32, #tpu.memory_space<vmem>>
      %gather3A_1532 = tpu.vector_load_idx %gather3A_1531[%iota3A, %broadcast_in_dim3A_1526] : memref<32x128xf32, #tpu.memory_space<vmem>>[vector<16xi32>, vector<16xi32>], vector<16xf32>,
      %add3A_1533 = arith.constant 16 : i32
      %add3A_1534 = vector.broadcast %add3A_1533 : i32 to vector<16xi32>
      %add3A_1535 = arith.addi %iota3A, %add3A_1534 : vector<16xi32>
      %gather3A_1536 = arith.constant 0 : i32
      %gather3A_1537 = arith.constant 0 : i32
      %gather3A_1538 = tpu.memref_slice %arg19[%scan3A, %gather3A_1536, %gather3A_1537] : memref<2x32x128xf32, #tpu.memory_space<vmem>> -> memref<1x32x128xf32, #tpu.memory_space<vmem>>
      %gather3A_1539 = tpu.memref_squeeze %gather3A_1538 : memref<1x32x128xf32, #tpu.memory_space<vmem>> -> memref<32x128xf32, #tpu.memory_space<vmem>>
      %gather3A_1540 = tpu.vector_load_idx %gather3A_1539[%add3A_1535, %broadcast_in_dim3A_1526] : memref<32x128xf32, #tpu.memory_space<vmem>>[vector<16xi32>, vector<16xi32>], vector<16xf32>,
      %gather3A_1541 = arith.constant 0 : i32
      %gather3A_1542 = arith.constant 0 : i32
      %gather3A_1543 = tpu.memref_slice %arg19[%scan3A_341, %gather3A_1541, %gather3A_1542] : memref<2x32x128xf32, #tpu.memory_space<vmem>> -> memref<1x32x128xf32, #tpu.memory_space<vmem>>
      %gather3A_1544 = tpu.memref_squeeze %gather3A_1543 : memref<1x32x128xf32, #tpu.memory_space<vmem>> -> memref<32x128xf32, #tpu.memory_space<vmem>>
      %gather3A_1545 = tpu.vector_load_idx %gather3A_1544[%iota3A, %broadcast_in_dim3A_1527] : memref<32x128xf32, #tpu.memory_space<vmem>>[vector<16xi32>, vector<16xi32>], vector<16xf32>,
      %add3A_1546 = arith.constant 16 : i32
      %add3A_1547 = vector.broadcast %add3A_1546 : i32 to vector<16xi32>
      %add3A_1548 = arith.addi %iota3A, %add3A_1547 : vector<16xi32>
      %gather3A_1549 = arith.constant 0 : i32
      %gather3A_1550 = arith.constant 0 : i32
      %gather3A_1551 = tpu.memref_slice %arg19[%scan3A_341, %gather3A_1549, %gather3A_1550] : memref<2x32x128xf32, #tpu.memory_space<vmem>> -> memref<1x32x128xf32, #tpu.memory_space<vmem>>
      %gather3A_1552 = tpu.memref_squeeze %gather3A_1551 : memref<1x32x128xf32, #tpu.memory_space<vmem>> -> memref<32x128xf32, #tpu.memory_space<vmem>>
      %gather3A_1553 = tpu.vector_load_idx %gather3A_1552[%add3A_1548, %broadcast_in_dim3A_1527] : memref<32x128xf32, #tpu.memory_space<vmem>>[vector<16xi32>, vector<16xi32>], vector<16xf32>,
      %sub3A_1554 = arith.constant 999872 : i32
      %sub3A_1555 = arith.subi %squeeze3A_1509, %sub3A_1554 : i32
      %jit3A_1556 = arith.constant 0 : i32
      %jit3A_1557 = arith.constant 127 : i32
      %max3A_1558 = arith.maxsi %jit3A_1556, %sub3A_1555 : i32
      %min3A_1559 = arith.minsi %jit3A_1557, %max3A_1558 : i32
      %broadcast_in_dim3A_1560 = vector.broadcast %min3A_1559 : i32 to vector<16xi32>
      %sub3A_1561 = arith.constant 999872 : i32
      %sub3A_1562 = arith.subi %squeeze3A_1511, %sub3A_1561 : i32
      %jit3A_1563 = arith.constant 0 : i32
      %jit3A_1564 = arith.constant 127 : i32
      %max3A_1565 = arith.maxsi %jit3A_1563, %sub3A_1562 : i32
      %min3A_1566 = arith.minsi %jit3A_1564, %max3A_1565 : i32
      %broadcast_in_dim3A_1567 = vector.broadcast %min3A_1566 : i32 to vector<16xi32>
      %ge3A_1568 = arith.constant 999936 : i32
      %ge3A_1569 = arith.cmpi sge, %squeeze3A_1509, %ge3A_1568 : i32
      %broadcast_in_dim3A_1570 = vector.broadcast %ge3A_1569 : i1 to vector<16xi1>
      %ge3A_1571 = arith.constant 999936 : i32
      %ge3A_1572 = arith.cmpi sge, %squeeze3A_1511, %ge3A_1571 : i32
      %broadcast_in_dim3A_1573 = vector.broadcast %ge3A_1572 : i1 to vector<16xi1>
      %gather3A_1574 = tpu.vector_load_idx %arg12[%iota3A, %broadcast_in_dim3A_1560] : memref<32x128xf32, #tpu.memory_space<vmem>>[vector<16xi32>, vector<16xi32>], vector<16xf32>,
      %select_n3A_1575 = arith.select %broadcast_in_dim3A_1570, %gather3A_1574, %gather3A_1532 : vector<16xi1>, vector<16xf32>
      %add3A_1576 = arith.constant 16 : i32
      %add3A_1577 = vector.broadcast %add3A_1576 : i32 to vector<16xi32>
      %add3A_1578 = arith.addi %iota3A, %add3A_1577 : vector<16xi32>
      %gather3A_1579 = tpu.vector_load_idx %arg12[%add3A_1578, %broadcast_in_dim3A_1560] : memref<32x128xf32, #tpu.memory_space<vmem>>[vector<16xi32>, vector<16xi32>], vector<16xf32>,
      %select_n3A_1580 = arith.select %broadcast_in_dim3A_1570, %gather3A_1579, %gather3A_1540 : vector<16xi1>, vector<16xf32>
      %gather3A_1581 = tpu.vector_load_idx %arg13[%iota3A, %broadcast_in_dim3A_1567] : memref<32x128xf32, #tpu.memory_space<vmem>>[vector<16xi32>, vector<16xi32>], vector<16xf32>,
      %select_n3A_1582 = arith.select %broadcast_in_dim3A_1573, %gather3A_1581, %gather3A_1545 : vector<16xi1>, vector<16xf32>
      %add3A_1583 = arith.constant 16 : i32
      %add3A_1584 = vector.broadcast %add3A_1583 : i32 to vector<16xi32>
      %add3A_1585 = arith.addi %iota3A, %add3A_1584 : vector<16xi32>
      %gather3A_1586 = tpu.vector_load_idx %arg13[%add3A_1585, %broadcast_in_dim3A_1567] : memref<32x128xf32, #tpu.memory_space<vmem>>[vector<16xi32>, vector<16xi32>], vector<16xf32>,
      %select_n3A_1587 = arith.select %broadcast_in_dim3A_1573, %gather3A_1586, %gather3A_1553 : vector<16xi1>, vector<16xf32>
      %mul3A_1588 = arith.mulf %select_n3A_1575, %select_n3A_1582 : vector<16xf32>
      %mul3A_1589 = arith.mulf %mul3A_1588, %get3A_3 : vector<16xf32>
      %mul3A_1590 = arith.mulf %select_n3A_1580, %select_n3A_1587 : vector<16xf32>
      %mul3A_1591 = arith.mulf %mul3A_1590, %get3A_5 : vector<16xf32>
      %add3A_1592 = arith.addf %mul3A_1589, %mul3A_1591 : vector<16xf32>
      %swap3A_1593 = arith.constant 0 : index
      %swap3A_1594 = tpu.vector_load %arg15[%swap3A_1593] {strides = array<i32>} : memref<256xf32, #tpu.memory_space<vmem>>, vector<16xf32>,
      tpu.vector_store %arg15[%swap3A_1593], %add3A_1592 {strides = array<i32>} : memref<256xf32, #tpu.memory_space<vmem>>, vector<16xf32>,
      %slice3A_1595 = vector.extract_strided_slice %min3A_1467 {offsets = [0], sizes = [1], strides = [1]} : vector<16xi32> to vector<1xi32>
      %squeeze3A_1596 = vector.extract %slice3A_1595[0] : i32 from vector<1xi32>
      %slice3A_1597 = vector.extract_strided_slice %min3A_1479 {offsets = [0], sizes = [1], strides = [1]} : vector<16xi32> to vector<1xi32>
      %squeeze3A_1598 = vector.extract %slice3A_1597[0] : i32 from vector<1xi32>
      %and3A_1599 = arith.constant -128 : i32
      %and3A_1600 = arith.andi %squeeze3A_1596, %and3A_1599 : i32
      %min3A_1601 = arith.constant 999808 : i32
      %min3A_1602 = arith.minsi %and3A_1600, %min3A_1601 : i32
      %and3A_1603 = arith.constant -128 : i32
      %and3A_1604 = arith.andi %squeeze3A_1598, %and3A_1603 : i32
      %min3A_1605 = arith.constant 999808 : i32
      %min3A_1606 = arith.minsi %and3A_1604, %min3A_1605 : i32
      %multiple_of3A_1607 = tpu.assume_multiple %min3A_1602, 128 : i32
      %dma_start3A_1608 = arith.constant 0 : i32
      %dma_start3A_1609 = arith.constant 0 : i32
      %dma_start3A_1610 = tpu.memref_slice %arg19[%scan3A, %dma_start3A_1608, %dma_start3A_1609] : memref<2x32x128xf32, #tpu.memory_space<vmem>> -> memref<1x32x128xf32, #tpu.memory_space<vmem>>
      %dma_start3A_1611 = tpu.memref_squeeze %dma_start3A_1610 : memref<1x32x128xf32, #tpu.memory_space<vmem>> -> memref<32x128xf32, #tpu.memory_space<vmem>>
      %dma_start3A_1612 = arith.constant 0 : i32
      %dma_start3A_1613 = tpu.memref_slice %arg4[%dma_start3A_1612, %multiple_of3A_1607] : memref<32x1000000xf32, #tpu.memory_space<hbm>> -> memref<32x128xf32, #tpu.memory_space<hbm>>
      %dma_start3A_1614 = arith.constant 0 : i32
      %dma_start3A_1615 = arith.constant 0 : i32
      %dma_start3A_1616 = tpu.memref_slice %arg19[%scan3A, %dma_start3A_1614, %dma_start3A_1615] : memref<2x32x128xf32, #tpu.memory_space<vmem>> -> memref<1x32x128xf32, #tpu.memory_space<vmem>>
      %dma_start3A_1617 = tpu.memref_squeeze %dma_start3A_1616 : memref<1x32x128xf32, #tpu.memory_space<vmem>> -> memref<32x128xf32, #tpu.memory_space<vmem>>
      %dma_start3A_1618 = arith.constant 0 : i32
      %dma_start3A_1619 = tpu.memref_slice %arg4[%dma_start3A_1618, %multiple_of3A_1607] : memref<32x1000000xf32, #tpu.memory_space<hbm>> -> memref<32x128xf32, #tpu.memory_space<hbm>>
      tpu.enqueue_dma source(%dma_start3A_1619 : memref<32x128xf32, #tpu.memory_space<hbm>>) target(%dma_start3A_1617 : memref<32x128xf32, #tpu.memory_space<vmem>>) target_semaphore(%arg17 : memref<!tpu.dma_semaphore, #tpu.memory_space<semaphore_mem>>)
      %multiple_of3A_1620 = tpu.assume_multiple %min3A_1606, 128 : i32
      %dma_start3A_1621 = arith.constant 0 : i32
      %dma_start3A_1622 = arith.constant 0 : i32
      %dma_start3A_1623 = tpu.memref_slice %arg19[%scan3A_341, %dma_start3A_1621, %dma_start3A_1622] : memref<2x32x128xf32, #tpu.memory_space<vmem>> -> memref<1x32x128xf32, #tpu.memory_space<vmem>>
      %dma_start3A_1624 = tpu.memref_squeeze %dma_start3A_1623 : memref<1x32x128xf32, #tpu.memory_space<vmem>> -> memref<32x128xf32, #tpu.memory_space<vmem>>
      %dma_start3A_1625 = arith.constant 0 : i32
      %dma_start3A_1626 = tpu.memref_slice %arg5[%dma_start3A_1625, %multiple_of3A_1620] : memref<32x1000000xf32, #tpu.memory_space<hbm>> -> memref<32x128xf32, #tpu.memory_space<hbm>>
      %dma_start3A_1627 = arith.constant 0 : i32
      %dma_start3A_1628 = arith.constant 0 : i32
      %dma_start3A_1629 = tpu.memref_slice %arg19[%scan3A_341, %dma_start3A_1627, %dma_start3A_1628] : memref<2x32x128xf32, #tpu.memory_space<vmem>> -> memref<1x32x128xf32, #tpu.memory_space<vmem>>
      %dma_start3A_1630 = tpu.memref_squeeze %dma_start3A_1629 : memref<1x32x128xf32, #tpu.memory_space<vmem>> -> memref<32x128xf32, #tpu.memory_space<vmem>>
      %dma_start3A_1631 = arith.constant 0 : i32
      %dma_start3A_1632 = tpu.memref_slice %arg5[%dma_start3A_1631, %multiple_of3A_1620] : memref<32x1000000xf32, #tpu.memory_space<hbm>> -> memref<32x128xf32, #tpu.memory_space<hbm>>
      tpu.enqueue_dma source(%dma_start3A_1632 : memref<32x128xf32, #tpu.memory_space<hbm>>) target(%dma_start3A_1630 : memref<32x128xf32, #tpu.memory_space<vmem>>) target_semaphore(%arg18 : memref<!tpu.dma_semaphore, #tpu.memory_space<semaphore_mem>>)
      %dma_wait3A_1633 = arith.constant 0 : i32
      %dma_wait3A_1634 = arith.constant 0 : i32
      %dma_wait3A_1635 = tpu.memref_slice %arg20[%scan3A_342, %dma_wait3A_1633, %dma_wait3A_1634] : memref<2x32x128xf32, #tpu.memory_space<vmem>> -> memref<1x32x128xf32, #tpu.memory_space<vmem>>
      %dma_wait3A_1636 = tpu.memref_squeeze %dma_wait3A_1635 : memref<1x32x128xf32, #tpu.memory_space<vmem>> -> memref<32x128xf32, #tpu.memory_space<vmem>>
      %dma_wait3A_1637 = arith.constant 0 : i32
      %dma_wait3A_1638 = arith.constant 0 : i32
      %dma_wait3A_1639 = tpu.memref_slice %arg4[%dma_wait3A_1637, %dma_wait3A_1638] : memref<32x1000000xf32, #tpu.memory_space<hbm>> -> memref<32x128xf32, #tpu.memory_space<hbm>>
      %dma_wait3A_1640 = arith.constant 0 : i32
      %dma_wait3A_1641 = arith.constant 0 : i32
      %dma_wait3A_1642 = tpu.memref_slice %arg20[%scan3A_342, %dma_wait3A_1640, %dma_wait3A_1641] : memref<2x32x128xf32, #tpu.memory_space<vmem>> -> memref<1x32x128xf32, #tpu.memory_space<vmem>>
      %dma_wait3A_1643 = tpu.memref_squeeze %dma_wait3A_1642 : memref<1x32x128xf32, #tpu.memory_space<vmem>> -> memref<32x128xf32, #tpu.memory_space<vmem>>
      %dma_wait3A_1644 = arith.constant 0 : i32
      %dma_wait3A_1645 = arith.constant 0 : i32
      %dma_wait3A_1646 = tpu.memref_slice %arg4[%dma_wait3A_1644, %dma_wait3A_1645] : memref<32x1000000xf32, #tpu.memory_space<hbm>> -> memref<32x128xf32, #tpu.memory_space<hbm>>
      tpu.wait_dma2 semaphore(%arg17 : memref<!tpu.dma_semaphore, #tpu.memory_space<semaphore_mem>>) src(%dma_wait3A_1646 : memref<32x128xf32, #tpu.memory_space<hbm>>) dst(%dma_wait3A_1643 : memref<32x128xf32, #tpu.memory_space<vmem>>)
      %dma_wait3A_1647 = arith.constant 0 : i32
      %dma_wait3A_1648 = arith.constant 0 : i32
      %dma_wait3A_1649 = tpu.memref_slice %arg20[%scan3A_343, %dma_wait3A_1647, %dma_wait3A_1648] : memref<2x32x128xf32, #tpu.memory_space<vmem>> -> memref<1x32x128xf32, #tpu.memory_space<vmem>>
      %dma_wait3A_1650 = tpu.memref_squeeze %dma_wait3A_1649 : memref<1x32x128xf32, #tpu.memory_space<vmem>> -> memref<32x128xf32, #tpu.memory_space<vmem>>
      %dma_wait3A_1651 = arith.constant 0 : i32
      %dma_wait3A_1652 = arith.constant 0 : i32
      %dma_wait3A_1653 = tpu.memref_slice %arg5[%dma_wait3A_1651, %dma_wait3A_1652] : memref<32x1000000xf32, #tpu.memory_space<hbm>> -> memref<32x128xf32, #tpu.memory_space<hbm>>
      %dma_wait3A_1654 = arith.constant 0 : i32
      %dma_wait3A_1655 = arith.constant 0 : i32
      %dma_wait3A_1656 = tpu.memref_slice %arg20[%scan3A_343, %dma_wait3A_1654, %dma_wait3A_1655] : memref<2x32x128xf32, #tpu.memory_space<vmem>> -> memref<1x32x128xf32, #tpu.memory_space<vmem>>
      %dma_wait3A_1657 = tpu.memref_squeeze %dma_wait3A_1656 : memref<1x32x128xf32, #tpu.memory_space<vmem>> -> memref<32x128xf32, #tpu.memory_space<vmem>>
      %dma_wait3A_1658 = arith.constant 0 : i32
      %dma_wait3A_1659 = arith.constant 0 : i32
      %dma_wait3A_1660 = tpu.memref_slice %arg5[%dma_wait3A_1658, %dma_wait3A_1659] : memref<32x1000000xf32, #tpu.memory_space<hbm>> -> memref<32x128xf32, #tpu.memory_space<hbm>>
      tpu.wait_dma2 semaphore(%arg18 : memref<!tpu.dma_semaphore, #tpu.memory_space<semaphore_mem>>) src(%dma_wait3A_1660 : memref<32x128xf32, #tpu.memory_space<hbm>>) dst(%dma_wait3A_1657 : memref<32x128xf32, #tpu.memory_space<vmem>>)
      %slice3A_1661 = vector.extract_strided_slice %min3A_1445 {offsets = [1], sizes = [1], strides = [1]} : vector<16xi32> to vector<1xi32>
      %squeeze3A_1662 = vector.extract %slice3A_1661[0] : i32 from vector<1xi32>
      %slice3A_1663 = vector.extract_strided_slice %min3A_1455 {offsets = [1], sizes = [1], strides = [1]} : vector<16xi32> to vector<1xi32>
      %squeeze3A_1664 = vector.extract %slice3A_1663[0] : i32 from vector<1xi32>
      %and3A_1665 = arith.constant -128 : i32
      %and3A_1666 = arith.andi %squeeze3A_1662, %and3A_1665 : i32
      %min3A_1667 = arith.constant 999808 : i32
      %min3A_1668 = arith.minsi %and3A_1666, %min3A_1667 : i32
      %sub3A_1669 = arith.subi %squeeze3A_1662, %min3A_1668 : i32
      %min3A_1670 = arith.constant 127 : i32
      %min3A_1671 = arith.minsi %sub3A_1669, %min3A_1670 : i32
      %and3A_1672 = arith.constant -128 : i32
      %and3A_1673 = arith.andi %squeeze3A_1664, %and3A_1672 : i32
      %min3A_1674 = arith.constant 999808 : i32
      %min3A_1675 = arith.minsi %and3A_1673, %min3A_1674 : i32
      %sub3A_1676 = arith.subi %squeeze3A_1664, %min3A_1675 : i32
      %min3A_1677 = arith.constant 127 : i32
      %min3A_1678 = arith.minsi %sub3A_1676, %min3A_1677 : i32
      %broadcast_in_dim3A_1679 = vector.broadcast %min3A_1671 : i32 to vector<16xi32>
      %broadcast_in_dim3A_1680 = vector.broadcast %min3A_1678 : i32 to vector<16xi32>
      %gather3A_1681 = arith.constant 0 : i32
      %gather3A_1682 = arith.constant 0 : i32
      %gather3A_1683 = tpu.memref_slice %arg20[%scan3A_342, %gather3A_1681, %gather3A_1682] : memref<2x32x128xf32, #tpu.memory_space<vmem>> -> memref<1x32x128xf32, #tpu.memory_space<vmem>>
      %gather3A_1684 = tpu.memref_squeeze %gather3A_1683 : memref<1x32x128xf32, #tpu.memory_space<vmem>> -> memref<32x128xf32, #tpu.memory_space<vmem>>
      %gather3A_1685 = tpu.vector_load_idx %gather3A_1684[%iota3A, %broadcast_in_dim3A_1679] : memref<32x128xf32, #tpu.memory_space<vmem>>[vector<16xi32>, vector<16xi32>], vector<16xf32>,
      %add3A_1686 = arith.constant 16 : i32
      %add3A_1687 = vector.broadcast %add3A_1686 : i32 to vector<16xi32>
      %add3A_1688 = arith.addi %iota3A, %add3A_1687 : vector<16xi32>
      %gather3A_1689 = arith.constant 0 : i32
      %gather3A_1690 = arith.constant 0 : i32
      %gather3A_1691 = tpu.memref_slice %arg20[%scan3A_342, %gather3A_1689, %gather3A_1690] : memref<2x32x128xf32, #tpu.memory_space<vmem>> -> memref<1x32x128xf32, #tpu.memory_space<vmem>>
      %gather3A_1692 = tpu.memref_squeeze %gather3A_1691 : memref<1x32x128xf32, #tpu.memory_space<vmem>> -> memref<32x128xf32, #tpu.memory_space<vmem>>
      %gather3A_1693 = tpu.vector_load_idx %gather3A_1692[%add3A_1688, %broadcast_in_dim3A_1679] : memref<32x128xf32, #tpu.memory_space<vmem>>[vector<16xi32>, vector<16xi32>], vector<16xf32>,
      %gather3A_1694 = arith.constant 0 : i32
      %gather3A_1695 = arith.constant 0 : i32
      %gather3A_1696 = tpu.memref_slice %arg20[%scan3A_343, %gather3A_1694, %gather3A_1695] : memref<2x32x128xf32, #tpu.memory_space<vmem>> -> memref<1x32x128xf32, #tpu.memory_space<vmem>>
      %gather3A_1697 = tpu.memref_squeeze %gather3A_1696 : memref<1x32x128xf32, #tpu.memory_space<vmem>> -> memref<32x128xf32, #tpu.memory_space<vmem>>
      %gather3A_1698 = tpu.vector_load_idx %gather3A_1697[%iota3A, %broadcast_in_dim3A_1680] : memref<32x128xf32, #tpu.memory_space<vmem>>[vector<16xi32>, vector<16xi32>], vector<16xf32>,
      %add3A_1699 = arith.constant 16 : i32
      %add3A_1700 = vector.broadcast %add3A_1699 : i32 to vector<16xi32>
      %add3A_1701 = arith.addi %iota3A, %add3A_1700 : vector<16xi32>
      %gather3A_1702 = arith.constant 0 : i32
      %gather3A_1703 = arith.constant 0 : i32
      %gather3A_1704 = tpu.memref_slice %arg20[%scan3A_343, %gather3A_1702, %gather3A_1703] : memref<2x32x128xf32, #tpu.memory_space<vmem>> -> memref<1x32x128xf32, #tpu.memory_space<vmem>>
      %gather3A_1705 = tpu.memref_squeeze %gather3A_1704 : memref<1x32x128xf32, #tpu.memory_space<vmem>> -> memref<32x128xf32, #tpu.memory_space<vmem>>
      %gather3A_1706 = tpu.vector_load_idx %gather3A_1705[%add3A_1701, %broadcast_in_dim3A_1680] : memref<32x128xf32, #tpu.memory_space<vmem>>[vector<16xi32>, vector<16xi32>], vector<16xf32>,
      %sub3A_1707 = arith.constant 999872 : i32
      %sub3A_1708 = arith.subi %squeeze3A_1662, %sub3A_1707 : i32
      %jit3A_1709 = arith.constant 0 : i32
      %jit3A_1710 = arith.constant 127 : i32
      %max3A_1711 = arith.maxsi %jit3A_1709, %sub3A_1708 : i32
      %min3A_1712 = arith.minsi %jit3A_1710, %max3A_1711 : i32
      %broadcast_in_dim3A_1713 = vector.broadcast %min3A_1712 : i32 to vector<16xi32>
      %sub3A_1714 = arith.constant 999872 : i32
      %sub3A_1715 = arith.subi %squeeze3A_1664, %sub3A_1714 : i32
      %jit3A_1716 = arith.constant 0 : i32
      %jit3A_1717 = arith.constant 127 : i32
      %max3A_1718 = arith.maxsi %jit3A_1716, %sub3A_1715 : i32
      %min3A_1719 = arith.minsi %jit3A_1717, %max3A_1718 : i32
      %broadcast_in_dim3A_1720 = vector.broadcast %min3A_1719 : i32 to vector<16xi32>
      %ge3A_1721 = arith.constant 999936 : i32
      %ge3A_1722 = arith.cmpi sge, %squeeze3A_1662, %ge3A_1721 : i32
      %broadcast_in_dim3A_1723 = vector.broadcast %ge3A_1722 : i1 to vector<16xi1>
      %ge3A_1724 = arith.constant 999936 : i32
      %ge3A_1725 = arith.cmpi sge, %squeeze3A_1664, %ge3A_1724 : i32
      %broadcast_in_dim3A_1726 = vector.broadcast %ge3A_1725 : i1 to vector<16xi1>
      %gather3A_1727 = tpu.vector_load_idx %arg12[%iota3A, %broadcast_in_dim3A_1713] : memref<32x128xf32, #tpu.memory_space<vmem>>[vector<16xi32>, vector<16xi32>], vector<16xf32>,
      %select_n3A_1728 = arith.select %broadcast_in_dim3A_1723, %gather3A_1727, %gather3A_1685 : vector<16xi1>, vector<16xf32>
      %add3A_1729 = arith.constant 16 : i32
      %add3A_1730 = vector.broadcast %add3A_1729 : i32 to vector<16xi32>
      %add3A_1731 = arith.addi %iota3A, %add3A_1730 : vector<16xi32>
      %gather3A_1732 = tpu.vector_load_idx %arg12[%add3A_1731, %broadcast_in_dim3A_1713] : memref<32x128xf32, #tpu.memory_space<vmem>>[vector<16xi32>, vector<16xi32>], vector<16xf32>,
      %select_n3A_1733 = arith.select %broadcast_in_dim3A_1723, %gather3A_1732, %gather3A_1693 : vector<16xi1>, vector<16xf32>
      %gather3A_1734 = tpu.vector_load_idx %arg13[%iota3A, %broadcast_in_dim3A_1720] : memref<32x128xf32, #tpu.memory_space<vmem>>[vector<16xi32>, vector<16xi32>], vector<16xf32>,
      %select_n3A_1735 = arith.select %broadcast_in_dim3A_1726, %gather3A_1734, %gather3A_1698 : vector<16xi1>, vector<16xf32>
      %add3A_1736 = arith.constant 16 : i32
      %add3A_1737 = vector.broadcast %add3A_1736 : i32 to vector<16xi32>
      %add3A_1738 = arith.addi %iota3A, %add3A_1737 : vector<16xi32>
      %gather3A_1739 = tpu.vector_load_idx %arg13[%add3A_1738, %broadcast_in_dim3A_1720] : memref<32x128xf32, #tpu.memory_space<vmem>>[vector<16xi32>, vector<16xi32>], vector<16xf32>,
      %select_n3A_1740 = arith.select %broadcast_in_dim3A_1726, %gather3A_1739, %gather3A_1706 : vector<16xi1>, vector<16xf32>
      %mul3A_1741 = arith.mulf %select_n3A_1728, %select_n3A_1735 : vector<16xf32>
      %mul3A_1742 = arith.mulf %mul3A_1741, %get3A_3 : vector<16xf32>
      %mul3A_1743 = arith.mulf %select_n3A_1733, %select_n3A_1740 : vector<16xf32>
      %mul3A_1744 = arith.mulf %mul3A_1743, %get3A_5 : vector<16xf32>
      %add3A_1745 = arith.addf %mul3A_1742, %mul3A_1744 : vector<16xf32>
      %swap3A_1746 = arith.constant 16 : index
      %swap3A_1747 = tpu.vector_load %arg15[%swap3A_1746] {strides = array<i32>} : memref<256xf32, #tpu.memory_space<vmem>>, vector<16xf32>,
      tpu.vector_store %arg15[%swap3A_1746], %add3A_1745 {strides = array<i32>} : memref<256xf32, #tpu.memory_space<vmem>>, vector<16xf32>,
      %slice3A_1748 = vector.extract_strided_slice %min3A_1467 {offsets = [1], sizes = [1], strides = [1]} : vector<16xi32> to vector<1xi32>
      %squeeze3A_1749 = vector.extract %slice3A_1748[0] : i32 from vector<1xi32>
      %slice3A_1750 = vector.extract_strided_slice %min3A_1479 {offsets = [1], sizes = [1], strides = [1]} : vector<16xi32> to vector<1xi32>
      %squeeze3A_1751 = vector.extract %slice3A_1750[0] : i32 from vector<1xi32>
      %and3A_1752 = arith.constant -128 : i32
      %and3A_1753 = arith.andi %squeeze3A_1749, %and3A_1752 : i32
      %min3A_1754 = arith.constant 999808 : i32
      %min3A_1755 = arith.minsi %and3A_1753, %min3A_1754 : i32
      %and3A_1756 = arith.constant -128 : i32
      %and3A_1757 = arith.andi %squeeze3A_1751, %and3A_1756 : i32
      %min3A_1758 = arith.constant 999808 : i32
      %min3A_1759 = arith.minsi %and3A_1757, %min3A_1758 : i32
      %multiple_of3A_1760 = tpu.assume_multiple %min3A_1755, 128 : i32
      %dma_start3A_1761 = arith.constant 0 : i32
      %dma_start3A_1762 = arith.constant 0 : i32
      %dma_start3A_1763 = tpu.memref_slice %arg20[%scan3A_342, %dma_start3A_1761, %dma_start3A_1762] : memref<2x32x128xf32, #tpu.memory_space<vmem>> -> memref<1x32x128xf32, #tpu.memory_space<vmem>>
      %dma_start3A_1764 = tpu.memref_squeeze %dma_start3A_1763 : memref<1x32x128xf32, #tpu.memory_space<vmem>> -> memref<32x128xf32, #tpu.memory_space<vmem>>
      %dma_start3A_1765 = arith.constant 0 : i32
      %dma_start3A_1766 = tpu.memref_slice %arg4[%dma_start3A_1765, %multiple_of3A_1760] : memref<32x1000000xf32, #tpu.memory_space<hbm>> -> memref<32x128xf32, #tpu.memory_space<hbm>>
      %dma_start3A_1767 = arith.constant 0 : i32
      %dma_start3A_1768 = arith.constant 0 : i32
      %dma_start3A_1769 = tpu.memref_slice %arg20[%scan3A_342, %dma_start3A_1767, %dma_start3A_1768] : memref<2x32x128xf32, #tpu.memory_space<vmem>> -> memref<1x32x128xf32, #tpu.memory_space<vmem>>
      %dma_start3A_1770 = tpu.memref_squeeze %dma_start3A_1769 : memref<1x32x128xf32, #tpu.memory_space<vmem>> -> memref<32x128xf32, #tpu.memory_space<vmem>>
      %dma_start3A_1771 = arith.constant 0 : i32
      %dma_start3A_1772 = tpu.memref_slice %arg4[%dma_start3A_1771, %multiple_of3A_1760] : memref<32x1000000xf32, #tpu.memory_space<hbm>> -> memref<32x128xf32, #tpu.memory_space<hbm>>
      tpu.enqueue_dma source(%dma_start3A_1772 : memref<32x128xf32, #tpu.memory_space<hbm>>) target(%dma_start3A_1770 : memref<32x128xf32, #tpu.memory_space<vmem>>) target_semaphore(%arg17 : memref<!tpu.dma_semaphore, #tpu.memory_space<semaphore_mem>>)
      %multiple_of3A_1773 = tpu.assume_multiple %min3A_1759, 128 : i32
      %dma_start3A_1774 = arith.constant 0 : i32
      %dma_start3A_1775 = arith.constant 0 : i32
      %dma_start3A_1776 = tpu.memref_slice %arg20[%scan3A_343, %dma_start3A_1774, %dma_start3A_1775] : memref<2x32x128xf32, #tpu.memory_space<vmem>> -> memref<1x32x128xf32, #tpu.memory_space<vmem>>
      %dma_start3A_1777 = tpu.memref_squeeze %dma_start3A_1776 : memref<1x32x128xf32, #tpu.memory_space<vmem>> -> memref<32x128xf32, #tpu.memory_space<vmem>>
      %dma_start3A_1778 = arith.constant 0 : i32
      %dma_start3A_1779 = tpu.memref_slice %arg5[%dma_start3A_1778, %multiple_of3A_1773] : memref<32x1000000xf32, #tpu.memory_space<hbm>> -> memref<32x128xf32, #tpu.memory_space<hbm>>
      %dma_start3A_1780 = arith.constant 0 : i32
      %dma_start3A_1781 = arith.constant 0 : i32
      %dma_start3A_1782 = tpu.memref_slice %arg20[%scan3A_343, %dma_start3A_1780, %dma_start3A_1781] : memref<2x32x128xf32, #tpu.memory_space<vmem>> -> memref<1x32x128xf32, #tpu.memory_space<vmem>>
      %dma_start3A_1783 = tpu.memref_squeeze %dma_start3A_1782 : memref<1x32x128xf32, #tpu.memory_space<vmem>> -> memref<32x128xf32, #tpu.memory_space<vmem>>
      %dma_start3A_1784 = arith.constant 0 : i32
      %dma_start3A_1785 = tpu.memref_slice %arg5[%dma_start3A_1784, %multiple_of3A_1773] : memref<32x1000000xf32, #tpu.memory_space<hbm>> -> memref<32x128xf32, #tpu.memory_space<hbm>>
      tpu.enqueue_dma source(%dma_start3A_1785 : memref<32x128xf32, #tpu.memory_space<hbm>>) target(%dma_start3A_1783 : memref<32x128xf32, #tpu.memory_space<vmem>>) target_semaphore(%arg18 : memref<!tpu.dma_semaphore, #tpu.memory_space<semaphore_mem>>)
      %dma_wait3A_1786 = arith.constant 0 : i32
      %dma_wait3A_1787 = arith.constant 0 : i32
      %dma_wait3A_1788 = tpu.memref_slice %arg21[%scan3A_344, %dma_wait3A_1786, %dma_wait3A_1787] : memref<2x32x128xf32, #tpu.memory_space<vmem>> -> memref<1x32x128xf32, #tpu.memory_space<vmem>>
      %dma_wait3A_1789 = tpu.memref_squeeze %dma_wait3A_1788 : memref<1x32x128xf32, #tpu.memory_space<vmem>> -> memref<32x128xf32, #tpu.memory_space<vmem>>
      %dma_wait3A_1790 = arith.constant 0 : i32
      %dma_wait3A_1791 = arith.constant 0 : i32
      %dma_wait3A_1792 = tpu.memref_slice %arg4[%dma_wait3A_1790, %dma_wait3A_1791] : memref<32x1000000xf32, #tpu.memory_space<hbm>> -> memref<32x128xf32, #tpu.memory_space<hbm>>
      %dma_wait3A_1793 = arith.constant 0 : i32
      %dma_wait3A_1794 = arith.constant 0 : i32
      %dma_wait3A_1795 = tpu.memref_slice %arg21[%scan3A_344, %dma_wait3A_1793, %dma_wait3A_1794] : memref<2x32x128xf32, #tpu.memory_space<vmem>> -> memref<1x32x128xf32, #tpu.memory_space<vmem>>
      %dma_wait3A_1796 = tpu.memref_squeeze %dma_wait3A_1795 : memref<1x32x128xf32, #tpu.memory_space<vmem>> -> memref<32x128xf32, #tpu.memory_space<vmem>>
      %dma_wait3A_1797 = arith.constant 0 : i32
      %dma_wait3A_1798 = arith.constant 0 : i32
      %dma_wait3A_1799 = tpu.memref_slice %arg4[%dma_wait3A_1797, %dma_wait3A_1798] : memref<32x1000000xf32, #tpu.memory_space<hbm>> -> memref<32x128xf32, #tpu.memory_space<hbm>>
      tpu.wait_dma2 semaphore(%arg17 : memref<!tpu.dma_semaphore, #tpu.memory_space<semaphore_mem>>) src(%dma_wait3A_1799 : memref<32x128xf32, #tpu.memory_space<hbm>>) dst(%dma_wait3A_1796 : memref<32x128xf32, #tpu.memory_space<vmem>>)
      %dma_wait3A_1800 = arith.constant 0 : i32
      %dma_wait3A_1801 = arith.constant 0 : i32
      %dma_wait3A_1802 = tpu.memref_slice %arg21[%scan3A_345, %dma_wait3A_1800, %dma_wait3A_1801] : memref<2x32x128xf32, #tpu.memory_space<vmem>> -> memref<1x32x128xf32, #tpu.memory_space<vmem>>
      %dma_wait3A_1803 = tpu.memref_squeeze %dma_wait3A_1802 : memref<1x32x128xf32, #tpu.memory_space<vmem>> -> memref<32x128xf32, #tpu.memory_space<vmem>>
      %dma_wait3A_1804 = arith.constant 0 : i32
      %dma_wait3A_1805 = arith.constant 0 : i32
      %dma_wait3A_1806 = tpu.memref_slice %arg5[%dma_wait3A_1804, %dma_wait3A_1805] : memref<32x1000000xf32, #tpu.memory_space<hbm>> -> memref<32x128xf32, #tpu.memory_space<hbm>>
      %dma_wait3A_1807 = arith.constant 0 : i32
      %dma_wait3A_1808 = arith.constant 0 : i32
      %dma_wait3A_1809 = tpu.memref_slice %arg21[%scan3A_345, %dma_wait3A_1807, %dma_wait3A_1808] : memref<2x32x128xf32, #tpu.memory_space<vmem>> -> memref<1x32x128xf32, #tpu.memory_space<vmem>>
      %dma_wait3A_1810 = tpu.memref_squeeze %dma_wait3A_1809 : memref<1x32x128xf32, #tpu.memory_space<vmem>> -> memref<32x128xf32, #tpu.memory_space<vmem>>
      %dma_wait3A_1811 = arith.constant 0 : i32
      %dma_wait3A_1812 = arith.constant 0 : i32
      %dma_wait3A_1813 = tpu.memref_slice %arg5[%dma_wait3A_1811, %dma_wait3A_1812] : memref<32x1000000xf32, #tpu.memory_space<hbm>> -> memref<32x128xf32, #tpu.memory_space<hbm>>
      tpu.wait_dma2 semaphore(%arg18 : memref<!tpu.dma_semaphore, #tpu.memory_space<semaphore_mem>>) src(%dma_wait3A_1813 : memref<32x128xf32, #tpu.memory_space<hbm>>) dst(%dma_wait3A_1810 : memref<32x128xf32, #tpu.memory_space<vmem>>)
      %slice3A_1814 = vector.extract_strided_slice %min3A_1445 {offsets = [2], sizes = [1], strides = [1]} : vector<16xi32> to vector<1xi32>
      %squeeze3A_1815 = vector.extract %slice3A_1814[0] : i32 from vector<1xi32>
      %slice3A_1816 = vector.extract_strided_slice %min3A_1455 {offsets = [2], sizes = [1], strides = [1]} : vector<16xi32> to vector<1xi32>
      %squeeze3A_1817 = vector.extract %slice3A_1816[0] : i32 from vector<1xi32>
      %and3A_1818 = arith.constant -128 : i32
      %and3A_1819 = arith.andi %squeeze3A_1815, %and3A_1818 : i32
      %min3A_1820 = arith.constant 999808 : i32
      %min3A_1821 = arith.minsi %and3A_1819, %min3A_1820 : i32
      %sub3A_1822 = arith.subi %squeeze3A_1815, %min3A_1821 : i32
      %min3A_1823 = arith.constant 127 : i32
      %min3A_1824 = arith.minsi %sub3A_1822, %min3A_1823 : i32
      %and3A_1825 = arith.constant -128 : i32
      %and3A_1826 = arith.andi %squeeze3A_1817, %and3A_1825 : i32
      %min3A_1827 = arith.constant 999808 : i32
      %min3A_1828 = arith.minsi %and3A_1826, %min3A_1827 : i32
      %sub3A_1829 = arith.subi %squeeze3A_1817, %min3A_1828 : i32
      %min3A_1830 = arith.constant 127 : i32
      %min3A_1831 = arith.minsi %sub3A_1829, %min3A_1830 : i32
      %broadcast_in_dim3A_1832 = vector.broadcast %min3A_1824 : i32 to vector<16xi32>
      %broadcast_in_dim3A_1833 = vector.broadcast %min3A_1831 : i32 to vector<16xi32>
      %gather3A_1834 = arith.constant 0 : i32
      %gather3A_1835 = arith.constant 0 : i32
      %gather3A_1836 = tpu.memref_slice %arg21[%scan3A_344, %gather3A_1834, %gather3A_1835] : memref<2x32x128xf32, #tpu.memory_space<vmem>> -> memref<1x32x128xf32, #tpu.memory_space<vmem>>
      %gather3A_1837 = tpu.memref_squeeze %gather3A_1836 : memref<1x32x128xf32, #tpu.memory_space<vmem>> -> memref<32x128xf32, #tpu.memory_space<vmem>>
      %gather3A_1838 = tpu.vector_load_idx %gather3A_1837[%iota3A, %broadcast_in_dim3A_1832] : memref<32x128xf32, #tpu.memory_space<vmem>>[vector<16xi32>, vector<16xi32>], vector<16xf32>,
      %add3A_1839 = arith.constant 16 : i32
      %add3A_1840 = vector.broadcast %add3A_1839 : i32 to vector<16xi32>
      %add3A_1841 = arith.addi %iota3A, %add3A_1840 : vector<16xi32>
      %gather3A_1842 = arith.constant 0 : i32
      %gather3A_1843 = arith.constant 0 : i32
      %gather3A_1844 = tpu.memref_slice %arg21[%scan3A_344, %gather3A_1842, %gather3A_1843] : memref<2x32x128xf32, #tpu.memory_space<vmem>> -> memref<1x32x128xf32, #tpu.memory_space<vmem>>
      %gather3A_1845 = tpu.memref_squeeze %gather3A_1844 : memref<1x32x128xf32, #tpu.memory_space<vmem>> -> memref<32x128xf32, #tpu.memory_space<vmem>>
      %gather3A_1846 = tpu.vector_load_idx %gather3A_1845[%add3A_1841, %broadcast_in_dim3A_1832] : memref<32x128xf32, #tpu.memory_space<vmem>>[vector<16xi32>, vector<16xi32>], vector<16xf32>,
      %gather3A_1847 = arith.constant 0 : i32
      %gather3A_1848 = arith.constant 0 : i32
      %gather3A_1849 = tpu.memref_slice %arg21[%scan3A_345, %gather3A_1847, %gather3A_1848] : memref<2x32x128xf32, #tpu.memory_space<vmem>> -> memref<1x32x128xf32, #tpu.memory_space<vmem>>
      %gather3A_1850 = tpu.memref_squeeze %gather3A_1849 : memref<1x32x128xf32, #tpu.memory_space<vmem>> -> memref<32x128xf32, #tpu.memory_space<vmem>>
      %gather3A_1851 = tpu.vector_load_idx %gather3A_1850[%iota3A, %broadcast_in_dim3A_1833] : memref<32x128xf32, #tpu.memory_space<vmem>>[vector<16xi32>, vector<16xi32>], vector<16xf32>,
      %add3A_1852 = arith.constant 16 : i32
      %add3A_1853 = vector.broadcast %add3A_1852 : i32 to vector<16xi32>
      %add3A_1854 = arith.addi %iota3A, %add3A_1853 : vector<16xi32>
      %gather3A_1855 = arith.constant 0 : i32
      %gather3A_1856 = arith.constant 0 : i32
      %gather3A_1857 = tpu.memref_slice %arg21[%scan3A_345, %gather3A_1855, %gather3A_1856] : memref<2x32x128xf32, #tpu.memory_space<vmem>> -> memref<1x32x128xf32, #tpu.memory_space<vmem>>
      %gather3A_1858 = tpu.memref_squeeze %gather3A_1857 : memref<1x32x128xf32, #tpu.memory_space<vmem>> -> memref<32x128xf32, #tpu.memory_space<vmem>>
      %gather3A_1859 = tpu.vector_load_idx %gather3A_1858[%add3A_1854, %broadcast_in_dim3A_1833] : memref<32x128xf32, #tpu.memory_space<vmem>>[vector<16xi32>, vector<16xi32>], vector<16xf32>,
      %sub3A_1860 = arith.constant 999872 : i32
      %sub3A_1861 = arith.subi %squeeze3A_1815, %sub3A_1860 : i32
      %jit3A_1862 = arith.constant 0 : i32
      %jit3A_1863 = arith.constant 127 : i32
      %max3A_1864 = arith.maxsi %jit3A_1862, %sub3A_1861 : i32
      %min3A_1865 = arith.minsi %jit3A_1863, %max3A_1864 : i32
      %broadcast_in_dim3A_1866 = vector.broadcast %min3A_1865 : i32 to vector<16xi32>
      %sub3A_1867 = arith.constant 999872 : i32
      %sub3A_1868 = arith.subi %squeeze3A_1817, %sub3A_1867 : i32
      %jit3A_1869 = arith.constant 0 : i32
      %jit3A_1870 = arith.constant 127 : i32
      %max3A_1871 = arith.maxsi %jit3A_1869, %sub3A_1868 : i32
      %min3A_1872 = arith.minsi %jit3A_1870, %max3A_1871 : i32
      %broadcast_in_dim3A_1873 = vector.broadcast %min3A_1872 : i32 to vector<16xi32>
      %ge3A_1874 = arith.constant 999936 : i32
      %ge3A_1875 = arith.cmpi sge, %squeeze3A_1815, %ge3A_1874 : i32
      %broadcast_in_dim3A_1876 = vector.broadcast %ge3A_1875 : i1 to vector<16xi1>
      %ge3A_1877 = arith.constant 999936 : i32
      %ge3A_1878 = arith.cmpi sge, %squeeze3A_1817, %ge3A_1877 : i32
      %broadcast_in_dim3A_1879 = vector.broadcast %ge3A_1878 : i1 to vector<16xi1>
      %gather3A_1880 = tpu.vector_load_idx %arg12[%iota3A, %broadcast_in_dim3A_1866] : memref<32x128xf32, #tpu.memory_space<vmem>>[vector<16xi32>, vector<16xi32>], vector<16xf32>,
      %select_n3A_1881 = arith.select %broadcast_in_dim3A_1876, %gather3A_1880, %gather3A_1838 : vector<16xi1>, vector<16xf32>
      %add3A_1882 = arith.constant 16 : i32
      %add3A_1883 = vector.broadcast %add3A_1882 : i32 to vector<16xi32>
      %add3A_1884 = arith.addi %iota3A, %add3A_1883 : vector<16xi32>
      %gather3A_1885 = tpu.vector_load_idx %arg12[%add3A_1884, %broadcast_in_dim3A_1866] : memref<32x128xf32, #tpu.memory_space<vmem>>[vector<16xi32>, vector<16xi32>], vector<16xf32>,
      %select_n3A_1886 = arith.select %broadcast_in_dim3A_1876, %gather3A_1885, %gather3A_1846 : vector<16xi1>, vector<16xf32>
      %gather3A_1887 = tpu.vector_load_idx %arg13[%iota3A, %broadcast_in_dim3A_1873] : memref<32x128xf32, #tpu.memory_space<vmem>>[vector<16xi32>, vector<16xi32>], vector<16xf32>,
      %select_n3A_1888 = arith.select %broadcast_in_dim3A_1879, %gather3A_1887, %gather3A_1851 : vector<16xi1>, vector<16xf32>
      %add3A_1889 = arith.constant 16 : i32
      %add3A_1890 = vector.broadcast %add3A_1889 : i32 to vector<16xi32>
      %add3A_1891 = arith.addi %iota3A, %add3A_1890 : vector<16xi32>
      %gather3A_1892 = tpu.vector_load_idx %arg13[%add3A_1891, %broadcast_in_dim3A_1873] : memref<32x128xf32, #tpu.memory_space<vmem>>[vector<16xi32>, vector<16xi32>], vector<16xf32>,
      %select_n3A_1893 = arith.select %broadcast_in_dim3A_1879, %gather3A_1892, %gather3A_1859 : vector<16xi1>, vector<16xf32>
      %mul3A_1894 = arith.mulf %select_n3A_1881, %select_n3A_1888 : vector<16xf32>
      %mul3A_1895 = arith.mulf %mul3A_1894, %get3A_3 : vector<16xf32>
      %mul3A_1896 = arith.mulf %select_n3A_1886, %select_n3A_1893 : vector<16xf32>
      %mul3A_1897 = arith.mulf %mul3A_1896, %get3A_5 : vector<16xf32>
      %add3A_1898 = arith.addf %mul3A_1895, %mul3A_1897 : vector<16xf32>
      %swap3A_1899 = arith.constant 32 : index
      %swap3A_1900 = tpu.vector_load %arg15[%swap3A_1899] {strides = array<i32>} : memref<256xf32, #tpu.memory_space<vmem>>, vector<16xf32>,
      tpu.vector_store %arg15[%swap3A_1899], %add3A_1898 {strides = array<i32>} : memref<256xf32, #tpu.memory_space<vmem>>, vector<16xf32>,
      %slice3A_1901 = vector.extract_strided_slice %min3A_1467 {offsets = [2], sizes = [1], strides = [1]} : vector<16xi32> to vector<1xi32>
      %squeeze3A_1902 = vector.extract %slice3A_1901[0] : i32 from vector<1xi32>
      %slice3A_1903 = vector.extract_strided_slice %min3A_1479 {offsets = [2], sizes = [1], strides = [1]} : vector<16xi32> to vector<1xi32>
      %squeeze3A_1904 = vector.extract %slice3A_1903[0] : i32 from vector<1xi32>
      %and3A_1905 = arith.constant -128 : i32
      %and3A_1906 = arith.andi %squeeze3A_1902, %and3A_1905 : i32
      %min3A_1907 = arith.constant 999808 : i32
      %min3A_1908 = arith.minsi %and3A_1906, %min3A_1907 : i32
      %and3A_1909 = arith.constant -128 : i32
      %and3A_1910 = arith.andi %squeeze3A_1904, %and3A_1909 : i32
      %min3A_1911 = arith.constant 999808 : i32
      %min3A_1912 = arith.minsi %and3A_1910, %min3A_1911 : i32
      %multiple_of3A_1913 = tpu.assume_multiple %min3A_1908, 128 : i32
      %dma_start3A_1914 = arith.constant 0 : i32
      %dma_start3A_1915 = arith.constant 0 : i32
      %dma_start3A_1916 = tpu.memref_slice %arg21[%scan3A_344, %dma_start3A_1914, %dma_start3A_1915] : memref<2x32x128xf32, #tpu.memory_space<vmem>> -> memref<1x32x128xf32, #tpu.memory_space<vmem>>
      %dma_start3A_1917 = tpu.memref_squeeze %dma_start3A_1916 : memref<1x32x128xf32, #tpu.memory_space<vmem>> -> memref<32x128xf32, #tpu.memory_space<vmem>>
      %dma_start3A_1918 = arith.constant 0 : i32
      %dma_start3A_1919 = tpu.memref_slice %arg4[%dma_start3A_1918, %multiple_of3A_1913] : memref<32x1000000xf32, #tpu.memory_space<hbm>> -> memref<32x128xf32, #tpu.memory_space<hbm>>
      %dma_start3A_1920 = arith.constant 0 : i32
      %dma_start3A_1921 = arith.constant 0 : i32
      %dma_start3A_1922 = tpu.memref_slice %arg21[%scan3A_344, %dma_start3A_1920, %dma_start3A_1921] : memref<2x32x128xf32, #tpu.memory_space<vmem>> -> memref<1x32x128xf32, #tpu.memory_space<vmem>>
      %dma_start3A_1923 = tpu.memref_squeeze %dma_start3A_1922 : memref<1x32x128xf32, #tpu.memory_space<vmem>> -> memref<32x128xf32, #tpu.memory_space<vmem>>
      %dma_start3A_1924 = arith.constant 0 : i32
      %dma_start3A_1925 = tpu.memref_slice %arg4[%dma_start3A_1924, %multiple_of3A_1913] : memref<32x1000000xf32, #tpu.memory_space<hbm>> -> memref<32x128xf32, #tpu.memory_space<hbm>>
      tpu.enqueue_dma source(%dma_start3A_1925 : memref<32x128xf32, #tpu.memory_space<hbm>>) target(%dma_start3A_1923 : memref<32x128xf32, #tpu.memory_space<vmem>>) target_semaphore(%arg17 : memref<!tpu.dma_semaphore, #tpu.memory_space<semaphore_mem>>)
      %multiple_of3A_1926 = tpu.assume_multiple %min3A_1912, 128 : i32
      %dma_start3A_1927 = arith.constant 0 : i32
      %dma_start3A_1928 = arith.constant 0 : i32
      %dma_start3A_1929 = tpu.memref_slice %arg21[%scan3A_345, %dma_start3A_1927, %dma_start3A_1928] : memref<2x32x128xf32, #tpu.memory_space<vmem>> -> memref<1x32x128xf32, #tpu.memory_space<vmem>>
      %dma_start3A_1930 = tpu.memref_squeeze %dma_start3A_1929 : memref<1x32x128xf32, #tpu.memory_space<vmem>> -> memref<32x128xf32, #tpu.memory_space<vmem>>
      %dma_start3A_1931 = arith.constant 0 : i32
      %dma_start3A_1932 = tpu.memref_slice %arg5[%dma_start3A_1931, %multiple_of3A_1926] : memref<32x1000000xf32, #tpu.memory_space<hbm>> -> memref<32x128xf32, #tpu.memory_space<hbm>>
      %dma_start3A_1933 = arith.constant 0 : i32
      %dma_start3A_1934 = arith.constant 0 : i32
      %dma_start3A_1935 = tpu.memref_slice %arg21[%scan3A_345, %dma_start3A_1933, %dma_start3A_1934] : memref<2x32x128xf32, #tpu.memory_space<vmem>> -> memref<1x32x128xf32, #tpu.memory_space<vmem>>
      %dma_start3A_1936 = tpu.memref_squeeze %dma_start3A_1935 : memref<1x32x128xf32, #tpu.memory_space<vmem>> -> memref<32x128xf32, #tpu.memory_space<vmem>>
      %dma_start3A_1937 = arith.constant 0 : i32
      %dma_start3A_1938 = tpu.memref_slice %arg5[%dma_start3A_1937, %multiple_of3A_1926] : memref<32x1000000xf32, #tpu.memory_space<hbm>> -> memref<32x128xf32, #tpu.memory_space<hbm>>
      tpu.enqueue_dma source(%dma_start3A_1938 : memref<32x128xf32, #tpu.memory_space<hbm>>) target(%dma_start3A_1936 : memref<32x128xf32, #tpu.memory_space<vmem>>) target_semaphore(%arg18 : memref<!tpu.dma_semaphore, #tpu.memory_space<semaphore_mem>>)
      %dma_wait3A_1939 = arith.constant 0 : i32
      %dma_wait3A_1940 = arith.constant 0 : i32
      %dma_wait3A_1941 = tpu.memref_slice %arg22[%scan3A_346, %dma_wait3A_1939, %dma_wait3A_1940] : memref<2x32x128xf32, #tpu.memory_space<vmem>> -> memref<1x32x128xf32, #tpu.memory_space<vmem>>
      %dma_wait3A_1942 = tpu.memref_squeeze %dma_wait3A_1941 : memref<1x32x128xf32, #tpu.memory_space<vmem>> -> memref<32x128xf32, #tpu.memory_space<vmem>>
      %dma_wait3A_1943 = arith.constant 0 : i32
      %dma_wait3A_1944 = arith.constant 0 : i32
      %dma_wait3A_1945 = tpu.memref_slice %arg4[%dma_wait3A_1943, %dma_wait3A_1944] : memref<32x1000000xf32, #tpu.memory_space<hbm>> -> memref<32x128xf32, #tpu.memory_space<hbm>>
      %dma_wait3A_1946 = arith.constant 0 : i32
      %dma_wait3A_1947 = arith.constant 0 : i32
      %dma_wait3A_1948 = tpu.memref_slice %arg22[%scan3A_346, %dma_wait3A_1946, %dma_wait3A_1947] : memref<2x32x128xf32, #tpu.memory_space<vmem>> -> memref<1x32x128xf32, #tpu.memory_space<vmem>>
      %dma_wait3A_1949 = tpu.memref_squeeze %dma_wait3A_1948 : memref<1x32x128xf32, #tpu.memory_space<vmem>> -> memref<32x128xf32, #tpu.memory_space<vmem>>
      %dma_wait3A_1950 = arith.constant 0 : i32
      %dma_wait3A_1951 = arith.constant 0 : i32
      %dma_wait3A_1952 = tpu.memref_slice %arg4[%dma_wait3A_1950, %dma_wait3A_1951] : memref<32x1000000xf32, #tpu.memory_space<hbm>> -> memref<32x128xf32, #tpu.memory_space<hbm>>
      tpu.wait_dma2 semaphore(%arg17 : memref<!tpu.dma_semaphore, #tpu.memory_space<semaphore_mem>>) src(%dma_wait3A_1952 : memref<32x128xf32, #tpu.memory_space<hbm>>) dst(%dma_wait3A_1949 : memref<32x128xf32, #tpu.memory_space<vmem>>)
      %dma_wait3A_1953 = arith.constant 0 : i32
      %dma_wait3A_1954 = arith.constant 0 : i32
      %dma_wait3A_1955 = tpu.memref_slice %arg22[%scan3A_347, %dma_wait3A_1953, %dma_wait3A_1954] : memref<2x32x128xf32, #tpu.memory_space<vmem>> -> memref<1x32x128xf32, #tpu.memory_space<vmem>>
      %dma_wait3A_1956 = tpu.memref_squeeze %dma_wait3A_1955 : memref<1x32x128xf32, #tpu.memory_space<vmem>> -> memref<32x128xf32, #tpu.memory_space<vmem>>
      %dma_wait3A_1957 = arith.constant 0 : i32
      %dma_wait3A_1958 = arith.constant 0 : i32
      %dma_wait3A_1959 = tpu.memref_slice %arg5[%dma_wait3A_1957, %dma_wait3A_1958] : memref<32x1000000xf32, #tpu.memory_space<hbm>> -> memref<32x128xf32, #tpu.memory_space<hbm>>
      %dma_wait3A_1960 = arith.constant 0 : i32
      %dma_wait3A_1961 = arith.constant 0 : i32
      %dma_wait3A_1962 = tpu.memref_slice %arg22[%scan3A_347, %dma_wait3A_1960, %dma_wait3A_1961] : memref<2x32x128xf32, #tpu.memory_space<vmem>> -> memref<1x32x128xf32, #tpu.memory_space<vmem>>
      %dma_wait3A_1963 = tpu.memref_squeeze %dma_wait3A_1962 : memref<1x32x128xf32, #tpu.memory_space<vmem>> -> memref<32x128xf32, #tpu.memory_space<vmem>>
      %dma_wait3A_1964 = arith.constant 0 : i32
      %dma_wait3A_1965 = arith.constant 0 : i32
      %dma_wait3A_1966 = tpu.memref_slice %arg5[%dma_wait3A_1964, %dma_wait3A_1965] : memref<32x1000000xf32, #tpu.memory_space<hbm>> -> memref<32x128xf32, #tpu.memory_space<hbm>>
      tpu.wait_dma2 semaphore(%arg18 : memref<!tpu.dma_semaphore, #tpu.memory_space<semaphore_mem>>) src(%dma_wait3A_1966 : memref<32x128xf32, #tpu.memory_space<hbm>>) dst(%dma_wait3A_1963 : memref<32x128xf32, #tpu.memory_space<vmem>>)
      %slice3A_1967 = vector.extract_strided_slice %min3A_1445 {offsets = [3], sizes = [1], strides = [1]} : vector<16xi32> to vector<1xi32>
      %squeeze3A_1968 = vector.extract %slice3A_1967[0] : i32 from vector<1xi32>
      %slice3A_1969 = vector.extract_strided_slice %min3A_1455 {offsets = [3], sizes = [1], strides = [1]} : vector<16xi32> to vector<1xi32>
      %squeeze3A_1970 = vector.extract %slice3A_1969[0] : i32 from vector<1xi32>
      %and3A_1971 = arith.constant -128 : i32
      %and3A_1972 = arith.andi %squeeze3A_1968, %and3A_1971 : i32
      %min3A_1973 = arith.constant 999808 : i32
      %min3A_1974 = arith.minsi %and3A_1972, %min3A_1973 : i32
      %sub3A_1975 = arith.subi %squeeze3A_1968, %min3A_1974 : i32
      %min3A_1976 = arith.constant 127 : i32
      %min3A_1977 = arith.minsi %sub3A_1975, %min3A_1976 : i32
      %and3A_1978 = arith.constant -128 : i32
      %and3A_1979 = arith.andi %squeeze3A_1970, %and3A_1978 : i32
      %min3A_1980 = arith.constant 999808 : i32
      %min3A_1981 = arith.minsi %and3A_1979, %min3A_1980 : i32
      %sub3A_1982 = arith.subi %squeeze3A_1970, %min3A_1981 : i32
      %min3A_1983 = arith.constant 127 : i32
      %min3A_1984 = arith.minsi %sub3A_1982, %min3A_1983 : i32
      %broadcast_in_dim3A_1985 = vector.broadcast %min3A_1977 : i32 to vector<16xi32>
      %broadcast_in_dim3A_1986 = vector.broadcast %min3A_1984 : i32 to vector<16xi32>
      %gather3A_1987 = arith.constant 0 : i32
      %gather3A_1988 = arith.constant 0 : i32
      %gather3A_1989 = tpu.memref_slice %arg22[%scan3A_346, %gather3A_1987, %gather3A_1988] : memref<2x32x128xf32, #tpu.memory_space<vmem>> -> memref<1x32x128xf32, #tpu.memory_space<vmem>>
      %gather3A_1990 = tpu.memref_squeeze %gather3A_1989 : memref<1x32x128xf32, #tpu.memory_space<vmem>> -> memref<32x128xf32, #tpu.memory_space<vmem>>
      %gather3A_1991 = tpu.vector_load_idx %gather3A_1990[%iota3A, %broadcast_in_dim3A_1985] : memref<32x128xf32, #tpu.memory_space<vmem>>[vector<16xi32>, vector<16xi32>], vector<16xf32>,
      %add3A_1992 = arith.constant 16 : i32
      %add3A_1993 = vector.broadcast %add3A_1992 : i32 to vector<16xi32>
      %add3A_1994 = arith.addi %iota3A, %add3A_1993 : vector<16xi32>
      %gather3A_1995 = arith.constant 0 : i32
      %gather3A_1996 = arith.constant 0 : i32
      %gather3A_1997 = tpu.memref_slice %arg22[%scan3A_346, %gather3A_1995, %gather3A_1996] : memref<2x32x128xf32, #tpu.memory_space<vmem>> -> memref<1x32x128xf32, #tpu.memory_space<vmem>>
      %gather3A_1998 = tpu.memref_squeeze %gather3A_1997 : memref<1x32x128xf32, #tpu.memory_space<vmem>> -> memref<32x128xf32, #tpu.memory_space<vmem>>
      %gather3A_1999 = tpu.vector_load_idx %gather3A_1998[%add3A_1994, %broadcast_in_dim3A_1985] : memref<32x128xf32, #tpu.memory_space<vmem>>[vector<16xi32>, vector<16xi32>], vector<16xf32>,
      %gather3A_2000 = arith.constant 0 : i32
      %gather3A_2001 = arith.constant 0 : i32
      %gather3A_2002 = tpu.memref_slice %arg22[%scan3A_347, %gather3A_2000, %gather3A_2001] : memref<2x32x128xf32, #tpu.memory_space<vmem>> -> memref<1x32x128xf32, #tpu.memory_space<vmem>>
      %gather3A_2003 = tpu.memref_squeeze %gather3A_2002 : memref<1x32x128xf32, #tpu.memory_space<vmem>> -> memref<32x128xf32, #tpu.memory_space<vmem>>
      %gather3A_2004 = tpu.vector_load_idx %gather3A_2003[%iota3A, %broadcast_in_dim3A_1986] : memref<32x128xf32, #tpu.memory_space<vmem>>[vector<16xi32>, vector<16xi32>], vector<16xf32>,
      %add3A_2005 = arith.constant 16 : i32
      %add3A_2006 = vector.broadcast %add3A_2005 : i32 to vector<16xi32>
      %add3A_2007 = arith.addi %iota3A, %add3A_2006 : vector<16xi32>
      %gather3A_2008 = arith.constant 0 : i32
      %gather3A_2009 = arith.constant 0 : i32
      %gather3A_2010 = tpu.memref_slice %arg22[%scan3A_347, %gather3A_2008, %gather3A_2009] : memref<2x32x128xf32, #tpu.memory_space<vmem>> -> memref<1x32x128xf32, #tpu.memory_space<vmem>>
      %gather3A_2011 = tpu.memref_squeeze %gather3A_2010 : memref<1x32x128xf32, #tpu.memory_space<vmem>> -> memref<32x128xf32, #tpu.memory_space<vmem>>
      %gather3A_2012 = tpu.vector_load_idx %gather3A_2011[%add3A_2007, %broadcast_in_dim3A_1986] : memref<32x128xf32, #tpu.memory_space<vmem>>[vector<16xi32>, vector<16xi32>], vector<16xf32>,
      %sub3A_2013 = arith.constant 999872 : i32
      %sub3A_2014 = arith.subi %squeeze3A_1968, %sub3A_2013 : i32
      %jit3A_2015 = arith.constant 0 : i32
      %jit3A_2016 = arith.constant 127 : i32
      %max3A_2017 = arith.maxsi %jit3A_2015, %sub3A_2014 : i32
      %min3A_2018 = arith.minsi %jit3A_2016, %max3A_2017 : i32
      %broadcast_in_dim3A_2019 = vector.broadcast %min3A_2018 : i32 to vector<16xi32>
      %sub3A_2020 = arith.constant 999872 : i32
      %sub3A_2021 = arith.subi %squeeze3A_1970, %sub3A_2020 : i32
      %jit3A_2022 = arith.constant 0 : i32
      %jit3A_2023 = arith.constant 127 : i32
      %max3A_2024 = arith.maxsi %jit3A_2022, %sub3A_2021 : i32
      %min3A_2025 = arith.minsi %jit3A_2023, %max3A_2024 : i32
      %broadcast_in_dim3A_2026 = vector.broadcast %min3A_2025 : i32 to vector<16xi32>
      %ge3A_2027 = arith.constant 999936 : i32
      %ge3A_2028 = arith.cmpi sge, %squeeze3A_1968, %ge3A_2027 : i32
      %broadcast_in_dim3A_2029 = vector.broadcast %ge3A_2028 : i1 to vector<16xi1>
      %ge3A_2030 = arith.constant 999936 : i32
      %ge3A_2031 = arith.cmpi sge, %squeeze3A_1970, %ge3A_2030 : i32
      %broadcast_in_dim3A_2032 = vector.broadcast %ge3A_2031 : i1 to vector<16xi1>
      %gather3A_2033 = tpu.vector_load_idx %arg12[%iota3A, %broadcast_in_dim3A_2019] : memref<32x128xf32, #tpu.memory_space<vmem>>[vector<16xi32>, vector<16xi32>], vector<16xf32>,
      %select_n3A_2034 = arith.select %broadcast_in_dim3A_2029, %gather3A_2033, %gather3A_1991 : vector<16xi1>, vector<16xf32>
      %add3A_2035 = arith.constant 16 : i32
      %add3A_2036 = vector.broadcast %add3A_2035 : i32 to vector<16xi32>
      %add3A_2037 = arith.addi %iota3A, %add3A_2036 : vector<16xi32>
      %gather3A_2038 = tpu.vector_load_idx %arg12[%add3A_2037, %broadcast_in_dim3A_2019] : memref<32x128xf32, #tpu.memory_space<vmem>>[vector<16xi32>, vector<16xi32>], vector<16xf32>,
      %select_n3A_2039 = arith.select %broadcast_in_dim3A_2029, %gather3A_2038, %gather3A_1999 : vector<16xi1>, vector<16xf32>
      %gather3A_2040 = tpu.vector_load_idx %arg13[%iota3A, %broadcast_in_dim3A_2026] : memref<32x128xf32, #tpu.memory_space<vmem>>[vector<16xi32>, vector<16xi32>], vector<16xf32>,
      %select_n3A_2041 = arith.select %broadcast_in_dim3A_2032, %gather3A_2040, %gather3A_2004 : vector<16xi1>, vector<16xf32>
      %add3A_2042 = arith.constant 16 : i32
      %add3A_2043 = vector.broadcast %add3A_2042 : i32 to vector<16xi32>
      %add3A_2044 = arith.addi %iota3A, %add3A_2043 : vector<16xi32>
      %gather3A_2045 = tpu.vector_load_idx %arg13[%add3A_2044, %broadcast_in_dim3A_2026] : memref<32x128xf32, #tpu.memory_space<vmem>>[vector<16xi32>, vector<16xi32>], vector<16xf32>,
      %select_n3A_2046 = arith.select %broadcast_in_dim3A_2032, %gather3A_2045, %gather3A_2012 : vector<16xi1>, vector<16xf32>
      %mul3A_2047 = arith.mulf %select_n3A_2034, %select_n3A_2041 : vector<16xf32>
      %mul3A_2048 = arith.mulf %mul3A_2047, %get3A_3 : vector<16xf32>
      %mul3A_2049 = arith.mulf %select_n3A_2039, %select_n3A_2046 : vector<16xf32>
      %mul3A_2050 = arith.mulf %mul3A_2049, %get3A_5 : vector<16xf32>
      %add3A_2051 = arith.addf %mul3A_2048, %mul3A_2050 : vector<16xf32>
      %swap3A_2052 = arith.constant 48 : index
      %swap3A_2053 = tpu.vector_load %arg15[%swap3A_2052] {strides = array<i32>} : memref<256xf32, #tpu.memory_space<vmem>>, vector<16xf32>,
      tpu.vector_store %arg15[%swap3A_2052], %add3A_2051 {strides = array<i32>} : memref<256xf32, #tpu.memory_space<vmem>>, vector<16xf32>,
      %slice3A_2054 = vector.extract_strided_slice %min3A_1467 {offsets = [3], sizes = [1], strides = [1]} : vector<16xi32> to vector<1xi32>
      %squeeze3A_2055 = vector.extract %slice3A_2054[0] : i32 from vector<1xi32>
      %slice3A_2056 = vector.extract_strided_slice %min3A_1479 {offsets = [3], sizes = [1], strides = [1]} : vector<16xi32> to vector<1xi32>
      %squeeze3A_2057 = vector.extract %slice3A_2056[0] : i32 from vector<1xi32>
      %and3A_2058 = arith.constant -128 : i32
      %and3A_2059 = arith.andi %squeeze3A_2055, %and3A_2058 : i32
      %min3A_2060 = arith.constant 999808 : i32
      %min3A_2061 = arith.minsi %and3A_2059, %min3A_2060 : i32
      %and3A_2062 = arith.constant -128 : i32
      %and3A_2063 = arith.andi %squeeze3A_2057, %and3A_2062 : i32
      %min3A_2064 = arith.constant 999808 : i32
      %min3A_2065 = arith.minsi %and3A_2063, %min3A_2064 : i32
      %multiple_of3A_2066 = tpu.assume_multiple %min3A_2061, 128 : i32
      %dma_start3A_2067 = arith.constant 0 : i32
      %dma_start3A_2068 = arith.constant 0 : i32
      %dma_start3A_2069 = tpu.memref_slice %arg22[%scan3A_346, %dma_start3A_2067, %dma_start3A_2068] : memref<2x32x128xf32, #tpu.memory_space<vmem>> -> memref<1x32x128xf32, #tpu.memory_space<vmem>>
      %dma_start3A_2070 = tpu.memref_squeeze %dma_start3A_2069 : memref<1x32x128xf32, #tpu.memory_space<vmem>> -> memref<32x128xf32, #tpu.memory_space<vmem>>
      %dma_start3A_2071 = arith.constant 0 : i32
      %dma_start3A_2072 = tpu.memref_slice %arg4[%dma_start3A_2071, %multiple_of3A_2066] : memref<32x1000000xf32, #tpu.memory_space<hbm>> -> memref<32x128xf32, #tpu.memory_space<hbm>>
      %dma_start3A_2073 = arith.constant 0 : i32
      %dma_start3A_2074 = arith.constant 0 : i32
      %dma_start3A_2075 = tpu.memref_slice %arg22[%scan3A_346, %dma_start3A_2073, %dma_start3A_2074] : memref<2x32x128xf32, #tpu.memory_space<vmem>> -> memref<1x32x128xf32, #tpu.memory_space<vmem>>
      %dma_start3A_2076 = tpu.memref_squeeze %dma_start3A_2075 : memref<1x32x128xf32, #tpu.memory_space<vmem>> -> memref<32x128xf32, #tpu.memory_space<vmem>>
      %dma_start3A_2077 = arith.constant 0 : i32
      %dma_start3A_2078 = tpu.memref_slice %arg4[%dma_start3A_2077, %multiple_of3A_2066] : memref<32x1000000xf32, #tpu.memory_space<hbm>> -> memref<32x128xf32, #tpu.memory_space<hbm>>
      tpu.enqueue_dma source(%dma_start3A_2078 : memref<32x128xf32, #tpu.memory_space<hbm>>) target(%dma_start3A_2076 : memref<32x128xf32, #tpu.memory_space<vmem>>) target_semaphore(%arg17 : memref<!tpu.dma_semaphore, #tpu.memory_space<semaphore_mem>>)
      %multiple_of3A_2079 = tpu.assume_multiple %min3A_2065, 128 : i32
      %dma_start3A_2080 = arith.constant 0 : i32
      %dma_start3A_2081 = arith.constant 0 : i32
      %dma_start3A_2082 = tpu.memref_slice %arg22[%scan3A_347, %dma_start3A_2080, %dma_start3A_2081] : memref<2x32x128xf32, #tpu.memory_space<vmem>> -> memref<1x32x128xf32, #tpu.memory_space<vmem>>
      %dma_start3A_2083 = tpu.memref_squeeze %dma_start3A_2082 : memref<1x32x128xf32, #tpu.memory_space<vmem>> -> memref<32x128xf32, #tpu.memory_space<vmem>>
      %dma_start3A_2084 = arith.constant 0 : i32
      %dma_start3A_2085 = tpu.memref_slice %arg5[%dma_start3A_2084, %multiple_of3A_2079] : memref<32x1000000xf32, #tpu.memory_space<hbm>> -> memref<32x128xf32, #tpu.memory_space<hbm>>
      %dma_start3A_2086 = arith.constant 0 : i32
      %dma_start3A_2087 = arith.constant 0 : i32
      %dma_start3A_2088 = tpu.memref_slice %arg22[%scan3A_347, %dma_start3A_2086, %dma_start3A_2087] : memref<2x32x128xf32, #tpu.memory_space<vmem>> -> memref<1x32x128xf32, #tpu.memory_space<vmem>>
      %dma_start3A_2089 = tpu.memref_squeeze %dma_start3A_2088 : memref<1x32x128xf32, #tpu.memory_space<vmem>> -> memref<32x128xf32, #tpu.memory_space<vmem>>
      %dma_start3A_2090 = arith.constant 0 : i32
      %dma_start3A_2091 = tpu.memref_slice %arg5[%dma_start3A_2090, %multiple_of3A_2079] : memref<32x1000000xf32, #tpu.memory_space<hbm>> -> memref<32x128xf32, #tpu.memory_space<hbm>>
      tpu.enqueue_dma source(%dma_start3A_2091 : memref<32x128xf32, #tpu.memory_space<hbm>>) target(%dma_start3A_2089 : memref<32x128xf32, #tpu.memory_space<vmem>>) target_semaphore(%arg18 : memref<!tpu.dma_semaphore, #tpu.memory_space<semaphore_mem>>)
      %dma_wait3A_2092 = arith.constant 0 : i32
      %dma_wait3A_2093 = arith.constant 0 : i32
      %dma_wait3A_2094 = tpu.memref_slice %arg23[%scan3A_348, %dma_wait3A_2092, %dma_wait3A_2093] : memref<2x32x128xf32, #tpu.memory_space<vmem>> -> memref<1x32x128xf32, #tpu.memory_space<vmem>>
      %dma_wait3A_2095 = tpu.memref_squeeze %dma_wait3A_2094 : memref<1x32x128xf32, #tpu.memory_space<vmem>> -> memref<32x128xf32, #tpu.memory_space<vmem>>
      %dma_wait3A_2096 = arith.constant 0 : i32
      %dma_wait3A_2097 = arith.constant 0 : i32
      %dma_wait3A_2098 = tpu.memref_slice %arg4[%dma_wait3A_2096, %dma_wait3A_2097] : memref<32x1000000xf32, #tpu.memory_space<hbm>> -> memref<32x128xf32, #tpu.memory_space<hbm>>
      %dma_wait3A_2099 = arith.constant 0 : i32
      %dma_wait3A_2100 = arith.constant 0 : i32
      %dma_wait3A_2101 = tpu.memref_slice %arg23[%scan3A_348, %dma_wait3A_2099, %dma_wait3A_2100] : memref<2x32x128xf32, #tpu.memory_space<vmem>> -> memref<1x32x128xf32, #tpu.memory_space<vmem>>
      %dma_wait3A_2102 = tpu.memref_squeeze %dma_wait3A_2101 : memref<1x32x128xf32, #tpu.memory_space<vmem>> -> memref<32x128xf32, #tpu.memory_space<vmem>>
      %dma_wait3A_2103 = arith.constant 0 : i32
      %dma_wait3A_2104 = arith.constant 0 : i32
      %dma_wait3A_2105 = tpu.memref_slice %arg4[%dma_wait3A_2103, %dma_wait3A_2104] : memref<32x1000000xf32, #tpu.memory_space<hbm>> -> memref<32x128xf32, #tpu.memory_space<hbm>>
      tpu.wait_dma2 semaphore(%arg17 : memref<!tpu.dma_semaphore, #tpu.memory_space<semaphore_mem>>) src(%dma_wait3A_2105 : memref<32x128xf32, #tpu.memory_space<hbm>>) dst(%dma_wait3A_2102 : memref<32x128xf32, #tpu.memory_space<vmem>>)
      %dma_wait3A_2106 = arith.constant 0 : i32
      %dma_wait3A_2107 = arith.constant 0 : i32
      %dma_wait3A_2108 = tpu.memref_slice %arg23[%scan3A_349, %dma_wait3A_2106, %dma_wait3A_2107] : memref<2x32x128xf32, #tpu.memory_space<vmem>> -> memref<1x32x128xf32, #tpu.memory_space<vmem>>
      %dma_wait3A_2109 = tpu.memref_squeeze %dma_wait3A_2108 : memref<1x32x128xf32, #tpu.memory_space<vmem>> -> memref<32x128xf32, #tpu.memory_space<vmem>>
      %dma_wait3A_2110 = arith.constant 0 : i32
      %dma_wait3A_2111 = arith.constant 0 : i32
      %dma_wait3A_2112 = tpu.memref_slice %arg5[%dma_wait3A_2110, %dma_wait3A_2111] : memref<32x1000000xf32, #tpu.memory_space<hbm>> -> memref<32x128xf32, #tpu.memory_space<hbm>>
      %dma_wait3A_2113 = arith.constant 0 : i32
      %dma_wait3A_2114 = arith.constant 0 : i32
      %dma_wait3A_2115 = tpu.memref_slice %arg23[%scan3A_349, %dma_wait3A_2113, %dma_wait3A_2114] : memref<2x32x128xf32, #tpu.memory_space<vmem>> -> memref<1x32x128xf32, #tpu.memory_space<vmem>>
      %dma_wait3A_2116 = tpu.memref_squeeze %dma_wait3A_2115 : memref<1x32x128xf32, #tpu.memory_space<vmem>> -> memref<32x128xf32, #tpu.memory_space<vmem>>
      %dma_wait3A_2117 = arith.constant 0 : i32
      %dma_wait3A_2118 = arith.constant 0 : i32
      %dma_wait3A_2119 = tpu.memref_slice %arg5[%dma_wait3A_2117, %dma_wait3A_2118] : memref<32x1000000xf32, #tpu.memory_space<hbm>> -> memref<32x128xf32, #tpu.memory_space<hbm>>
      tpu.wait_dma2 semaphore(%arg18 : memref<!tpu.dma_semaphore, #tpu.memory_space<semaphore_mem>>) src(%dma_wait3A_2119 : memref<32x128xf32, #tpu.memory_space<hbm>>) dst(%dma_wait3A_2116 : memref<32x128xf32, #tpu.memory_space<vmem>>)
      %slice3A_2120 = vector.extract_strided_slice %min3A_1445 {offsets = [4], sizes = [1], strides = [1]} : vector<16xi32> to vector<1xi32>
      %squeeze3A_2121 = vector.extract %slice3A_2120[0] : i32 from vector<1xi32>
      %slice3A_2122 = vector.extract_strided_slice %min3A_1455 {offsets = [4], sizes = [1], strides = [1]} : vector<16xi32> to vector<1xi32>
      %squeeze3A_2123 = vector.extract %slice3A_2122[0] : i32 from vector<1xi32>
      %and3A_2124 = arith.constant -128 : i32
      %and3A_2125 = arith.andi %squeeze3A_2121, %and3A_2124 : i32
      %min3A_2126 = arith.constant 999808 : i32
      %min3A_2127 = arith.minsi %and3A_2125, %min3A_2126 : i32
      %sub3A_2128 = arith.subi %squeeze3A_2121, %min3A_2127 : i32
      %min3A_2129 = arith.constant 127 : i32
      %min3A_2130 = arith.minsi %sub3A_2128, %min3A_2129 : i32
      %and3A_2131 = arith.constant -128 : i32
      %and3A_2132 = arith.andi %squeeze3A_2123, %and3A_2131 : i32
      %min3A_2133 = arith.constant 999808 : i32
      %min3A_2134 = arith.minsi %and3A_2132, %min3A_2133 : i32
      %sub3A_2135 = arith.subi %squeeze3A_2123, %min3A_2134 : i32
      %min3A_2136 = arith.constant 127 : i32
      %min3A_2137 = arith.minsi %sub3A_2135, %min3A_2136 : i32
      %broadcast_in_dim3A_2138 = vector.broadcast %min3A_2130 : i32 to vector<16xi32>
      %broadcast_in_dim3A_2139 = vector.broadcast %min3A_2137 : i32 to vector<16xi32>
      %gather3A_2140 = arith.constant 0 : i32
      %gather3A_2141 = arith.constant 0 : i32
      %gather3A_2142 = tpu.memref_slice %arg23[%scan3A_348, %gather3A_2140, %gather3A_2141] : memref<2x32x128xf32, #tpu.memory_space<vmem>> -> memref<1x32x128xf32, #tpu.memory_space<vmem>>
      %gather3A_2143 = tpu.memref_squeeze %gather3A_2142 : memref<1x32x128xf32, #tpu.memory_space<vmem>> -> memref<32x128xf32, #tpu.memory_space<vmem>>
      %gather3A_2144 = tpu.vector_load_idx %gather3A_2143[%iota3A, %broadcast_in_dim3A_2138] : memref<32x128xf32, #tpu.memory_space<vmem>>[vector<16xi32>, vector<16xi32>], vector<16xf32>,
      %add3A_2145 = arith.constant 16 : i32
      %add3A_2146 = vector.broadcast %add3A_2145 : i32 to vector<16xi32>
      %add3A_2147 = arith.addi %iota3A, %add3A_2146 : vector<16xi32>
      %gather3A_2148 = arith.constant 0 : i32
      %gather3A_2149 = arith.constant 0 : i32
      %gather3A_2150 = tpu.memref_slice %arg23[%scan3A_348, %gather3A_2148, %gather3A_2149] : memref<2x32x128xf32, #tpu.memory_space<vmem>> -> memref<1x32x128xf32, #tpu.memory_space<vmem>>
      %gather3A_2151 = tpu.memref_squeeze %gather3A_2150 : memref<1x32x128xf32, #tpu.memory_space<vmem>> -> memref<32x128xf32, #tpu.memory_space<vmem>>
      %gather3A_2152 = tpu.vector_load_idx %gather3A_2151[%add3A_2147, %broadcast_in_dim3A_2138] : memref<32x128xf32, #tpu.memory_space<vmem>>[vector<16xi32>, vector<16xi32>], vector<16xf32>,
      %gather3A_2153 = arith.constant 0 : i32
      %gather3A_2154 = arith.constant 0 : i32
      %gather3A_2155 = tpu.memref_slice %arg23[%scan3A_349, %gather3A_2153, %gather3A_2154] : memref<2x32x128xf32, #tpu.memory_space<vmem>> -> memref<1x32x128xf32, #tpu.memory_space<vmem>>
      %gather3A_2156 = tpu.memref_squeeze %gather3A_2155 : memref<1x32x128xf32, #tpu.memory_space<vmem>> -> memref<32x128xf32, #tpu.memory_space<vmem>>
      %gather3A_2157 = tpu.vector_load_idx %gather3A_2156[%iota3A, %broadcast_in_dim3A_2139] : memref<32x128xf32, #tpu.memory_space<vmem>>[vector<16xi32>, vector<16xi32>], vector<16xf32>,
      %add3A_2158 = arith.constant 16 : i32
      %add3A_2159 = vector.broadcast %add3A_2158 : i32 to vector<16xi32>
      %add3A_2160 = arith.addi %iota3A, %add3A_2159 : vector<16xi32>
      %gather3A_2161 = arith.constant 0 : i32
      %gather3A_2162 = arith.constant 0 : i32
      %gather3A_2163 = tpu.memref_slice %arg23[%scan3A_349, %gather3A_2161, %gather3A_2162] : memref<2x32x128xf32, #tpu.memory_space<vmem>> -> memref<1x32x128xf32, #tpu.memory_space<vmem>>
      %gather3A_2164 = tpu.memref_squeeze %gather3A_2163 : memref<1x32x128xf32, #tpu.memory_space<vmem>> -> memref<32x128xf32, #tpu.memory_space<vmem>>
      %gather3A_2165 = tpu.vector_load_idx %gather3A_2164[%add3A_2160, %broadcast_in_dim3A_2139] : memref<32x128xf32, #tpu.memory_space<vmem>>[vector<16xi32>, vector<16xi32>], vector<16xf32>,
      %sub3A_2166 = arith.constant 999872 : i32
      %sub3A_2167 = arith.subi %squeeze3A_2121, %sub3A_2166 : i32
      %jit3A_2168 = arith.constant 0 : i32
      %jit3A_2169 = arith.constant 127 : i32
      %max3A_2170 = arith.maxsi %jit3A_2168, %sub3A_2167 : i32
      %min3A_2171 = arith.minsi %jit3A_2169, %max3A_2170 : i32
      %broadcast_in_dim3A_2172 = vector.broadcast %min3A_2171 : i32 to vector<16xi32>
      %sub3A_2173 = arith.constant 999872 : i32
      %sub3A_2174 = arith.subi %squeeze3A_2123, %sub3A_2173 : i32
      %jit3A_2175 = arith.constant 0 : i32
      %jit3A_2176 = arith.constant 127 : i32
      %max3A_2177 = arith.maxsi %jit3A_2175, %sub3A_2174 : i32
      %min3A_2178 = arith.minsi %jit3A_2176, %max3A_2177 : i32
      %broadcast_in_dim3A_2179 = vector.broadcast %min3A_2178 : i32 to vector<16xi32>
      %ge3A_2180 = arith.constant 999936 : i32
      %ge3A_2181 = arith.cmpi sge, %squeeze3A_2121, %ge3A_2180 : i32
      %broadcast_in_dim3A_2182 = vector.broadcast %ge3A_2181 : i1 to vector<16xi1>
      %ge3A_2183 = arith.constant 999936 : i32
      %ge3A_2184 = arith.cmpi sge, %squeeze3A_2123, %ge3A_2183 : i32
      %broadcast_in_dim3A_2185 = vector.broadcast %ge3A_2184 : i1 to vector<16xi1>
      %gather3A_2186 = tpu.vector_load_idx %arg12[%iota3A, %broadcast_in_dim3A_2172] : memref<32x128xf32, #tpu.memory_space<vmem>>[vector<16xi32>, vector<16xi32>], vector<16xf32>,
      %select_n3A_2187 = arith.select %broadcast_in_dim3A_2182, %gather3A_2186, %gather3A_2144 : vector<16xi1>, vector<16xf32>
      %add3A_2188 = arith.constant 16 : i32
      %add3A_2189 = vector.broadcast %add3A_2188 : i32 to vector<16xi32>
      %add3A_2190 = arith.addi %iota3A, %add3A_2189 : vector<16xi32>
      %gather3A_2191 = tpu.vector_load_idx %arg12[%add3A_2190, %broadcast_in_dim3A_2172] : memref<32x128xf32, #tpu.memory_space<vmem>>[vector<16xi32>, vector<16xi32>], vector<16xf32>,
      %select_n3A_2192 = arith.select %broadcast_in_dim3A_2182, %gather3A_2191, %gather3A_2152 : vector<16xi1>, vector<16xf32>
      %gather3A_2193 = tpu.vector_load_idx %arg13[%iota3A, %broadcast_in_dim3A_2179] : memref<32x128xf32, #tpu.memory_space<vmem>>[vector<16xi32>, vector<16xi32>], vector<16xf32>,
      %select_n3A_2194 = arith.select %broadcast_in_dim3A_2185, %gather3A_2193, %gather3A_2157 : vector<16xi1>, vector<16xf32>
      %add3A_2195 = arith.constant 16 : i32
      %add3A_2196 = vector.broadcast %add3A_2195 : i32 to vector<16xi32>
      %add3A_2197 = arith.addi %iota3A, %add3A_2196 : vector<16xi32>
      %gather3A_2198 = tpu.vector_load_idx %arg13[%add3A_2197, %broadcast_in_dim3A_2179] : memref<32x128xf32, #tpu.memory_space<vmem>>[vector<16xi32>, vector<16xi32>], vector<16xf32>,
      %select_n3A_2199 = arith.select %broadcast_in_dim3A_2185, %gather3A_2198, %gather3A_2165 : vector<16xi1>, vector<16xf32>
      %mul3A_2200 = arith.mulf %select_n3A_2187, %select_n3A_2194 : vector<16xf32>
      %mul3A_2201 = arith.mulf %mul3A_2200, %get3A_3 : vector<16xf32>
      %mul3A_2202 = arith.mulf %select_n3A_2192, %select_n3A_2199 : vector<16xf32>
      %mul3A_2203 = arith.mulf %mul3A_2202, %get3A_5 : vector<16xf32>
      %add3A_2204 = arith.addf %mul3A_2201, %mul3A_2203 : vector<16xf32>
      %swap3A_2205 = arith.constant 64 : index
      %swap3A_2206 = tpu.vector_load %arg15[%swap3A_2205] {strides = array<i32>} : memref<256xf32, #tpu.memory_space<vmem>>, vector<16xf32>,
      tpu.vector_store %arg15[%swap3A_2205], %add3A_2204 {strides = array<i32>} : memref<256xf32, #tpu.memory_space<vmem>>, vector<16xf32>,
      %slice3A_2207 = vector.extract_strided_slice %min3A_1467 {offsets = [4], sizes = [1], strides = [1]} : vector<16xi32> to vector<1xi32>
      %squeeze3A_2208 = vector.extract %slice3A_2207[0] : i32 from vector<1xi32>
      %slice3A_2209 = vector.extract_strided_slice %min3A_1479 {offsets = [4], sizes = [1], strides = [1]} : vector<16xi32> to vector<1xi32>
      %squeeze3A_2210 = vector.extract %slice3A_2209[0] : i32 from vector<1xi32>
      %and3A_2211 = arith.constant -128 : i32
      %and3A_2212 = arith.andi %squeeze3A_2208, %and3A_2211 : i32
      %min3A_2213 = arith.constant 999808 : i32
      %min3A_2214 = arith.minsi %and3A_2212, %min3A_2213 : i32
      %and3A_2215 = arith.constant -128 : i32
      %and3A_2216 = arith.andi %squeeze3A_2210, %and3A_2215 : i32
      %min3A_2217 = arith.constant 999808 : i32
      %min3A_2218 = arith.minsi %and3A_2216, %min3A_2217 : i32
      %multiple_of3A_2219 = tpu.assume_multiple %min3A_2214, 128 : i32
      %dma_start3A_2220 = arith.constant 0 : i32
      %dma_start3A_2221 = arith.constant 0 : i32
      %dma_start3A_2222 = tpu.memref_slice %arg23[%scan3A_348, %dma_start3A_2220, %dma_start3A_2221] : memref<2x32x128xf32, #tpu.memory_space<vmem>> -> memref<1x32x128xf32, #tpu.memory_space<vmem>>
      %dma_start3A_2223 = tpu.memref_squeeze %dma_start3A_2222 : memref<1x32x128xf32, #tpu.memory_space<vmem>> -> memref<32x128xf32, #tpu.memory_space<vmem>>
      %dma_start3A_2224 = arith.constant 0 : i32
      %dma_start3A_2225 = tpu.memref_slice %arg4[%dma_start3A_2224, %multiple_of3A_2219] : memref<32x1000000xf32, #tpu.memory_space<hbm>> -> memref<32x128xf32, #tpu.memory_space<hbm>>
      %dma_start3A_2226 = arith.constant 0 : i32
      %dma_start3A_2227 = arith.constant 0 : i32
      %dma_start3A_2228 = tpu.memref_slice %arg23[%scan3A_348, %dma_start3A_2226, %dma_start3A_2227] : memref<2x32x128xf32, #tpu.memory_space<vmem>> -> memref<1x32x128xf32, #tpu.memory_space<vmem>>
      %dma_start3A_2229 = tpu.memref_squeeze %dma_start3A_2228 : memref<1x32x128xf32, #tpu.memory_space<vmem>> -> memref<32x128xf32, #tpu.memory_space<vmem>>
      %dma_start3A_2230 = arith.constant 0 : i32
      %dma_start3A_2231 = tpu.memref_slice %arg4[%dma_start3A_2230, %multiple_of3A_2219] : memref<32x1000000xf32, #tpu.memory_space<hbm>> -> memref<32x128xf32, #tpu.memory_space<hbm>>
      tpu.enqueue_dma source(%dma_start3A_2231 : memref<32x128xf32, #tpu.memory_space<hbm>>) target(%dma_start3A_2229 : memref<32x128xf32, #tpu.memory_space<vmem>>) target_semaphore(%arg17 : memref<!tpu.dma_semaphore, #tpu.memory_space<semaphore_mem>>)
      %multiple_of3A_2232 = tpu.assume_multiple %min3A_2218, 128 : i32
      %dma_start3A_2233 = arith.constant 0 : i32
      %dma_start3A_2234 = arith.constant 0 : i32
      %dma_start3A_2235 = tpu.memref_slice %arg23[%scan3A_349, %dma_start3A_2233, %dma_start3A_2234] : memref<2x32x128xf32, #tpu.memory_space<vmem>> -> memref<1x32x128xf32, #tpu.memory_space<vmem>>
      %dma_start3A_2236 = tpu.memref_squeeze %dma_start3A_2235 : memref<1x32x128xf32, #tpu.memory_space<vmem>> -> memref<32x128xf32, #tpu.memory_space<vmem>>
      %dma_start3A_2237 = arith.constant 0 : i32
      %dma_start3A_2238 = tpu.memref_slice %arg5[%dma_start3A_2237, %multiple_of3A_2232] : memref<32x1000000xf32, #tpu.memory_space<hbm>> -> memref<32x128xf32, #tpu.memory_space<hbm>>
      %dma_start3A_2239 = arith.constant 0 : i32
      %dma_start3A_2240 = arith.constant 0 : i32
      %dma_start3A_2241 = tpu.memref_slice %arg23[%scan3A_349, %dma_start3A_2239, %dma_start3A_2240] : memref<2x32x128xf32, #tpu.memory_space<vmem>> -> memref<1x32x128xf32, #tpu.memory_space<vmem>>
      %dma_start3A_2242 = tpu.memref_squeeze %dma_start3A_2241 : memref<1x32x128xf32, #tpu.memory_space<vmem>> -> memref<32x128xf32, #tpu.memory_space<vmem>>
      %dma_start3A_2243 = arith.constant 0 : i32
      %dma_start3A_2244 = tpu.memref_slice %arg5[%dma_start3A_2243, %multiple_of3A_2232] : memref<32x1000000xf32, #tpu.memory_space<hbm>> -> memref<32x128xf32, #tpu.memory_space<hbm>>
      tpu.enqueue_dma source(%dma_start3A_2244 : memref<32x128xf32, #tpu.memory_space<hbm>>) target(%dma_start3A_2242 : memref<32x128xf32, #tpu.memory_space<vmem>>) target_semaphore(%arg18 : memref<!tpu.dma_semaphore, #tpu.memory_space<semaphore_mem>>)
      %dma_wait3A_2245 = arith.constant 0 : i32
      %dma_wait3A_2246 = arith.constant 0 : i32
      %dma_wait3A_2247 = tpu.memref_slice %arg24[%scan3A_350, %dma_wait3A_2245, %dma_wait3A_2246] : memref<2x32x128xf32, #tpu.memory_space<vmem>> -> memref<1x32x128xf32, #tpu.memory_space<vmem>>
      %dma_wait3A_2248 = tpu.memref_squeeze %dma_wait3A_2247 : memref<1x32x128xf32, #tpu.memory_space<vmem>> -> memref<32x128xf32, #tpu.memory_space<vmem>>
      %dma_wait3A_2249 = arith.constant 0 : i32
      %dma_wait3A_2250 = arith.constant 0 : i32
      %dma_wait3A_2251 = tpu.memref_slice %arg4[%dma_wait3A_2249, %dma_wait3A_2250] : memref<32x1000000xf32, #tpu.memory_space<hbm>> -> memref<32x128xf32, #tpu.memory_space<hbm>>
      %dma_wait3A_2252 = arith.constant 0 : i32
      %dma_wait3A_2253 = arith.constant 0 : i32
      %dma_wait3A_2254 = tpu.memref_slice %arg24[%scan3A_350, %dma_wait3A_2252, %dma_wait3A_2253] : memref<2x32x128xf32, #tpu.memory_space<vmem>> -> memref<1x32x128xf32, #tpu.memory_space<vmem>>
      %dma_wait3A_2255 = tpu.memref_squeeze %dma_wait3A_2254 : memref<1x32x128xf32, #tpu.memory_space<vmem>> -> memref<32x128xf32, #tpu.memory_space<vmem>>
      %dma_wait3A_2256 = arith.constant 0 : i32
      %dma_wait3A_2257 = arith.constant 0 : i32
      %dma_wait3A_2258 = tpu.memref_slice %arg4[%dma_wait3A_2256, %dma_wait3A_2257] : memref<32x1000000xf32, #tpu.memory_space<hbm>> -> memref<32x128xf32, #tpu.memory_space<hbm>>
      tpu.wait_dma2 semaphore(%arg17 : memref<!tpu.dma_semaphore, #tpu.memory_space<semaphore_mem>>) src(%dma_wait3A_2258 : memref<32x128xf32, #tpu.memory_space<hbm>>) dst(%dma_wait3A_2255 : memref<32x128xf32, #tpu.memory_space<vmem>>)
      %dma_wait3A_2259 = arith.constant 0 : i32
      %dma_wait3A_2260 = arith.constant 0 : i32
      %dma_wait3A_2261 = tpu.memref_slice %arg24[%scan3A_351, %dma_wait3A_2259, %dma_wait3A_2260] : memref<2x32x128xf32, #tpu.memory_space<vmem>> -> memref<1x32x128xf32, #tpu.memory_space<vmem>>
      %dma_wait3A_2262 = tpu.memref_squeeze %dma_wait3A_2261 : memref<1x32x128xf32, #tpu.memory_space<vmem>> -> memref<32x128xf32, #tpu.memory_space<vmem>>
      %dma_wait3A_2263 = arith.constant 0 : i32
      %dma_wait3A_2264 = arith.constant 0 : i32
      %dma_wait3A_2265 = tpu.memref_slice %arg5[%dma_wait3A_2263, %dma_wait3A_2264] : memref<32x1000000xf32, #tpu.memory_space<hbm>> -> memref<32x128xf32, #tpu.memory_space<hbm>>
      %dma_wait3A_2266 = arith.constant 0 : i32
      %dma_wait3A_2267 = arith.constant 0 : i32
      %dma_wait3A_2268 = tpu.memref_slice %arg24[%scan3A_351, %dma_wait3A_2266, %dma_wait3A_2267] : memref<2x32x128xf32, #tpu.memory_space<vmem>> -> memref<1x32x128xf32, #tpu.memory_space<vmem>>
      %dma_wait3A_2269 = tpu.memref_squeeze %dma_wait3A_2268 : memref<1x32x128xf32, #tpu.memory_space<vmem>> -> memref<32x128xf32, #tpu.memory_space<vmem>>
      %dma_wait3A_2270 = arith.constant 0 : i32
      %dma_wait3A_2271 = arith.constant 0 : i32
      %dma_wait3A_2272 = tpu.memref_slice %arg5[%dma_wait3A_2270, %dma_wait3A_2271] : memref<32x1000000xf32, #tpu.memory_space<hbm>> -> memref<32x128xf32, #tpu.memory_space<hbm>>
      tpu.wait_dma2 semaphore(%arg18 : memref<!tpu.dma_semaphore, #tpu.memory_space<semaphore_mem>>) src(%dma_wait3A_2272 : memref<32x128xf32, #tpu.memory_space<hbm>>) dst(%dma_wait3A_2269 : memref<32x128xf32, #tpu.memory_space<vmem>>)
      %slice3A_2273 = vector.extract_strided_slice %min3A_1445 {offsets = [5], sizes = [1], strides = [1]} : vector<16xi32> to vector<1xi32>
      %squeeze3A_2274 = vector.extract %slice3A_2273[0] : i32 from vector<1xi32>
      %slice3A_2275 = vector.extract_strided_slice %min3A_1455 {offsets = [5], sizes = [1], strides = [1]} : vector<16xi32> to vector<1xi32>
      %squeeze3A_2276 = vector.extract %slice3A_2275[0] : i32 from vector<1xi32>
      %and3A_2277 = arith.constant -128 : i32
      %and3A_2278 = arith.andi %squeeze3A_2274, %and3A_2277 : i32
      %min3A_2279 = arith.constant 999808 : i32
      %min3A_2280 = arith.minsi %and3A_2278, %min3A_2279 : i32
      %sub3A_2281 = arith.subi %squeeze3A_2274, %min3A_2280 : i32
      %min3A_2282 = arith.constant 127 : i32
      %min3A_2283 = arith.minsi %sub3A_2281, %min3A_2282 : i32
      %and3A_2284 = arith.constant -128 : i32
      %and3A_2285 = arith.andi %squeeze3A_2276, %and3A_2284 : i32
      %min3A_2286 = arith.constant 999808 : i32
      %min3A_2287 = arith.minsi %and3A_2285, %min3A_2286 : i32
      %sub3A_2288 = arith.subi %squeeze3A_2276, %min3A_2287 : i32
      %min3A_2289 = arith.constant 127 : i32
      %min3A_2290 = arith.minsi %sub3A_2288, %min3A_2289 : i32
      %broadcast_in_dim3A_2291 = vector.broadcast %min3A_2283 : i32 to vector<16xi32>
      %broadcast_in_dim3A_2292 = vector.broadcast %min3A_2290 : i32 to vector<16xi32>
      %gather3A_2293 = arith.constant 0 : i32
      %gather3A_2294 = arith.constant 0 : i32
      %gather3A_2295 = tpu.memref_slice %arg24[%scan3A_350, %gather3A_2293, %gather3A_2294] : memref<2x32x128xf32, #tpu.memory_space<vmem>> -> memref<1x32x128xf32, #tpu.memory_space<vmem>>
      %gather3A_2296 = tpu.memref_squeeze %gather3A_2295 : memref<1x32x128xf32, #tpu.memory_space<vmem>> -> memref<32x128xf32, #tpu.memory_space<vmem>>
      %gather3A_2297 = tpu.vector_load_idx %gather3A_2296[%iota3A, %broadcast_in_dim3A_2291] : memref<32x128xf32, #tpu.memory_space<vmem>>[vector<16xi32>, vector<16xi32>], vector<16xf32>,
      %add3A_2298 = arith.constant 16 : i32
      %add3A_2299 = vector.broadcast %add3A_2298 : i32 to vector<16xi32>
      %add3A_2300 = arith.addi %iota3A, %add3A_2299 : vector<16xi32>
      %gather3A_2301 = arith.constant 0 : i32
      %gather3A_2302 = arith.constant 0 : i32
      %gather3A_2303 = tpu.memref_slice %arg24[%scan3A_350, %gather3A_2301, %gather3A_2302] : memref<2x32x128xf32, #tpu.memory_space<vmem>> -> memref<1x32x128xf32, #tpu.memory_space<vmem>>
      %gather3A_2304 = tpu.memref_squeeze %gather3A_2303 : memref<1x32x128xf32, #tpu.memory_space<vmem>> -> memref<32x128xf32, #tpu.memory_space<vmem>>
      %gather3A_2305 = tpu.vector_load_idx %gather3A_2304[%add3A_2300, %broadcast_in_dim3A_2291] : memref<32x128xf32, #tpu.memory_space<vmem>>[vector<16xi32>, vector<16xi32>], vector<16xf32>,
      %gather3A_2306 = arith.constant 0 : i32
      %gather3A_2307 = arith.constant 0 : i32
      %gather3A_2308 = tpu.memref_slice %arg24[%scan3A_351, %gather3A_2306, %gather3A_2307] : memref<2x32x128xf32, #tpu.memory_space<vmem>> -> memref<1x32x128xf32, #tpu.memory_space<vmem>>
      %gather3A_2309 = tpu.memref_squeeze %gather3A_2308 : memref<1x32x128xf32, #tpu.memory_space<vmem>> -> memref<32x128xf32, #tpu.memory_space<vmem>>
      %gather3A_2310 = tpu.vector_load_idx %gather3A_2309[%iota3A, %broadcast_in_dim3A_2292] : memref<32x128xf32, #tpu.memory_space<vmem>>[vector<16xi32>, vector<16xi32>], vector<16xf32>,
      %add3A_2311 = arith.constant 16 : i32
      %add3A_2312 = vector.broadcast %add3A_2311 : i32 to vector<16xi32>
      %add3A_2313 = arith.addi %iota3A, %add3A_2312 : vector<16xi32>
      %gather3A_2314 = arith.constant 0 : i32
      %gather3A_2315 = arith.constant 0 : i32
      %gather3A_2316 = tpu.memref_slice %arg24[%scan3A_351, %gather3A_2314, %gather3A_2315] : memref<2x32x128xf32, #tpu.memory_space<vmem>> -> memref<1x32x128xf32, #tpu.memory_space<vmem>>
      %gather3A_2317 = tpu.memref_squeeze %gather3A_2316 : memref<1x32x128xf32, #tpu.memory_space<vmem>> -> memref<32x128xf32, #tpu.memory_space<vmem>>
      %gather3A_2318 = tpu.vector_load_idx %gather3A_2317[%add3A_2313, %broadcast_in_dim3A_2292] : memref<32x128xf32, #tpu.memory_space<vmem>>[vector<16xi32>, vector<16xi32>], vector<16xf32>,
      %sub3A_2319 = arith.constant 999872 : i32
      %sub3A_2320 = arith.subi %squeeze3A_2274, %sub3A_2319 : i32
      %jit3A_2321 = arith.constant 0 : i32
      %jit3A_2322 = arith.constant 127 : i32
      %max3A_2323 = arith.maxsi %jit3A_2321, %sub3A_2320 : i32
      %min3A_2324 = arith.minsi %jit3A_2322, %max3A_2323 : i32
      %broadcast_in_dim3A_2325 = vector.broadcast %min3A_2324 : i32 to vector<16xi32>
      %sub3A_2326 = arith.constant 999872 : i32
      %sub3A_2327 = arith.subi %squeeze3A_2276, %sub3A_2326 : i32
      %jit3A_2328 = arith.constant 0 : i32
      %jit3A_2329 = arith.constant 127 : i32
      %max3A_2330 = arith.maxsi %jit3A_2328, %sub3A_2327 : i32
      %min3A_2331 = arith.minsi %jit3A_2329, %max3A_2330 : i32
      %broadcast_in_dim3A_2332 = vector.broadcast %min3A_2331 : i32 to vector<16xi32>
      %ge3A_2333 = arith.constant 999936 : i32
      %ge3A_2334 = arith.cmpi sge, %squeeze3A_2274, %ge3A_2333 : i32
      %broadcast_in_dim3A_2335 = vector.broadcast %ge3A_2334 : i1 to vector<16xi1>
      %ge3A_2336 = arith.constant 999936 : i32
      %ge3A_2337 = arith.cmpi sge, %squeeze3A_2276, %ge3A_2336 : i32
      %broadcast_in_dim3A_2338 = vector.broadcast %ge3A_2337 : i1 to vector<16xi1>
      %gather3A_2339 = tpu.vector_load_idx %arg12[%iota3A, %broadcast_in_dim3A_2325] : memref<32x128xf32, #tpu.memory_space<vmem>>[vector<16xi32>, vector<16xi32>], vector<16xf32>,
      %select_n3A_2340 = arith.select %broadcast_in_dim3A_2335, %gather3A_2339, %gather3A_2297 : vector<16xi1>, vector<16xf32>
      %add3A_2341 = arith.constant 16 : i32
      %add3A_2342 = vector.broadcast %add3A_2341 : i32 to vector<16xi32>
      %add3A_2343 = arith.addi %iota3A, %add3A_2342 : vector<16xi32>
      %gather3A_2344 = tpu.vector_load_idx %arg12[%add3A_2343, %broadcast_in_dim3A_2325] : memref<32x128xf32, #tpu.memory_space<vmem>>[vector<16xi32>, vector<16xi32>], vector<16xf32>,
      %select_n3A_2345 = arith.select %broadcast_in_dim3A_2335, %gather3A_2344, %gather3A_2305 : vector<16xi1>, vector<16xf32>
      %gather3A_2346 = tpu.vector_load_idx %arg13[%iota3A, %broadcast_in_dim3A_2332] : memref<32x128xf32, #tpu.memory_space<vmem>>[vector<16xi32>, vector<16xi32>], vector<16xf32>,
      %select_n3A_2347 = arith.select %broadcast_in_dim3A_2338, %gather3A_2346, %gather3A_2310 : vector<16xi1>, vector<16xf32>
      %add3A_2348 = arith.constant 16 : i32
      %add3A_2349 = vector.broadcast %add3A_2348 : i32 to vector<16xi32>
      %add3A_2350 = arith.addi %iota3A, %add3A_2349 : vector<16xi32>
      %gather3A_2351 = tpu.vector_load_idx %arg13[%add3A_2350, %broadcast_in_dim3A_2332] : memref<32x128xf32, #tpu.memory_space<vmem>>[vector<16xi32>, vector<16xi32>], vector<16xf32>,
      %select_n3A_2352 = arith.select %broadcast_in_dim3A_2338, %gather3A_2351, %gather3A_2318 : vector<16xi1>, vector<16xf32>
      %mul3A_2353 = arith.mulf %select_n3A_2340, %select_n3A_2347 : vector<16xf32>
      %mul3A_2354 = arith.mulf %mul3A_2353, %get3A_3 : vector<16xf32>
      %mul3A_2355 = arith.mulf %select_n3A_2345, %select_n3A_2352 : vector<16xf32>
      %mul3A_2356 = arith.mulf %mul3A_2355, %get3A_5 : vector<16xf32>
      %add3A_2357 = arith.addf %mul3A_2354, %mul3A_2356 : vector<16xf32>
      %swap3A_2358 = arith.constant 80 : index
      %swap3A_2359 = tpu.vector_load %arg15[%swap3A_2358] {strides = array<i32>} : memref<256xf32, #tpu.memory_space<vmem>>, vector<16xf32>,
      tpu.vector_store %arg15[%swap3A_2358], %add3A_2357 {strides = array<i32>} : memref<256xf32, #tpu.memory_space<vmem>>, vector<16xf32>,
      %slice3A_2360 = vector.extract_strided_slice %min3A_1467 {offsets = [5], sizes = [1], strides = [1]} : vector<16xi32> to vector<1xi32>
      %squeeze3A_2361 = vector.extract %slice3A_2360[0] : i32 from vector<1xi32>
      %slice3A_2362 = vector.extract_strided_slice %min3A_1479 {offsets = [5], sizes = [1], strides = [1]} : vector<16xi32> to vector<1xi32>
      %squeeze3A_2363 = vector.extract %slice3A_2362[0] : i32 from vector<1xi32>
      %and3A_2364 = arith.constant -128 : i32
      %and3A_2365 = arith.andi %squeeze3A_2361, %and3A_2364 : i32
      %min3A_2366 = arith.constant 999808 : i32
      %min3A_2367 = arith.minsi %and3A_2365, %min3A_2366 : i32
      %and3A_2368 = arith.constant -128 : i32
      %and3A_2369 = arith.andi %squeeze3A_2363, %and3A_2368 : i32
      %min3A_2370 = arith.constant 999808 : i32
      %min3A_2371 = arith.minsi %and3A_2369, %min3A_2370 : i32
      %multiple_of3A_2372 = tpu.assume_multiple %min3A_2367, 128 : i32
      %dma_start3A_2373 = arith.constant 0 : i32
      %dma_start3A_2374 = arith.constant 0 : i32
      %dma_start3A_2375 = tpu.memref_slice %arg24[%scan3A_350, %dma_start3A_2373, %dma_start3A_2374] : memref<2x32x128xf32, #tpu.memory_space<vmem>> -> memref<1x32x128xf32, #tpu.memory_space<vmem>>
      %dma_start3A_2376 = tpu.memref_squeeze %dma_start3A_2375 : memref<1x32x128xf32, #tpu.memory_space<vmem>> -> memref<32x128xf32, #tpu.memory_space<vmem>>
      %dma_start3A_2377 = arith.constant 0 : i32
      %dma_start3A_2378 = tpu.memref_slice %arg4[%dma_start3A_2377, %multiple_of3A_2372] : memref<32x1000000xf32, #tpu.memory_space<hbm>> -> memref<32x128xf32, #tpu.memory_space<hbm>>
      %dma_start3A_2379 = arith.constant 0 : i32
      %dma_start3A_2380 = arith.constant 0 : i32
      %dma_start3A_2381 = tpu.memref_slice %arg24[%scan3A_350, %dma_start3A_2379, %dma_start3A_2380] : memref<2x32x128xf32, #tpu.memory_space<vmem>> -> memref<1x32x128xf32, #tpu.memory_space<vmem>>
      %dma_start3A_2382 = tpu.memref_squeeze %dma_start3A_2381 : memref<1x32x128xf32, #tpu.memory_space<vmem>> -> memref<32x128xf32, #tpu.memory_space<vmem>>
      %dma_start3A_2383 = arith.constant 0 : i32
      %dma_start3A_2384 = tpu.memref_slice %arg4[%dma_start3A_2383, %multiple_of3A_2372] : memref<32x1000000xf32, #tpu.memory_space<hbm>> -> memref<32x128xf32, #tpu.memory_space<hbm>>
      tpu.enqueue_dma source(%dma_start3A_2384 : memref<32x128xf32, #tpu.memory_space<hbm>>) target(%dma_start3A_2382 : memref<32x128xf32, #tpu.memory_space<vmem>>) target_semaphore(%arg17 : memref<!tpu.dma_semaphore, #tpu.memory_space<semaphore_mem>>)
      %multiple_of3A_2385 = tpu.assume_multiple %min3A_2371, 128 : i32
      %dma_start3A_2386 = arith.constant 0 : i32
      %dma_start3A_2387 = arith.constant 0 : i32
      %dma_start3A_2388 = tpu.memref_slice %arg24[%scan3A_351, %dma_start3A_2386, %dma_start3A_2387] : memref<2x32x128xf32, #tpu.memory_space<vmem>> -> memref<1x32x128xf32, #tpu.memory_space<vmem>>
      %dma_start3A_2389 = tpu.memref_squeeze %dma_start3A_2388 : memref<1x32x128xf32, #tpu.memory_space<vmem>> -> memref<32x128xf32, #tpu.memory_space<vmem>>
      %dma_start3A_2390 = arith.constant 0 : i32
      %dma_start3A_2391 = tpu.memref_slice %arg5[%dma_start3A_2390, %multiple_of3A_2385] : memref<32x1000000xf32, #tpu.memory_space<hbm>> -> memref<32x128xf32, #tpu.memory_space<hbm>>
      %dma_start3A_2392 = arith.constant 0 : i32
      %dma_start3A_2393 = arith.constant 0 : i32
      %dma_start3A_2394 = tpu.memref_slice %arg24[%scan3A_351, %dma_start3A_2392, %dma_start3A_2393] : memref<2x32x128xf32, #tpu.memory_space<vmem>> -> memref<1x32x128xf32, #tpu.memory_space<vmem>>
      %dma_start3A_2395 = tpu.memref_squeeze %dma_start3A_2394 : memref<1x32x128xf32, #tpu.memory_space<vmem>> -> memref<32x128xf32, #tpu.memory_space<vmem>>
      %dma_start3A_2396 = arith.constant 0 : i32
      %dma_start3A_2397 = tpu.memref_slice %arg5[%dma_start3A_2396, %multiple_of3A_2385] : memref<32x1000000xf32, #tpu.memory_space<hbm>> -> memref<32x128xf32, #tpu.memory_space<hbm>>
      tpu.enqueue_dma source(%dma_start3A_2397 : memref<32x128xf32, #tpu.memory_space<hbm>>) target(%dma_start3A_2395 : memref<32x128xf32, #tpu.memory_space<vmem>>) target_semaphore(%arg18 : memref<!tpu.dma_semaphore, #tpu.memory_space<semaphore_mem>>)
      %dma_wait3A_2398 = arith.constant 0 : i32
      %dma_wait3A_2399 = arith.constant 0 : i32
      %dma_wait3A_2400 = tpu.memref_slice %arg25[%scan3A_352, %dma_wait3A_2398, %dma_wait3A_2399] : memref<2x32x128xf32, #tpu.memory_space<vmem>> -> memref<1x32x128xf32, #tpu.memory_space<vmem>>
      %dma_wait3A_2401 = tpu.memref_squeeze %dma_wait3A_2400 : memref<1x32x128xf32, #tpu.memory_space<vmem>> -> memref<32x128xf32, #tpu.memory_space<vmem>>
      %dma_wait3A_2402 = arith.constant 0 : i32
      %dma_wait3A_2403 = arith.constant 0 : i32
      %dma_wait3A_2404 = tpu.memref_slice %arg4[%dma_wait3A_2402, %dma_wait3A_2403] : memref<32x1000000xf32, #tpu.memory_space<hbm>> -> memref<32x128xf32, #tpu.memory_space<hbm>>
      %dma_wait3A_2405 = arith.constant 0 : i32
      %dma_wait3A_2406 = arith.constant 0 : i32
      %dma_wait3A_2407 = tpu.memref_slice %arg25[%scan3A_352, %dma_wait3A_2405, %dma_wait3A_2406] : memref<2x32x128xf32, #tpu.memory_space<vmem>> -> memref<1x32x128xf32, #tpu.memory_space<vmem>>
      %dma_wait3A_2408 = tpu.memref_squeeze %dma_wait3A_2407 : memref<1x32x128xf32, #tpu.memory_space<vmem>> -> memref<32x128xf32, #tpu.memory_space<vmem>>
      %dma_wait3A_2409 = arith.constant 0 : i32
      %dma_wait3A_2410 = arith.constant 0 : i32
      %dma_wait3A_2411 = tpu.memref_slice %arg4[%dma_wait3A_2409, %dma_wait3A_2410] : memref<32x1000000xf32, #tpu.memory_space<hbm>> -> memref<32x128xf32, #tpu.memory_space<hbm>>
      tpu.wait_dma2 semaphore(%arg17 : memref<!tpu.dma_semaphore, #tpu.memory_space<semaphore_mem>>) src(%dma_wait3A_2411 : memref<32x128xf32, #tpu.memory_space<hbm>>) dst(%dma_wait3A_2408 : memref<32x128xf32, #tpu.memory_space<vmem>>)
      %dma_wait3A_2412 = arith.constant 0 : i32
      %dma_wait3A_2413 = arith.constant 0 : i32
      %dma_wait3A_2414 = tpu.memref_slice %arg25[%scan3A_353, %dma_wait3A_2412, %dma_wait3A_2413] : memref<2x32x128xf32, #tpu.memory_space<vmem>> -> memref<1x32x128xf32, #tpu.memory_space<vmem>>
      %dma_wait3A_2415 = tpu.memref_squeeze %dma_wait3A_2414 : memref<1x32x128xf32, #tpu.memory_space<vmem>> -> memref<32x128xf32, #tpu.memory_space<vmem>>
      %dma_wait3A_2416 = arith.constant 0 : i32
      %dma_wait3A_2417 = arith.constant 0 : i32
      %dma_wait3A_2418 = tpu.memref_slice %arg5[%dma_wait3A_2416, %dma_wait3A_2417] : memref<32x1000000xf32, #tpu.memory_space<hbm>> -> memref<32x128xf32, #tpu.memory_space<hbm>>
      %dma_wait3A_2419 = arith.constant 0 : i32
      %dma_wait3A_2420 = arith.constant 0 : i32
      %dma_wait3A_2421 = tpu.memref_slice %arg25[%scan3A_353, %dma_wait3A_2419, %dma_wait3A_2420] : memref<2x32x128xf32, #tpu.memory_space<vmem>> -> memref<1x32x128xf32, #tpu.memory_space<vmem>>
      %dma_wait3A_2422 = tpu.memref_squeeze %dma_wait3A_2421 : memref<1x32x128xf32, #tpu.memory_space<vmem>> -> memref<32x128xf32, #tpu.memory_space<vmem>>
      %dma_wait3A_2423 = arith.constant 0 : i32
      %dma_wait3A_2424 = arith.constant 0 : i32
      %dma_wait3A_2425 = tpu.memref_slice %arg5[%dma_wait3A_2423, %dma_wait3A_2424] : memref<32x1000000xf32, #tpu.memory_space<hbm>> -> memref<32x128xf32, #tpu.memory_space<hbm>>
      tpu.wait_dma2 semaphore(%arg18 : memref<!tpu.dma_semaphore, #tpu.memory_space<semaphore_mem>>) src(%dma_wait3A_2425 : memref<32x128xf32, #tpu.memory_space<hbm>>) dst(%dma_wait3A_2422 : memref<32x128xf32, #tpu.memory_space<vmem>>)
      %slice3A_2426 = vector.extract_strided_slice %min3A_1445 {offsets = [6], sizes = [1], strides = [1]} : vector<16xi32> to vector<1xi32>
      %squeeze3A_2427 = vector.extract %slice3A_2426[0] : i32 from vector<1xi32>
      %slice3A_2428 = vector.extract_strided_slice %min3A_1455 {offsets = [6], sizes = [1], strides = [1]} : vector<16xi32> to vector<1xi32>
      %squeeze3A_2429 = vector.extract %slice3A_2428[0] : i32 from vector<1xi32>
      %and3A_2430 = arith.constant -128 : i32
      %and3A_2431 = arith.andi %squeeze3A_2427, %and3A_2430 : i32
      %min3A_2432 = arith.constant 999808 : i32
      %min3A_2433 = arith.minsi %and3A_2431, %min3A_2432 : i32
      %sub3A_2434 = arith.subi %squeeze3A_2427, %min3A_2433 : i32
      %min3A_2435 = arith.constant 127 : i32
      %min3A_2436 = arith.minsi %sub3A_2434, %min3A_2435 : i32
      %and3A_2437 = arith.constant -128 : i32
      %and3A_2438 = arith.andi %squeeze3A_2429, %and3A_2437 : i32
      %min3A_2439 = arith.constant 999808 : i32
      %min3A_2440 = arith.minsi %and3A_2438, %min3A_2439 : i32
      %sub3A_2441 = arith.subi %squeeze3A_2429, %min3A_2440 : i32
      %min3A_2442 = arith.constant 127 : i32
      %min3A_2443 = arith.minsi %sub3A_2441, %min3A_2442 : i32
      %broadcast_in_dim3A_2444 = vector.broadcast %min3A_2436 : i32 to vector<16xi32>
      %broadcast_in_dim3A_2445 = vector.broadcast %min3A_2443 : i32 to vector<16xi32>
      %gather3A_2446 = arith.constant 0 : i32
      %gather3A_2447 = arith.constant 0 : i32
      %gather3A_2448 = tpu.memref_slice %arg25[%scan3A_352, %gather3A_2446, %gather3A_2447] : memref<2x32x128xf32, #tpu.memory_space<vmem>> -> memref<1x32x128xf32, #tpu.memory_space<vmem>>
      %gather3A_2449 = tpu.memref_squeeze %gather3A_2448 : memref<1x32x128xf32, #tpu.memory_space<vmem>> -> memref<32x128xf32, #tpu.memory_space<vmem>>
      %gather3A_2450 = tpu.vector_load_idx %gather3A_2449[%iota3A, %broadcast_in_dim3A_2444] : memref<32x128xf32, #tpu.memory_space<vmem>>[vector<16xi32>, vector<16xi32>], vector<16xf32>,
      %add3A_2451 = arith.constant 16 : i32
      %add3A_2452 = vector.broadcast %add3A_2451 : i32 to vector<16xi32>
      %add3A_2453 = arith.addi %iota3A, %add3A_2452 : vector<16xi32>
      %gather3A_2454 = arith.constant 0 : i32
      %gather3A_2455 = arith.constant 0 : i32
      %gather3A_2456 = tpu.memref_slice %arg25[%scan3A_352, %gather3A_2454, %gather3A_2455] : memref<2x32x128xf32, #tpu.memory_space<vmem>> -> memref<1x32x128xf32, #tpu.memory_space<vmem>>
      %gather3A_2457 = tpu.memref_squeeze %gather3A_2456 : memref<1x32x128xf32, #tpu.memory_space<vmem>> -> memref<32x128xf32, #tpu.memory_space<vmem>>
      %gather3A_2458 = tpu.vector_load_idx %gather3A_2457[%add3A_2453, %broadcast_in_dim3A_2444] : memref<32x128xf32, #tpu.memory_space<vmem>>[vector<16xi32>, vector<16xi32>], vector<16xf32>,
      %gather3A_2459 = arith.constant 0 : i32
      %gather3A_2460 = arith.constant 0 : i32
      %gather3A_2461 = tpu.memref_slice %arg25[%scan3A_353, %gather3A_2459, %gather3A_2460] : memref<2x32x128xf32, #tpu.memory_space<vmem>> -> memref<1x32x128xf32, #tpu.memory_space<vmem>>
      %gather3A_2462 = tpu.memref_squeeze %gather3A_2461 : memref<1x32x128xf32, #tpu.memory_space<vmem>> -> memref<32x128xf32, #tpu.memory_space<vmem>>
      %gather3A_2463 = tpu.vector_load_idx %gather3A_2462[%iota3A, %broadcast_in_dim3A_2445] : memref<32x128xf32, #tpu.memory_space<vmem>>[vector<16xi32>, vector<16xi32>], vector<16xf32>,
      %add3A_2464 = arith.constant 16 : i32
      %add3A_2465 = vector.broadcast %add3A_2464 : i32 to vector<16xi32>
      %add3A_2466 = arith.addi %iota3A, %add3A_2465 : vector<16xi32>
      %gather3A_2467 = arith.constant 0 : i32
      %gather3A_2468 = arith.constant 0 : i32
      %gather3A_2469 = tpu.memref_slice %arg25[%scan3A_353, %gather3A_2467, %gather3A_2468] : memref<2x32x128xf32, #tpu.memory_space<vmem>> -> memref<1x32x128xf32, #tpu.memory_space<vmem>>
      %gather3A_2470 = tpu.memref_squeeze %gather3A_2469 : memref<1x32x128xf32, #tpu.memory_space<vmem>> -> memref<32x128xf32, #tpu.memory_space<vmem>>
      %gather3A_2471 = tpu.vector_load_idx %gather3A_2470[%add3A_2466, %broadcast_in_dim3A_2445] : memref<32x128xf32, #tpu.memory_space<vmem>>[vector<16xi32>, vector<16xi32>], vector<16xf32>,
      %sub3A_2472 = arith.constant 999872 : i32
      %sub3A_2473 = arith.subi %squeeze3A_2427, %sub3A_2472 : i32
      %jit3A_2474 = arith.constant 0 : i32
      %jit3A_2475 = arith.constant 127 : i32
      %max3A_2476 = arith.maxsi %jit3A_2474, %sub3A_2473 : i32
      %min3A_2477 = arith.minsi %jit3A_2475, %max3A_2476 : i32
      %broadcast_in_dim3A_2478 = vector.broadcast %min3A_2477 : i32 to vector<16xi32>
      %sub3A_2479 = arith.constant 999872 : i32
      %sub3A_2480 = arith.subi %squeeze3A_2429, %sub3A_2479 : i32
      %jit3A_2481 = arith.constant 0 : i32
      %jit3A_2482 = arith.constant 127 : i32
      %max3A_2483 = arith.maxsi %jit3A_2481, %sub3A_2480 : i32
      %min3A_2484 = arith.minsi %jit3A_2482, %max3A_2483 : i32
      %broadcast_in_dim3A_2485 = vector.broadcast %min3A_2484 : i32 to vector<16xi32>
      %ge3A_2486 = arith.constant 999936 : i32
      %ge3A_2487 = arith.cmpi sge, %squeeze3A_2427, %ge3A_2486 : i32
      %broadcast_in_dim3A_2488 = vector.broadcast %ge3A_2487 : i1 to vector<16xi1>
      %ge3A_2489 = arith.constant 999936 : i32
      %ge3A_2490 = arith.cmpi sge, %squeeze3A_2429, %ge3A_2489 : i32
      %broadcast_in_dim3A_2491 = vector.broadcast %ge3A_2490 : i1 to vector<16xi1>
      %gather3A_2492 = tpu.vector_load_idx %arg12[%iota3A, %broadcast_in_dim3A_2478] : memref<32x128xf32, #tpu.memory_space<vmem>>[vector<16xi32>, vector<16xi32>], vector<16xf32>,
      %select_n3A_2493 = arith.select %broadcast_in_dim3A_2488, %gather3A_2492, %gather3A_2450 : vector<16xi1>, vector<16xf32>
      %add3A_2494 = arith.constant 16 : i32
      %add3A_2495 = vector.broadcast %add3A_2494 : i32 to vector<16xi32>
      %add3A_2496 = arith.addi %iota3A, %add3A_2495 : vector<16xi32>
      %gather3A_2497 = tpu.vector_load_idx %arg12[%add3A_2496, %broadcast_in_dim3A_2478] : memref<32x128xf32, #tpu.memory_space<vmem>>[vector<16xi32>, vector<16xi32>], vector<16xf32>,
      %select_n3A_2498 = arith.select %broadcast_in_dim3A_2488, %gather3A_2497, %gather3A_2458 : vector<16xi1>, vector<16xf32>
      %gather3A_2499 = tpu.vector_load_idx %arg13[%iota3A, %broadcast_in_dim3A_2485] : memref<32x128xf32, #tpu.memory_space<vmem>>[vector<16xi32>, vector<16xi32>], vector<16xf32>,
      %select_n3A_2500 = arith.select %broadcast_in_dim3A_2491, %gather3A_2499, %gather3A_2463 : vector<16xi1>, vector<16xf32>
      %add3A_2501 = arith.constant 16 : i32
      %add3A_2502 = vector.broadcast %add3A_2501 : i32 to vector<16xi32>
      %add3A_2503 = arith.addi %iota3A, %add3A_2502 : vector<16xi32>
      %gather3A_2504 = tpu.vector_load_idx %arg13[%add3A_2503, %broadcast_in_dim3A_2485] : memref<32x128xf32, #tpu.memory_space<vmem>>[vector<16xi32>, vector<16xi32>], vector<16xf32>,
      %select_n3A_2505 = arith.select %broadcast_in_dim3A_2491, %gather3A_2504, %gather3A_2471 : vector<16xi1>, vector<16xf32>
      %mul3A_2506 = arith.mulf %select_n3A_2493, %select_n3A_2500 : vector<16xf32>
      %mul3A_2507 = arith.mulf %mul3A_2506, %get3A_3 : vector<16xf32>
      %mul3A_2508 = arith.mulf %select_n3A_2498, %select_n3A_2505 : vector<16xf32>
      %mul3A_2509 = arith.mulf %mul3A_2508, %get3A_5 : vector<16xf32>
      %add3A_2510 = arith.addf %mul3A_2507, %mul3A_2509 : vector<16xf32>
      %swap3A_2511 = arith.constant 96 : index
      %swap3A_2512 = tpu.vector_load %arg15[%swap3A_2511] {strides = array<i32>} : memref<256xf32, #tpu.memory_space<vmem>>, vector<16xf32>,
      tpu.vector_store %arg15[%swap3A_2511], %add3A_2510 {strides = array<i32>} : memref<256xf32, #tpu.memory_space<vmem>>, vector<16xf32>,
      %slice3A_2513 = vector.extract_strided_slice %min3A_1467 {offsets = [6], sizes = [1], strides = [1]} : vector<16xi32> to vector<1xi32>
      %squeeze3A_2514 = vector.extract %slice3A_2513[0] : i32 from vector<1xi32>
      %slice3A_2515 = vector.extract_strided_slice %min3A_1479 {offsets = [6], sizes = [1], strides = [1]} : vector<16xi32> to vector<1xi32>
      %squeeze3A_2516 = vector.extract %slice3A_2515[0] : i32 from vector<1xi32>
      %and3A_2517 = arith.constant -128 : i32
      %and3A_2518 = arith.andi %squeeze3A_2514, %and3A_2517 : i32
      %min3A_2519 = arith.constant 999808 : i32
      %min3A_2520 = arith.minsi %and3A_2518, %min3A_2519 : i32
      %and3A_2521 = arith.constant -128 : i32
      %and3A_2522 = arith.andi %squeeze3A_2516, %and3A_2521 : i32
      %min3A_2523 = arith.constant 999808 : i32
      %min3A_2524 = arith.minsi %and3A_2522, %min3A_2523 : i32
      %multiple_of3A_2525 = tpu.assume_multiple %min3A_2520, 128 : i32
      %dma_start3A_2526 = arith.constant 0 : i32
      %dma_start3A_2527 = arith.constant 0 : i32
      %dma_start3A_2528 = tpu.memref_slice %arg25[%scan3A_352, %dma_start3A_2526, %dma_start3A_2527] : memref<2x32x128xf32, #tpu.memory_space<vmem>> -> memref<1x32x128xf32, #tpu.memory_space<vmem>>
      %dma_start3A_2529 = tpu.memref_squeeze %dma_start3A_2528 : memref<1x32x128xf32, #tpu.memory_space<vmem>> -> memref<32x128xf32, #tpu.memory_space<vmem>>
      %dma_start3A_2530 = arith.constant 0 : i32
      %dma_start3A_2531 = tpu.memref_slice %arg4[%dma_start3A_2530, %multiple_of3A_2525] : memref<32x1000000xf32, #tpu.memory_space<hbm>> -> memref<32x128xf32, #tpu.memory_space<hbm>>
      %dma_start3A_2532 = arith.constant 0 : i32
      %dma_start3A_2533 = arith.constant 0 : i32
      %dma_start3A_2534 = tpu.memref_slice %arg25[%scan3A_352, %dma_start3A_2532, %dma_start3A_2533] : memref<2x32x128xf32, #tpu.memory_space<vmem>> -> memref<1x32x128xf32, #tpu.memory_space<vmem>>
      %dma_start3A_2535 = tpu.memref_squeeze %dma_start3A_2534 : memref<1x32x128xf32, #tpu.memory_space<vmem>> -> memref<32x128xf32, #tpu.memory_space<vmem>>
      %dma_start3A_2536 = arith.constant 0 : i32
      %dma_start3A_2537 = tpu.memref_slice %arg4[%dma_start3A_2536, %multiple_of3A_2525] : memref<32x1000000xf32, #tpu.memory_space<hbm>> -> memref<32x128xf32, #tpu.memory_space<hbm>>
      tpu.enqueue_dma source(%dma_start3A_2537 : memref<32x128xf32, #tpu.memory_space<hbm>>) target(%dma_start3A_2535 : memref<32x128xf32, #tpu.memory_space<vmem>>) target_semaphore(%arg17 : memref<!tpu.dma_semaphore, #tpu.memory_space<semaphore_mem>>)
      %multiple_of3A_2538 = tpu.assume_multiple %min3A_2524, 128 : i32
      %dma_start3A_2539 = arith.constant 0 : i32
      %dma_start3A_2540 = arith.constant 0 : i32
      %dma_start3A_2541 = tpu.memref_slice %arg25[%scan3A_353, %dma_start3A_2539, %dma_start3A_2540] : memref<2x32x128xf32, #tpu.memory_space<vmem>> -> memref<1x32x128xf32, #tpu.memory_space<vmem>>
      %dma_start3A_2542 = tpu.memref_squeeze %dma_start3A_2541 : memref<1x32x128xf32, #tpu.memory_space<vmem>> -> memref<32x128xf32, #tpu.memory_space<vmem>>
      %dma_start3A_2543 = arith.constant 0 : i32
      %dma_start3A_2544 = tpu.memref_slice %arg5[%dma_start3A_2543, %multiple_of3A_2538] : memref<32x1000000xf32, #tpu.memory_space<hbm>> -> memref<32x128xf32, #tpu.memory_space<hbm>>
      %dma_start3A_2545 = arith.constant 0 : i32
      %dma_start3A_2546 = arith.constant 0 : i32
      %dma_start3A_2547 = tpu.memref_slice %arg25[%scan3A_353, %dma_start3A_2545, %dma_start3A_2546] : memref<2x32x128xf32, #tpu.memory_space<vmem>> -> memref<1x32x128xf32, #tpu.memory_space<vmem>>
      %dma_start3A_2548 = tpu.memref_squeeze %dma_start3A_2547 : memref<1x32x128xf32, #tpu.memory_space<vmem>> -> memref<32x128xf32, #tpu.memory_space<vmem>>
      %dma_start3A_2549 = arith.constant 0 : i32
      %dma_start3A_2550 = tpu.memref_slice %arg5[%dma_start3A_2549, %multiple_of3A_2538] : memref<32x1000000xf32, #tpu.memory_space<hbm>> -> memref<32x128xf32, #tpu.memory_space<hbm>>
      tpu.enqueue_dma source(%dma_start3A_2550 : memref<32x128xf32, #tpu.memory_space<hbm>>) target(%dma_start3A_2548 : memref<32x128xf32, #tpu.memory_space<vmem>>) target_semaphore(%arg18 : memref<!tpu.dma_semaphore, #tpu.memory_space<semaphore_mem>>)
      %dma_wait3A_2551 = arith.constant 0 : i32
      %dma_wait3A_2552 = arith.constant 0 : i32
      %dma_wait3A_2553 = tpu.memref_slice %arg26[%scan3A_354, %dma_wait3A_2551, %dma_wait3A_2552] : memref<2x32x128xf32, #tpu.memory_space<vmem>> -> memref<1x32x128xf32, #tpu.memory_space<vmem>>
      %dma_wait3A_2554 = tpu.memref_squeeze %dma_wait3A_2553 : memref<1x32x128xf32, #tpu.memory_space<vmem>> -> memref<32x128xf32, #tpu.memory_space<vmem>>
      %dma_wait3A_2555 = arith.constant 0 : i32
      %dma_wait3A_2556 = arith.constant 0 : i32
      %dma_wait3A_2557 = tpu.memref_slice %arg4[%dma_wait3A_2555, %dma_wait3A_2556] : memref<32x1000000xf32, #tpu.memory_space<hbm>> -> memref<32x128xf32, #tpu.memory_space<hbm>>
      %dma_wait3A_2558 = arith.constant 0 : i32
      %dma_wait3A_2559 = arith.constant 0 : i32
      %dma_wait3A_2560 = tpu.memref_slice %arg26[%scan3A_354, %dma_wait3A_2558, %dma_wait3A_2559] : memref<2x32x128xf32, #tpu.memory_space<vmem>> -> memref<1x32x128xf32, #tpu.memory_space<vmem>>
      %dma_wait3A_2561 = tpu.memref_squeeze %dma_wait3A_2560 : memref<1x32x128xf32, #tpu.memory_space<vmem>> -> memref<32x128xf32, #tpu.memory_space<vmem>>
      %dma_wait3A_2562 = arith.constant 0 : i32
      %dma_wait3A_2563 = arith.constant 0 : i32
      %dma_wait3A_2564 = tpu.memref_slice %arg4[%dma_wait3A_2562, %dma_wait3A_2563] : memref<32x1000000xf32, #tpu.memory_space<hbm>> -> memref<32x128xf32, #tpu.memory_space<hbm>>
      tpu.wait_dma2 semaphore(%arg17 : memref<!tpu.dma_semaphore, #tpu.memory_space<semaphore_mem>>) src(%dma_wait3A_2564 : memref<32x128xf32, #tpu.memory_space<hbm>>) dst(%dma_wait3A_2561 : memref<32x128xf32, #tpu.memory_space<vmem>>)
      %dma_wait3A_2565 = arith.constant 0 : i32
      %dma_wait3A_2566 = arith.constant 0 : i32
      %dma_wait3A_2567 = tpu.memref_slice %arg26[%scan3A_355, %dma_wait3A_2565, %dma_wait3A_2566] : memref<2x32x128xf32, #tpu.memory_space<vmem>> -> memref<1x32x128xf32, #tpu.memory_space<vmem>>
      %dma_wait3A_2568 = tpu.memref_squeeze %dma_wait3A_2567 : memref<1x32x128xf32, #tpu.memory_space<vmem>> -> memref<32x128xf32, #tpu.memory_space<vmem>>
      %dma_wait3A_2569 = arith.constant 0 : i32
      %dma_wait3A_2570 = arith.constant 0 : i32
      %dma_wait3A_2571 = tpu.memref_slice %arg5[%dma_wait3A_2569, %dma_wait3A_2570] : memref<32x1000000xf32, #tpu.memory_space<hbm>> -> memref<32x128xf32, #tpu.memory_space<hbm>>
      %dma_wait3A_2572 = arith.constant 0 : i32
      %dma_wait3A_2573 = arith.constant 0 : i32
      %dma_wait3A_2574 = tpu.memref_slice %arg26[%scan3A_355, %dma_wait3A_2572, %dma_wait3A_2573] : memref<2x32x128xf32, #tpu.memory_space<vmem>> -> memref<1x32x128xf32, #tpu.memory_space<vmem>>
      %dma_wait3A_2575 = tpu.memref_squeeze %dma_wait3A_2574 : memref<1x32x128xf32, #tpu.memory_space<vmem>> -> memref<32x128xf32, #tpu.memory_space<vmem>>
      %dma_wait3A_2576 = arith.constant 0 : i32
      %dma_wait3A_2577 = arith.constant 0 : i32
      %dma_wait3A_2578 = tpu.memref_slice %arg5[%dma_wait3A_2576, %dma_wait3A_2577] : memref<32x1000000xf32, #tpu.memory_space<hbm>> -> memref<32x128xf32, #tpu.memory_space<hbm>>
      tpu.wait_dma2 semaphore(%arg18 : memref<!tpu.dma_semaphore, #tpu.memory_space<semaphore_mem>>) src(%dma_wait3A_2578 : memref<32x128xf32, #tpu.memory_space<hbm>>) dst(%dma_wait3A_2575 : memref<32x128xf32, #tpu.memory_space<vmem>>)
      %slice3A_2579 = vector.extract_strided_slice %min3A_1445 {offsets = [7], sizes = [1], strides = [1]} : vector<16xi32> to vector<1xi32>
      %squeeze3A_2580 = vector.extract %slice3A_2579[0] : i32 from vector<1xi32>
      %slice3A_2581 = vector.extract_strided_slice %min3A_1455 {offsets = [7], sizes = [1], strides = [1]} : vector<16xi32> to vector<1xi32>
      %squeeze3A_2582 = vector.extract %slice3A_2581[0] : i32 from vector<1xi32>
      %and3A_2583 = arith.constant -128 : i32
      %and3A_2584 = arith.andi %squeeze3A_2580, %and3A_2583 : i32
      %min3A_2585 = arith.constant 999808 : i32
      %min3A_2586 = arith.minsi %and3A_2584, %min3A_2585 : i32
      %sub3A_2587 = arith.subi %squeeze3A_2580, %min3A_2586 : i32
      %min3A_2588 = arith.constant 127 : i32
      %min3A_2589 = arith.minsi %sub3A_2587, %min3A_2588 : i32
      %and3A_2590 = arith.constant -128 : i32
      %and3A_2591 = arith.andi %squeeze3A_2582, %and3A_2590 : i32
      %min3A_2592 = arith.constant 999808 : i32
      %min3A_2593 = arith.minsi %and3A_2591, %min3A_2592 : i32
      %sub3A_2594 = arith.subi %squeeze3A_2582, %min3A_2593 : i32
      %min3A_2595 = arith.constant 127 : i32
      %min3A_2596 = arith.minsi %sub3A_2594, %min3A_2595 : i32
      %broadcast_in_dim3A_2597 = vector.broadcast %min3A_2589 : i32 to vector<16xi32>
      %broadcast_in_dim3A_2598 = vector.broadcast %min3A_2596 : i32 to vector<16xi32>
      %gather3A_2599 = arith.constant 0 : i32
      %gather3A_2600 = arith.constant 0 : i32
      %gather3A_2601 = tpu.memref_slice %arg26[%scan3A_354, %gather3A_2599, %gather3A_2600] : memref<2x32x128xf32, #tpu.memory_space<vmem>> -> memref<1x32x128xf32, #tpu.memory_space<vmem>>
      %gather3A_2602 = tpu.memref_squeeze %gather3A_2601 : memref<1x32x128xf32, #tpu.memory_space<vmem>> -> memref<32x128xf32, #tpu.memory_space<vmem>>
      %gather3A_2603 = tpu.vector_load_idx %gather3A_2602[%iota3A, %broadcast_in_dim3A_2597] : memref<32x128xf32, #tpu.memory_space<vmem>>[vector<16xi32>, vector<16xi32>], vector<16xf32>,
      %add3A_2604 = arith.constant 16 : i32
      %add3A_2605 = vector.broadcast %add3A_2604 : i32 to vector<16xi32>
      %add3A_2606 = arith.addi %iota3A, %add3A_2605 : vector<16xi32>
      %gather3A_2607 = arith.constant 0 : i32
      %gather3A_2608 = arith.constant 0 : i32
      %gather3A_2609 = tpu.memref_slice %arg26[%scan3A_354, %gather3A_2607, %gather3A_2608] : memref<2x32x128xf32, #tpu.memory_space<vmem>> -> memref<1x32x128xf32, #tpu.memory_space<vmem>>
      %gather3A_2610 = tpu.memref_squeeze %gather3A_2609 : memref<1x32x128xf32, #tpu.memory_space<vmem>> -> memref<32x128xf32, #tpu.memory_space<vmem>>
      %gather3A_2611 = tpu.vector_load_idx %gather3A_2610[%add3A_2606, %broadcast_in_dim3A_2597] : memref<32x128xf32, #tpu.memory_space<vmem>>[vector<16xi32>, vector<16xi32>], vector<16xf32>,
      %gather3A_2612 = arith.constant 0 : i32
      %gather3A_2613 = arith.constant 0 : i32
      %gather3A_2614 = tpu.memref_slice %arg26[%scan3A_355, %gather3A_2612, %gather3A_2613] : memref<2x32x128xf32, #tpu.memory_space<vmem>> -> memref<1x32x128xf32, #tpu.memory_space<vmem>>
      %gather3A_2615 = tpu.memref_squeeze %gather3A_2614 : memref<1x32x128xf32, #tpu.memory_space<vmem>> -> memref<32x128xf32, #tpu.memory_space<vmem>>
      %gather3A_2616 = tpu.vector_load_idx %gather3A_2615[%iota3A, %broadcast_in_dim3A_2598] : memref<32x128xf32, #tpu.memory_space<vmem>>[vector<16xi32>, vector<16xi32>], vector<16xf32>,
      %add3A_2617 = arith.constant 16 : i32
      %add3A_2618 = vector.broadcast %add3A_2617 : i32 to vector<16xi32>
      %add3A_2619 = arith.addi %iota3A, %add3A_2618 : vector<16xi32>
      %gather3A_2620 = arith.constant 0 : i32
      %gather3A_2621 = arith.constant 0 : i32
      %gather3A_2622 = tpu.memref_slice %arg26[%scan3A_355, %gather3A_2620, %gather3A_2621] : memref<2x32x128xf32, #tpu.memory_space<vmem>> -> memref<1x32x128xf32, #tpu.memory_space<vmem>>
      %gather3A_2623 = tpu.memref_squeeze %gather3A_2622 : memref<1x32x128xf32, #tpu.memory_space<vmem>> -> memref<32x128xf32, #tpu.memory_space<vmem>>
      %gather3A_2624 = tpu.vector_load_idx %gather3A_2623[%add3A_2619, %broadcast_in_dim3A_2598] : memref<32x128xf32, #tpu.memory_space<vmem>>[vector<16xi32>, vector<16xi32>], vector<16xf32>,
      %sub3A_2625 = arith.constant 999872 : i32
      %sub3A_2626 = arith.subi %squeeze3A_2580, %sub3A_2625 : i32
      %jit3A_2627 = arith.constant 0 : i32
      %jit3A_2628 = arith.constant 127 : i32
      %max3A_2629 = arith.maxsi %jit3A_2627, %sub3A_2626 : i32
      %min3A_2630 = arith.minsi %jit3A_2628, %max3A_2629 : i32
      %broadcast_in_dim3A_2631 = vector.broadcast %min3A_2630 : i32 to vector<16xi32>
      %sub3A_2632 = arith.constant 999872 : i32
      %sub3A_2633 = arith.subi %squeeze3A_2582, %sub3A_2632 : i32
      %jit3A_2634 = arith.constant 0 : i32
      %jit3A_2635 = arith.constant 127 : i32
      %max3A_2636 = arith.maxsi %jit3A_2634, %sub3A_2633 : i32
      %min3A_2637 = arith.minsi %jit3A_2635, %max3A_2636 : i32
      %broadcast_in_dim3A_2638 = vector.broadcast %min3A_2637 : i32 to vector<16xi32>
      %ge3A_2639 = arith.constant 999936 : i32
      %ge3A_2640 = arith.cmpi sge, %squeeze3A_2580, %ge3A_2639 : i32
      %broadcast_in_dim3A_2641 = vector.broadcast %ge3A_2640 : i1 to vector<16xi1>
      %ge3A_2642 = arith.constant 999936 : i32
      %ge3A_2643 = arith.cmpi sge, %squeeze3A_2582, %ge3A_2642 : i32
      %broadcast_in_dim3A_2644 = vector.broadcast %ge3A_2643 : i1 to vector<16xi1>
      %gather3A_2645 = tpu.vector_load_idx %arg12[%iota3A, %broadcast_in_dim3A_2631] : memref<32x128xf32, #tpu.memory_space<vmem>>[vector<16xi32>, vector<16xi32>], vector<16xf32>,
      %select_n3A_2646 = arith.select %broadcast_in_dim3A_2641, %gather3A_2645, %gather3A_2603 : vector<16xi1>, vector<16xf32>
      %add3A_2647 = arith.constant 16 : i32
      %add3A_2648 = vector.broadcast %add3A_2647 : i32 to vector<16xi32>
      %add3A_2649 = arith.addi %iota3A, %add3A_2648 : vector<16xi32>
      %gather3A_2650 = tpu.vector_load_idx %arg12[%add3A_2649, %broadcast_in_dim3A_2631] : memref<32x128xf32, #tpu.memory_space<vmem>>[vector<16xi32>, vector<16xi32>], vector<16xf32>,
      %select_n3A_2651 = arith.select %broadcast_in_dim3A_2641, %gather3A_2650, %gather3A_2611 : vector<16xi1>, vector<16xf32>
      %gather3A_2652 = tpu.vector_load_idx %arg13[%iota3A, %broadcast_in_dim3A_2638] : memref<32x128xf32, #tpu.memory_space<vmem>>[vector<16xi32>, vector<16xi32>], vector<16xf32>,
      %select_n3A_2653 = arith.select %broadcast_in_dim3A_2644, %gather3A_2652, %gather3A_2616 : vector<16xi1>, vector<16xf32>
      %add3A_2654 = arith.constant 16 : i32
      %add3A_2655 = vector.broadcast %add3A_2654 : i32 to vector<16xi32>
      %add3A_2656 = arith.addi %iota3A, %add3A_2655 : vector<16xi32>
      %gather3A_2657 = tpu.vector_load_idx %arg13[%add3A_2656, %broadcast_in_dim3A_2638] : memref<32x128xf32, #tpu.memory_space<vmem>>[vector<16xi32>, vector<16xi32>], vector<16xf32>,
      %select_n3A_2658 = arith.select %broadcast_in_dim3A_2644, %gather3A_2657, %gather3A_2624 : vector<16xi1>, vector<16xf32>
      %mul3A_2659 = arith.mulf %select_n3A_2646, %select_n3A_2653 : vector<16xf32>
      %mul3A_2660 = arith.mulf %mul3A_2659, %get3A_3 : vector<16xf32>
      %mul3A_2661 = arith.mulf %select_n3A_2651, %select_n3A_2658 : vector<16xf32>
      %mul3A_2662 = arith.mulf %mul3A_2661, %get3A_5 : vector<16xf32>
      %add3A_2663 = arith.addf %mul3A_2660, %mul3A_2662 : vector<16xf32>
      %swap3A_2664 = arith.constant 112 : index
      %swap3A_2665 = tpu.vector_load %arg15[%swap3A_2664] {strides = array<i32>} : memref<256xf32, #tpu.memory_space<vmem>>, vector<16xf32>,
      tpu.vector_store %arg15[%swap3A_2664], %add3A_2663 {strides = array<i32>} : memref<256xf32, #tpu.memory_space<vmem>>, vector<16xf32>,
      %slice3A_2666 = vector.extract_strided_slice %min3A_1467 {offsets = [7], sizes = [1], strides = [1]} : vector<16xi32> to vector<1xi32>
      %squeeze3A_2667 = vector.extract %slice3A_2666[0] : i32 from vector<1xi32>
      %slice3A_2668 = vector.extract_strided_slice %min3A_1479 {offsets = [7], sizes = [1], strides = [1]} : vector<16xi32> to vector<1xi32>
      %squeeze3A_2669 = vector.extract %slice3A_2668[0] : i32 from vector<1xi32>
      %and3A_2670 = arith.constant -128 : i32
      %and3A_2671 = arith.andi %squeeze3A_2667, %and3A_2670 : i32
      %min3A_2672 = arith.constant 999808 : i32
      %min3A_2673 = arith.minsi %and3A_2671, %min3A_2672 : i32
      %and3A_2674 = arith.constant -128 : i32
      %and3A_2675 = arith.andi %squeeze3A_2669, %and3A_2674 : i32
      %min3A_2676 = arith.constant 999808 : i32
      %min3A_2677 = arith.minsi %and3A_2675, %min3A_2676 : i32
      %multiple_of3A_2678 = tpu.assume_multiple %min3A_2673, 128 : i32
      %dma_start3A_2679 = arith.constant 0 : i32
      %dma_start3A_2680 = arith.constant 0 : i32
      %dma_start3A_2681 = tpu.memref_slice %arg26[%scan3A_354, %dma_start3A_2679, %dma_start3A_2680] : memref<2x32x128xf32, #tpu.memory_space<vmem>> -> memref<1x32x128xf32, #tpu.memory_space<vmem>>
      %dma_start3A_2682 = tpu.memref_squeeze %dma_start3A_2681 : memref<1x32x128xf32, #tpu.memory_space<vmem>> -> memref<32x128xf32, #tpu.memory_space<vmem>>
      %dma_start3A_2683 = arith.constant 0 : i32
      %dma_start3A_2684 = tpu.memref_slice %arg4[%dma_start3A_2683, %multiple_of3A_2678] : memref<32x1000000xf32, #tpu.memory_space<hbm>> -> memref<32x128xf32, #tpu.memory_space<hbm>>
      %dma_start3A_2685 = arith.constant 0 : i32
      %dma_start3A_2686 = arith.constant 0 : i32
      %dma_start3A_2687 = tpu.memref_slice %arg26[%scan3A_354, %dma_start3A_2685, %dma_start3A_2686] : memref<2x32x128xf32, #tpu.memory_space<vmem>> -> memref<1x32x128xf32, #tpu.memory_space<vmem>>
      %dma_start3A_2688 = tpu.memref_squeeze %dma_start3A_2687 : memref<1x32x128xf32, #tpu.memory_space<vmem>> -> memref<32x128xf32, #tpu.memory_space<vmem>>
      %dma_start3A_2689 = arith.constant 0 : i32
      %dma_start3A_2690 = tpu.memref_slice %arg4[%dma_start3A_2689, %multiple_of3A_2678] : memref<32x1000000xf32, #tpu.memory_space<hbm>> -> memref<32x128xf32, #tpu.memory_space<hbm>>
      tpu.enqueue_dma source(%dma_start3A_2690 : memref<32x128xf32, #tpu.memory_space<hbm>>) target(%dma_start3A_2688 : memref<32x128xf32, #tpu.memory_space<vmem>>) target_semaphore(%arg17 : memref<!tpu.dma_semaphore, #tpu.memory_space<semaphore_mem>>)
      %multiple_of3A_2691 = tpu.assume_multiple %min3A_2677, 128 : i32
      %dma_start3A_2692 = arith.constant 0 : i32
      %dma_start3A_2693 = arith.constant 0 : i32
      %dma_start3A_2694 = tpu.memref_slice %arg26[%scan3A_355, %dma_start3A_2692, %dma_start3A_2693] : memref<2x32x128xf32, #tpu.memory_space<vmem>> -> memref<1x32x128xf32, #tpu.memory_space<vmem>>
      %dma_start3A_2695 = tpu.memref_squeeze %dma_start3A_2694 : memref<1x32x128xf32, #tpu.memory_space<vmem>> -> memref<32x128xf32, #tpu.memory_space<vmem>>
      %dma_start3A_2696 = arith.constant 0 : i32
      %dma_start3A_2697 = tpu.memref_slice %arg5[%dma_start3A_2696, %multiple_of3A_2691] : memref<32x1000000xf32, #tpu.memory_space<hbm>> -> memref<32x128xf32, #tpu.memory_space<hbm>>
      %dma_start3A_2698 = arith.constant 0 : i32
      %dma_start3A_2699 = arith.constant 0 : i32
      %dma_start3A_2700 = tpu.memref_slice %arg26[%scan3A_355, %dma_start3A_2698, %dma_start3A_2699] : memref<2x32x128xf32, #tpu.memory_space<vmem>> -> memref<1x32x128xf32, #tpu.memory_space<vmem>>
      %dma_start3A_2701 = tpu.memref_squeeze %dma_start3A_2700 : memref<1x32x128xf32, #tpu.memory_space<vmem>> -> memref<32x128xf32, #tpu.memory_space<vmem>>
      %dma_start3A_2702 = arith.constant 0 : i32
      %dma_start3A_2703 = tpu.memref_slice %arg5[%dma_start3A_2702, %multiple_of3A_2691] : memref<32x1000000xf32, #tpu.memory_space<hbm>> -> memref<32x128xf32, #tpu.memory_space<hbm>>
      tpu.enqueue_dma source(%dma_start3A_2703 : memref<32x128xf32, #tpu.memory_space<hbm>>) target(%dma_start3A_2701 : memref<32x128xf32, #tpu.memory_space<vmem>>) target_semaphore(%arg18 : memref<!tpu.dma_semaphore, #tpu.memory_space<semaphore_mem>>)
      %broadcast_in_dim3A_2704 = arith.constant 0.000000e+00 : f32
      %broadcast_in_dim3A_2705 = vector.broadcast %broadcast_in_dim3A_2704 : f32 to vector<16xf32>
      %add3A_2706 = arith.constant 0 : i32
      %add3A_2707 = vector.broadcast %add3A_2706 : i32 to vector<16xi32>
      %add3A_2708 = arith.addi %mul3A_10, %add3A_2707 : vector<16xi32>
      %gather3A_2709 = tpu.vector_load_idx %arg15[%add3A_2708] : memref<256xf32, #tpu.memory_space<vmem>>[vector<16xi32>], vector<16xf32>,
      %add3A_2710 = arith.addf %broadcast_in_dim3A_2705, %gather3A_2709 : vector<16xf32>
      %add3A_2711 = arith.constant 1 : i32
      %add3A_2712 = vector.broadcast %add3A_2711 : i32 to vector<16xi32>
      %add3A_2713 = arith.addi %mul3A_10, %add3A_2712 : vector<16xi32>
      %gather3A_2714 = tpu.vector_load_idx %arg15[%add3A_2713] : memref<256xf32, #tpu.memory_space<vmem>>[vector<16xi32>], vector<16xf32>,
      %add3A_2715 = arith.addf %add3A_2710, %gather3A_2714 : vector<16xf32>
      %add3A_2716 = arith.constant 2 : i32
      %add3A_2717 = vector.broadcast %add3A_2716 : i32 to vector<16xi32>
      %add3A_2718 = arith.addi %mul3A_10, %add3A_2717 : vector<16xi32>
      %gather3A_2719 = tpu.vector_load_idx %arg15[%add3A_2718] : memref<256xf32, #tpu.memory_space<vmem>>[vector<16xi32>], vector<16xf32>,
      %add3A_2720 = arith.addf %add3A_2715, %gather3A_2719 : vector<16xf32>
      %add3A_2721 = arith.constant 3 : i32
      %add3A_2722 = vector.broadcast %add3A_2721 : i32 to vector<16xi32>
      %add3A_2723 = arith.addi %mul3A_10, %add3A_2722 : vector<16xi32>
      %gather3A_2724 = tpu.vector_load_idx %arg15[%add3A_2723] : memref<256xf32, #tpu.memory_space<vmem>>[vector<16xi32>], vector<16xf32>,
      %add3A_2725 = arith.addf %add3A_2720, %gather3A_2724 : vector<16xf32>
      %add3A_2726 = arith.constant 4 : i32
      %add3A_2727 = vector.broadcast %add3A_2726 : i32 to vector<16xi32>
      %add3A_2728 = arith.addi %mul3A_10, %add3A_2727 : vector<16xi32>
      %gather3A_2729 = tpu.vector_load_idx %arg15[%add3A_2728] : memref<256xf32, #tpu.memory_space<vmem>>[vector<16xi32>], vector<16xf32>,
      %add3A_2730 = arith.addf %add3A_2725, %gather3A_2729 : vector<16xf32>
      %add3A_2731 = arith.constant 5 : i32
      %add3A_2732 = vector.broadcast %add3A_2731 : i32 to vector<16xi32>
      %add3A_2733 = arith.addi %mul3A_10, %add3A_2732 : vector<16xi32>
      %gather3A_2734 = tpu.vector_load_idx %arg15[%add3A_2733] : memref<256xf32, #tpu.memory_space<vmem>>[vector<16xi32>], vector<16xf32>,
      %add3A_2735 = arith.addf %add3A_2730, %gather3A_2734 : vector<16xf32>
      %add3A_2736 = arith.constant 6 : i32
      %add3A_2737 = vector.broadcast %add3A_2736 : i32 to vector<16xi32>
      %add3A_2738 = arith.addi %mul3A_10, %add3A_2737 : vector<16xi32>
      %gather3A_2739 = tpu.vector_load_idx %arg15[%add3A_2738] : memref<256xf32, #tpu.memory_space<vmem>>[vector<16xi32>], vector<16xf32>,
      %add3A_2740 = arith.addf %add3A_2735, %gather3A_2739 : vector<16xf32>
      %add3A_2741 = arith.constant 7 : i32
      %add3A_2742 = vector.broadcast %add3A_2741 : i32 to vector<16xi32>
      %add3A_2743 = arith.addi %mul3A_10, %add3A_2742 : vector<16xi32>
      %gather3A_2744 = tpu.vector_load_idx %arg15[%add3A_2743] : memref<256xf32, #tpu.memory_space<vmem>>[vector<16xi32>], vector<16xf32>,
      %add3A_2745 = arith.addf %add3A_2740, %gather3A_2744 : vector<16xf32>
      %add3A_2746 = arith.constant 8 : i32
      %add3A_2747 = vector.broadcast %add3A_2746 : i32 to vector<16xi32>
      %add3A_2748 = arith.addi %mul3A_10, %add3A_2747 : vector<16xi32>
      %gather3A_2749 = tpu.vector_load_idx %arg15[%add3A_2748] : memref<256xf32, #tpu.memory_space<vmem>>[vector<16xi32>], vector<16xf32>,
      %add3A_2750 = arith.addf %add3A_2745, %gather3A_2749 : vector<16xf32>
      %add3A_2751 = arith.constant 9 : i32
      %add3A_2752 = vector.broadcast %add3A_2751 : i32 to vector<16xi32>
      %add3A_2753 = arith.addi %mul3A_10, %add3A_2752 : vector<16xi32>
      %gather3A_2754 = tpu.vector_load_idx %arg15[%add3A_2753] : memref<256xf32, #tpu.memory_space<vmem>>[vector<16xi32>], vector<16xf32>,
      %add3A_2755 = arith.addf %add3A_2750, %gather3A_2754 : vector<16xf32>
      %add3A_2756 = arith.constant 10 : i32
      %add3A_2757 = vector.broadcast %add3A_2756 : i32 to vector<16xi32>
      %add3A_2758 = arith.addi %mul3A_10, %add3A_2757 : vector<16xi32>
      %gather3A_2759 = tpu.vector_load_idx %arg15[%add3A_2758] : memref<256xf32, #tpu.memory_space<vmem>>[vector<16xi32>], vector<16xf32>,
      %add3A_2760 = arith.addf %add3A_2755, %gather3A_2759 : vector<16xf32>
      %add3A_2761 = arith.constant 11 : i32
      %add3A_2762 = vector.broadcast %add3A_2761 : i32 to vector<16xi32>
      %add3A_2763 = arith.addi %mul3A_10, %add3A_2762 : vector<16xi32>
      %gather3A_2764 = tpu.vector_load_idx %arg15[%add3A_2763] : memref<256xf32, #tpu.memory_space<vmem>>[vector<16xi32>], vector<16xf32>,
      %add3A_2765 = arith.addf %add3A_2760, %gather3A_2764 : vector<16xf32>
      %add3A_2766 = arith.constant 12 : i32
      %add3A_2767 = vector.broadcast %add3A_2766 : i32 to vector<16xi32>
      %add3A_2768 = arith.addi %mul3A_10, %add3A_2767 : vector<16xi32>
      %gather3A_2769 = tpu.vector_load_idx %arg15[%add3A_2768] : memref<256xf32, #tpu.memory_space<vmem>>[vector<16xi32>], vector<16xf32>,
      %add3A_2770 = arith.addf %add3A_2765, %gather3A_2769 : vector<16xf32>
      %add3A_2771 = arith.constant 13 : i32
      %add3A_2772 = vector.broadcast %add3A_2771 : i32 to vector<16xi32>
      %add3A_2773 = arith.addi %mul3A_10, %add3A_2772 : vector<16xi32>
      %gather3A_2774 = tpu.vector_load_idx %arg15[%add3A_2773] : memref<256xf32, #tpu.memory_space<vmem>>[vector<16xi32>], vector<16xf32>,
      %add3A_2775 = arith.addf %add3A_2770, %gather3A_2774 : vector<16xf32>
      %add3A_2776 = arith.constant 14 : i32
      %add3A_2777 = vector.broadcast %add3A_2776 : i32 to vector<16xi32>
      %add3A_2778 = arith.addi %mul3A_10, %add3A_2777 : vector<16xi32>
      %gather3A_2779 = tpu.vector_load_idx %arg15[%add3A_2778] : memref<256xf32, #tpu.memory_space<vmem>>[vector<16xi32>], vector<16xf32>,
      %add3A_2780 = arith.addf %add3A_2775, %gather3A_2779 : vector<16xf32>
      %add3A_2781 = arith.constant 15 : i32
      %add3A_2782 = vector.broadcast %add3A_2781 : i32 to vector<16xi32>
      %add3A_2783 = arith.addi %mul3A_10, %add3A_2782 : vector<16xi32>
      %gather3A_2784 = tpu.vector_load_idx %arg15[%add3A_2783] : memref<256xf32, #tpu.memory_space<vmem>>[vector<16xi32>], vector<16xf32>,
      %add3A_2785 = arith.addf %add3A_2780, %gather3A_2784 : vector<16xf32>
      %add3A_2786 = vector.broadcast %squeeze3A : f32 to vector<16xf32>
      %add3A_2787 = arith.addf %add3A_2785, %add3A_2786 : vector<16xf32>
      %neg3A_2788 = arith.constant 0.000000e+00 : f32
      %neg3A_2789 = vector.broadcast %neg3A_2788 : f32 to vector<16xf32>
      %neg3A_2790 = arith.subf %neg3A_2789, %add3A_2787 : vector<16xf32>
      %exp3A_2791 = math.exp %neg3A_2790 : vector<16xf32>
      %add3A_2792 = arith.constant 1.000000e+00 : f32
      %add3A_2793 = vector.broadcast %add3A_2792 : f32 to vector<16xf32>
      %add3A_2794 = arith.addf %add3A_2793, %exp3A_2791 : vector<16xf32>
      %div3A_2795 = arith.constant 1.000000e+00 : f32
      %div3A_2796 = vector.broadcast %div3A_2795 : f32 to vector<16xf32>
      %div3A_2797 = arith.divf %div3A_2796, %add3A_2794 : vector<16xf32>
      %mul3A_2798 = arith.constant 8 : i32
      %mul3A_2799 = arith.muli %add3A_1435, %mul3A_2798 : i32
      %swap3A_2800 = arith.index_cast %mul3A_2799 : i32 to index
      %swap3A_2801 = tpu.vector_load %arg16[%swap3A_2800] {strides = array<i32>} : memref<520xf32, #tpu.memory_space<vmem>>, vector<16xf32>,
      tpu.vector_store %arg16[%swap3A_2800], %div3A_2797 {strides = array<i32>} : memref<520xf32, #tpu.memory_space<vmem>>, vector<16xf32>,
    }
    %scan3A_360 = arith.constant 63 : i32
    %get3A_361 = arith.constant 504 : index
    %get3A_362 = tpu.vector_load %arg10[%get3A_361] {strides = array<i32>} : memref<528xi32, #tpu.memory_space<vmem>>, vector<16xi32>,
    %jit3A_363 = arith.constant 0 : i32
    %jit3A_364 = arith.constant 999999 : i32
    %max3A_365 = vector.broadcast %jit3A_363 : i32 to vector<16xi32>
    %max3A_366 = arith.maxsi %max3A_365, %get3A_362 : vector<16xi32>
    %min3A_367 = vector.broadcast %jit3A_364 : i32 to vector<16xi32>
    %min3A_368 = arith.minsi %min3A_367, %max3A_366 : vector<16xi32>
    %get3A_369 = arith.constant 504 : index
    %get3A_370 = tpu.vector_load %arg11[%get3A_369] {strides = array<i32>} : memref<528xi32, #tpu.memory_space<vmem>>, vector<16xi32>,
    %jit3A_371 = arith.constant 0 : i32
    %jit3A_372 = arith.constant 999999 : i32
    %max3A_373 = vector.broadcast %jit3A_371 : i32 to vector<16xi32>
    %max3A_374 = arith.maxsi %max3A_373, %get3A_370 : vector<16xi32>
    %min3A_375 = vector.broadcast %jit3A_372 : i32 to vector<16xi32>
    %min3A_376 = arith.minsi %min3A_375, %max3A_374 : vector<16xi32>
    %dma_wait3A = arith.constant 0 : i32
    %dma_wait3A_377 = arith.constant 0 : i32
    %dma_wait3A_378 = arith.constant 0 : i32
    %dma_wait3A_379 = tpu.memref_slice %arg19[%dma_wait3A, %dma_wait3A_377, %dma_wait3A_378] : memref<2x32x128xf32, #tpu.memory_space<vmem>> -> memref<1x32x128xf32, #tpu.memory_space<vmem>>
    %dma_wait3A_380 = tpu.memref_squeeze %dma_wait3A_379 : memref<1x32x128xf32, #tpu.memory_space<vmem>> -> memref<32x128xf32, #tpu.memory_space<vmem>>
    %dma_wait3A_381 = arith.constant 0 : i32
    %dma_wait3A_382 = arith.constant 0 : i32
    %dma_wait3A_383 = tpu.memref_slice %arg4[%dma_wait3A_381, %dma_wait3A_382] : memref<32x1000000xf32, #tpu.memory_space<hbm>> -> memref<32x128xf32, #tpu.memory_space<hbm>>
    %dma_wait3A_384 = arith.constant 0 : i32
    %dma_wait3A_385 = arith.constant 0 : i32
    %dma_wait3A_386 = tpu.memref_slice %arg19[%dma_wait3A, %dma_wait3A_384, %dma_wait3A_385] : memref<2x32x128xf32, #tpu.memory_space<vmem>> -> memref<1x32x128xf32, #tpu.memory_space<vmem>>
    %dma_wait3A_387 = tpu.memref_squeeze %dma_wait3A_386 : memref<1x32x128xf32, #tpu.memory_space<vmem>> -> memref<32x128xf32, #tpu.memory_space<vmem>>
    %dma_wait3A_388 = arith.constant 0 : i32
    %dma_wait3A_389 = arith.constant 0 : i32
    %dma_wait3A_390 = tpu.memref_slice %arg4[%dma_wait3A_388, %dma_wait3A_389] : memref<32x1000000xf32, #tpu.memory_space<hbm>> -> memref<32x128xf32, #tpu.memory_space<hbm>>
    tpu.wait_dma2 semaphore(%arg17 : memref<!tpu.dma_semaphore, #tpu.memory_space<semaphore_mem>>) src(%dma_wait3A_390 : memref<32x128xf32, #tpu.memory_space<hbm>>) dst(%dma_wait3A_387 : memref<32x128xf32, #tpu.memory_space<vmem>>)
    %dma_wait3A_391 = arith.constant 1 : i32
    %dma_wait3A_392 = arith.constant 0 : i32
    %dma_wait3A_393 = arith.constant 0 : i32
    %dma_wait3A_394 = tpu.memref_slice %arg19[%dma_wait3A_391, %dma_wait3A_392, %dma_wait3A_393] : memref<2x32x128xf32, #tpu.memory_space<vmem>> -> memref<1x32x128xf32, #tpu.memory_space<vmem>>
    %dma_wait3A_395 = tpu.memref_squeeze %dma_wait3A_394 : memref<1x32x128xf32, #tpu.memory_space<vmem>> -> memref<32x128xf32, #tpu.memory_space<vmem>>
    %dma_wait3A_396 = arith.constant 0 : i32
    %dma_wait3A_397 = arith.constant 0 : i32
    %dma_wait3A_398 = tpu.memref_slice %arg5[%dma_wait3A_396, %dma_wait3A_397] : memref<32x1000000xf32, #tpu.memory_space<hbm>> -> memref<32x128xf32, #tpu.memory_space<hbm>>
    %dma_wait3A_399 = arith.constant 0 : i32
    %dma_wait3A_400 = arith.constant 0 : i32
    %dma_wait3A_401 = tpu.memref_slice %arg19[%dma_wait3A_391, %dma_wait3A_399, %dma_wait3A_400] : memref<2x32x128xf32, #tpu.memory_space<vmem>> -> memref<1x32x128xf32, #tpu.memory_space<vmem>>
    %dma_wait3A_402 = tpu.memref_squeeze %dma_wait3A_401 : memref<1x32x128xf32, #tpu.memory_space<vmem>> -> memref<32x128xf32, #tpu.memory_space<vmem>>
    %dma_wait3A_403 = arith.constant 0 : i32
    %dma_wait3A_404 = arith.constant 0 : i32
    %dma_wait3A_405 = tpu.memref_slice %arg5[%dma_wait3A_403, %dma_wait3A_404] : memref<32x1000000xf32, #tpu.memory_space<hbm>> -> memref<32x128xf32, #tpu.memory_space<hbm>>
    tpu.wait_dma2 semaphore(%arg18 : memref<!tpu.dma_semaphore, #tpu.memory_space<semaphore_mem>>) src(%dma_wait3A_405 : memref<32x128xf32, #tpu.memory_space<hbm>>) dst(%dma_wait3A_402 : memref<32x128xf32, #tpu.memory_space<vmem>>)
    %slice3A_406 = vector.extract_strided_slice %min3A_368 {offsets = [0], sizes = [1], strides = [1]} : vector<16xi32> to vector<1xi32>
    %squeeze3A_407 = vector.extract %slice3A_406[0] : i32 from vector<1xi32>
    %slice3A_408 = vector.extract_strided_slice %min3A_376 {offsets = [0], sizes = [1], strides = [1]} : vector<16xi32> to vector<1xi32>
    %squeeze3A_409 = vector.extract %slice3A_408[0] : i32 from vector<1xi32>
    %and3A_410 = arith.constant -128 : i32
    %and3A_411 = arith.andi %squeeze3A_407, %and3A_410 : i32
    %min3A_412 = arith.constant 999808 : i32
    %min3A_413 = arith.minsi %and3A_411, %min3A_412 : i32
    %sub3A = arith.subi %squeeze3A_407, %min3A_413 : i32
    %min3A_414 = arith.constant 127 : i32
    %min3A_415 = arith.minsi %sub3A, %min3A_414 : i32
    %and3A_416 = arith.constant -128 : i32
    %and3A_417 = arith.andi %squeeze3A_409, %and3A_416 : i32
    %min3A_418 = arith.constant 999808 : i32
    %min3A_419 = arith.minsi %and3A_417, %min3A_418 : i32
    %sub3A_420 = arith.subi %squeeze3A_409, %min3A_419 : i32
    %min3A_421 = arith.constant 127 : i32
    %min3A_422 = arith.minsi %sub3A_420, %min3A_421 : i32
    %broadcast_in_dim3A = vector.broadcast %min3A_415 : i32 to vector<16xi32>
    %broadcast_in_dim3A_423 = vector.broadcast %min3A_422 : i32 to vector<16xi32>
    %gather3A = arith.constant 0 : i32
    %gather3A_424 = arith.constant 0 : i32
    %gather3A_425 = arith.constant 0 : i32
    %gather3A_426 = tpu.memref_slice %arg19[%gather3A, %gather3A_424, %gather3A_425] : memref<2x32x128xf32, #tpu.memory_space<vmem>> -> memref<1x32x128xf32, #tpu.memory_space<vmem>>
    %gather3A_427 = tpu.memref_squeeze %gather3A_426 : memref<1x32x128xf32, #tpu.memory_space<vmem>> -> memref<32x128xf32, #tpu.memory_space<vmem>>
    %gather3A_428 = tpu.vector_load_idx %gather3A_427[%iota3A, %broadcast_in_dim3A] : memref<32x128xf32, #tpu.memory_space<vmem>>[vector<16xi32>, vector<16xi32>], vector<16xf32>,
    %add3A_429 = arith.constant 16 : i32
    %add3A_430 = vector.broadcast %add3A_429 : i32 to vector<16xi32>
    %add3A_431 = arith.addi %iota3A, %add3A_430 : vector<16xi32>
    %gather3A_432 = arith.constant 0 : i32
    %gather3A_433 = arith.constant 0 : i32
    %gather3A_434 = arith.constant 0 : i32
    %gather3A_435 = tpu.memref_slice %arg19[%gather3A_432, %gather3A_433, %gather3A_434] : memref<2x32x128xf32, #tpu.memory_space<vmem>> -> memref<1x32x128xf32, #tpu.memory_space<vmem>>
    %gather3A_436 = tpu.memref_squeeze %gather3A_435 : memref<1x32x128xf32, #tpu.memory_space<vmem>> -> memref<32x128xf32, #tpu.memory_space<vmem>>
    %gather3A_437 = tpu.vector_load_idx %gather3A_436[%add3A_431, %broadcast_in_dim3A] : memref<32x128xf32, #tpu.memory_space<vmem>>[vector<16xi32>, vector<16xi32>], vector<16xf32>,
    %gather3A_438 = arith.constant 1 : i32
    %gather3A_439 = arith.constant 0 : i32
    %gather3A_440 = arith.constant 0 : i32
    %gather3A_441 = tpu.memref_slice %arg19[%gather3A_438, %gather3A_439, %gather3A_440] : memref<2x32x128xf32, #tpu.memory_space<vmem>> -> memref<1x32x128xf32, #tpu.memory_space<vmem>>
    %gather3A_442 = tpu.memref_squeeze %gather3A_441 : memref<1x32x128xf32, #tpu.memory_space<vmem>> -> memref<32x128xf32, #tpu.memory_space<vmem>>
    %gather3A_443 = tpu.vector_load_idx %gather3A_442[%iota3A, %broadcast_in_dim3A_423] : memref<32x128xf32, #tpu.memory_space<vmem>>[vector<16xi32>, vector<16xi32>], vector<16xf32>,
    %add3A_444 = arith.constant 16 : i32
    %add3A_445 = vector.broadcast %add3A_444 : i32 to vector<16xi32>
    %add3A_446 = arith.addi %iota3A, %add3A_445 : vector<16xi32>
    %gather3A_447 = arith.constant 1 : i32
    %gather3A_448 = arith.constant 0 : i32
    %gather3A_449 = arith.constant 0 : i32
    %gather3A_450 = tpu.memref_slice %arg19[%gather3A_447, %gather3A_448, %gather3A_449] : memref<2x32x128xf32, #tpu.memory_space<vmem>> -> memref<1x32x128xf32, #tpu.memory_space<vmem>>
    %gather3A_451 = tpu.memref_squeeze %gather3A_450 : memref<1x32x128xf32, #tpu.memory_space<vmem>> -> memref<32x128xf32, #tpu.memory_space<vmem>>
    %gather3A_452 = tpu.vector_load_idx %gather3A_451[%add3A_446, %broadcast_in_dim3A_423] : memref<32x128xf32, #tpu.memory_space<vmem>>[vector<16xi32>, vector<16xi32>], vector<16xf32>,
    %sub3A_453 = arith.constant 999872 : i32
    %sub3A_454 = arith.subi %squeeze3A_407, %sub3A_453 : i32
    %jit3A_455 = arith.constant 0 : i32
    %jit3A_456 = arith.constant 127 : i32
    %max3A_457 = arith.maxsi %jit3A_455, %sub3A_454 : i32
    %min3A_458 = arith.minsi %jit3A_456, %max3A_457 : i32
    %broadcast_in_dim3A_459 = vector.broadcast %min3A_458 : i32 to vector<16xi32>
    %sub3A_460 = arith.constant 999872 : i32
    %sub3A_461 = arith.subi %squeeze3A_409, %sub3A_460 : i32
    %jit3A_462 = arith.constant 0 : i32
    %jit3A_463 = arith.constant 127 : i32
    %max3A_464 = arith.maxsi %jit3A_462, %sub3A_461 : i32
    %min3A_465 = arith.minsi %jit3A_463, %max3A_464 : i32
    %broadcast_in_dim3A_466 = vector.broadcast %min3A_465 : i32 to vector<16xi32>
    %ge3A = arith.constant 999936 : i32
    %ge3A_467 = arith.cmpi sge, %squeeze3A_407, %ge3A : i32
    %broadcast_in_dim3A_468 = vector.broadcast %ge3A_467 : i1 to vector<16xi1>
    %ge3A_469 = arith.constant 999936 : i32
    %ge3A_470 = arith.cmpi sge, %squeeze3A_409, %ge3A_469 : i32
    %broadcast_in_dim3A_471 = vector.broadcast %ge3A_470 : i1 to vector<16xi1>
    %gather3A_472 = tpu.vector_load_idx %arg12[%iota3A, %broadcast_in_dim3A_459] : memref<32x128xf32, #tpu.memory_space<vmem>>[vector<16xi32>, vector<16xi32>], vector<16xf32>,
    %select_n3A = arith.select %broadcast_in_dim3A_468, %gather3A_472, %gather3A_428 : vector<16xi1>, vector<16xf32>
    %add3A_473 = arith.constant 16 : i32
    %add3A_474 = vector.broadcast %add3A_473 : i32 to vector<16xi32>
    %add3A_475 = arith.addi %iota3A, %add3A_474 : vector<16xi32>
    %gather3A_476 = tpu.vector_load_idx %arg12[%add3A_475, %broadcast_in_dim3A_459] : memref<32x128xf32, #tpu.memory_space<vmem>>[vector<16xi32>, vector<16xi32>], vector<16xf32>,
    %select_n3A_477 = arith.select %broadcast_in_dim3A_468, %gather3A_476, %gather3A_437 : vector<16xi1>, vector<16xf32>
    %gather3A_478 = tpu.vector_load_idx %arg13[%iota3A, %broadcast_in_dim3A_466] : memref<32x128xf32, #tpu.memory_space<vmem>>[vector<16xi32>, vector<16xi32>], vector<16xf32>,
    %select_n3A_479 = arith.select %broadcast_in_dim3A_471, %gather3A_478, %gather3A_443 : vector<16xi1>, vector<16xf32>
    %add3A_480 = arith.constant 16 : i32
    %add3A_481 = vector.broadcast %add3A_480 : i32 to vector<16xi32>
    %add3A_482 = arith.addi %iota3A, %add3A_481 : vector<16xi32>
    %gather3A_483 = tpu.vector_load_idx %arg13[%add3A_482, %broadcast_in_dim3A_466] : memref<32x128xf32, #tpu.memory_space<vmem>>[vector<16xi32>, vector<16xi32>], vector<16xf32>,
    %select_n3A_484 = arith.select %broadcast_in_dim3A_471, %gather3A_483, %gather3A_452 : vector<16xi1>, vector<16xf32>
    %mul3A_485 = arith.mulf %select_n3A, %select_n3A_479 : vector<16xf32>
    %mul3A_486 = arith.mulf %mul3A_485, %get3A_3 : vector<16xf32>
    %mul3A_487 = arith.mulf %select_n3A_477, %select_n3A_484 : vector<16xf32>
    %mul3A_488 = arith.mulf %mul3A_487, %get3A_5 : vector<16xf32>
    %add3A_489 = arith.addf %mul3A_486, %mul3A_488 : vector<16xf32>
    %swap3A = arith.constant 0 : index
    %swap3A_490 = tpu.vector_load %arg15[%swap3A] {strides = array<i32>} : memref<256xf32, #tpu.memory_space<vmem>>, vector<16xf32>,
    tpu.vector_store %arg15[%swap3A], %add3A_489 {strides = array<i32>} : memref<256xf32, #tpu.memory_space<vmem>>, vector<16xf32>,
    %dma_wait3A_491 = arith.constant 0 : i32
    %dma_wait3A_492 = arith.constant 0 : i32
    %dma_wait3A_493 = arith.constant 0 : i32
    %dma_wait3A_494 = tpu.memref_slice %arg20[%dma_wait3A_491, %dma_wait3A_492, %dma_wait3A_493] : memref<2x32x128xf32, #tpu.memory_space<vmem>> -> memref<1x32x128xf32, #tpu.memory_space<vmem>>
    %dma_wait3A_495 = tpu.memref_squeeze %dma_wait3A_494 : memref<1x32x128xf32, #tpu.memory_space<vmem>> -> memref<32x128xf32, #tpu.memory_space<vmem>>
    %dma_wait3A_496 = arith.constant 0 : i32
    %dma_wait3A_497 = arith.constant 0 : i32
    %dma_wait3A_498 = tpu.memref_slice %arg4[%dma_wait3A_496, %dma_wait3A_497] : memref<32x1000000xf32, #tpu.memory_space<hbm>> -> memref<32x128xf32, #tpu.memory_space<hbm>>
    %dma_wait3A_499 = arith.constant 0 : i32
    %dma_wait3A_500 = arith.constant 0 : i32
    %dma_wait3A_501 = tpu.memref_slice %arg20[%dma_wait3A_491, %dma_wait3A_499, %dma_wait3A_500] : memref<2x32x128xf32, #tpu.memory_space<vmem>> -> memref<1x32x128xf32, #tpu.memory_space<vmem>>
    %dma_wait3A_502 = tpu.memref_squeeze %dma_wait3A_501 : memref<1x32x128xf32, #tpu.memory_space<vmem>> -> memref<32x128xf32, #tpu.memory_space<vmem>>
    %dma_wait3A_503 = arith.constant 0 : i32
    %dma_wait3A_504 = arith.constant 0 : i32
    %dma_wait3A_505 = tpu.memref_slice %arg4[%dma_wait3A_503, %dma_wait3A_504] : memref<32x1000000xf32, #tpu.memory_space<hbm>> -> memref<32x128xf32, #tpu.memory_space<hbm>>
    tpu.wait_dma2 semaphore(%arg17 : memref<!tpu.dma_semaphore, #tpu.memory_space<semaphore_mem>>) src(%dma_wait3A_505 : memref<32x128xf32, #tpu.memory_space<hbm>>) dst(%dma_wait3A_502 : memref<32x128xf32, #tpu.memory_space<vmem>>)
    %dma_wait3A_506 = arith.constant 1 : i32
    %dma_wait3A_507 = arith.constant 0 : i32
    %dma_wait3A_508 = arith.constant 0 : i32
    %dma_wait3A_509 = tpu.memref_slice %arg20[%dma_wait3A_506, %dma_wait3A_507, %dma_wait3A_508] : memref<2x32x128xf32, #tpu.memory_space<vmem>> -> memref<1x32x128xf32, #tpu.memory_space<vmem>>
    %dma_wait3A_510 = tpu.memref_squeeze %dma_wait3A_509 : memref<1x32x128xf32, #tpu.memory_space<vmem>> -> memref<32x128xf32, #tpu.memory_space<vmem>>
    %dma_wait3A_511 = arith.constant 0 : i32
    %dma_wait3A_512 = arith.constant 0 : i32
    %dma_wait3A_513 = tpu.memref_slice %arg5[%dma_wait3A_511, %dma_wait3A_512] : memref<32x1000000xf32, #tpu.memory_space<hbm>> -> memref<32x128xf32, #tpu.memory_space<hbm>>
    %dma_wait3A_514 = arith.constant 0 : i32
    %dma_wait3A_515 = arith.constant 0 : i32
    %dma_wait3A_516 = tpu.memref_slice %arg20[%dma_wait3A_506, %dma_wait3A_514, %dma_wait3A_515] : memref<2x32x128xf32, #tpu.memory_space<vmem>> -> memref<1x32x128xf32, #tpu.memory_space<vmem>>
    %dma_wait3A_517 = tpu.memref_squeeze %dma_wait3A_516 : memref<1x32x128xf32, #tpu.memory_space<vmem>> -> memref<32x128xf32, #tpu.memory_space<vmem>>
    %dma_wait3A_518 = arith.constant 0 : i32
    %dma_wait3A_519 = arith.constant 0 : i32
    %dma_wait3A_520 = tpu.memref_slice %arg5[%dma_wait3A_518, %dma_wait3A_519] : memref<32x1000000xf32, #tpu.memory_space<hbm>> -> memref<32x128xf32, #tpu.memory_space<hbm>>
    tpu.wait_dma2 semaphore(%arg18 : memref<!tpu.dma_semaphore, #tpu.memory_space<semaphore_mem>>) src(%dma_wait3A_520 : memref<32x128xf32, #tpu.memory_space<hbm>>) dst(%dma_wait3A_517 : memref<32x128xf32, #tpu.memory_space<vmem>>)
    %slice3A_521 = vector.extract_strided_slice %min3A_368 {offsets = [1], sizes = [1], strides = [1]} : vector<16xi32> to vector<1xi32>
    %squeeze3A_522 = vector.extract %slice3A_521[0] : i32 from vector<1xi32>
    %slice3A_523 = vector.extract_strided_slice %min3A_376 {offsets = [1], sizes = [1], strides = [1]} : vector<16xi32> to vector<1xi32>
    %squeeze3A_524 = vector.extract %slice3A_523[0] : i32 from vector<1xi32>
    %and3A_525 = arith.constant -128 : i32
    %and3A_526 = arith.andi %squeeze3A_522, %and3A_525 : i32
    %min3A_527 = arith.constant 999808 : i32
    %min3A_528 = arith.minsi %and3A_526, %min3A_527 : i32
    %sub3A_529 = arith.subi %squeeze3A_522, %min3A_528 : i32
    %min3A_530 = arith.constant 127 : i32
    %min3A_531 = arith.minsi %sub3A_529, %min3A_530 : i32
    %and3A_532 = arith.constant -128 : i32
    %and3A_533 = arith.andi %squeeze3A_524, %and3A_532 : i32
    %min3A_534 = arith.constant 999808 : i32
    %min3A_535 = arith.minsi %and3A_533, %min3A_534 : i32
    %sub3A_536 = arith.subi %squeeze3A_524, %min3A_535 : i32
    %min3A_537 = arith.constant 127 : i32
    %min3A_538 = arith.minsi %sub3A_536, %min3A_537 : i32
    %broadcast_in_dim3A_539 = vector.broadcast %min3A_531 : i32 to vector<16xi32>
    %broadcast_in_dim3A_540 = vector.broadcast %min3A_538 : i32 to vector<16xi32>
    %gather3A_541 = arith.constant 0 : i32
    %gather3A_542 = arith.constant 0 : i32
    %gather3A_543 = arith.constant 0 : i32
    %gather3A_544 = tpu.memref_slice %arg20[%gather3A_541, %gather3A_542, %gather3A_543] : memref<2x32x128xf32, #tpu.memory_space<vmem>> -> memref<1x32x128xf32, #tpu.memory_space<vmem>>
    %gather3A_545 = tpu.memref_squeeze %gather3A_544 : memref<1x32x128xf32, #tpu.memory_space<vmem>> -> memref<32x128xf32, #tpu.memory_space<vmem>>
    %gather3A_546 = tpu.vector_load_idx %gather3A_545[%iota3A, %broadcast_in_dim3A_539] : memref<32x128xf32, #tpu.memory_space<vmem>>[vector<16xi32>, vector<16xi32>], vector<16xf32>,
    %add3A_547 = arith.constant 16 : i32
    %add3A_548 = vector.broadcast %add3A_547 : i32 to vector<16xi32>
    %add3A_549 = arith.addi %iota3A, %add3A_548 : vector<16xi32>
    %gather3A_550 = arith.constant 0 : i32
    %gather3A_551 = arith.constant 0 : i32
    %gather3A_552 = arith.constant 0 : i32
    %gather3A_553 = tpu.memref_slice %arg20[%gather3A_550, %gather3A_551, %gather3A_552] : memref<2x32x128xf32, #tpu.memory_space<vmem>> -> memref<1x32x128xf32, #tpu.memory_space<vmem>>
    %gather3A_554 = tpu.memref_squeeze %gather3A_553 : memref<1x32x128xf32, #tpu.memory_space<vmem>> -> memref<32x128xf32, #tpu.memory_space<vmem>>
    %gather3A_555 = tpu.vector_load_idx %gather3A_554[%add3A_549, %broadcast_in_dim3A_539] : memref<32x128xf32, #tpu.memory_space<vmem>>[vector<16xi32>, vector<16xi32>], vector<16xf32>,
    %gather3A_556 = arith.constant 1 : i32
    %gather3A_557 = arith.constant 0 : i32
    %gather3A_558 = arith.constant 0 : i32
    %gather3A_559 = tpu.memref_slice %arg20[%gather3A_556, %gather3A_557, %gather3A_558] : memref<2x32x128xf32, #tpu.memory_space<vmem>> -> memref<1x32x128xf32, #tpu.memory_space<vmem>>
    %gather3A_560 = tpu.memref_squeeze %gather3A_559 : memref<1x32x128xf32, #tpu.memory_space<vmem>> -> memref<32x128xf32, #tpu.memory_space<vmem>>
    %gather3A_561 = tpu.vector_load_idx %gather3A_560[%iota3A, %broadcast_in_dim3A_540] : memref<32x128xf32, #tpu.memory_space<vmem>>[vector<16xi32>, vector<16xi32>], vector<16xf32>,
    %add3A_562 = arith.constant 16 : i32
    %add3A_563 = vector.broadcast %add3A_562 : i32 to vector<16xi32>
    %add3A_564 = arith.addi %iota3A, %add3A_563 : vector<16xi32>
    %gather3A_565 = arith.constant 1 : i32
    %gather3A_566 = arith.constant 0 : i32
    %gather3A_567 = arith.constant 0 : i32
    %gather3A_568 = tpu.memref_slice %arg20[%gather3A_565, %gather3A_566, %gather3A_567] : memref<2x32x128xf32, #tpu.memory_space<vmem>> -> memref<1x32x128xf32, #tpu.memory_space<vmem>>
    %gather3A_569 = tpu.memref_squeeze %gather3A_568 : memref<1x32x128xf32, #tpu.memory_space<vmem>> -> memref<32x128xf32, #tpu.memory_space<vmem>>
    %gather3A_570 = tpu.vector_load_idx %gather3A_569[%add3A_564, %broadcast_in_dim3A_540] : memref<32x128xf32, #tpu.memory_space<vmem>>[vector<16xi32>, vector<16xi32>], vector<16xf32>,
    %sub3A_571 = arith.constant 999872 : i32
    %sub3A_572 = arith.subi %squeeze3A_522, %sub3A_571 : i32
    %jit3A_573 = arith.constant 0 : i32
    %jit3A_574 = arith.constant 127 : i32
    %max3A_575 = arith.maxsi %jit3A_573, %sub3A_572 : i32
    %min3A_576 = arith.minsi %jit3A_574, %max3A_575 : i32
    %broadcast_in_dim3A_577 = vector.broadcast %min3A_576 : i32 to vector<16xi32>
    %sub3A_578 = arith.constant 999872 : i32
    %sub3A_579 = arith.subi %squeeze3A_524, %sub3A_578 : i32
    %jit3A_580 = arith.constant 0 : i32
    %jit3A_581 = arith.constant 127 : i32
    %max3A_582 = arith.maxsi %jit3A_580, %sub3A_579 : i32
    %min3A_583 = arith.minsi %jit3A_581, %max3A_582 : i32
    %broadcast_in_dim3A_584 = vector.broadcast %min3A_583 : i32 to vector<16xi32>
    %ge3A_585 = arith.constant 999936 : i32
    %ge3A_586 = arith.cmpi sge, %squeeze3A_522, %ge3A_585 : i32
    %broadcast_in_dim3A_587 = vector.broadcast %ge3A_586 : i1 to vector<16xi1>
    %ge3A_588 = arith.constant 999936 : i32
    %ge3A_589 = arith.cmpi sge, %squeeze3A_524, %ge3A_588 : i32
    %broadcast_in_dim3A_590 = vector.broadcast %ge3A_589 : i1 to vector<16xi1>
    %gather3A_591 = tpu.vector_load_idx %arg12[%iota3A, %broadcast_in_dim3A_577] : memref<32x128xf32, #tpu.memory_space<vmem>>[vector<16xi32>, vector<16xi32>], vector<16xf32>,
    %select_n3A_592 = arith.select %broadcast_in_dim3A_587, %gather3A_591, %gather3A_546 : vector<16xi1>, vector<16xf32>
    %add3A_593 = arith.constant 16 : i32
    %add3A_594 = vector.broadcast %add3A_593 : i32 to vector<16xi32>
    %add3A_595 = arith.addi %iota3A, %add3A_594 : vector<16xi32>
    %gather3A_596 = tpu.vector_load_idx %arg12[%add3A_595, %broadcast_in_dim3A_577] : memref<32x128xf32, #tpu.memory_space<vmem>>[vector<16xi32>, vector<16xi32>], vector<16xf32>,
    %select_n3A_597 = arith.select %broadcast_in_dim3A_587, %gather3A_596, %gather3A_555 : vector<16xi1>, vector<16xf32>
    %gather3A_598 = tpu.vector_load_idx %arg13[%iota3A, %broadcast_in_dim3A_584] : memref<32x128xf32, #tpu.memory_space<vmem>>[vector<16xi32>, vector<16xi32>], vector<16xf32>,
    %select_n3A_599 = arith.select %broadcast_in_dim3A_590, %gather3A_598, %gather3A_561 : vector<16xi1>, vector<16xf32>
    %add3A_600 = arith.constant 16 : i32
    %add3A_601 = vector.broadcast %add3A_600 : i32 to vector<16xi32>
    %add3A_602 = arith.addi %iota3A, %add3A_601 : vector<16xi32>
    %gather3A_603 = tpu.vector_load_idx %arg13[%add3A_602, %broadcast_in_dim3A_584] : memref<32x128xf32, #tpu.memory_space<vmem>>[vector<16xi32>, vector<16xi32>], vector<16xf32>,
    %select_n3A_604 = arith.select %broadcast_in_dim3A_590, %gather3A_603, %gather3A_570 : vector<16xi1>, vector<16xf32>
    %mul3A_605 = arith.mulf %select_n3A_592, %select_n3A_599 : vector<16xf32>
    %mul3A_606 = arith.mulf %mul3A_605, %get3A_3 : vector<16xf32>
    %mul3A_607 = arith.mulf %select_n3A_597, %select_n3A_604 : vector<16xf32>
    %mul3A_608 = arith.mulf %mul3A_607, %get3A_5 : vector<16xf32>
    %add3A_609 = arith.addf %mul3A_606, %mul3A_608 : vector<16xf32>
    %swap3A_610 = arith.constant 16 : index
    %swap3A_611 = tpu.vector_load %arg15[%swap3A_610] {strides = array<i32>} : memref<256xf32, #tpu.memory_space<vmem>>, vector<16xf32>,
    tpu.vector_store %arg15[%swap3A_610], %add3A_609 {strides = array<i32>} : memref<256xf32, #tpu.memory_space<vmem>>, vector<16xf32>,
    %dma_wait3A_612 = arith.constant 0 : i32
    %dma_wait3A_613 = arith.constant 0 : i32
    %dma_wait3A_614 = arith.constant 0 : i32
    %dma_wait3A_615 = tpu.memref_slice %arg21[%dma_wait3A_612, %dma_wait3A_613, %dma_wait3A_614] : memref<2x32x128xf32, #tpu.memory_space<vmem>> -> memref<1x32x128xf32, #tpu.memory_space<vmem>>
    %dma_wait3A_616 = tpu.memref_squeeze %dma_wait3A_615 : memref<1x32x128xf32, #tpu.memory_space<vmem>> -> memref<32x128xf32, #tpu.memory_space<vmem>>
    %dma_wait3A_617 = arith.constant 0 : i32
    %dma_wait3A_618 = arith.constant 0 : i32
    %dma_wait3A_619 = tpu.memref_slice %arg4[%dma_wait3A_617, %dma_wait3A_618] : memref<32x1000000xf32, #tpu.memory_space<hbm>> -> memref<32x128xf32, #tpu.memory_space<hbm>>
    %dma_wait3A_620 = arith.constant 0 : i32
    %dma_wait3A_621 = arith.constant 0 : i32
    %dma_wait3A_622 = tpu.memref_slice %arg21[%dma_wait3A_612, %dma_wait3A_620, %dma_wait3A_621] : memref<2x32x128xf32, #tpu.memory_space<vmem>> -> memref<1x32x128xf32, #tpu.memory_space<vmem>>
    %dma_wait3A_623 = tpu.memref_squeeze %dma_wait3A_622 : memref<1x32x128xf32, #tpu.memory_space<vmem>> -> memref<32x128xf32, #tpu.memory_space<vmem>>
    %dma_wait3A_624 = arith.constant 0 : i32
    %dma_wait3A_625 = arith.constant 0 : i32
    %dma_wait3A_626 = tpu.memref_slice %arg4[%dma_wait3A_624, %dma_wait3A_625] : memref<32x1000000xf32, #tpu.memory_space<hbm>> -> memref<32x128xf32, #tpu.memory_space<hbm>>
    tpu.wait_dma2 semaphore(%arg17 : memref<!tpu.dma_semaphore, #tpu.memory_space<semaphore_mem>>) src(%dma_wait3A_626 : memref<32x128xf32, #tpu.memory_space<hbm>>) dst(%dma_wait3A_623 : memref<32x128xf32, #tpu.memory_space<vmem>>)
    %dma_wait3A_627 = arith.constant 1 : i32
    %dma_wait3A_628 = arith.constant 0 : i32
    %dma_wait3A_629 = arith.constant 0 : i32
    %dma_wait3A_630 = tpu.memref_slice %arg21[%dma_wait3A_627, %dma_wait3A_628, %dma_wait3A_629] : memref<2x32x128xf32, #tpu.memory_space<vmem>> -> memref<1x32x128xf32, #tpu.memory_space<vmem>>
    %dma_wait3A_631 = tpu.memref_squeeze %dma_wait3A_630 : memref<1x32x128xf32, #tpu.memory_space<vmem>> -> memref<32x128xf32, #tpu.memory_space<vmem>>
    %dma_wait3A_632 = arith.constant 0 : i32
    %dma_wait3A_633 = arith.constant 0 : i32
    %dma_wait3A_634 = tpu.memref_slice %arg5[%dma_wait3A_632, %dma_wait3A_633] : memref<32x1000000xf32, #tpu.memory_space<hbm>> -> memref<32x128xf32, #tpu.memory_space<hbm>>
    %dma_wait3A_635 = arith.constant 0 : i32
    %dma_wait3A_636 = arith.constant 0 : i32
    %dma_wait3A_637 = tpu.memref_slice %arg21[%dma_wait3A_627, %dma_wait3A_635, %dma_wait3A_636] : memref<2x32x128xf32, #tpu.memory_space<vmem>> -> memref<1x32x128xf32, #tpu.memory_space<vmem>>
    %dma_wait3A_638 = tpu.memref_squeeze %dma_wait3A_637 : memref<1x32x128xf32, #tpu.memory_space<vmem>> -> memref<32x128xf32, #tpu.memory_space<vmem>>
    %dma_wait3A_639 = arith.constant 0 : i32
    %dma_wait3A_640 = arith.constant 0 : i32
    %dma_wait3A_641 = tpu.memref_slice %arg5[%dma_wait3A_639, %dma_wait3A_640] : memref<32x1000000xf32, #tpu.memory_space<hbm>> -> memref<32x128xf32, #tpu.memory_space<hbm>>
    tpu.wait_dma2 semaphore(%arg18 : memref<!tpu.dma_semaphore, #tpu.memory_space<semaphore_mem>>) src(%dma_wait3A_641 : memref<32x128xf32, #tpu.memory_space<hbm>>) dst(%dma_wait3A_638 : memref<32x128xf32, #tpu.memory_space<vmem>>)
    %slice3A_642 = vector.extract_strided_slice %min3A_368 {offsets = [2], sizes = [1], strides = [1]} : vector<16xi32> to vector<1xi32>
    %squeeze3A_643 = vector.extract %slice3A_642[0] : i32 from vector<1xi32>
    %slice3A_644 = vector.extract_strided_slice %min3A_376 {offsets = [2], sizes = [1], strides = [1]} : vector<16xi32> to vector<1xi32>
    %squeeze3A_645 = vector.extract %slice3A_644[0] : i32 from vector<1xi32>
    %and3A_646 = arith.constant -128 : i32
    %and3A_647 = arith.andi %squeeze3A_643, %and3A_646 : i32
    %min3A_648 = arith.constant 999808 : i32
    %min3A_649 = arith.minsi %and3A_647, %min3A_648 : i32
    %sub3A_650 = arith.subi %squeeze3A_643, %min3A_649 : i32
    %min3A_651 = arith.constant 127 : i32
    %min3A_652 = arith.minsi %sub3A_650, %min3A_651 : i32
    %and3A_653 = arith.constant -128 : i32
    %and3A_654 = arith.andi %squeeze3A_645, %and3A_653 : i32
    %min3A_655 = arith.constant 999808 : i32
    %min3A_656 = arith.minsi %and3A_654, %min3A_655 : i32
    %sub3A_657 = arith.subi %squeeze3A_645, %min3A_656 : i32
    %min3A_658 = arith.constant 127 : i32
    %min3A_659 = arith.minsi %sub3A_657, %min3A_658 : i32
    %broadcast_in_dim3A_660 = vector.broadcast %min3A_652 : i32 to vector<16xi32>
    %broadcast_in_dim3A_661 = vector.broadcast %min3A_659 : i32 to vector<16xi32>
    %gather3A_662 = arith.constant 0 : i32
    %gather3A_663 = arith.constant 0 : i32
    %gather3A_664 = arith.constant 0 : i32
    %gather3A_665 = tpu.memref_slice %arg21[%gather3A_662, %gather3A_663, %gather3A_664] : memref<2x32x128xf32, #tpu.memory_space<vmem>> -> memref<1x32x128xf32, #tpu.memory_space<vmem>>
    %gather3A_666 = tpu.memref_squeeze %gather3A_665 : memref<1x32x128xf32, #tpu.memory_space<vmem>> -> memref<32x128xf32, #tpu.memory_space<vmem>>
    %gather3A_667 = tpu.vector_load_idx %gather3A_666[%iota3A, %broadcast_in_dim3A_660] : memref<32x128xf32, #tpu.memory_space<vmem>>[vector<16xi32>, vector<16xi32>], vector<16xf32>,
    %add3A_668 = arith.constant 16 : i32
    %add3A_669 = vector.broadcast %add3A_668 : i32 to vector<16xi32>
    %add3A_670 = arith.addi %iota3A, %add3A_669 : vector<16xi32>
    %gather3A_671 = arith.constant 0 : i32
    %gather3A_672 = arith.constant 0 : i32
    %gather3A_673 = arith.constant 0 : i32
    %gather3A_674 = tpu.memref_slice %arg21[%gather3A_671, %gather3A_672, %gather3A_673] : memref<2x32x128xf32, #tpu.memory_space<vmem>> -> memref<1x32x128xf32, #tpu.memory_space<vmem>>
    %gather3A_675 = tpu.memref_squeeze %gather3A_674 : memref<1x32x128xf32, #tpu.memory_space<vmem>> -> memref<32x128xf32, #tpu.memory_space<vmem>>
    %gather3A_676 = tpu.vector_load_idx %gather3A_675[%add3A_670, %broadcast_in_dim3A_660] : memref<32x128xf32, #tpu.memory_space<vmem>>[vector<16xi32>, vector<16xi32>], vector<16xf32>,
    %gather3A_677 = arith.constant 1 : i32
    %gather3A_678 = arith.constant 0 : i32
    %gather3A_679 = arith.constant 0 : i32
    %gather3A_680 = tpu.memref_slice %arg21[%gather3A_677, %gather3A_678, %gather3A_679] : memref<2x32x128xf32, #tpu.memory_space<vmem>> -> memref<1x32x128xf32, #tpu.memory_space<vmem>>
    %gather3A_681 = tpu.memref_squeeze %gather3A_680 : memref<1x32x128xf32, #tpu.memory_space<vmem>> -> memref<32x128xf32, #tpu.memory_space<vmem>>
    %gather3A_682 = tpu.vector_load_idx %gather3A_681[%iota3A, %broadcast_in_dim3A_661] : memref<32x128xf32, #tpu.memory_space<vmem>>[vector<16xi32>, vector<16xi32>], vector<16xf32>,
    %add3A_683 = arith.constant 16 : i32
    %add3A_684 = vector.broadcast %add3A_683 : i32 to vector<16xi32>
    %add3A_685 = arith.addi %iota3A, %add3A_684 : vector<16xi32>
    %gather3A_686 = arith.constant 1 : i32
    %gather3A_687 = arith.constant 0 : i32
    %gather3A_688 = arith.constant 0 : i32
    %gather3A_689 = tpu.memref_slice %arg21[%gather3A_686, %gather3A_687, %gather3A_688] : memref<2x32x128xf32, #tpu.memory_space<vmem>> -> memref<1x32x128xf32, #tpu.memory_space<vmem>>
    %gather3A_690 = tpu.memref_squeeze %gather3A_689 : memref<1x32x128xf32, #tpu.memory_space<vmem>> -> memref<32x128xf32, #tpu.memory_space<vmem>>
    %gather3A_691 = tpu.vector_load_idx %gather3A_690[%add3A_685, %broadcast_in_dim3A_661] : memref<32x128xf32, #tpu.memory_space<vmem>>[vector<16xi32>, vector<16xi32>], vector<16xf32>,
    %sub3A_692 = arith.constant 999872 : i32
    %sub3A_693 = arith.subi %squeeze3A_643, %sub3A_692 : i32
    %jit3A_694 = arith.constant 0 : i32
    %jit3A_695 = arith.constant 127 : i32
    %max3A_696 = arith.maxsi %jit3A_694, %sub3A_693 : i32
    %min3A_697 = arith.minsi %jit3A_695, %max3A_696 : i32
    %broadcast_in_dim3A_698 = vector.broadcast %min3A_697 : i32 to vector<16xi32>
    %sub3A_699 = arith.constant 999872 : i32
    %sub3A_700 = arith.subi %squeeze3A_645, %sub3A_699 : i32
    %jit3A_701 = arith.constant 0 : i32
    %jit3A_702 = arith.constant 127 : i32
    %max3A_703 = arith.maxsi %jit3A_701, %sub3A_700 : i32
    %min3A_704 = arith.minsi %jit3A_702, %max3A_703 : i32
    %broadcast_in_dim3A_705 = vector.broadcast %min3A_704 : i32 to vector<16xi32>
    %ge3A_706 = arith.constant 999936 : i32
    %ge3A_707 = arith.cmpi sge, %squeeze3A_643, %ge3A_706 : i32
    %broadcast_in_dim3A_708 = vector.broadcast %ge3A_707 : i1 to vector<16xi1>
    %ge3A_709 = arith.constant 999936 : i32
    %ge3A_710 = arith.cmpi sge, %squeeze3A_645, %ge3A_709 : i32
    %broadcast_in_dim3A_711 = vector.broadcast %ge3A_710 : i1 to vector<16xi1>
    %gather3A_712 = tpu.vector_load_idx %arg12[%iota3A, %broadcast_in_dim3A_698] : memref<32x128xf32, #tpu.memory_space<vmem>>[vector<16xi32>, vector<16xi32>], vector<16xf32>,
    %select_n3A_713 = arith.select %broadcast_in_dim3A_708, %gather3A_712, %gather3A_667 : vector<16xi1>, vector<16xf32>
    %add3A_714 = arith.constant 16 : i32
    %add3A_715 = vector.broadcast %add3A_714 : i32 to vector<16xi32>
    %add3A_716 = arith.addi %iota3A, %add3A_715 : vector<16xi32>
    %gather3A_717 = tpu.vector_load_idx %arg12[%add3A_716, %broadcast_in_dim3A_698] : memref<32x128xf32, #tpu.memory_space<vmem>>[vector<16xi32>, vector<16xi32>], vector<16xf32>,
    %select_n3A_718 = arith.select %broadcast_in_dim3A_708, %gather3A_717, %gather3A_676 : vector<16xi1>, vector<16xf32>
    %gather3A_719 = tpu.vector_load_idx %arg13[%iota3A, %broadcast_in_dim3A_705] : memref<32x128xf32, #tpu.memory_space<vmem>>[vector<16xi32>, vector<16xi32>], vector<16xf32>,
    %select_n3A_720 = arith.select %broadcast_in_dim3A_711, %gather3A_719, %gather3A_682 : vector<16xi1>, vector<16xf32>
    %add3A_721 = arith.constant 16 : i32
    %add3A_722 = vector.broadcast %add3A_721 : i32 to vector<16xi32>
    %add3A_723 = arith.addi %iota3A, %add3A_722 : vector<16xi32>
    %gather3A_724 = tpu.vector_load_idx %arg13[%add3A_723, %broadcast_in_dim3A_705] : memref<32x128xf32, #tpu.memory_space<vmem>>[vector<16xi32>, vector<16xi32>], vector<16xf32>,
    %select_n3A_725 = arith.select %broadcast_in_dim3A_711, %gather3A_724, %gather3A_691 : vector<16xi1>, vector<16xf32>
    %mul3A_726 = arith.mulf %select_n3A_713, %select_n3A_720 : vector<16xf32>
    %mul3A_727 = arith.mulf %mul3A_726, %get3A_3 : vector<16xf32>
    %mul3A_728 = arith.mulf %select_n3A_718, %select_n3A_725 : vector<16xf32>
    %mul3A_729 = arith.mulf %mul3A_728, %get3A_5 : vector<16xf32>
    %add3A_730 = arith.addf %mul3A_727, %mul3A_729 : vector<16xf32>
    %swap3A_731 = arith.constant 32 : index
    %swap3A_732 = tpu.vector_load %arg15[%swap3A_731] {strides = array<i32>} : memref<256xf32, #tpu.memory_space<vmem>>, vector<16xf32>,
    tpu.vector_store %arg15[%swap3A_731], %add3A_730 {strides = array<i32>} : memref<256xf32, #tpu.memory_space<vmem>>, vector<16xf32>,
    %dma_wait3A_733 = arith.constant 0 : i32
    %dma_wait3A_734 = arith.constant 0 : i32
    %dma_wait3A_735 = arith.constant 0 : i32
    %dma_wait3A_736 = tpu.memref_slice %arg22[%dma_wait3A_733, %dma_wait3A_734, %dma_wait3A_735] : memref<2x32x128xf32, #tpu.memory_space<vmem>> -> memref<1x32x128xf32, #tpu.memory_space<vmem>>
    %dma_wait3A_737 = tpu.memref_squeeze %dma_wait3A_736 : memref<1x32x128xf32, #tpu.memory_space<vmem>> -> memref<32x128xf32, #tpu.memory_space<vmem>>
    %dma_wait3A_738 = arith.constant 0 : i32
    %dma_wait3A_739 = arith.constant 0 : i32
    %dma_wait3A_740 = tpu.memref_slice %arg4[%dma_wait3A_738, %dma_wait3A_739] : memref<32x1000000xf32, #tpu.memory_space<hbm>> -> memref<32x128xf32, #tpu.memory_space<hbm>>
    %dma_wait3A_741 = arith.constant 0 : i32
    %dma_wait3A_742 = arith.constant 0 : i32
    %dma_wait3A_743 = tpu.memref_slice %arg22[%dma_wait3A_733, %dma_wait3A_741, %dma_wait3A_742] : memref<2x32x128xf32, #tpu.memory_space<vmem>> -> memref<1x32x128xf32, #tpu.memory_space<vmem>>
    %dma_wait3A_744 = tpu.memref_squeeze %dma_wait3A_743 : memref<1x32x128xf32, #tpu.memory_space<vmem>> -> memref<32x128xf32, #tpu.memory_space<vmem>>
    %dma_wait3A_745 = arith.constant 0 : i32
    %dma_wait3A_746 = arith.constant 0 : i32
    %dma_wait3A_747 = tpu.memref_slice %arg4[%dma_wait3A_745, %dma_wait3A_746] : memref<32x1000000xf32, #tpu.memory_space<hbm>> -> memref<32x128xf32, #tpu.memory_space<hbm>>
    tpu.wait_dma2 semaphore(%arg17 : memref<!tpu.dma_semaphore, #tpu.memory_space<semaphore_mem>>) src(%dma_wait3A_747 : memref<32x128xf32, #tpu.memory_space<hbm>>) dst(%dma_wait3A_744 : memref<32x128xf32, #tpu.memory_space<vmem>>)
    %dma_wait3A_748 = arith.constant 1 : i32
    %dma_wait3A_749 = arith.constant 0 : i32
    %dma_wait3A_750 = arith.constant 0 : i32
    %dma_wait3A_751 = tpu.memref_slice %arg22[%dma_wait3A_748, %dma_wait3A_749, %dma_wait3A_750] : memref<2x32x128xf32, #tpu.memory_space<vmem>> -> memref<1x32x128xf32, #tpu.memory_space<vmem>>
    %dma_wait3A_752 = tpu.memref_squeeze %dma_wait3A_751 : memref<1x32x128xf32, #tpu.memory_space<vmem>> -> memref<32x128xf32, #tpu.memory_space<vmem>>
    %dma_wait3A_753 = arith.constant 0 : i32
    %dma_wait3A_754 = arith.constant 0 : i32
    %dma_wait3A_755 = tpu.memref_slice %arg5[%dma_wait3A_753, %dma_wait3A_754] : memref<32x1000000xf32, #tpu.memory_space<hbm>> -> memref<32x128xf32, #tpu.memory_space<hbm>>
    %dma_wait3A_756 = arith.constant 0 : i32
    %dma_wait3A_757 = arith.constant 0 : i32
    %dma_wait3A_758 = tpu.memref_slice %arg22[%dma_wait3A_748, %dma_wait3A_756, %dma_wait3A_757] : memref<2x32x128xf32, #tpu.memory_space<vmem>> -> memref<1x32x128xf32, #tpu.memory_space<vmem>>
    %dma_wait3A_759 = tpu.memref_squeeze %dma_wait3A_758 : memref<1x32x128xf32, #tpu.memory_space<vmem>> -> memref<32x128xf32, #tpu.memory_space<vmem>>
    %dma_wait3A_760 = arith.constant 0 : i32
    %dma_wait3A_761 = arith.constant 0 : i32
    %dma_wait3A_762 = tpu.memref_slice %arg5[%dma_wait3A_760, %dma_wait3A_761] : memref<32x1000000xf32, #tpu.memory_space<hbm>> -> memref<32x128xf32, #tpu.memory_space<hbm>>
    tpu.wait_dma2 semaphore(%arg18 : memref<!tpu.dma_semaphore, #tpu.memory_space<semaphore_mem>>) src(%dma_wait3A_762 : memref<32x128xf32, #tpu.memory_space<hbm>>) dst(%dma_wait3A_759 : memref<32x128xf32, #tpu.memory_space<vmem>>)
    %slice3A_763 = vector.extract_strided_slice %min3A_368 {offsets = [3], sizes = [1], strides = [1]} : vector<16xi32> to vector<1xi32>
    %squeeze3A_764 = vector.extract %slice3A_763[0] : i32 from vector<1xi32>
    %slice3A_765 = vector.extract_strided_slice %min3A_376 {offsets = [3], sizes = [1], strides = [1]} : vector<16xi32> to vector<1xi32>
    %squeeze3A_766 = vector.extract %slice3A_765[0] : i32 from vector<1xi32>
    %and3A_767 = arith.constant -128 : i32
    %and3A_768 = arith.andi %squeeze3A_764, %and3A_767 : i32
    %min3A_769 = arith.constant 999808 : i32
    %min3A_770 = arith.minsi %and3A_768, %min3A_769 : i32
    %sub3A_771 = arith.subi %squeeze3A_764, %min3A_770 : i32
    %min3A_772 = arith.constant 127 : i32
    %min3A_773 = arith.minsi %sub3A_771, %min3A_772 : i32
    %and3A_774 = arith.constant -128 : i32
    %and3A_775 = arith.andi %squeeze3A_766, %and3A_774 : i32
    %min3A_776 = arith.constant 999808 : i32
    %min3A_777 = arith.minsi %and3A_775, %min3A_776 : i32
    %sub3A_778 = arith.subi %squeeze3A_766, %min3A_777 : i32
    %min3A_779 = arith.constant 127 : i32
    %min3A_780 = arith.minsi %sub3A_778, %min3A_779 : i32
    %broadcast_in_dim3A_781 = vector.broadcast %min3A_773 : i32 to vector<16xi32>
    %broadcast_in_dim3A_782 = vector.broadcast %min3A_780 : i32 to vector<16xi32>
    %gather3A_783 = arith.constant 0 : i32
    %gather3A_784 = arith.constant 0 : i32
    %gather3A_785 = arith.constant 0 : i32
    %gather3A_786 = tpu.memref_slice %arg22[%gather3A_783, %gather3A_784, %gather3A_785] : memref<2x32x128xf32, #tpu.memory_space<vmem>> -> memref<1x32x128xf32, #tpu.memory_space<vmem>>
    %gather3A_787 = tpu.memref_squeeze %gather3A_786 : memref<1x32x128xf32, #tpu.memory_space<vmem>> -> memref<32x128xf32, #tpu.memory_space<vmem>>
    %gather3A_788 = tpu.vector_load_idx %gather3A_787[%iota3A, %broadcast_in_dim3A_781] : memref<32x128xf32, #tpu.memory_space<vmem>>[vector<16xi32>, vector<16xi32>], vector<16xf32>,
    %add3A_789 = arith.constant 16 : i32
    %add3A_790 = vector.broadcast %add3A_789 : i32 to vector<16xi32>
    %add3A_791 = arith.addi %iota3A, %add3A_790 : vector<16xi32>
    %gather3A_792 = arith.constant 0 : i32
    %gather3A_793 = arith.constant 0 : i32
    %gather3A_794 = arith.constant 0 : i32
    %gather3A_795 = tpu.memref_slice %arg22[%gather3A_792, %gather3A_793, %gather3A_794] : memref<2x32x128xf32, #tpu.memory_space<vmem>> -> memref<1x32x128xf32, #tpu.memory_space<vmem>>
    %gather3A_796 = tpu.memref_squeeze %gather3A_795 : memref<1x32x128xf32, #tpu.memory_space<vmem>> -> memref<32x128xf32, #tpu.memory_space<vmem>>
    %gather3A_797 = tpu.vector_load_idx %gather3A_796[%add3A_791, %broadcast_in_dim3A_781] : memref<32x128xf32, #tpu.memory_space<vmem>>[vector<16xi32>, vector<16xi32>], vector<16xf32>,
    %gather3A_798 = arith.constant 1 : i32
    %gather3A_799 = arith.constant 0 : i32
    %gather3A_800 = arith.constant 0 : i32
    %gather3A_801 = tpu.memref_slice %arg22[%gather3A_798, %gather3A_799, %gather3A_800] : memref<2x32x128xf32, #tpu.memory_space<vmem>> -> memref<1x32x128xf32, #tpu.memory_space<vmem>>
    %gather3A_802 = tpu.memref_squeeze %gather3A_801 : memref<1x32x128xf32, #tpu.memory_space<vmem>> -> memref<32x128xf32, #tpu.memory_space<vmem>>
    %gather3A_803 = tpu.vector_load_idx %gather3A_802[%iota3A, %broadcast_in_dim3A_782] : memref<32x128xf32, #tpu.memory_space<vmem>>[vector<16xi32>, vector<16xi32>], vector<16xf32>,
    %add3A_804 = arith.constant 16 : i32
    %add3A_805 = vector.broadcast %add3A_804 : i32 to vector<16xi32>
    %add3A_806 = arith.addi %iota3A, %add3A_805 : vector<16xi32>
    %gather3A_807 = arith.constant 1 : i32
    %gather3A_808 = arith.constant 0 : i32
    %gather3A_809 = arith.constant 0 : i32
    %gather3A_810 = tpu.memref_slice %arg22[%gather3A_807, %gather3A_808, %gather3A_809] : memref<2x32x128xf32, #tpu.memory_space<vmem>> -> memref<1x32x128xf32, #tpu.memory_space<vmem>>
    %gather3A_811 = tpu.memref_squeeze %gather3A_810 : memref<1x32x128xf32, #tpu.memory_space<vmem>> -> memref<32x128xf32, #tpu.memory_space<vmem>>
    %gather3A_812 = tpu.vector_load_idx %gather3A_811[%add3A_806, %broadcast_in_dim3A_782] : memref<32x128xf32, #tpu.memory_space<vmem>>[vector<16xi32>, vector<16xi32>], vector<16xf32>,
    %sub3A_813 = arith.constant 999872 : i32
    %sub3A_814 = arith.subi %squeeze3A_764, %sub3A_813 : i32
    %jit3A_815 = arith.constant 0 : i32
    %jit3A_816 = arith.constant 127 : i32
    %max3A_817 = arith.maxsi %jit3A_815, %sub3A_814 : i32
    %min3A_818 = arith.minsi %jit3A_816, %max3A_817 : i32
    %broadcast_in_dim3A_819 = vector.broadcast %min3A_818 : i32 to vector<16xi32>
    %sub3A_820 = arith.constant 999872 : i32
    %sub3A_821 = arith.subi %squeeze3A_766, %sub3A_820 : i32
    %jit3A_822 = arith.constant 0 : i32
    %jit3A_823 = arith.constant 127 : i32
    %max3A_824 = arith.maxsi %jit3A_822, %sub3A_821 : i32
    %min3A_825 = arith.minsi %jit3A_823, %max3A_824 : i32
    %broadcast_in_dim3A_826 = vector.broadcast %min3A_825 : i32 to vector<16xi32>
    %ge3A_827 = arith.constant 999936 : i32
    %ge3A_828 = arith.cmpi sge, %squeeze3A_764, %ge3A_827 : i32
    %broadcast_in_dim3A_829 = vector.broadcast %ge3A_828 : i1 to vector<16xi1>
    %ge3A_830 = arith.constant 999936 : i32
    %ge3A_831 = arith.cmpi sge, %squeeze3A_766, %ge3A_830 : i32
    %broadcast_in_dim3A_832 = vector.broadcast %ge3A_831 : i1 to vector<16xi1>
    %gather3A_833 = tpu.vector_load_idx %arg12[%iota3A, %broadcast_in_dim3A_819] : memref<32x128xf32, #tpu.memory_space<vmem>>[vector<16xi32>, vector<16xi32>], vector<16xf32>,
    %select_n3A_834 = arith.select %broadcast_in_dim3A_829, %gather3A_833, %gather3A_788 : vector<16xi1>, vector<16xf32>
    %add3A_835 = arith.constant 16 : i32
    %add3A_836 = vector.broadcast %add3A_835 : i32 to vector<16xi32>
    %add3A_837 = arith.addi %iota3A, %add3A_836 : vector<16xi32>
    %gather3A_838 = tpu.vector_load_idx %arg12[%add3A_837, %broadcast_in_dim3A_819] : memref<32x128xf32, #tpu.memory_space<vmem>>[vector<16xi32>, vector<16xi32>], vector<16xf32>,
    %select_n3A_839 = arith.select %broadcast_in_dim3A_829, %gather3A_838, %gather3A_797 : vector<16xi1>, vector<16xf32>
    %gather3A_840 = tpu.vector_load_idx %arg13[%iota3A, %broadcast_in_dim3A_826] : memref<32x128xf32, #tpu.memory_space<vmem>>[vector<16xi32>, vector<16xi32>], vector<16xf32>,
    %select_n3A_841 = arith.select %broadcast_in_dim3A_832, %gather3A_840, %gather3A_803 : vector<16xi1>, vector<16xf32>
    %add3A_842 = arith.constant 16 : i32
    %add3A_843 = vector.broadcast %add3A_842 : i32 to vector<16xi32>
    %add3A_844 = arith.addi %iota3A, %add3A_843 : vector<16xi32>
    %gather3A_845 = tpu.vector_load_idx %arg13[%add3A_844, %broadcast_in_dim3A_826] : memref<32x128xf32, #tpu.memory_space<vmem>>[vector<16xi32>, vector<16xi32>], vector<16xf32>,
    %select_n3A_846 = arith.select %broadcast_in_dim3A_832, %gather3A_845, %gather3A_812 : vector<16xi1>, vector<16xf32>
    %mul3A_847 = arith.mulf %select_n3A_834, %select_n3A_841 : vector<16xf32>
    %mul3A_848 = arith.mulf %mul3A_847, %get3A_3 : vector<16xf32>
    %mul3A_849 = arith.mulf %select_n3A_839, %select_n3A_846 : vector<16xf32>
    %mul3A_850 = arith.mulf %mul3A_849, %get3A_5 : vector<16xf32>
    %add3A_851 = arith.addf %mul3A_848, %mul3A_850 : vector<16xf32>
    %swap3A_852 = arith.constant 48 : index
    %swap3A_853 = tpu.vector_load %arg15[%swap3A_852] {strides = array<i32>} : memref<256xf32, #tpu.memory_space<vmem>>, vector<16xf32>,
    tpu.vector_store %arg15[%swap3A_852], %add3A_851 {strides = array<i32>} : memref<256xf32, #tpu.memory_space<vmem>>, vector<16xf32>,
    %dma_wait3A_854 = arith.constant 0 : i32
    %dma_wait3A_855 = arith.constant 0 : i32
    %dma_wait3A_856 = arith.constant 0 : i32
    %dma_wait3A_857 = tpu.memref_slice %arg23[%dma_wait3A_854, %dma_wait3A_855, %dma_wait3A_856] : memref<2x32x128xf32, #tpu.memory_space<vmem>> -> memref<1x32x128xf32, #tpu.memory_space<vmem>>
    %dma_wait3A_858 = tpu.memref_squeeze %dma_wait3A_857 : memref<1x32x128xf32, #tpu.memory_space<vmem>> -> memref<32x128xf32, #tpu.memory_space<vmem>>
    %dma_wait3A_859 = arith.constant 0 : i32
    %dma_wait3A_860 = arith.constant 0 : i32
    %dma_wait3A_861 = tpu.memref_slice %arg4[%dma_wait3A_859, %dma_wait3A_860] : memref<32x1000000xf32, #tpu.memory_space<hbm>> -> memref<32x128xf32, #tpu.memory_space<hbm>>
    %dma_wait3A_862 = arith.constant 0 : i32
    %dma_wait3A_863 = arith.constant 0 : i32
    %dma_wait3A_864 = tpu.memref_slice %arg23[%dma_wait3A_854, %dma_wait3A_862, %dma_wait3A_863] : memref<2x32x128xf32, #tpu.memory_space<vmem>> -> memref<1x32x128xf32, #tpu.memory_space<vmem>>
    %dma_wait3A_865 = tpu.memref_squeeze %dma_wait3A_864 : memref<1x32x128xf32, #tpu.memory_space<vmem>> -> memref<32x128xf32, #tpu.memory_space<vmem>>
    %dma_wait3A_866 = arith.constant 0 : i32
    %dma_wait3A_867 = arith.constant 0 : i32
    %dma_wait3A_868 = tpu.memref_slice %arg4[%dma_wait3A_866, %dma_wait3A_867] : memref<32x1000000xf32, #tpu.memory_space<hbm>> -> memref<32x128xf32, #tpu.memory_space<hbm>>
    tpu.wait_dma2 semaphore(%arg17 : memref<!tpu.dma_semaphore, #tpu.memory_space<semaphore_mem>>) src(%dma_wait3A_868 : memref<32x128xf32, #tpu.memory_space<hbm>>) dst(%dma_wait3A_865 : memref<32x128xf32, #tpu.memory_space<vmem>>)
    %dma_wait3A_869 = arith.constant 1 : i32
    %dma_wait3A_870 = arith.constant 0 : i32
    %dma_wait3A_871 = arith.constant 0 : i32
    %dma_wait3A_872 = tpu.memref_slice %arg23[%dma_wait3A_869, %dma_wait3A_870, %dma_wait3A_871] : memref<2x32x128xf32, #tpu.memory_space<vmem>> -> memref<1x32x128xf32, #tpu.memory_space<vmem>>
    %dma_wait3A_873 = tpu.memref_squeeze %dma_wait3A_872 : memref<1x32x128xf32, #tpu.memory_space<vmem>> -> memref<32x128xf32, #tpu.memory_space<vmem>>
    %dma_wait3A_874 = arith.constant 0 : i32
    %dma_wait3A_875 = arith.constant 0 : i32
    %dma_wait3A_876 = tpu.memref_slice %arg5[%dma_wait3A_874, %dma_wait3A_875] : memref<32x1000000xf32, #tpu.memory_space<hbm>> -> memref<32x128xf32, #tpu.memory_space<hbm>>
    %dma_wait3A_877 = arith.constant 0 : i32
    %dma_wait3A_878 = arith.constant 0 : i32
    %dma_wait3A_879 = tpu.memref_slice %arg23[%dma_wait3A_869, %dma_wait3A_877, %dma_wait3A_878] : memref<2x32x128xf32, #tpu.memory_space<vmem>> -> memref<1x32x128xf32, #tpu.memory_space<vmem>>
    %dma_wait3A_880 = tpu.memref_squeeze %dma_wait3A_879 : memref<1x32x128xf32, #tpu.memory_space<vmem>> -> memref<32x128xf32, #tpu.memory_space<vmem>>
    %dma_wait3A_881 = arith.constant 0 : i32
    %dma_wait3A_882 = arith.constant 0 : i32
    %dma_wait3A_883 = tpu.memref_slice %arg5[%dma_wait3A_881, %dma_wait3A_882] : memref<32x1000000xf32, #tpu.memory_space<hbm>> -> memref<32x128xf32, #tpu.memory_space<hbm>>
    tpu.wait_dma2 semaphore(%arg18 : memref<!tpu.dma_semaphore, #tpu.memory_space<semaphore_mem>>) src(%dma_wait3A_883 : memref<32x128xf32, #tpu.memory_space<hbm>>) dst(%dma_wait3A_880 : memref<32x128xf32, #tpu.memory_space<vmem>>)
    %slice3A_884 = vector.extract_strided_slice %min3A_368 {offsets = [4], sizes = [1], strides = [1]} : vector<16xi32> to vector<1xi32>
    %squeeze3A_885 = vector.extract %slice3A_884[0] : i32 from vector<1xi32>
    %slice3A_886 = vector.extract_strided_slice %min3A_376 {offsets = [4], sizes = [1], strides = [1]} : vector<16xi32> to vector<1xi32>
    %squeeze3A_887 = vector.extract %slice3A_886[0] : i32 from vector<1xi32>
    %and3A_888 = arith.constant -128 : i32
    %and3A_889 = arith.andi %squeeze3A_885, %and3A_888 : i32
    %min3A_890 = arith.constant 999808 : i32
    %min3A_891 = arith.minsi %and3A_889, %min3A_890 : i32
    %sub3A_892 = arith.subi %squeeze3A_885, %min3A_891 : i32
    %min3A_893 = arith.constant 127 : i32
    %min3A_894 = arith.minsi %sub3A_892, %min3A_893 : i32
    %and3A_895 = arith.constant -128 : i32
    %and3A_896 = arith.andi %squeeze3A_887, %and3A_895 : i32
    %min3A_897 = arith.constant 999808 : i32
    %min3A_898 = arith.minsi %and3A_896, %min3A_897 : i32
    %sub3A_899 = arith.subi %squeeze3A_887, %min3A_898 : i32
    %min3A_900 = arith.constant 127 : i32
    %min3A_901 = arith.minsi %sub3A_899, %min3A_900 : i32
    %broadcast_in_dim3A_902 = vector.broadcast %min3A_894 : i32 to vector<16xi32>
    %broadcast_in_dim3A_903 = vector.broadcast %min3A_901 : i32 to vector<16xi32>
    %gather3A_904 = arith.constant 0 : i32
    %gather3A_905 = arith.constant 0 : i32
    %gather3A_906 = arith.constant 0 : i32
    %gather3A_907 = tpu.memref_slice %arg23[%gather3A_904, %gather3A_905, %gather3A_906] : memref<2x32x128xf32, #tpu.memory_space<vmem>> -> memref<1x32x128xf32, #tpu.memory_space<vmem>>
    %gather3A_908 = tpu.memref_squeeze %gather3A_907 : memref<1x32x128xf32, #tpu.memory_space<vmem>> -> memref<32x128xf32, #tpu.memory_space<vmem>>
    %gather3A_909 = tpu.vector_load_idx %gather3A_908[%iota3A, %broadcast_in_dim3A_902] : memref<32x128xf32, #tpu.memory_space<vmem>>[vector<16xi32>, vector<16xi32>], vector<16xf32>,
    %add3A_910 = arith.constant 16 : i32
    %add3A_911 = vector.broadcast %add3A_910 : i32 to vector<16xi32>
    %add3A_912 = arith.addi %iota3A, %add3A_911 : vector<16xi32>
    %gather3A_913 = arith.constant 0 : i32
    %gather3A_914 = arith.constant 0 : i32
    %gather3A_915 = arith.constant 0 : i32
    %gather3A_916 = tpu.memref_slice %arg23[%gather3A_913, %gather3A_914, %gather3A_915] : memref<2x32x128xf32, #tpu.memory_space<vmem>> -> memref<1x32x128xf32, #tpu.memory_space<vmem>>
    %gather3A_917 = tpu.memref_squeeze %gather3A_916 : memref<1x32x128xf32, #tpu.memory_space<vmem>> -> memref<32x128xf32, #tpu.memory_space<vmem>>
    %gather3A_918 = tpu.vector_load_idx %gather3A_917[%add3A_912, %broadcast_in_dim3A_902] : memref<32x128xf32, #tpu.memory_space<vmem>>[vector<16xi32>, vector<16xi32>], vector<16xf32>,
    %gather3A_919 = arith.constant 1 : i32
    %gather3A_920 = arith.constant 0 : i32
    %gather3A_921 = arith.constant 0 : i32
    %gather3A_922 = tpu.memref_slice %arg23[%gather3A_919, %gather3A_920, %gather3A_921] : memref<2x32x128xf32, #tpu.memory_space<vmem>> -> memref<1x32x128xf32, #tpu.memory_space<vmem>>
    %gather3A_923 = tpu.memref_squeeze %gather3A_922 : memref<1x32x128xf32, #tpu.memory_space<vmem>> -> memref<32x128xf32, #tpu.memory_space<vmem>>
    %gather3A_924 = tpu.vector_load_idx %gather3A_923[%iota3A, %broadcast_in_dim3A_903] : memref<32x128xf32, #tpu.memory_space<vmem>>[vector<16xi32>, vector<16xi32>], vector<16xf32>,
    %add3A_925 = arith.constant 16 : i32
    %add3A_926 = vector.broadcast %add3A_925 : i32 to vector<16xi32>
    %add3A_927 = arith.addi %iota3A, %add3A_926 : vector<16xi32>
    %gather3A_928 = arith.constant 1 : i32
    %gather3A_929 = arith.constant 0 : i32
    %gather3A_930 = arith.constant 0 : i32
    %gather3A_931 = tpu.memref_slice %arg23[%gather3A_928, %gather3A_929, %gather3A_930] : memref<2x32x128xf32, #tpu.memory_space<vmem>> -> memref<1x32x128xf32, #tpu.memory_space<vmem>>
    %gather3A_932 = tpu.memref_squeeze %gather3A_931 : memref<1x32x128xf32, #tpu.memory_space<vmem>> -> memref<32x128xf32, #tpu.memory_space<vmem>>
    %gather3A_933 = tpu.vector_load_idx %gather3A_932[%add3A_927, %broadcast_in_dim3A_903] : memref<32x128xf32, #tpu.memory_space<vmem>>[vector<16xi32>, vector<16xi32>], vector<16xf32>,
    %sub3A_934 = arith.constant 999872 : i32
    %sub3A_935 = arith.subi %squeeze3A_885, %sub3A_934 : i32
    %jit3A_936 = arith.constant 0 : i32
    %jit3A_937 = arith.constant 127 : i32
    %max3A_938 = arith.maxsi %jit3A_936, %sub3A_935 : i32
    %min3A_939 = arith.minsi %jit3A_937, %max3A_938 : i32
    %broadcast_in_dim3A_940 = vector.broadcast %min3A_939 : i32 to vector<16xi32>
    %sub3A_941 = arith.constant 999872 : i32
    %sub3A_942 = arith.subi %squeeze3A_887, %sub3A_941 : i32
    %jit3A_943 = arith.constant 0 : i32
    %jit3A_944 = arith.constant 127 : i32
    %max3A_945 = arith.maxsi %jit3A_943, %sub3A_942 : i32
    %min3A_946 = arith.minsi %jit3A_944, %max3A_945 : i32
    %broadcast_in_dim3A_947 = vector.broadcast %min3A_946 : i32 to vector<16xi32>
    %ge3A_948 = arith.constant 999936 : i32
    %ge3A_949 = arith.cmpi sge, %squeeze3A_885, %ge3A_948 : i32
    %broadcast_in_dim3A_950 = vector.broadcast %ge3A_949 : i1 to vector<16xi1>
    %ge3A_951 = arith.constant 999936 : i32
    %ge3A_952 = arith.cmpi sge, %squeeze3A_887, %ge3A_951 : i32
    %broadcast_in_dim3A_953 = vector.broadcast %ge3A_952 : i1 to vector<16xi1>
    %gather3A_954 = tpu.vector_load_idx %arg12[%iota3A, %broadcast_in_dim3A_940] : memref<32x128xf32, #tpu.memory_space<vmem>>[vector<16xi32>, vector<16xi32>], vector<16xf32>,
    %select_n3A_955 = arith.select %broadcast_in_dim3A_950, %gather3A_954, %gather3A_909 : vector<16xi1>, vector<16xf32>
    %add3A_956 = arith.constant 16 : i32
    %add3A_957 = vector.broadcast %add3A_956 : i32 to vector<16xi32>
    %add3A_958 = arith.addi %iota3A, %add3A_957 : vector<16xi32>
    %gather3A_959 = tpu.vector_load_idx %arg12[%add3A_958, %broadcast_in_dim3A_940] : memref<32x128xf32, #tpu.memory_space<vmem>>[vector<16xi32>, vector<16xi32>], vector<16xf32>,
    %select_n3A_960 = arith.select %broadcast_in_dim3A_950, %gather3A_959, %gather3A_918 : vector<16xi1>, vector<16xf32>
    %gather3A_961 = tpu.vector_load_idx %arg13[%iota3A, %broadcast_in_dim3A_947] : memref<32x128xf32, #tpu.memory_space<vmem>>[vector<16xi32>, vector<16xi32>], vector<16xf32>,
    %select_n3A_962 = arith.select %broadcast_in_dim3A_953, %gather3A_961, %gather3A_924 : vector<16xi1>, vector<16xf32>
    %add3A_963 = arith.constant 16 : i32
    %add3A_964 = vector.broadcast %add3A_963 : i32 to vector<16xi32>
    %add3A_965 = arith.addi %iota3A, %add3A_964 : vector<16xi32>
    %gather3A_966 = tpu.vector_load_idx %arg13[%add3A_965, %broadcast_in_dim3A_947] : memref<32x128xf32, #tpu.memory_space<vmem>>[vector<16xi32>, vector<16xi32>], vector<16xf32>,
    %select_n3A_967 = arith.select %broadcast_in_dim3A_953, %gather3A_966, %gather3A_933 : vector<16xi1>, vector<16xf32>
    %mul3A_968 = arith.mulf %select_n3A_955, %select_n3A_962 : vector<16xf32>
    %mul3A_969 = arith.mulf %mul3A_968, %get3A_3 : vector<16xf32>
    %mul3A_970 = arith.mulf %select_n3A_960, %select_n3A_967 : vector<16xf32>
    %mul3A_971 = arith.mulf %mul3A_970, %get3A_5 : vector<16xf32>
    %add3A_972 = arith.addf %mul3A_969, %mul3A_971 : vector<16xf32>
    %swap3A_973 = arith.constant 64 : index
    %swap3A_974 = tpu.vector_load %arg15[%swap3A_973] {strides = array<i32>} : memref<256xf32, #tpu.memory_space<vmem>>, vector<16xf32>,
    tpu.vector_store %arg15[%swap3A_973], %add3A_972 {strides = array<i32>} : memref<256xf32, #tpu.memory_space<vmem>>, vector<16xf32>,
    %dma_wait3A_975 = arith.constant 0 : i32
    %dma_wait3A_976 = arith.constant 0 : i32
    %dma_wait3A_977 = arith.constant 0 : i32
    %dma_wait3A_978 = tpu.memref_slice %arg24[%dma_wait3A_975, %dma_wait3A_976, %dma_wait3A_977] : memref<2x32x128xf32, #tpu.memory_space<vmem>> -> memref<1x32x128xf32, #tpu.memory_space<vmem>>
    %dma_wait3A_979 = tpu.memref_squeeze %dma_wait3A_978 : memref<1x32x128xf32, #tpu.memory_space<vmem>> -> memref<32x128xf32, #tpu.memory_space<vmem>>
    %dma_wait3A_980 = arith.constant 0 : i32
    %dma_wait3A_981 = arith.constant 0 : i32
    %dma_wait3A_982 = tpu.memref_slice %arg4[%dma_wait3A_980, %dma_wait3A_981] : memref<32x1000000xf32, #tpu.memory_space<hbm>> -> memref<32x128xf32, #tpu.memory_space<hbm>>
    %dma_wait3A_983 = arith.constant 0 : i32
    %dma_wait3A_984 = arith.constant 0 : i32
    %dma_wait3A_985 = tpu.memref_slice %arg24[%dma_wait3A_975, %dma_wait3A_983, %dma_wait3A_984] : memref<2x32x128xf32, #tpu.memory_space<vmem>> -> memref<1x32x128xf32, #tpu.memory_space<vmem>>
    %dma_wait3A_986 = tpu.memref_squeeze %dma_wait3A_985 : memref<1x32x128xf32, #tpu.memory_space<vmem>> -> memref<32x128xf32, #tpu.memory_space<vmem>>
    %dma_wait3A_987 = arith.constant 0 : i32
    %dma_wait3A_988 = arith.constant 0 : i32
    %dma_wait3A_989 = tpu.memref_slice %arg4[%dma_wait3A_987, %dma_wait3A_988] : memref<32x1000000xf32, #tpu.memory_space<hbm>> -> memref<32x128xf32, #tpu.memory_space<hbm>>
    tpu.wait_dma2 semaphore(%arg17 : memref<!tpu.dma_semaphore, #tpu.memory_space<semaphore_mem>>) src(%dma_wait3A_989 : memref<32x128xf32, #tpu.memory_space<hbm>>) dst(%dma_wait3A_986 : memref<32x128xf32, #tpu.memory_space<vmem>>)
    %dma_wait3A_990 = arith.constant 1 : i32
    %dma_wait3A_991 = arith.constant 0 : i32
    %dma_wait3A_992 = arith.constant 0 : i32
    %dma_wait3A_993 = tpu.memref_slice %arg24[%dma_wait3A_990, %dma_wait3A_991, %dma_wait3A_992] : memref<2x32x128xf32, #tpu.memory_space<vmem>> -> memref<1x32x128xf32, #tpu.memory_space<vmem>>
    %dma_wait3A_994 = tpu.memref_squeeze %dma_wait3A_993 : memref<1x32x128xf32, #tpu.memory_space<vmem>> -> memref<32x128xf32, #tpu.memory_space<vmem>>
    %dma_wait3A_995 = arith.constant 0 : i32
    %dma_wait3A_996 = arith.constant 0 : i32
    %dma_wait3A_997 = tpu.memref_slice %arg5[%dma_wait3A_995, %dma_wait3A_996] : memref<32x1000000xf32, #tpu.memory_space<hbm>> -> memref<32x128xf32, #tpu.memory_space<hbm>>
    %dma_wait3A_998 = arith.constant 0 : i32
    %dma_wait3A_999 = arith.constant 0 : i32
    %dma_wait3A_1000 = tpu.memref_slice %arg24[%dma_wait3A_990, %dma_wait3A_998, %dma_wait3A_999] : memref<2x32x128xf32, #tpu.memory_space<vmem>> -> memref<1x32x128xf32, #tpu.memory_space<vmem>>
    %dma_wait3A_1001 = tpu.memref_squeeze %dma_wait3A_1000 : memref<1x32x128xf32, #tpu.memory_space<vmem>> -> memref<32x128xf32, #tpu.memory_space<vmem>>
    %dma_wait3A_1002 = arith.constant 0 : i32
    %dma_wait3A_1003 = arith.constant 0 : i32
    %dma_wait3A_1004 = tpu.memref_slice %arg5[%dma_wait3A_1002, %dma_wait3A_1003] : memref<32x1000000xf32, #tpu.memory_space<hbm>> -> memref<32x128xf32, #tpu.memory_space<hbm>>
    tpu.wait_dma2 semaphore(%arg18 : memref<!tpu.dma_semaphore, #tpu.memory_space<semaphore_mem>>) src(%dma_wait3A_1004 : memref<32x128xf32, #tpu.memory_space<hbm>>) dst(%dma_wait3A_1001 : memref<32x128xf32, #tpu.memory_space<vmem>>)
    %slice3A_1005 = vector.extract_strided_slice %min3A_368 {offsets = [5], sizes = [1], strides = [1]} : vector<16xi32> to vector<1xi32>
    %squeeze3A_1006 = vector.extract %slice3A_1005[0] : i32 from vector<1xi32>
    %slice3A_1007 = vector.extract_strided_slice %min3A_376 {offsets = [5], sizes = [1], strides = [1]} : vector<16xi32> to vector<1xi32>
    %squeeze3A_1008 = vector.extract %slice3A_1007[0] : i32 from vector<1xi32>
    %and3A_1009 = arith.constant -128 : i32
    %and3A_1010 = arith.andi %squeeze3A_1006, %and3A_1009 : i32
    %min3A_1011 = arith.constant 999808 : i32
    %min3A_1012 = arith.minsi %and3A_1010, %min3A_1011 : i32
    %sub3A_1013 = arith.subi %squeeze3A_1006, %min3A_1012 : i32
    %min3A_1014 = arith.constant 127 : i32
    %min3A_1015 = arith.minsi %sub3A_1013, %min3A_1014 : i32
    %and3A_1016 = arith.constant -128 : i32
    %and3A_1017 = arith.andi %squeeze3A_1008, %and3A_1016 : i32
    %min3A_1018 = arith.constant 999808 : i32
    %min3A_1019 = arith.minsi %and3A_1017, %min3A_1018 : i32
    %sub3A_1020 = arith.subi %squeeze3A_1008, %min3A_1019 : i32
    %min3A_1021 = arith.constant 127 : i32
    %min3A_1022 = arith.minsi %sub3A_1020, %min3A_1021 : i32
    %broadcast_in_dim3A_1023 = vector.broadcast %min3A_1015 : i32 to vector<16xi32>
    %broadcast_in_dim3A_1024 = vector.broadcast %min3A_1022 : i32 to vector<16xi32>
    %gather3A_1025 = arith.constant 0 : i32
    %gather3A_1026 = arith.constant 0 : i32
    %gather3A_1027 = arith.constant 0 : i32
    %gather3A_1028 = tpu.memref_slice %arg24[%gather3A_1025, %gather3A_1026, %gather3A_1027] : memref<2x32x128xf32, #tpu.memory_space<vmem>> -> memref<1x32x128xf32, #tpu.memory_space<vmem>>
    %gather3A_1029 = tpu.memref_squeeze %gather3A_1028 : memref<1x32x128xf32, #tpu.memory_space<vmem>> -> memref<32x128xf32, #tpu.memory_space<vmem>>
    %gather3A_1030 = tpu.vector_load_idx %gather3A_1029[%iota3A, %broadcast_in_dim3A_1023] : memref<32x128xf32, #tpu.memory_space<vmem>>[vector<16xi32>, vector<16xi32>], vector<16xf32>,
    %add3A_1031 = arith.constant 16 : i32
    %add3A_1032 = vector.broadcast %add3A_1031 : i32 to vector<16xi32>
    %add3A_1033 = arith.addi %iota3A, %add3A_1032 : vector<16xi32>
    %gather3A_1034 = arith.constant 0 : i32
    %gather3A_1035 = arith.constant 0 : i32
    %gather3A_1036 = arith.constant 0 : i32
    %gather3A_1037 = tpu.memref_slice %arg24[%gather3A_1034, %gather3A_1035, %gather3A_1036] : memref<2x32x128xf32, #tpu.memory_space<vmem>> -> memref<1x32x128xf32, #tpu.memory_space<vmem>>
    %gather3A_1038 = tpu.memref_squeeze %gather3A_1037 : memref<1x32x128xf32, #tpu.memory_space<vmem>> -> memref<32x128xf32, #tpu.memory_space<vmem>>
    %gather3A_1039 = tpu.vector_load_idx %gather3A_1038[%add3A_1033, %broadcast_in_dim3A_1023] : memref<32x128xf32, #tpu.memory_space<vmem>>[vector<16xi32>, vector<16xi32>], vector<16xf32>,
    %gather3A_1040 = arith.constant 1 : i32
    %gather3A_1041 = arith.constant 0 : i32
    %gather3A_1042 = arith.constant 0 : i32
    %gather3A_1043 = tpu.memref_slice %arg24[%gather3A_1040, %gather3A_1041, %gather3A_1042] : memref<2x32x128xf32, #tpu.memory_space<vmem>> -> memref<1x32x128xf32, #tpu.memory_space<vmem>>
    %gather3A_1044 = tpu.memref_squeeze %gather3A_1043 : memref<1x32x128xf32, #tpu.memory_space<vmem>> -> memref<32x128xf32, #tpu.memory_space<vmem>>
    %gather3A_1045 = tpu.vector_load_idx %gather3A_1044[%iota3A, %broadcast_in_dim3A_1024] : memref<32x128xf32, #tpu.memory_space<vmem>>[vector<16xi32>, vector<16xi32>], vector<16xf32>,
    %add3A_1046 = arith.constant 16 : i32
    %add3A_1047 = vector.broadcast %add3A_1046 : i32 to vector<16xi32>
    %add3A_1048 = arith.addi %iota3A, %add3A_1047 : vector<16xi32>
    %gather3A_1049 = arith.constant 1 : i32
    %gather3A_1050 = arith.constant 0 : i32
    %gather3A_1051 = arith.constant 0 : i32
    %gather3A_1052 = tpu.memref_slice %arg24[%gather3A_1049, %gather3A_1050, %gather3A_1051] : memref<2x32x128xf32, #tpu.memory_space<vmem>> -> memref<1x32x128xf32, #tpu.memory_space<vmem>>
    %gather3A_1053 = tpu.memref_squeeze %gather3A_1052 : memref<1x32x128xf32, #tpu.memory_space<vmem>> -> memref<32x128xf32, #tpu.memory_space<vmem>>
    %gather3A_1054 = tpu.vector_load_idx %gather3A_1053[%add3A_1048, %broadcast_in_dim3A_1024] : memref<32x128xf32, #tpu.memory_space<vmem>>[vector<16xi32>, vector<16xi32>], vector<16xf32>,
    %sub3A_1055 = arith.constant 999872 : i32
    %sub3A_1056 = arith.subi %squeeze3A_1006, %sub3A_1055 : i32
    %jit3A_1057 = arith.constant 0 : i32
    %jit3A_1058 = arith.constant 127 : i32
    %max3A_1059 = arith.maxsi %jit3A_1057, %sub3A_1056 : i32
    %min3A_1060 = arith.minsi %jit3A_1058, %max3A_1059 : i32
    %broadcast_in_dim3A_1061 = vector.broadcast %min3A_1060 : i32 to vector<16xi32>
    %sub3A_1062 = arith.constant 999872 : i32
    %sub3A_1063 = arith.subi %squeeze3A_1008, %sub3A_1062 : i32
    %jit3A_1064 = arith.constant 0 : i32
    %jit3A_1065 = arith.constant 127 : i32
    %max3A_1066 = arith.maxsi %jit3A_1064, %sub3A_1063 : i32
    %min3A_1067 = arith.minsi %jit3A_1065, %max3A_1066 : i32
    %broadcast_in_dim3A_1068 = vector.broadcast %min3A_1067 : i32 to vector<16xi32>
    %ge3A_1069 = arith.constant 999936 : i32
    %ge3A_1070 = arith.cmpi sge, %squeeze3A_1006, %ge3A_1069 : i32
    %broadcast_in_dim3A_1071 = vector.broadcast %ge3A_1070 : i1 to vector<16xi1>
    %ge3A_1072 = arith.constant 999936 : i32
    %ge3A_1073 = arith.cmpi sge, %squeeze3A_1008, %ge3A_1072 : i32
    %broadcast_in_dim3A_1074 = vector.broadcast %ge3A_1073 : i1 to vector<16xi1>
    %gather3A_1075 = tpu.vector_load_idx %arg12[%iota3A, %broadcast_in_dim3A_1061] : memref<32x128xf32, #tpu.memory_space<vmem>>[vector<16xi32>, vector<16xi32>], vector<16xf32>,
    %select_n3A_1076 = arith.select %broadcast_in_dim3A_1071, %gather3A_1075, %gather3A_1030 : vector<16xi1>, vector<16xf32>
    %add3A_1077 = arith.constant 16 : i32
    %add3A_1078 = vector.broadcast %add3A_1077 : i32 to vector<16xi32>
    %add3A_1079 = arith.addi %iota3A, %add3A_1078 : vector<16xi32>
    %gather3A_1080 = tpu.vector_load_idx %arg12[%add3A_1079, %broadcast_in_dim3A_1061] : memref<32x128xf32, #tpu.memory_space<vmem>>[vector<16xi32>, vector<16xi32>], vector<16xf32>,
    %select_n3A_1081 = arith.select %broadcast_in_dim3A_1071, %gather3A_1080, %gather3A_1039 : vector<16xi1>, vector<16xf32>
    %gather3A_1082 = tpu.vector_load_idx %arg13[%iota3A, %broadcast_in_dim3A_1068] : memref<32x128xf32, #tpu.memory_space<vmem>>[vector<16xi32>, vector<16xi32>], vector<16xf32>,
    %select_n3A_1083 = arith.select %broadcast_in_dim3A_1074, %gather3A_1082, %gather3A_1045 : vector<16xi1>, vector<16xf32>
    %add3A_1084 = arith.constant 16 : i32
    %add3A_1085 = vector.broadcast %add3A_1084 : i32 to vector<16xi32>
    %add3A_1086 = arith.addi %iota3A, %add3A_1085 : vector<16xi32>
    %gather3A_1087 = tpu.vector_load_idx %arg13[%add3A_1086, %broadcast_in_dim3A_1068] : memref<32x128xf32, #tpu.memory_space<vmem>>[vector<16xi32>, vector<16xi32>], vector<16xf32>,
    %select_n3A_1088 = arith.select %broadcast_in_dim3A_1074, %gather3A_1087, %gather3A_1054 : vector<16xi1>, vector<16xf32>
    %mul3A_1089 = arith.mulf %select_n3A_1076, %select_n3A_1083 : vector<16xf32>
    %mul3A_1090 = arith.mulf %mul3A_1089, %get3A_3 : vector<16xf32>
    %mul3A_1091 = arith.mulf %select_n3A_1081, %select_n3A_1088 : vector<16xf32>
    %mul3A_1092 = arith.mulf %mul3A_1091, %get3A_5 : vector<16xf32>
    %add3A_1093 = arith.addf %mul3A_1090, %mul3A_1092 : vector<16xf32>
    %swap3A_1094 = arith.constant 80 : index
    %swap3A_1095 = tpu.vector_load %arg15[%swap3A_1094] {strides = array<i32>} : memref<256xf32, #tpu.memory_space<vmem>>, vector<16xf32>,
    tpu.vector_store %arg15[%swap3A_1094], %add3A_1093 {strides = array<i32>} : memref<256xf32, #tpu.memory_space<vmem>>, vector<16xf32>,
    %dma_wait3A_1096 = arith.constant 0 : i32
    %dma_wait3A_1097 = arith.constant 0 : i32
    %dma_wait3A_1098 = arith.constant 0 : i32
    %dma_wait3A_1099 = tpu.memref_slice %arg25[%dma_wait3A_1096, %dma_wait3A_1097, %dma_wait3A_1098] : memref<2x32x128xf32, #tpu.memory_space<vmem>> -> memref<1x32x128xf32, #tpu.memory_space<vmem>>
    %dma_wait3A_1100 = tpu.memref_squeeze %dma_wait3A_1099 : memref<1x32x128xf32, #tpu.memory_space<vmem>> -> memref<32x128xf32, #tpu.memory_space<vmem>>
    %dma_wait3A_1101 = arith.constant 0 : i32
    %dma_wait3A_1102 = arith.constant 0 : i32
    %dma_wait3A_1103 = tpu.memref_slice %arg4[%dma_wait3A_1101, %dma_wait3A_1102] : memref<32x1000000xf32, #tpu.memory_space<hbm>> -> memref<32x128xf32, #tpu.memory_space<hbm>>
    %dma_wait3A_1104 = arith.constant 0 : i32
    %dma_wait3A_1105 = arith.constant 0 : i32
    %dma_wait3A_1106 = tpu.memref_slice %arg25[%dma_wait3A_1096, %dma_wait3A_1104, %dma_wait3A_1105] : memref<2x32x128xf32, #tpu.memory_space<vmem>> -> memref<1x32x128xf32, #tpu.memory_space<vmem>>
    %dma_wait3A_1107 = tpu.memref_squeeze %dma_wait3A_1106 : memref<1x32x128xf32, #tpu.memory_space<vmem>> -> memref<32x128xf32, #tpu.memory_space<vmem>>
    %dma_wait3A_1108 = arith.constant 0 : i32
    %dma_wait3A_1109 = arith.constant 0 : i32
    %dma_wait3A_1110 = tpu.memref_slice %arg4[%dma_wait3A_1108, %dma_wait3A_1109] : memref<32x1000000xf32, #tpu.memory_space<hbm>> -> memref<32x128xf32, #tpu.memory_space<hbm>>
    tpu.wait_dma2 semaphore(%arg17 : memref<!tpu.dma_semaphore, #tpu.memory_space<semaphore_mem>>) src(%dma_wait3A_1110 : memref<32x128xf32, #tpu.memory_space<hbm>>) dst(%dma_wait3A_1107 : memref<32x128xf32, #tpu.memory_space<vmem>>)
    %dma_wait3A_1111 = arith.constant 1 : i32
    %dma_wait3A_1112 = arith.constant 0 : i32
    %dma_wait3A_1113 = arith.constant 0 : i32
    %dma_wait3A_1114 = tpu.memref_slice %arg25[%dma_wait3A_1111, %dma_wait3A_1112, %dma_wait3A_1113] : memref<2x32x128xf32, #tpu.memory_space<vmem>> -> memref<1x32x128xf32, #tpu.memory_space<vmem>>
    %dma_wait3A_1115 = tpu.memref_squeeze %dma_wait3A_1114 : memref<1x32x128xf32, #tpu.memory_space<vmem>> -> memref<32x128xf32, #tpu.memory_space<vmem>>
    %dma_wait3A_1116 = arith.constant 0 : i32
    %dma_wait3A_1117 = arith.constant 0 : i32
    %dma_wait3A_1118 = tpu.memref_slice %arg5[%dma_wait3A_1116, %dma_wait3A_1117] : memref<32x1000000xf32, #tpu.memory_space<hbm>> -> memref<32x128xf32, #tpu.memory_space<hbm>>
    %dma_wait3A_1119 = arith.constant 0 : i32
    %dma_wait3A_1120 = arith.constant 0 : i32
    %dma_wait3A_1121 = tpu.memref_slice %arg25[%dma_wait3A_1111, %dma_wait3A_1119, %dma_wait3A_1120] : memref<2x32x128xf32, #tpu.memory_space<vmem>> -> memref<1x32x128xf32, #tpu.memory_space<vmem>>
    %dma_wait3A_1122 = tpu.memref_squeeze %dma_wait3A_1121 : memref<1x32x128xf32, #tpu.memory_space<vmem>> -> memref<32x128xf32, #tpu.memory_space<vmem>>
    %dma_wait3A_1123 = arith.constant 0 : i32
    %dma_wait3A_1124 = arith.constant 0 : i32
    %dma_wait3A_1125 = tpu.memref_slice %arg5[%dma_wait3A_1123, %dma_wait3A_1124] : memref<32x1000000xf32, #tpu.memory_space<hbm>> -> memref<32x128xf32, #tpu.memory_space<hbm>>
    tpu.wait_dma2 semaphore(%arg18 : memref<!tpu.dma_semaphore, #tpu.memory_space<semaphore_mem>>) src(%dma_wait3A_1125 : memref<32x128xf32, #tpu.memory_space<hbm>>) dst(%dma_wait3A_1122 : memref<32x128xf32, #tpu.memory_space<vmem>>)
    %slice3A_1126 = vector.extract_strided_slice %min3A_368 {offsets = [6], sizes = [1], strides = [1]} : vector<16xi32> to vector<1xi32>
    %squeeze3A_1127 = vector.extract %slice3A_1126[0] : i32 from vector<1xi32>
    %slice3A_1128 = vector.extract_strided_slice %min3A_376 {offsets = [6], sizes = [1], strides = [1]} : vector<16xi32> to vector<1xi32>
    %squeeze3A_1129 = vector.extract %slice3A_1128[0] : i32 from vector<1xi32>
    %and3A_1130 = arith.constant -128 : i32
    %and3A_1131 = arith.andi %squeeze3A_1127, %and3A_1130 : i32
    %min3A_1132 = arith.constant 999808 : i32
    %min3A_1133 = arith.minsi %and3A_1131, %min3A_1132 : i32
    %sub3A_1134 = arith.subi %squeeze3A_1127, %min3A_1133 : i32
    %min3A_1135 = arith.constant 127 : i32
    %min3A_1136 = arith.minsi %sub3A_1134, %min3A_1135 : i32
    %and3A_1137 = arith.constant -128 : i32
    %and3A_1138 = arith.andi %squeeze3A_1129, %and3A_1137 : i32
    %min3A_1139 = arith.constant 999808 : i32
    %min3A_1140 = arith.minsi %and3A_1138, %min3A_1139 : i32
    %sub3A_1141 = arith.subi %squeeze3A_1129, %min3A_1140 : i32
    %min3A_1142 = arith.constant 127 : i32
    %min3A_1143 = arith.minsi %sub3A_1141, %min3A_1142 : i32
    %broadcast_in_dim3A_1144 = vector.broadcast %min3A_1136 : i32 to vector<16xi32>
    %broadcast_in_dim3A_1145 = vector.broadcast %min3A_1143 : i32 to vector<16xi32>
    %gather3A_1146 = arith.constant 0 : i32
    %gather3A_1147 = arith.constant 0 : i32
    %gather3A_1148 = arith.constant 0 : i32
    %gather3A_1149 = tpu.memref_slice %arg25[%gather3A_1146, %gather3A_1147, %gather3A_1148] : memref<2x32x128xf32, #tpu.memory_space<vmem>> -> memref<1x32x128xf32, #tpu.memory_space<vmem>>
    %gather3A_1150 = tpu.memref_squeeze %gather3A_1149 : memref<1x32x128xf32, #tpu.memory_space<vmem>> -> memref<32x128xf32, #tpu.memory_space<vmem>>
    %gather3A_1151 = tpu.vector_load_idx %gather3A_1150[%iota3A, %broadcast_in_dim3A_1144] : memref<32x128xf32, #tpu.memory_space<vmem>>[vector<16xi32>, vector<16xi32>], vector<16xf32>,
    %add3A_1152 = arith.constant 16 : i32
    %add3A_1153 = vector.broadcast %add3A_1152 : i32 to vector<16xi32>
    %add3A_1154 = arith.addi %iota3A, %add3A_1153 : vector<16xi32>
    %gather3A_1155 = arith.constant 0 : i32
    %gather3A_1156 = arith.constant 0 : i32
    %gather3A_1157 = arith.constant 0 : i32
    %gather3A_1158 = tpu.memref_slice %arg25[%gather3A_1155, %gather3A_1156, %gather3A_1157] : memref<2x32x128xf32, #tpu.memory_space<vmem>> -> memref<1x32x128xf32, #tpu.memory_space<vmem>>
    %gather3A_1159 = tpu.memref_squeeze %gather3A_1158 : memref<1x32x128xf32, #tpu.memory_space<vmem>> -> memref<32x128xf32, #tpu.memory_space<vmem>>
    %gather3A_1160 = tpu.vector_load_idx %gather3A_1159[%add3A_1154, %broadcast_in_dim3A_1144] : memref<32x128xf32, #tpu.memory_space<vmem>>[vector<16xi32>, vector<16xi32>], vector<16xf32>,
    %gather3A_1161 = arith.constant 1 : i32
    %gather3A_1162 = arith.constant 0 : i32
    %gather3A_1163 = arith.constant 0 : i32
    %gather3A_1164 = tpu.memref_slice %arg25[%gather3A_1161, %gather3A_1162, %gather3A_1163] : memref<2x32x128xf32, #tpu.memory_space<vmem>> -> memref<1x32x128xf32, #tpu.memory_space<vmem>>
    %gather3A_1165 = tpu.memref_squeeze %gather3A_1164 : memref<1x32x128xf32, #tpu.memory_space<vmem>> -> memref<32x128xf32, #tpu.memory_space<vmem>>
    %gather3A_1166 = tpu.vector_load_idx %gather3A_1165[%iota3A, %broadcast_in_dim3A_1145] : memref<32x128xf32, #tpu.memory_space<vmem>>[vector<16xi32>, vector<16xi32>], vector<16xf32>,
    %add3A_1167 = arith.constant 16 : i32
    %add3A_1168 = vector.broadcast %add3A_1167 : i32 to vector<16xi32>
    %add3A_1169 = arith.addi %iota3A, %add3A_1168 : vector<16xi32>
    %gather3A_1170 = arith.constant 1 : i32
    %gather3A_1171 = arith.constant 0 : i32
    %gather3A_1172 = arith.constant 0 : i32
    %gather3A_1173 = tpu.memref_slice %arg25[%gather3A_1170, %gather3A_1171, %gather3A_1172] : memref<2x32x128xf32, #tpu.memory_space<vmem>> -> memref<1x32x128xf32, #tpu.memory_space<vmem>>
    %gather3A_1174 = tpu.memref_squeeze %gather3A_1173 : memref<1x32x128xf32, #tpu.memory_space<vmem>> -> memref<32x128xf32, #tpu.memory_space<vmem>>
    %gather3A_1175 = tpu.vector_load_idx %gather3A_1174[%add3A_1169, %broadcast_in_dim3A_1145] : memref<32x128xf32, #tpu.memory_space<vmem>>[vector<16xi32>, vector<16xi32>], vector<16xf32>,
    %sub3A_1176 = arith.constant 999872 : i32
    %sub3A_1177 = arith.subi %squeeze3A_1127, %sub3A_1176 : i32
    %jit3A_1178 = arith.constant 0 : i32
    %jit3A_1179 = arith.constant 127 : i32
    %max3A_1180 = arith.maxsi %jit3A_1178, %sub3A_1177 : i32
    %min3A_1181 = arith.minsi %jit3A_1179, %max3A_1180 : i32
    %broadcast_in_dim3A_1182 = vector.broadcast %min3A_1181 : i32 to vector<16xi32>
    %sub3A_1183 = arith.constant 999872 : i32
    %sub3A_1184 = arith.subi %squeeze3A_1129, %sub3A_1183 : i32
    %jit3A_1185 = arith.constant 0 : i32
    %jit3A_1186 = arith.constant 127 : i32
    %max3A_1187 = arith.maxsi %jit3A_1185, %sub3A_1184 : i32
    %min3A_1188 = arith.minsi %jit3A_1186, %max3A_1187 : i32
    %broadcast_in_dim3A_1189 = vector.broadcast %min3A_1188 : i32 to vector<16xi32>
    %ge3A_1190 = arith.constant 999936 : i32
    %ge3A_1191 = arith.cmpi sge, %squeeze3A_1127, %ge3A_1190 : i32
    %broadcast_in_dim3A_1192 = vector.broadcast %ge3A_1191 : i1 to vector<16xi1>
    %ge3A_1193 = arith.constant 999936 : i32
    %ge3A_1194 = arith.cmpi sge, %squeeze3A_1129, %ge3A_1193 : i32
    %broadcast_in_dim3A_1195 = vector.broadcast %ge3A_1194 : i1 to vector<16xi1>
    %gather3A_1196 = tpu.vector_load_idx %arg12[%iota3A, %broadcast_in_dim3A_1182] : memref<32x128xf32, #tpu.memory_space<vmem>>[vector<16xi32>, vector<16xi32>], vector<16xf32>,
    %select_n3A_1197 = arith.select %broadcast_in_dim3A_1192, %gather3A_1196, %gather3A_1151 : vector<16xi1>, vector<16xf32>
    %add3A_1198 = arith.constant 16 : i32
    %add3A_1199 = vector.broadcast %add3A_1198 : i32 to vector<16xi32>
    %add3A_1200 = arith.addi %iota3A, %add3A_1199 : vector<16xi32>
    %gather3A_1201 = tpu.vector_load_idx %arg12[%add3A_1200, %broadcast_in_dim3A_1182] : memref<32x128xf32, #tpu.memory_space<vmem>>[vector<16xi32>, vector<16xi32>], vector<16xf32>,
    %select_n3A_1202 = arith.select %broadcast_in_dim3A_1192, %gather3A_1201, %gather3A_1160 : vector<16xi1>, vector<16xf32>
    %gather3A_1203 = tpu.vector_load_idx %arg13[%iota3A, %broadcast_in_dim3A_1189] : memref<32x128xf32, #tpu.memory_space<vmem>>[vector<16xi32>, vector<16xi32>], vector<16xf32>,
    %select_n3A_1204 = arith.select %broadcast_in_dim3A_1195, %gather3A_1203, %gather3A_1166 : vector<16xi1>, vector<16xf32>
    %add3A_1205 = arith.constant 16 : i32
    %add3A_1206 = vector.broadcast %add3A_1205 : i32 to vector<16xi32>
    %add3A_1207 = arith.addi %iota3A, %add3A_1206 : vector<16xi32>
    %gather3A_1208 = tpu.vector_load_idx %arg13[%add3A_1207, %broadcast_in_dim3A_1189] : memref<32x128xf32, #tpu.memory_space<vmem>>[vector<16xi32>, vector<16xi32>], vector<16xf32>,
    %select_n3A_1209 = arith.select %broadcast_in_dim3A_1195, %gather3A_1208, %gather3A_1175 : vector<16xi1>, vector<16xf32>
    %mul3A_1210 = arith.mulf %select_n3A_1197, %select_n3A_1204 : vector<16xf32>
    %mul3A_1211 = arith.mulf %mul3A_1210, %get3A_3 : vector<16xf32>
    %mul3A_1212 = arith.mulf %select_n3A_1202, %select_n3A_1209 : vector<16xf32>
    %mul3A_1213 = arith.mulf %mul3A_1212, %get3A_5 : vector<16xf32>
    %add3A_1214 = arith.addf %mul3A_1211, %mul3A_1213 : vector<16xf32>
    %swap3A_1215 = arith.constant 96 : index
    %swap3A_1216 = tpu.vector_load %arg15[%swap3A_1215] {strides = array<i32>} : memref<256xf32, #tpu.memory_space<vmem>>, vector<16xf32>,
    tpu.vector_store %arg15[%swap3A_1215], %add3A_1214 {strides = array<i32>} : memref<256xf32, #tpu.memory_space<vmem>>, vector<16xf32>,
    %dma_wait3A_1217 = arith.constant 0 : i32
    %dma_wait3A_1218 = arith.constant 0 : i32
    %dma_wait3A_1219 = arith.constant 0 : i32
    %dma_wait3A_1220 = tpu.memref_slice %arg26[%dma_wait3A_1217, %dma_wait3A_1218, %dma_wait3A_1219] : memref<2x32x128xf32, #tpu.memory_space<vmem>> -> memref<1x32x128xf32, #tpu.memory_space<vmem>>
    %dma_wait3A_1221 = tpu.memref_squeeze %dma_wait3A_1220 : memref<1x32x128xf32, #tpu.memory_space<vmem>> -> memref<32x128xf32, #tpu.memory_space<vmem>>
    %dma_wait3A_1222 = arith.constant 0 : i32
    %dma_wait3A_1223 = arith.constant 0 : i32
    %dma_wait3A_1224 = tpu.memref_slice %arg4[%dma_wait3A_1222, %dma_wait3A_1223] : memref<32x1000000xf32, #tpu.memory_space<hbm>> -> memref<32x128xf32, #tpu.memory_space<hbm>>
    %dma_wait3A_1225 = arith.constant 0 : i32
    %dma_wait3A_1226 = arith.constant 0 : i32
    %dma_wait3A_1227 = tpu.memref_slice %arg26[%dma_wait3A_1217, %dma_wait3A_1225, %dma_wait3A_1226] : memref<2x32x128xf32, #tpu.memory_space<vmem>> -> memref<1x32x128xf32, #tpu.memory_space<vmem>>
    %dma_wait3A_1228 = tpu.memref_squeeze %dma_wait3A_1227 : memref<1x32x128xf32, #tpu.memory_space<vmem>> -> memref<32x128xf32, #tpu.memory_space<vmem>>
    %dma_wait3A_1229 = arith.constant 0 : i32
    %dma_wait3A_1230 = arith.constant 0 : i32
    %dma_wait3A_1231 = tpu.memref_slice %arg4[%dma_wait3A_1229, %dma_wait3A_1230] : memref<32x1000000xf32, #tpu.memory_space<hbm>> -> memref<32x128xf32, #tpu.memory_space<hbm>>
    tpu.wait_dma2 semaphore(%arg17 : memref<!tpu.dma_semaphore, #tpu.memory_space<semaphore_mem>>) src(%dma_wait3A_1231 : memref<32x128xf32, #tpu.memory_space<hbm>>) dst(%dma_wait3A_1228 : memref<32x128xf32, #tpu.memory_space<vmem>>)
    %dma_wait3A_1232 = arith.constant 1 : i32
    %dma_wait3A_1233 = arith.constant 0 : i32
    %dma_wait3A_1234 = arith.constant 0 : i32
    %dma_wait3A_1235 = tpu.memref_slice %arg26[%dma_wait3A_1232, %dma_wait3A_1233, %dma_wait3A_1234] : memref<2x32x128xf32, #tpu.memory_space<vmem>> -> memref<1x32x128xf32, #tpu.memory_space<vmem>>
    %dma_wait3A_1236 = tpu.memref_squeeze %dma_wait3A_1235 : memref<1x32x128xf32, #tpu.memory_space<vmem>> -> memref<32x128xf32, #tpu.memory_space<vmem>>
    %dma_wait3A_1237 = arith.constant 0 : i32
    %dma_wait3A_1238 = arith.constant 0 : i32
    %dma_wait3A_1239 = tpu.memref_slice %arg5[%dma_wait3A_1237, %dma_wait3A_1238] : memref<32x1000000xf32, #tpu.memory_space<hbm>> -> memref<32x128xf32, #tpu.memory_space<hbm>>
    %dma_wait3A_1240 = arith.constant 0 : i32
    %dma_wait3A_1241 = arith.constant 0 : i32
    %dma_wait3A_1242 = tpu.memref_slice %arg26[%dma_wait3A_1232, %dma_wait3A_1240, %dma_wait3A_1241] : memref<2x32x128xf32, #tpu.memory_space<vmem>> -> memref<1x32x128xf32, #tpu.memory_space<vmem>>
    %dma_wait3A_1243 = tpu.memref_squeeze %dma_wait3A_1242 : memref<1x32x128xf32, #tpu.memory_space<vmem>> -> memref<32x128xf32, #tpu.memory_space<vmem>>
    %dma_wait3A_1244 = arith.constant 0 : i32
    %dma_wait3A_1245 = arith.constant 0 : i32
    %dma_wait3A_1246 = tpu.memref_slice %arg5[%dma_wait3A_1244, %dma_wait3A_1245] : memref<32x1000000xf32, #tpu.memory_space<hbm>> -> memref<32x128xf32, #tpu.memory_space<hbm>>
    tpu.wait_dma2 semaphore(%arg18 : memref<!tpu.dma_semaphore, #tpu.memory_space<semaphore_mem>>) src(%dma_wait3A_1246 : memref<32x128xf32, #tpu.memory_space<hbm>>) dst(%dma_wait3A_1243 : memref<32x128xf32, #tpu.memory_space<vmem>>)
    %slice3A_1247 = vector.extract_strided_slice %min3A_368 {offsets = [7], sizes = [1], strides = [1]} : vector<16xi32> to vector<1xi32>
    %squeeze3A_1248 = vector.extract %slice3A_1247[0] : i32 from vector<1xi32>
    %slice3A_1249 = vector.extract_strided_slice %min3A_376 {offsets = [7], sizes = [1], strides = [1]} : vector<16xi32> to vector<1xi32>
    %squeeze3A_1250 = vector.extract %slice3A_1249[0] : i32 from vector<1xi32>
    %and3A_1251 = arith.constant -128 : i32
    %and3A_1252 = arith.andi %squeeze3A_1248, %and3A_1251 : i32
    %min3A_1253 = arith.constant 999808 : i32
    %min3A_1254 = arith.minsi %and3A_1252, %min3A_1253 : i32
    %sub3A_1255 = arith.subi %squeeze3A_1248, %min3A_1254 : i32
    %min3A_1256 = arith.constant 127 : i32
    %min3A_1257 = arith.minsi %sub3A_1255, %min3A_1256 : i32
    %and3A_1258 = arith.constant -128 : i32
    %and3A_1259 = arith.andi %squeeze3A_1250, %and3A_1258 : i32
    %min3A_1260 = arith.constant 999808 : i32
    %min3A_1261 = arith.minsi %and3A_1259, %min3A_1260 : i32
    %sub3A_1262 = arith.subi %squeeze3A_1250, %min3A_1261 : i32
    %min3A_1263 = arith.constant 127 : i32
    %min3A_1264 = arith.minsi %sub3A_1262, %min3A_1263 : i32
    %broadcast_in_dim3A_1265 = vector.broadcast %min3A_1257 : i32 to vector<16xi32>
    %broadcast_in_dim3A_1266 = vector.broadcast %min3A_1264 : i32 to vector<16xi32>
    %gather3A_1267 = arith.constant 0 : i32
    %gather3A_1268 = arith.constant 0 : i32
    %gather3A_1269 = arith.constant 0 : i32
    %gather3A_1270 = tpu.memref_slice %arg26[%gather3A_1267, %gather3A_1268, %gather3A_1269] : memref<2x32x128xf32, #tpu.memory_space<vmem>> -> memref<1x32x128xf32, #tpu.memory_space<vmem>>
    %gather3A_1271 = tpu.memref_squeeze %gather3A_1270 : memref<1x32x128xf32, #tpu.memory_space<vmem>> -> memref<32x128xf32, #tpu.memory_space<vmem>>
    %gather3A_1272 = tpu.vector_load_idx %gather3A_1271[%iota3A, %broadcast_in_dim3A_1265] : memref<32x128xf32, #tpu.memory_space<vmem>>[vector<16xi32>, vector<16xi32>], vector<16xf32>,
    %add3A_1273 = arith.constant 16 : i32
    %add3A_1274 = vector.broadcast %add3A_1273 : i32 to vector<16xi32>
    %add3A_1275 = arith.addi %iota3A, %add3A_1274 : vector<16xi32>
    %gather3A_1276 = arith.constant 0 : i32
    %gather3A_1277 = arith.constant 0 : i32
    %gather3A_1278 = arith.constant 0 : i32
    %gather3A_1279 = tpu.memref_slice %arg26[%gather3A_1276, %gather3A_1277, %gather3A_1278] : memref<2x32x128xf32, #tpu.memory_space<vmem>> -> memref<1x32x128xf32, #tpu.memory_space<vmem>>
    %gather3A_1280 = tpu.memref_squeeze %gather3A_1279 : memref<1x32x128xf32, #tpu.memory_space<vmem>> -> memref<32x128xf32, #tpu.memory_space<vmem>>
    %gather3A_1281 = tpu.vector_load_idx %gather3A_1280[%add3A_1275, %broadcast_in_dim3A_1265] : memref<32x128xf32, #tpu.memory_space<vmem>>[vector<16xi32>, vector<16xi32>], vector<16xf32>,
    %gather3A_1282 = arith.constant 1 : i32
    %gather3A_1283 = arith.constant 0 : i32
    %gather3A_1284 = arith.constant 0 : i32
    %gather3A_1285 = tpu.memref_slice %arg26[%gather3A_1282, %gather3A_1283, %gather3A_1284] : memref<2x32x128xf32, #tpu.memory_space<vmem>> -> memref<1x32x128xf32, #tpu.memory_space<vmem>>
    %gather3A_1286 = tpu.memref_squeeze %gather3A_1285 : memref<1x32x128xf32, #tpu.memory_space<vmem>> -> memref<32x128xf32, #tpu.memory_space<vmem>>
    %gather3A_1287 = tpu.vector_load_idx %gather3A_1286[%iota3A, %broadcast_in_dim3A_1266] : memref<32x128xf32, #tpu.memory_space<vmem>>[vector<16xi32>, vector<16xi32>], vector<16xf32>,
    %add3A_1288 = arith.constant 16 : i32
    %add3A_1289 = vector.broadcast %add3A_1288 : i32 to vector<16xi32>
    %add3A_1290 = arith.addi %iota3A, %add3A_1289 : vector<16xi32>
    %gather3A_1291 = arith.constant 1 : i32
    %gather3A_1292 = arith.constant 0 : i32
    %gather3A_1293 = arith.constant 0 : i32
    %gather3A_1294 = tpu.memref_slice %arg26[%gather3A_1291, %gather3A_1292, %gather3A_1293] : memref<2x32x128xf32, #tpu.memory_space<vmem>> -> memref<1x32x128xf32, #tpu.memory_space<vmem>>
    %gather3A_1295 = tpu.memref_squeeze %gather3A_1294 : memref<1x32x128xf32, #tpu.memory_space<vmem>> -> memref<32x128xf32, #tpu.memory_space<vmem>>
    %gather3A_1296 = tpu.vector_load_idx %gather3A_1295[%add3A_1290, %broadcast_in_dim3A_1266] : memref<32x128xf32, #tpu.memory_space<vmem>>[vector<16xi32>, vector<16xi32>], vector<16xf32>,
    %sub3A_1297 = arith.constant 999872 : i32
    %sub3A_1298 = arith.subi %squeeze3A_1248, %sub3A_1297 : i32
    %jit3A_1299 = arith.constant 0 : i32
    %jit3A_1300 = arith.constant 127 : i32
    %max3A_1301 = arith.maxsi %jit3A_1299, %sub3A_1298 : i32
    %min3A_1302 = arith.minsi %jit3A_1300, %max3A_1301 : i32
    %broadcast_in_dim3A_1303 = vector.broadcast %min3A_1302 : i32 to vector<16xi32>
    %sub3A_1304 = arith.constant 999872 : i32
    %sub3A_1305 = arith.subi %squeeze3A_1250, %sub3A_1304 : i32
    %jit3A_1306 = arith.constant 0 : i32
    %jit3A_1307 = arith.constant 127 : i32
    %max3A_1308 = arith.maxsi %jit3A_1306, %sub3A_1305 : i32
    %min3A_1309 = arith.minsi %jit3A_1307, %max3A_1308 : i32
    %broadcast_in_dim3A_1310 = vector.broadcast %min3A_1309 : i32 to vector<16xi32>
    %ge3A_1311 = arith.constant 999936 : i32
    %ge3A_1312 = arith.cmpi sge, %squeeze3A_1248, %ge3A_1311 : i32
    %broadcast_in_dim3A_1313 = vector.broadcast %ge3A_1312 : i1 to vector<16xi1>
    %ge3A_1314 = arith.constant 999936 : i32
    %ge3A_1315 = arith.cmpi sge, %squeeze3A_1250, %ge3A_1314 : i32
    %broadcast_in_dim3A_1316 = vector.broadcast %ge3A_1315 : i1 to vector<16xi1>
    %gather3A_1317 = tpu.vector_load_idx %arg12[%iota3A, %broadcast_in_dim3A_1303] : memref<32x128xf32, #tpu.memory_space<vmem>>[vector<16xi32>, vector<16xi32>], vector<16xf32>,
    %select_n3A_1318 = arith.select %broadcast_in_dim3A_1313, %gather3A_1317, %gather3A_1272 : vector<16xi1>, vector<16xf32>
    %add3A_1319 = arith.constant 16 : i32
    %add3A_1320 = vector.broadcast %add3A_1319 : i32 to vector<16xi32>
    %add3A_1321 = arith.addi %iota3A, %add3A_1320 : vector<16xi32>
    %gather3A_1322 = tpu.vector_load_idx %arg12[%add3A_1321, %broadcast_in_dim3A_1303] : memref<32x128xf32, #tpu.memory_space<vmem>>[vector<16xi32>, vector<16xi32>], vector<16xf32>,
    %select_n3A_1323 = arith.select %broadcast_in_dim3A_1313, %gather3A_1322, %gather3A_1281 : vector<16xi1>, vector<16xf32>
    %gather3A_1324 = tpu.vector_load_idx %arg13[%iota3A, %broadcast_in_dim3A_1310] : memref<32x128xf32, #tpu.memory_space<vmem>>[vector<16xi32>, vector<16xi32>], vector<16xf32>,
    %select_n3A_1325 = arith.select %broadcast_in_dim3A_1316, %gather3A_1324, %gather3A_1287 : vector<16xi1>, vector<16xf32>
    %add3A_1326 = arith.constant 16 : i32
    %add3A_1327 = vector.broadcast %add3A_1326 : i32 to vector<16xi32>
    %add3A_1328 = arith.addi %iota3A, %add3A_1327 : vector<16xi32>
    %gather3A_1329 = tpu.vector_load_idx %arg13[%add3A_1328, %broadcast_in_dim3A_1310] : memref<32x128xf32, #tpu.memory_space<vmem>>[vector<16xi32>, vector<16xi32>], vector<16xf32>,
    %select_n3A_1330 = arith.select %broadcast_in_dim3A_1316, %gather3A_1329, %gather3A_1296 : vector<16xi1>, vector<16xf32>
    %mul3A_1331 = arith.mulf %select_n3A_1318, %select_n3A_1325 : vector<16xf32>
    %mul3A_1332 = arith.mulf %mul3A_1331, %get3A_3 : vector<16xf32>
    %mul3A_1333 = arith.mulf %select_n3A_1323, %select_n3A_1330 : vector<16xf32>
    %mul3A_1334 = arith.mulf %mul3A_1333, %get3A_5 : vector<16xf32>
    %add3A_1335 = arith.addf %mul3A_1332, %mul3A_1334 : vector<16xf32>
    %swap3A_1336 = arith.constant 112 : index
    %swap3A_1337 = tpu.vector_load %arg15[%swap3A_1336] {strides = array<i32>} : memref<256xf32, #tpu.memory_space<vmem>>, vector<16xf32>,
    tpu.vector_store %arg15[%swap3A_1336], %add3A_1335 {strides = array<i32>} : memref<256xf32, #tpu.memory_space<vmem>>, vector<16xf32>,
    %broadcast_in_dim3A_1338 = arith.constant 0.000000e+00 : f32
    %broadcast_in_dim3A_1339 = vector.broadcast %broadcast_in_dim3A_1338 : f32 to vector<16xf32>
    %add3A_1340 = arith.constant 0 : i32
    %add3A_1341 = vector.broadcast %add3A_1340 : i32 to vector<16xi32>
    %add3A_1342 = arith.addi %mul3A_10, %add3A_1341 : vector<16xi32>
    %gather3A_1343 = tpu.vector_load_idx %arg15[%add3A_1342] : memref<256xf32, #tpu.memory_space<vmem>>[vector<16xi32>], vector<16xf32>,
    %add3A_1344 = arith.addf %broadcast_in_dim3A_1339, %gather3A_1343 : vector<16xf32>
    %add3A_1345 = arith.constant 1 : i32
    %add3A_1346 = vector.broadcast %add3A_1345 : i32 to vector<16xi32>
    %add3A_1347 = arith.addi %mul3A_10, %add3A_1346 : vector<16xi32>
    %gather3A_1348 = tpu.vector_load_idx %arg15[%add3A_1347] : memref<256xf32, #tpu.memory_space<vmem>>[vector<16xi32>], vector<16xf32>,
    %add3A_1349 = arith.addf %add3A_1344, %gather3A_1348 : vector<16xf32>
    %add3A_1350 = arith.constant 2 : i32
    %add3A_1351 = vector.broadcast %add3A_1350 : i32 to vector<16xi32>
    %add3A_1352 = arith.addi %mul3A_10, %add3A_1351 : vector<16xi32>
    %gather3A_1353 = tpu.vector_load_idx %arg15[%add3A_1352] : memref<256xf32, #tpu.memory_space<vmem>>[vector<16xi32>], vector<16xf32>,
    %add3A_1354 = arith.addf %add3A_1349, %gather3A_1353 : vector<16xf32>
    %add3A_1355 = arith.constant 3 : i32
    %add3A_1356 = vector.broadcast %add3A_1355 : i32 to vector<16xi32>
    %add3A_1357 = arith.addi %mul3A_10, %add3A_1356 : vector<16xi32>
    %gather3A_1358 = tpu.vector_load_idx %arg15[%add3A_1357] : memref<256xf32, #tpu.memory_space<vmem>>[vector<16xi32>], vector<16xf32>,
    %add3A_1359 = arith.addf %add3A_1354, %gather3A_1358 : vector<16xf32>
    %add3A_1360 = arith.constant 4 : i32
    %add3A_1361 = vector.broadcast %add3A_1360 : i32 to vector<16xi32>
    %add3A_1362 = arith.addi %mul3A_10, %add3A_1361 : vector<16xi32>
    %gather3A_1363 = tpu.vector_load_idx %arg15[%add3A_1362] : memref<256xf32, #tpu.memory_space<vmem>>[vector<16xi32>], vector<16xf32>,
    %add3A_1364 = arith.addf %add3A_1359, %gather3A_1363 : vector<16xf32>
    %add3A_1365 = arith.constant 5 : i32
    %add3A_1366 = vector.broadcast %add3A_1365 : i32 to vector<16xi32>
    %add3A_1367 = arith.addi %mul3A_10, %add3A_1366 : vector<16xi32>
    %gather3A_1368 = tpu.vector_load_idx %arg15[%add3A_1367] : memref<256xf32, #tpu.memory_space<vmem>>[vector<16xi32>], vector<16xf32>,
    %add3A_1369 = arith.addf %add3A_1364, %gather3A_1368 : vector<16xf32>
    %add3A_1370 = arith.constant 6 : i32
    %add3A_1371 = vector.broadcast %add3A_1370 : i32 to vector<16xi32>
    %add3A_1372 = arith.addi %mul3A_10, %add3A_1371 : vector<16xi32>
    %gather3A_1373 = tpu.vector_load_idx %arg15[%add3A_1372] : memref<256xf32, #tpu.memory_space<vmem>>[vector<16xi32>], vector<16xf32>,
    %add3A_1374 = arith.addf %add3A_1369, %gather3A_1373 : vector<16xf32>
    %add3A_1375 = arith.constant 7 : i32
    %add3A_1376 = vector.broadcast %add3A_1375 : i32 to vector<16xi32>
    %add3A_1377 = arith.addi %mul3A_10, %add3A_1376 : vector<16xi32>
    %gather3A_1378 = tpu.vector_load_idx %arg15[%add3A_1377] : memref<256xf32, #tpu.memory_space<vmem>>[vector<16xi32>], vector<16xf32>,
    %add3A_1379 = arith.addf %add3A_1374, %gather3A_1378 : vector<16xf32>
    %add3A_1380 = arith.constant 8 : i32
    %add3A_1381 = vector.broadcast %add3A_1380 : i32 to vector<16xi32>
    %add3A_1382 = arith.addi %mul3A_10, %add3A_1381 : vector<16xi32>
    %gather3A_1383 = tpu.vector_load_idx %arg15[%add3A_1382] : memref<256xf32, #tpu.memory_space<vmem>>[vector<16xi32>], vector<16xf32>,
    %add3A_1384 = arith.addf %add3A_1379, %gather3A_1383 : vector<16xf32>
    %add3A_1385 = arith.constant 9 : i32
    %add3A_1386 = vector.broadcast %add3A_1385 : i32 to vector<16xi32>
    %add3A_1387 = arith.addi %mul3A_10, %add3A_1386 : vector<16xi32>
    %gather3A_1388 = tpu.vector_load_idx %arg15[%add3A_1387] : memref<256xf32, #tpu.memory_space<vmem>>[vector<16xi32>], vector<16xf32>,
    %add3A_1389 = arith.addf %add3A_1384, %gather3A_1388 : vector<16xf32>
    %add3A_1390 = arith.constant 10 : i32
    %add3A_1391 = vector.broadcast %add3A_1390 : i32 to vector<16xi32>
    %add3A_1392 = arith.addi %mul3A_10, %add3A_1391 : vector<16xi32>
    %gather3A_1393 = tpu.vector_load_idx %arg15[%add3A_1392] : memref<256xf32, #tpu.memory_space<vmem>>[vector<16xi32>], vector<16xf32>,
    %add3A_1394 = arith.addf %add3A_1389, %gather3A_1393 : vector<16xf32>
    %add3A_1395 = arith.constant 11 : i32
    %add3A_1396 = vector.broadcast %add3A_1395 : i32 to vector<16xi32>
    %add3A_1397 = arith.addi %mul3A_10, %add3A_1396 : vector<16xi32>
    %gather3A_1398 = tpu.vector_load_idx %arg15[%add3A_1397] : memref<256xf32, #tpu.memory_space<vmem>>[vector<16xi32>], vector<16xf32>,
    %add3A_1399 = arith.addf %add3A_1394, %gather3A_1398 : vector<16xf32>
    %add3A_1400 = arith.constant 12 : i32
    %add3A_1401 = vector.broadcast %add3A_1400 : i32 to vector<16xi32>
    %add3A_1402 = arith.addi %mul3A_10, %add3A_1401 : vector<16xi32>
    %gather3A_1403 = tpu.vector_load_idx %arg15[%add3A_1402] : memref<256xf32, #tpu.memory_space<vmem>>[vector<16xi32>], vector<16xf32>,
    %add3A_1404 = arith.addf %add3A_1399, %gather3A_1403 : vector<16xf32>
    %add3A_1405 = arith.constant 13 : i32
    %add3A_1406 = vector.broadcast %add3A_1405 : i32 to vector<16xi32>
    %add3A_1407 = arith.addi %mul3A_10, %add3A_1406 : vector<16xi32>
    %gather3A_1408 = tpu.vector_load_idx %arg15[%add3A_1407] : memref<256xf32, #tpu.memory_space<vmem>>[vector<16xi32>], vector<16xf32>,
    %add3A_1409 = arith.addf %add3A_1404, %gather3A_1408 : vector<16xf32>
    %add3A_1410 = arith.constant 14 : i32
    %add3A_1411 = vector.broadcast %add3A_1410 : i32 to vector<16xi32>
    %add3A_1412 = arith.addi %mul3A_10, %add3A_1411 : vector<16xi32>
    %gather3A_1413 = tpu.vector_load_idx %arg15[%add3A_1412] : memref<256xf32, #tpu.memory_space<vmem>>[vector<16xi32>], vector<16xf32>,
    %add3A_1414 = arith.addf %add3A_1409, %gather3A_1413 : vector<16xf32>
    %add3A_1415 = arith.constant 15 : i32
    %add3A_1416 = vector.broadcast %add3A_1415 : i32 to vector<16xi32>
    %add3A_1417 = arith.addi %mul3A_10, %add3A_1416 : vector<16xi32>
    %gather3A_1418 = tpu.vector_load_idx %arg15[%add3A_1417] : memref<256xf32, #tpu.memory_space<vmem>>[vector<16xi32>], vector<16xf32>,
    %add3A_1419 = arith.addf %add3A_1414, %gather3A_1418 : vector<16xf32>
    %add3A_1420 = vector.broadcast %squeeze3A : f32 to vector<16xf32>
    %add3A_1421 = arith.addf %add3A_1419, %add3A_1420 : vector<16xf32>
    %neg3A = arith.constant 0.000000e+00 : f32
    %neg3A_1422 = vector.broadcast %neg3A : f32 to vector<16xf32>
    %neg3A_1423 = arith.subf %neg3A_1422, %add3A_1421 : vector<16xf32>
    %exp3A = math.exp %neg3A_1423 : vector<16xf32>
    %add3A_1424 = arith.constant 1.000000e+00 : f32
    %add3A_1425 = vector.broadcast %add3A_1424 : f32 to vector<16xf32>
    %add3A_1426 = arith.addf %add3A_1425, %exp3A : vector<16xf32>
    %div3A = arith.constant 1.000000e+00 : f32
    %div3A_1427 = vector.broadcast %div3A : f32 to vector<16xf32>
    %div3A_1428 = arith.divf %div3A_1427, %add3A_1426 : vector<16xf32>
    %swap3A_1429 = arith.constant 504 : index
    %swap3A_1430 = tpu.vector_load %arg16[%swap3A_1429] {strides = array<i32>} : memref<520xf32, #tpu.memory_space<vmem>>, vector<16xf32>,
    tpu.vector_store %arg16[%swap3A_1429], %div3A_1428 {strides = array<i32>} : memref<520xf32, #tpu.memory_space<vmem>>, vector<16xf32>,
    "tpu.region"() ({
      %run_scoped3A = tpu.sem_alloc : memref<!tpu.dma_semaphore, #tpu.memory_space<semaphore_mem>>
      %dma_start3A_1431 = arith.constant 0 : i32
      %dma_start3A_1432 = tpu.memref_slice %arg16[%dma_start3A_1431] : memref<520xf32, #tpu.memory_space<vmem>> -> memref<512xf32, #tpu.memory_space<vmem>>
      %dma_start3A_1433 = tpu.memref_slice %arg9[%mul3A_2] : memref<16384xf32, #tpu.memory_space<hbm>> -> memref<512xf32, #tpu.memory_space<hbm>>
      %dma_start3A_1434 = tpu.memref_slice %arg9[%mul3A_2] : memref<16384xf32, #tpu.memory_space<hbm>> -> memref<512xf32, #tpu.memory_space<hbm>>
      %dma_start3A_1435 = arith.constant 0 : i32
      %dma_start3A_1436 = tpu.memref_slice %arg16[%dma_start3A_1435] : memref<520xf32, #tpu.memory_space<vmem>> -> memref<512xf32, #tpu.memory_space<vmem>>
      tpu.enqueue_dma source(%dma_start3A_1436 : memref<512xf32, #tpu.memory_space<vmem>>) target(%dma_start3A_1434 : memref<512xf32, #tpu.memory_space<hbm>>) target_semaphore(%run_scoped3A : memref<!tpu.dma_semaphore, #tpu.memory_space<semaphore_mem>>)
      %dma_wait3A_1437 = arith.constant 0 : i32
      %dma_wait3A_1438 = tpu.memref_slice %arg16[%dma_wait3A_1437] : memref<520xf32, #tpu.memory_space<vmem>> -> memref<512xf32, #tpu.memory_space<vmem>>
      %dma_wait3A_1439 = tpu.memref_slice %arg9[%mul3A_2] : memref<16384xf32, #tpu.memory_space<hbm>> -> memref<512xf32, #tpu.memory_space<hbm>>
      %dma_wait3A_1440 = tpu.memref_slice %arg9[%mul3A_2] : memref<16384xf32, #tpu.memory_space<hbm>> -> memref<512xf32, #tpu.memory_space<hbm>>
      %dma_wait3A_1441 = arith.constant 0 : i32
      %dma_wait3A_1442 = tpu.memref_slice %arg16[%dma_wait3A_1441] : memref<520xf32, #tpu.memory_space<vmem>> -> memref<512xf32, #tpu.memory_space<vmem>>
      tpu.wait_dma2 semaphore(%run_scoped3A : memref<!tpu.dma_semaphore, #tpu.memory_space<semaphore_mem>>) src(%dma_wait3A_1442 : memref<512xf32, #tpu.memory_space<vmem>>) dst(%dma_wait3A_1440 : memref<512xf32, #tpu.memory_space<hbm>>)
      tpu.yield
    }) : () -> ()
    return
  }
}

</mosaic_0001>

<sc_bundles>
// kernel: kernel.3.cloned.1.call-start
scs
__scs_entry_jumppad:
0x0: {  	(pc) =	sbr.rel $0x88, $3  }
0x1: {  	(tag) =	ssettag $0x0;
	lr =	simm.s32 $0x1  }
0x2: {  	[smem:$0x3F9B] =	sst lr;
	_ =	strace $0xD0000000  }
0x3: {  	_ = 	snop  }
0x4: {  	_ = 	snop  }
0x5: {  	_ = 	snop  }
0x6: {  	_ = 	snop  }
0x7: {  	_ = 	snop  }
__scs_overlays_trampoline_lowered:
0x8: {  	[smem:$0x3FAA] =	sst s0  }
0x9: {  	[smem:$0x3FAB] =	sst s1  }
0xa: {  	[smem:$0x3FAC] =	sst s2  }
0xb: {  	[smem:$0x3FAD] =	sst s3  }
0xc: {  	[smem:$0x3FAE] =	sst s4  }
0xd: {  	[smem:$0x3FAF] =	sst s5  }
0xe: {  	[smem:$0x3FB0] =	sst s6  }
0xf: {  	[smem:$0x3FB1] =	sst s7  }
0x10: {  	[smem:$0x3FB2] =	sst s8  }
0x11: {  	[smem:$0x3FB3] =	sst s9;
	s0 =	simm.s32 @!p0 $0x0  }
0x12: {  	s1 =	sld [smem:$0x3F99];
	s0 =	simm.s32 @p0 $0x1  }
0x13: {  	[smem:$0x3FB4] =	sst s0;
	s0 =	simm.s32 @!p1 $0x0  }
0x14: {  	s2 =	sld [smem:$0x3F98];
	s0 =	simm.s32 @p1 $0x1  }
0x15: {  	[smem:$0x3FB5] =	sst s0;
	s0 =	simm.s32 @!p2 $0x0  }
0x16: {  	s3 =	sld [smem:$0x3FDB];
	s0 =	simm.s32 @p2 $0x1  }
0x17: {  	s4 =	simm.s32 $0x1BF5;
	[smem:$0x3FB7] =	sst s0  }
0x18: {  	s0 =	sld [smem:$0x3F9A];
	_ =	swait.ge [sflag:s4], $0x0  }
0x19: {  	s7 =	sld [smem:$0x3F9B]  }
0x1a: {  	s8 =	sadd.s32 $0xFFFFE003, lr  }
0x1b: {  	s9 =	sadd.s32 $0xFFFFFEF7, lr;
	s5 =	simm.s32 $0xFFFFFFFF;
	p2 =	slt.u32 s8, $0xFFFFF086  }
0x1c: {  	p1 =	slt.u32 s9, $0xF7A;
	s5 =	simm.s32 @!p2 $0x0  }
0x1d: {  	s5 =	simm.s32 @p1 $0x1;
	p0 =	seq.s32 s7, s2  }
0x1e: {  	s7 =	smul.u32 @!p0 $0xF7A, s2;
	p2 =	seq.s32 @!p0 s5, $0x0  }
0x1f: {  	s9 =	smul.u32 $0xF7A, s1;
	s8 =	simm.s32 @!p0 $0x1BF5;
	p2 =	por !p2, p0  }
0x20: {  	[sflag:s8] =	ssyncset.s32 @!p0 $0xFFFFF086;
	s6 =	sadd.s32 @!p0 s3, s7;
	s7 =	simm.s32 @!p0 $0x108  }
0x21: {  	s3 =	sadd.s32 s3, s9;
	s6 =	sadd.s32 @!p0 $0x88, s6;
	s7 =	simm.s32 @p2 $0x1082  }
0x22: {  	[simem:s7], [sflag:s8] =	dma.local @!p0 [hbm:s6], $0xF7A  }
0x23: {  	s9 =	sor.u32 $0xD0000000, s2;
	s6 =	simm.s32 $0x108;
	_ =	swait.ge @!p0 [sflag:s8], $0x0  }
0x24: {  	s3 =	sadd.s32 $0x88, s3;
	s6 =	simm.s32 @!p1 $0x1082;
	[sflag:s4] =	ssyncset.s32 $0xFFFFF086  }
0x25: {  	[simem:s6], [sflag:s4] =	dma.local [hbm:s3], $0xF7A  }
0x26: {  	[smem:$0x3F9B] =	sst s1;
	(tag) =	ssettag s2;
	_ =	strace s9  }
0x27: {  	s1 =	sld [smem:$0x3FAB]  }
0x28: {  	s2 =	sld [smem:$0x3FAC]  }
0x29: {  	s4 =	sld [smem:$0x3FAE]  }
0x2a: {  	p0 =	seq.s32 s5, $0x0;
	s5 =	sld [smem:$0x3FAF]  }
0x2b: {  	s6 =	sld [smem:$0x3FB0]  }
0x2c: {  	s7 =	sld [smem:$0x3FB1]  }
0x2d: {  	s3 =	simm.s32 $0x108;
	s8 =	sld [smem:$0x3FB2]  }
0x2e: {  	s3 =	simm.s32 @!p0 $0x1082;
	s9 =	sld [smem:$0x3FB3]  }
0x2f: {  	lr =	sadd.s32 s0, s3;
	s0 =	sld [smem:$0x3FAA]  }
0x30: {  	s3 =	sld [smem:$0x3FAD]  }
0x31: {  	[smem:$0x3FB6] =	sst s10  }
0x32: {  	s10 =	sld [smem:$0x3FB4];
	_ =	sdelay $0x3  }
0x33: {  	p0 =	seq.s32 s10, $0x1;
	s10 =	sld [smem:$0x3FB6];
	_ =	sdelay $0x3  }
0x34: {  	[smem:$0x3FB6] =	sst s10  }
0x35: {  	s10 =	sld [smem:$0x3FB5];
	_ =	sdelay $0x3  }
0x36: {  	p1 =	seq.s32 s10, $0x1;
	s10 =	sld [smem:$0x3FB6];
	_ =	sdelay $0x3  }
0x37: {  	[smem:$0x3FB6] =	sst s10  }
0x38: {  	s10 =	sld [smem:$0x3FB7]  }
0x39: {  	_ = 	snop;
	(pc) =	sbr.ind lr, $3  }
0x3a: {  	_ = 	snop  }
0x3b: {  	_ = 	snop  }
0x3c: {  	p2 =	seq.s32 s10, $0x1;
	s10 =	sld [smem:$0x3FB6]  }
0x3d: {  	_ =	shalt  }
0x3e: {  	_ =	shalt  }
0x3f: {  	_ =	shalt  }
0x40: {  	_ =	shalt  }
0x41: {  	_ =	shalt  }
0x42: {  	_ =	shalt  }
0x43: {  	_ =	shalt  }
0x44: {  	_ =	shalt  }
0x45: {  	_ =	shalt  }
0x46: {  	_ =	shalt  }
0x47: {  	_ =	shalt  }
0x48: {  	_ =	shalt  }
0x49: {  	_ =	shalt  }
0x4a: {  	_ =	shalt  }
0x4b: {  	_ =	shalt  }
0x4c: {  	_ =	shalt  }
0x4d: {  	_ =	shalt  }
0x4e: {  	_ =	shalt  }
0x4f: {  	_ =	shalt  }
0x50: {  	_ =	shalt  }
0x51: {  	_ =	shalt  }
0x52: {  	_ =	shalt  }
0x53: {  	_ =	shalt  }
0x54: {  	_ =	shalt  }
0x55: {  	_ =	shalt  }
0x56: {  	_ =	shalt  }
0x57: {  	_ =	shalt  }
0x58: {  	_ =	shalt  }
0x59: {  	_ =	shalt  }
0x5a: {  	_ =	shalt  }
0x5b: {  	_ =	shalt  }
0x5c: {  	_ =	shalt  }
0x5d: {  	_ =	shalt  }
0x5e: {  	_ =	shalt  }
0x5f: {  	_ =	shalt  }
0x60: {  	_ =	shalt  }
0x61: {  	_ =	shalt  }
0x62: {  	_ =	shalt  }
0x63: {  	_ =	shalt  }
0x64: {  	_ =	shalt  }
0x65: {  	_ =	shalt  }
0x66: {  	_ =	shalt  }
0x67: {  	_ =	shalt  }
0x68: {  	_ =	shalt  }
0x69: {  	_ =	shalt  }
0x6a: {  	_ =	shalt  }
0x6b: {  	_ =	shalt  }
0x6c: {  	_ =	shalt  }
0x6d: {  	_ =	shalt  }
0x6e: {  	_ =	shalt  }
0x6f: {  	_ =	shalt  }
0x70: {  	_ =	shalt  }
0x71: {  	_ =	shalt  }
0x72: {  	_ =	shalt  }
0x73: {  	_ =	shalt  }
0x74: {  	_ =	shalt  }
0x75: {  	_ =	shalt  }
0x76: {  	_ =	shalt  }
0x77: {  	_ =	shalt  }
0x78: {  	_ =	shalt  }
0x79: {  	_ =	shalt  }
0x7a: {  	_ =	shalt  }
0x7b: {  	_ =	shalt  }
0x7c: {  	_ =	shalt  }
0x7d: {  	_ =	shalt  }
0x7e: {  	_ =	shalt  }
0x7f: {  	_ =	shalt  }
0x80: {  	_ =	shalt  }
0x81: {  	_ =	shalt  }
0x82: {  	_ =	shalt  }
0x83: {  	_ =	shalt  }
0x84: {  	_ =	shalt  }
0x85: {  	_ =	shalt  }
0x86: {  	_ =	shalt  }
0x87: {  	_ =	shalt  }
.Lfunc_end0:
.L_simem_size_0:
called_computation_lowered:
.L_overlay_start_0:
0x88: {  	s2 =	sld [smem:$0x3FD9]  }
0x89: {  	s3 =	sld [smem:$0x3FFE];
	_ =	sdelay $0x1  }
0x8a: {  	s1 =	srdreg.scid  }
0x8b: {  	s0 =	sand.u32 $0x1, s1  }
0x8c: {  	s17 =	sshll.u32 s0, $0xA;
	s2 =	sadd.s32 s3, s2  }
0x8d: {  	s2 =	sadd.s32 s2, s17  }
0x8e: {  	[smem:$0x3FC2] =	sst s2  }
0x8f: {  	_ = 	snop  }
0x90: {  	s2 =	sld [smem:$0x3FC9]  }
0x91: {  	s18 =	sld [smem:$0x3FC8]  }
0x92: {  	s4 =	sld [smem:$0x3FC7]  }
0x93: {  	s5 =	sld [smem:$0x3FC6]  }
0x94: {  	s6 =	sld [smem:$0x3FD0];
	(tm) =	ssettm $0x1  }
0x95: {  	s7 =	sld [smem:$0x3FFB];
	_ =	sdelay $0x3  }
0x96: {  	_ =	strace s7  }
0x97: {  	s7 =	sld [smem:$0x3FFC];
	_ =	sdelay $0x3  }
0x98: {  	_ =	strace s7  }
0x99: {  	s7 =	sld [smem:$0x3FFD];
	_ =	sdelay $0x3  }
0x9a: {  	_ =	strace s7  }
0x9b: {  	_ =	strace $0x8FFFFFFF  }
0x9c: {  	s19 =	sld [smem:$0x3FDB];
	_ =	sdelay $0x1  }
0x9d: {  	s8 =	simm.s32 $_scs_section_size  }
0x9e: {  	s9 =	simm.s32 $_size__tile_overlayer_lowered;
	s10 =	simm.s32 $_tile_overlayer_lowered  }
0x9f: {  	s22 =	simm.s32 $0x1BFF;
	s21 =	sshll.u32 s10, $0x1;
	s7 =	sadd.s32 s8, s19  }
0xa0: {  	s11 =	simm.s32 $0x0;
	s20 =	sshll.u32 s9, $0x1;
	s9 =	sadd.s32 s21, s7  }
0xa1: {  	[timem:s11], [sflag:s22] =	dma.local [hbm:s9], s20  }
0xa2: {  	_ =	swait.ge [sflag:s22], s20  }
0xa3: {  	s8 =	ssub.s32 $0x0, s20;
	[sflag:s22] =	ssyncset.done $0x0  }
0xa4: {  	[sflag:s22] =	ssyncadd.s32 s8;
	_ =	sdelay $0x1  }
0xa5: {  	s23 =	simm.s32 $0x1B8B  }
0xa6: {  	_ =	swait.ge [sflag:s23], $0x1  }
0xa7: {  	[sflag:s23] =	ssyncset.done $0x0  }
0xa8: {  	s25 =	simm.s32 $0x1B8E;
	s24 =	sld [smem:$0x3FFE];
	[sflag:s23] =	ssyncadd.s32 $0xFFFFFFFF  }
0xa9: {  	s26 =	simm.s32 $execute0_lowered;
	[smem:$0x3FD2] =	sst s25  }
0xaa: {  	s9 =	sshll.u32 s26, $0x1;
	_ =	strace $0x80000046;
	[dreg:$0x1] =	wrdreg $0xFFFFFFFF  }
0xab: {  	s28 =	simm.s32 $_size_execute0_lowered;
	s7 =	sadd.s32 s7, s9;
	[dreg:$0x0] =	wrdreg $0x0  }
0xac: {  	s9 =	sshll.u32 s28, $0x1;
	[dreg:$0x2] =	wrdreg s7  }
0xad: {  	[dreg:$0x3] =	wrdreg s9  }
0xae: {  	[dreg:$0x4] =	wrdreg $0xC0  }
0xaf: {  	_ =	task [dreg:s11], $0x5FFFF  }
0xb0: {  	[dreg:$0x1] =	wrdreg $0xFFFFFFFF  }
0xb1: {  	[dreg:$0x0] =	wrdreg $0x60  }
0xb2: {  	[dreg:$0x2] =	wrdreg s2  }
0xb3: {  	[dreg:$0x3] =	wrdreg s18  }
0xb4: {  	[dreg:$0x4] =	wrdreg s4  }
0xb5: {  	[dreg:$0x5] =	wrdreg s5  }
0xb6: {  	[dreg:$0x6] =	wrdreg s24  }
0xb7: {  	[dreg:$0x7] =	wrdreg s6  }
0xb8: {  	[dreg:$0x8] =	wrdreg $0x9  }
0xb9: {  	_ =	task.clear_ibuf [dreg:s11], $0x9FFFF;
	_ =	strace $0x90000046  }
0xba: {  	s29 =	simm.s32 $0x9;
	_ =	strace $0x80000048  }
0xbb: {  	_ =	swait.ge [sflag:s29], $0x1  }
0xbc: {  	[sflag:s29] =	ssyncadd.s32 $0xFFFFFFFF  }
0xbd: {  	_ =	strace $0x90000048  }
0xbe: {  	_ =	sfence  }
0xbf: {  	s30 =	sld [smem:$0x0];
	_ =	sdelay $0x2  }
0xc0: {  	s31 =	sshll.u32 s1, $0xD;
	s1 =	sshrl.u32 s1, $0x2  }
0xc1: {  	s3 =	sand.u32 $0x4000, s31;
	s1 =	sadd.s32 s1, s30  }
0xc2: {  	s0 =	sor.u32 s3, s0;
	s1 =	sshll.u32 s1, $0x11  }
0xc3: {  	s0 =	sor.u32 s1, s0  }
0xc4: {  	s0 =	sadd.s32 $0x8F2B, s0  }
0xc5: {  	[sflag:s0] =	ssyncadd.remote.s32 $0x1  }
0xc6: {  	_ =	sfence.sel $0xFFFF  }
0xc7: {  	[dreg:$0x0] =	wrdreg $0xFFFFFFFF;
	(pc) =	sbr.abs _section_cstart, $3  }
0xc8: {  	[dreg:$0x1] =	wrdreg $0xFFFFFFFF  }
0xc9: {  	_ =	task.clear_ibuf [dreg:s11], $0x2FFFF;
	_ =	strace $0x9FFFFFFF  }
0xca: {  	(tm) =	ssettm $0x7FFFFFFF  }
0xcb: {  	_ =	shalt  }
tec
execute0_lowered:
.L_overlay_start_1:
0x0: {  	(tag) =	ssettag $0x1  }
0x1: {  	s0 =	rddreg [dreg:$0x0]  }
0x2: {  	s4 =	rddreg [dreg:$0x1]  }
0x3: {  	s1 =	rddreg [dreg:$0x2]  }
0x4: {  	s2 =	rddreg [dreg:$0x3]  }
0x5: {  	s5 =	rddreg [dreg:$0x4]  }
0x6: {  	s6 =	rddreg [dreg:$0x5]  }
0x7: {  	s3 =	simm.s32 $0x0;
	s21 =	srdreg.scid;
	s9 =	stileid.u32  }
0x8: {  	s15 =	simm.s32 $0x500;
	s16 =	simm.s32 $0x1500;
	s17 =	simm.s32 $0x400  }
0x9: {  	s18 =	simm.s32 $0x7A1400;
	s19 =	simm.s32 $0x2900;
	s20 =	simm.s32 $0x3900  }
0xa: {  	s28 =	simm.s32 $0xA900;
	s29 =	simm.s32 $0xB900;
	s30 =	simm.s32 $0xC900  }
0xb: {  	s31 =	simm.s32 $0xD900;
	s13 =	simm.s32 $0x10900;
	s14 =	simm.s32 $0x11900  }
0xc: {  	s10 =	simm.s32 $0x0;
	[smem:$0x7FF] =	sst s3;
	s7 =	sadd.s32 $0x800, s5  }
0xd: {  	s8 =	sadd.s32 $0x600, s5;
	_ =	strace $0x80000047;
	[dreg:$0x7] =	wrdreg s7  }
0xe: {  	s5 =	sadd.s32 $0xA00, s5;
	[dreg:$0x8] =	wrdreg s8;
	s7 =	sand.u32 $0x1, s21  }
0xf: {  	v1 =	vlaneseq.u32;
	s9 =	sshll.u32 s9, $0x7;
	[dreg:$0x9] =	wrdreg s5;
	s22 =	ssub.s32 $0x2, s7  }
0x10: {  	v0 =	vmul.u32 $0x80, v1;
	s21 =	simm.s32 $0x4900;
	s7 =	sshll.u32 s7, $0x6;
	s23 =	sshrl.u32 s22, $0x1  }
0x11: {  	v1 =	vmul.u32 $0x10, v1;
	s7 =	sor.u32 s7, s9;
	s9 =	simm.s32 $0x3;
	s5 =	ssub.s32 s22, s23  }
0x12: {  	v2 =	vor.u32 $0x800, v0;
	s0 =	sadd.s32 s0, s7;
	s24 =	sadd.s32 s4, s7;
	s25 =	sadd.s32 s6, s7  }
0x13: {  	v3 =	vor.u32 $0x1, v1;
	v4 =	vor.u32 $0x2, v1;
	v5 =	vor.u32 $0x3, v1;
	s22 =	simm.s32 $0x5900;
	s23 =	simm.s32 $0x6900;
	[dreg:$0xa] =	wrdreg s0  }
0x14: {  	v6 =	vor.u32 $0x4, v1;
	v7 =	vor.u32 $0x5, v1;
	v8 =	vor.u32 $0x6, v1;
	s4 =	simm.s32 $0xF900;
	s6 =	simm.s32 $0x2;
	[dreg:$0xb] =	wrdreg s24  }
0x15: {  	v9 =	vor.u32 $0x7, v1;
	v10 =	vor.u32 $0x8, v1;
	v11 =	vor.u32 $0x9, v1;
	s7 =	simm.s32 $0x2580;
	[dreg:$0xc] =	wrdreg s25;
	s26 =	smax.u32 s5, $0x1  }
0x16: {  	v12 =	vor.u32 $0xA, v1;
	v13 =	vor.u32 $0xB, v1;
	v14 =	vor.u32 $0xC, v1;
	s24 =	simm.s32 $0x7900;
	s25 =	simm.s32 $0x8900;
	s0 =	simm.s32 $0xE900  }
0x17: {  	v15 =	vor.u32 $0xD, v1;
	v16 =	vor.u32 $0xE, v1;
	v17 =	vor.u32 $0xF, v1;
	s5 =	simm.s32 $0x1;
	[dreg:$0xd] =	wrdreg s26;
	s26 =	simm.s32 $0x9900  }
.LBB2_1:
0x18: {  	[dreg:$0xe] =	wrdreg s10  }
0x19: {  	s8 =	rddreg [dreg:$0xa]  }
0x1a: {  	[tilespmem:s3], [sflag:$0x3] =	stream.linear.gather [hbm4b:s8+s3], $0x200, $0x38;
	[tilespmem:$0x12900] =	vst v63  }
0x1b: {  	_ =	swait.ge [sflag:s9], $0x200  }
0x1c: {  	[sflag:s9] =	ssyncset.done $0x0  }
0x1d: {  	s12 =	simm.s32 $0x280;
	s11 =	rddreg [dreg:$0xb];
	[sflag:s9] =	ssyncadd.s32 $0xFFFFFE00  }
0x1e: {  	[tilespmem:s12], [sflag:$0x3] =	stream.linear.gather [hbm4b:s11+s3], $0x200, $0x38;
	[tilespmem:$0x12900] =	vst v63  }
0x1f: {  	_ =	swait.ge [sflag:s9], $0x200  }
0x20: {  	[sflag:s9] =	ssyncset.done $0x0  }
0x21: {  	s12 =	simm.s32 $0x2500;
	s11 =	rddreg [dreg:$0x9];
	[sflag:s9] =	ssyncadd.s32 $0xFFFFFE00  }
0x22: {  	[tilespmem:s12], [sflag:$0x3] =	stream.linear.gather [hbm4b:s11+s3], $0x80, $0x38;
	[tilespmem:$0x12900] =	vst v63  }
0x23: {  	_ =	swait.ge [sflag:s9], $0x80  }
0x24: {  	[sflag:s9] =	ssyncset.done $0x0  }
0x25: {  	s11 =	rddreg [dreg:$0x7];
	[sflag:s9] =	ssyncadd.s32 $0xFFFFFF80  }
0x26: {  	[tilespmem:s15], [sflag:$0x3] =	stream.linear.gather [hbm4b:s11+s3], $0x1000, $0x38;
	[tilespmem:$0x12900] =	vst v63  }
0x27: {  	_ =	swait.ge [sflag:s9], $0x1000  }
0x28: {  	[sflag:s9] =	ssyncset.done $0x0  }
0x29: {  	s12 =	rddreg [dreg:$0x8];
	[sflag:s9] =	ssyncadd.s32 $0xFFFFF000  }
0x2a: {  	[tilespmem:s16], [sflag:$0x3] =	stream.linear.gather [hbm4b:s12+s3], $0x1000, $0x38;
	[tilespmem:$0x12900] =	vst v63  }
0x2b: {  	_ =	swait.ge [sflag:s9], $0x1000  }
0x2c: {  	[sflag:s9] =	ssyncset.done $0x0  }
0x2d: {  	[sflag:s9] =	ssyncadd.s32 $0xFFFFF000  }
0x2e: {  	v18 =	vld [tilespmem:$0x280];
	_ =	sdelay $0x2  }
0x2f: {  	v19 =	vld [tilespmem:$0x0];
	_ =	sdelay $0x1  }
0x30: {  	vm0 =	vgt.s32 v18, $0x0  }
0x31: {  	v18 =	vnsel vm0, $0x0, v18  }
0x32: {  	v21 =	vmin.u32 v18, $0xF423F  }
0x33: {  	vm15 =	vgt.s32 v19, $0x0;
	(v2sf) =	vpush v21, $0x0  }
0x34: {  	v19 =	vnsel vm15, $0x0, v19  }
0x35: {  	v22 =	vmin.u32 v19, $0xF423F  }
0x36: {  	(v2sf) =	vpush v22, $0x0;
	_ =	sdelay $0x1  }
0x37: {  	(v2sf) =	vpush v21, $0x1  }
0x38: {  	(v2sf) =	vpush v22, $0x1;
	_ =	sdelay $0x8  }
0x39: {  	s3 =	spop (v2sf);
	(v2sf) =	vpush v21, $0x2;
	_ =	sdelay $0x2  }
0x3a: {  	s8 =	spop (v2sf);
	(v2sf) =	vpush v22, $0x2;
	_ =	sdelay $0x1  }
0x3b: {  	s11 =	spop (v2sf)  }
0x3c: {  	s12 =	spop (v2sf);
	(v2sf) =	vpush v21, $0x3;
	_ =	sdelay $0x1  }
0x3d: {  	(v2sf) =	vpush v22, $0x3  }
0x3e: {  	s10 =	sand.u32 $0xFFF80, s8  }
0x3f: {  	v20 =	vld [tilespmem:$0x2510];
	s9 =	sand.u32 $0xFFF80, s3;
	s10 =	smin.u32 s10, $0xF4180  }
0x40: {  	v19 =	vld [tilespmem:$0x2500];
	s9 =	smin.u32 s9, $0xF4180;
	s10 =	sadd.s32 s1, s10  }
0x41: {  	v18 =	vld.msk [tilespmem:$0x2520 ss:$0x0], $0xffff;
	[tilespmem:s19], [sflag:$0x1] =	stream.strided.gather [hbm4b:s10+s17], $0x1000, s18, s17, $0x38  }
0x42: {  	s9 =	sadd.s32 s2, s9;
	s10 =	sand.u32 $0xFFF80, s12  }
0x43: {  	[tilespmem:s20], [sflag:$0x2] =	stream.strided.gather [hbm4b:s9+s17], $0x1000, s18, s17, $0x38;
	[tilespmem:$0x12900] =	vst v63  }
0x44: {  	s10 =	smin.u32 s10, $0xF4180;
	s3 =	spop (v2sf);
	(v2sf) =	vpush v21, $0x4  }
0x45: {  	s9 =	sand.u32 $0xFFF80, s11;
	s10 =	sadd.s32 s1, s10  }
0x46: {  	[tilespmem:s21], [sflag:$0x1] =	stream.strided.gather [hbm4b:s10+s17], $0x1000, s18, s17, $0x38;
	[tilespmem:$0x12900] =	vst v63  }
0x47: {  	s9 =	smin.u32 s9, $0xF4180;
	s8 =	spop (v2sf);
	(v2sf) =	vpush v22, $0x4  }
0x48: {  	s9 =	sadd.s32 s2, s9  }
0x49: {  	[tilespmem:s22], [sflag:$0x2] =	stream.strided.gather [hbm4b:s9+s17], $0x1000, s18, s17, $0x38;
	(v2sf) =	vpush v21, $0x5;
	[tilespmem:$0x12900] =	vst v63  }
0x4a: {  	s10 =	sand.u32 $0xFFF80, s8;
	s11 =	spop (v2sf);
	(v2sf) =	vpush v22, $0x5  }
0x4b: {  	s10 =	smin.u32 s10, $0xF4180  }
0x4c: {  	s9 =	sand.u32 $0xFFF80, s3;
	s10 =	sadd.s32 s1, s10;
	s12 =	spop (v2sf)  }
0x4d: {  	[tilespmem:s23], [sflag:$0x1] =	stream.strided.gather [hbm4b:s10+s17], $0x1000, s18, s17, $0x38;
	[tilespmem:$0x12900] =	vst v63  }
0x4e: {  	s9 =	smin.u32 s9, $0xF4180;
	s10 =	sand.u32 $0xFFF80, s12  }
0x4f: {  	s9 =	sadd.s32 s2, s9;
	s10 =	smin.u32 s10, $0xF4180  }
0x50: {  	[tilespmem:s24], [sflag:$0x2] =	stream.strided.gather [hbm4b:s9+s17], $0x1000, s18, s17, $0x38;
	[tilespmem:$0x12900] =	vst v63  }
0x51: {  	(v2sf) =	vpush v21, $0x6;
	s9 =	sand.u32 $0xFFF80, s11;
	s10 =	sadd.s32 s1, s10  }
0x52: {  	[tilespmem:s25], [sflag:$0x1] =	stream.strided.gather [hbm4b:s10+s17], $0x1000, s18, s17, $0x38;
	[tilespmem:$0x12900] =	vst v63  }
0x53: {  	s9 =	smin.u32 s9, $0xF4180;
	s3 =	spop (v2sf);
	(v2sf) =	vpush v22, $0x6  }
0x54: {  	s9 =	sadd.s32 s2, s9  }
0x55: {  	[tilespmem:s26], [sflag:$0x2] =	stream.strided.gather [hbm4b:s9+s17], $0x1000, s18, s17, $0x38;
	[tilespmem:$0x12900] =	vst v63  }
0x56: {  	s8 =	spop (v2sf);
	(v2sf) =	vpush v21, $0x7  }
0x57: {  	s10 =	sand.u32 $0xFFF80, s8  }
0x58: {  	s9 =	sand.u32 $0xFFF80, s3;
	s11 =	spop (v2sf);
	(v2sf) =	vpush v22, $0x7;
	s10 =	smin.u32 s10, $0xF4180  }
0x59: {  	s9 =	smin.u32 s9, $0xF4180;
	s12 =	spop (v2sf);
	s10 =	sadd.s32 s1, s10  }
0x5a: {  	[tilespmem:s28], [sflag:$0x1] =	stream.strided.gather [hbm4b:s10+s17], $0x1000, s18, s17, $0x38;
	[tilespmem:$0x12900] =	vst v63  }
0x5b: {  	s9 =	sadd.s32 s2, s9;
	s10 =	sand.u32 $0xFFF80, s12  }
0x5c: {  	[tilespmem:s29], [sflag:$0x2] =	stream.strided.gather [hbm4b:s9+s17], $0x1000, s18, s17, $0x38;
	[tilespmem:$0x12900] =	vst v63  }
0x5d: {  	s10 =	smin.u32 s10, $0xF4180;
	s9 =	sand.u32 $0xFFF80, s11  }
0x5e: {  	s10 =	sadd.s32 s1, s10;
	s9 =	smin.u32 s9, $0xF4180  }
0x5f: {  	[tilespmem:s30], [sflag:$0x1] =	stream.strided.gather [hbm4b:s10+s17], $0x1000, s18, s17, $0x38;
	[tilespmem:$0x12900] =	vst v63  }
0x60: {  	s3 =	spop (v2sf);
	s9 =	sadd.s32 s2, s9  }
0x61: {  	[tilespmem:s31], [sflag:$0x2] =	stream.strided.gather [hbm4b:s9+s17], $0x1000, s18, s17, $0x38;
	[tilespmem:$0x12900] =	vst v63  }
0x62: {  	s8 =	spop (v2sf)  }
0x63: {  	s9 =	sand.u32 $0xFFF80, s8  }
0x64: {  	s10 =	sand.u32 $0xFFF80, s3;
	s9 =	smin.u32 s9, $0xF4180  }
0x65: {  	s10 =	smin.u32 s10, $0xF4180;
	s11 =	spop (v2sf);
	s9 =	sadd.s32 s1, s9  }
0x66: {  	[tilespmem:s0], [sflag:$0x1] =	stream.strided.gather [hbm4b:s9+s17], $0x1000, s18, s17, $0x38;
	[tilespmem:$0x12900] =	vst v63  }
0x67: {  	s10 =	sadd.s32 s2, s10;
	s12 =	spop (v2sf)  }
0x68: {  	[tilespmem:s4], [sflag:$0x2] =	stream.strided.gather [hbm4b:s10+s17], $0x1000, s18, s17, $0x38;
	[tilespmem:$0x12900] =	vst v63  }
0x69: {  	s10 =	sand.u32 $0xFFF80, s12  }
0x6a: {  	s9 =	sand.u32 $0xFFF80, s11;
	s10 =	smin.u32 s10, $0xF4180  }
0x6b: {  	s9 =	smin.u32 s9, $0xF4180;
	s10 =	sadd.s32 s1, s10  }
0x6c: {  	[tilespmem:s13], [sflag:$0x1] =	stream.strided.gather [hbm4b:s10+s17], $0x1000, s18, s17, $0x38;
	[tilespmem:$0x12900] =	vst v63  }
0x6d: {  	s9 =	sadd.s32 s2, s9  }
0x6e: {  	[tilespmem:s14], [sflag:$0x2] =	stream.strided.gather [hbm4b:s9+s17], $0x1000, s18, s17, $0x38;
	[tilespmem:$0x12900] =	vst v63  }
0x6f: {  	s9 =	simm.s32 $0x0  }
.LBB2_2:
0x70: {  	s10 =	sshra.s32 s9, $0x2  }
0x71: {  	v21 =	vld [tilespmem:s10+$0x0];
	_ =	sdelay $0x1  }
0x72: {  	v22 =	vld [tilespmem:s10+$0x280]  }
0x73: {  	v24 =	vld [tilespmem:s10+$0x8]  }
0x74: {  	v25 =	vld [tilespmem:s10+$0x288];
	_ =	swait.ge [sflag:s5], $0x1000  }
0x75: {  	[sflag:s5] =	ssyncset.done $0x0;
	vm0 =	vgt.s32 v21, $0x0  }
0x76: {  	[sflag:s5] =	ssyncadd.s32 $0xFFFFF000;
	v21 =	vnsel vm0, $0x0, v21  }
0x77: {  	_ =	swait.ge [sflag:s6], $0x1000;
	vm13 =	vgt.s32 v22, $0x0;
	v21 =	vmin.u32 v21, $0xF423F  }
0x78: {  	v22 =	vnsel vm13, $0x0, v22;
	(v2sf) =	vpush v21, $0x0  }
0x79: {  	v23 =	vmin.u32 v22, $0xF423F  }
0x7a: {  	(v2sf) =	vpush v23, $0x0;
	_ =	sdelay $0xc  }
0x7b: {  	s11 =	spop (v2sf)  }
0x7c: {  	s3 =	sand.u32 $0xFFF80, s11  }
0x7d: {  	s8 =	spop (v2sf);
	s3 =	smin.u32 s3, $0xF4180  }
0x7e: {  	s12 =	sand.u32 $0xFFF80, s8;
	s3 =	ssub.s32 s11, s3  }
0x7f: {  	s12 =	smin.u32 s12, $0xF4180;
	p0 =	slt.s32 s3, $0x7F  }
0x80: {  	s12 =	ssub.s32 s8, s12;
	s3 =	simm.s32 @!p0 $0x7F  }
0x81: {  	p0 =	slt.s32 s12, $0x7F;
	v26 =	vadd.s32 s3, v0  }
0x82: {  	s12 =	simm.s32 @!p0 $0x7F;
	v27 =	vadd.s32 s3, v2;
	s3 =	smax.u32 s11, $0xF41C0  }
0x83: {  	vm14 =	vgt.s32 v25, $0x0;
	v28 =	vadd.s32 s12, v0;
	s3 =	smin.u32 s3, $0xF423F  }
0x84: {  	[sflag:s6] =	ssyncset.done $0x0;
	vm15 =	vgt.s32 v24, $0x0;
	v22 =	vnsel vm14, $0x0, v25;
	v63 =	vadd.s32 s12, v2;
	s12 =	smax.u32 s8, $0xF41C0;
	s3 =	sadd.s32 $0xFFF0BE40, s3  }
0x85: {  	[sflag:s6] =	ssyncadd.s32 $0xFFFFF000;
	v24 =	vnsel vm15, $0x0, v24;
	v22 =	vmin.u32 v22, $0xF423F;
	s12 =	smin.u32 s12, $0xF423F;
	v29 =	vadd.s32 s3, v0  }
0x86: {  	v24 =	vmin.u32 v24, $0xF423F;
	(v2sf) =	vpush v22, $0x0;
	s12 =	sadd.s32 $0xFFF0BE40, s12;
	v30 =	vadd.s32 s3, v2;
	v26 =	vld.idx.msk [tilespmem:v26+s19+$0x0], $0xffff  }
0x87: {  	(v2sf) =	vpush v24, $0x0;
	v31 =	vadd.s32 s12, v0;
	v27 =	vld.idx.msk [tilespmem:v27+s19+$0x0], $0xffff  }
0x88: {  	v32 =	vadd.s32 s12, v2;
	v28 =	vld.idx.msk [tilespmem:v28+s20+$0x0], $0xffff  }
0x89: {  	v25 =	vld.idx.msk [tilespmem:v63+s20+$0x0], $0xffff  }
0x8a: {  	v29 =	vld.idx.msk [tilespmem:v29+s15+$0x0], $0xffff  }
0x8b: {  	v30 =	vld.idx.msk [tilespmem:v30+s15+$0x0], $0xffff  }
0x8c: {  	v31 =	vld.idx.msk [tilespmem:v31+s16+$0x0], $0xffff  }
0x8d: {  	v32 =	vld.idx.msk [tilespmem:v32+s16+$0x0], $0xffff;
	_ =	sdelay $0x2  }
0x8e: {  	p4 =	sgt.u32 s11, $0xF41FF  }
0x8f: {  	p1 =	sgt.u32 s8, $0xF41FF;
	v26 =	vpsel p4, v29, v26  }
0x90: {  	v27 =	vpsel p4, v30, v27;
	v28 =	vpsel p1, v31, v28;
	v25 =	vpsel p1, v32, v25  }
0x91: {  	v26 =	vmul.f32 v28, v26;
	v25 =	vmul.f32 v25, v27;
	_ =	sdelay $0x1  }
0x92: {  	s12 =	spop (v2sf);
	v26 =	vmul.f32 v26, v19;
	v25 =	vmul.f32 v25, v20  }
0x93: {  	s11 =	spop (v2sf)  }
0x94: {  	s8 =	sand.u32 $0xFFF80, s11;
	v25 =	vadd.f32 v25, v26  }
0x95: {  	s3 =	sand.u32 $0xFFF80, s12;
	s8 =	smin.u32 s8, $0xF4180  }
0x96: {  	s3 =	smin.u32 s3, $0xF4180;
	s8 =	sadd.s32 s1, s8;
	[tilespmem:$0x2580] =	vst v25  }
0x97: {  	[tilespmem:s19], [sflag:$0x1] =	stream.strided.gather [hbm4b:s8+s17], $0x1000, s18, s17, $0x38;
	[tilespmem:$0x12900] =	vst v63  }
0x98: {  	s3 =	sadd.s32 s2, s3  }
0x99: {  	[tilespmem:s20], [sflag:$0x2] =	stream.strided.gather [hbm4b:s3+s17], $0x1000, s18, s17, $0x38;
	[tilespmem:$0x12900] =	vst v63  }
0x9a: {  	_ =	swait.ge [sflag:s5], $0x1000  }
0x9b: {  	[sflag:s5] =	ssyncset.done $0x0  }
0x9c: {  	[sflag:s5] =	ssyncadd.s32 $0xFFFFF000  }
0x9d: {  	_ =	swait.ge [sflag:s6], $0x1000  }
0x9e: {  	(v2sf) =	vpush v21, $0x1;
	_ =	sdelay $0x1  }
0x9f: {  	(v2sf) =	vpush v23, $0x1;
	_ =	sdelay $0xc  }
0xa0: {  	s3 =	spop (v2sf)  }
0xa1: {  	s12 =	sand.u32 $0xFFF80, s3  }
0xa2: {  	s11 =	spop (v2sf);
	s8 =	smin.u32 s12, $0xF4180  }
0xa3: {  	s12 =	sand.u32 $0xFFF80, s11;
	s8 =	ssub.s32 s3, s8  }
0xa4: {  	s12 =	smin.u32 s12, $0xF4180;
	p0 =	slt.s32 s8, $0x7F  }
0xa5: {  	s12 =	ssub.s32 s11, s12;
	s8 =	simm.s32 @!p0 $0x7F  }
0xa6: {  	p0 =	slt.s32 s12, $0x7F;
	v34 =	vadd.s32 s8, v0  }
0xa7: {  	s12 =	simm.s32 @!p0 $0x7F;
	v35 =	vadd.s32 s8, v2;
	s8 =	smax.u32 s3, $0xF41C0  }
0xa8: {  	v36 =	vadd.s32 s12, v0;
	s8 =	smin.u32 s8, $0xF423F  }
0xa9: {  	[sflag:s6] =	ssyncset.done $0x0;
	v37 =	vadd.s32 s12, v2;
	s12 =	smax.u32 s11, $0xF41C0;
	s8 =	sadd.s32 $0xFFF0BE40, s8  }
0xaa: {  	[sflag:s6] =	ssyncadd.s32 $0xFFFFF000;
	s12 =	smin.u32 s12, $0xF423F;
	v38 =	vadd.s32 s8, v0  }
0xab: {  	(v2sf) =	vpush v22, $0x1;
	s12 =	sadd.s32 $0xFFF0BE40, s12;
	v39 =	vadd.s32 s8, v2;
	v25 =	vld.idx.msk [tilespmem:v34+s21+$0x0], $0xffff  }
0xac: {  	(v2sf) =	vpush v24, $0x1;
	v40 =	vadd.s32 s12, v0;
	v26 =	vld.idx.msk [tilespmem:v35+s21+$0x0], $0xffff  }
0xad: {  	v41 =	vadd.s32 s12, v2;
	v27 =	vld.idx.msk [tilespmem:v36+s22+$0x0], $0xffff  }
0xae: {  	v28 =	vld.idx.msk [tilespmem:v37+s22+$0x0], $0xffff  }
0xaf: {  	v29 =	vld.idx.msk [tilespmem:v38+s15+$0x0], $0xffff  }
0xb0: {  	v30 =	vld.idx.msk [tilespmem:v39+s15+$0x0], $0xffff  }
0xb1: {  	v31 =	vld.idx.msk [tilespmem:v40+s16+$0x0], $0xffff  }
0xb2: {  	v32 =	vld.idx.msk [tilespmem:v41+s16+$0x0], $0xffff;
	_ =	sdelay $0x2  }
0xb3: {  	p5 =	sgt.u32 s3, $0xF41FF  }
0xb4: {  	p6 =	sgt.u32 s11, $0xF41FF;
	v25 =	vpsel p5, v29, v25  }
0xb5: {  	v26 =	vpsel p5, v30, v26;
	v27 =	vpsel p6, v31, v27;
	v28 =	vpsel p6, v32, v28  }
0xb6: {  	v25 =	vmul.f32 v27, v25;
	v26 =	vmul.f32 v28, v26;
	_ =	sdelay $0x1  }
0xb7: {  	s12 =	spop (v2sf);
	v25 =	vmul.f32 v25, v19;
	v26 =	vmul.f32 v26, v20  }
0xb8: {  	s11 =	spop (v2sf)  }
0xb9: {  	s8 =	sand.u32 $0xFFF80, s11;
	v25 =	vadd.f32 v26, v25  }
0xba: {  	s3 =	sand.u32 $0xFFF80, s12;
	s8 =	smin.u32 s8, $0xF4180  }
0xbb: {  	s3 =	smin.u32 s3, $0xF4180;
	s8 =	sadd.s32 s1, s8;
	[tilespmem:$0x2590] =	vst v25  }
0xbc: {  	[tilespmem:s21], [sflag:$0x1] =	stream.strided.gather [hbm4b:s8+s17], $0x1000, s18, s17, $0x38;
	[tilespmem:$0x12900] =	vst v63  }
0xbd: {  	s3 =	sadd.s32 s2, s3  }
0xbe: {  	[tilespmem:s22], [sflag:$0x2] =	stream.strided.gather [hbm4b:s3+s17], $0x1000, s18, s17, $0x38;
	[tilespmem:$0x12900] =	vst v63  }
0xbf: {  	_ =	swait.ge [sflag:s5], $0x1000  }
0xc0: {  	[sflag:s5] =	ssyncset.done $0x0  }
0xc1: {  	[sflag:s5] =	ssyncadd.s32 $0xFFFFF000  }
0xc2: {  	_ =	swait.ge [sflag:s6], $0x1000  }
0xc3: {  	(v2sf) =	vpush v21, $0x2;
	_ =	sdelay $0x1  }
0xc4: {  	(v2sf) =	vpush v23, $0x2;
	_ =	sdelay $0xc  }
0xc5: {  	s3 =	spop (v2sf)  }
0xc6: {  	s12 =	sand.u32 $0xFFF80, s3  }
0xc7: {  	s11 =	spop (v2sf);
	s8 =	smin.u32 s12, $0xF4180  }
0xc8: {  	s12 =	sand.u32 $0xFFF80, s11;
	s8 =	ssub.s32 s3, s8  }
0xc9: {  	s12 =	smin.u32 s12, $0xF4180;
	p0 =	slt.s32 s8, $0x7F  }
0xca: {  	s12 =	ssub.s32 s11, s12;
	s8 =	simm.s32 @!p0 $0x7F  }
0xcb: {  	p0 =	slt.s32 s12, $0x7F;
	v42 =	vadd.s32 s8, v0  }
0xcc: {  	s12 =	simm.s32 @!p0 $0x7F;
	v43 =	vadd.s32 s8, v2;
	s8 =	smax.u32 s3, $0xF41C0  }
0xcd: {  	v44 =	vadd.s32 s12, v0;
	s8 =	smin.u32 s8, $0xF423F  }
0xce: {  	[sflag:s6] =	ssyncset.done $0x0;
	v45 =	vadd.s32 s12, v2;
	s12 =	smax.u32 s11, $0xF41C0;
	s8 =	sadd.s32 $0xFFF0BE40, s8  }
0xcf: {  	[sflag:s6] =	ssyncadd.s32 $0xFFFFF000;
	s12 =	smin.u32 s12, $0xF423F;
	v46 =	vadd.s32 s8, v0  }
0xd0: {  	(v2sf) =	vpush v22, $0x2;
	s12 =	sadd.s32 $0xFFF0BE40, s12;
	v47 =	vadd.s32 s8, v2;
	v25 =	vld.idx.msk [tilespmem:v42+s23+$0x0], $0xffff  }
0xd1: {  	(v2sf) =	vpush v24, $0x2;
	v48 =	vadd.s32 s12, v0;
	v26 =	vld.idx.msk [tilespmem:v43+s23+$0x0], $0xffff  }
0xd2: {  	v49 =	vadd.s32 s12, v2;
	v27 =	vld.idx.msk [tilespmem:v44+s24+$0x0], $0xffff  }
0xd3: {  	v28 =	vld.idx.msk [tilespmem:v45+s24+$0x0], $0xffff  }
0xd4: {  	v29 =	vld.idx.msk [tilespmem:v46+s15+$0x0], $0xffff  }
0xd5: {  	v30 =	vld.idx.msk [tilespmem:v47+s15+$0x0], $0xffff  }
0xd6: {  	v31 =	vld.idx.msk [tilespmem:v48+s16+$0x0], $0xffff  }
0xd7: {  	v32 =	vld.idx.msk [tilespmem:v49+s16+$0x0], $0xffff;
	_ =	sdelay $0x2  }
0xd8: {  	p1 =	sgt.u32 s3, $0xF41FF  }
0xd9: {  	p2 =	sgt.u32 s11, $0xF41FF;
	v25 =	vpsel p1, v29, v25  }
0xda: {  	v26 =	vpsel p1, v30, v26;
	v27 =	vpsel p2, v31, v27;
	v28 =	vpsel p2, v32, v28  }
0xdb: {  	v25 =	vmul.f32 v27, v25;
	v26 =	vmul.f32 v28, v26;
	_ =	sdelay $0x1  }
0xdc: {  	s12 =	spop (v2sf);
	v25 =	vmul.f32 v25, v19;
	v26 =	vmul.f32 v26, v20  }
0xdd: {  	s11 =	spop (v2sf)  }
0xde: {  	s8 =	sand.u32 $0xFFF80, s11;
	v25 =	vadd.f32 v26, v25  }
0xdf: {  	s3 =	sand.u32 $0xFFF80, s12;
	s8 =	smin.u32 s8, $0xF4180  }
0xe0: {  	s3 =	smin.u32 s3, $0xF4180;
	s8 =	sadd.s32 s1, s8;
	[tilespmem:$0x25A0] =	vst v25  }
0xe1: {  	[tilespmem:s23], [sflag:$0x1] =	stream.strided.gather [hbm4b:s8+s17], $0x1000, s18, s17, $0x38;
	[tilespmem:$0x12900] =	vst v63  }
0xe2: {  	s3 =	sadd.s32 s2, s3  }
0xe3: {  	[tilespmem:s24], [sflag:$0x2] =	stream.strided.gather [hbm4b:s3+s17], $0x1000, s18, s17, $0x38;
	[tilespmem:$0x12900] =	vst v63  }
0xe4: {  	_ =	swait.ge [sflag:s5], $0x1000  }
0xe5: {  	[sflag:s5] =	ssyncset.done $0x0  }
0xe6: {  	[sflag:s5] =	ssyncadd.s32 $0xFFFFF000  }
0xe7: {  	_ =	swait.ge [sflag:s6], $0x1000  }
0xe8: {  	(v2sf) =	vpush v21, $0x3;
	_ =	sdelay $0x1  }
0xe9: {  	(v2sf) =	vpush v23, $0x3;
	_ =	sdelay $0xc  }
0xea: {  	s3 =	spop (v2sf)  }
0xeb: {  	s12 =	sand.u32 $0xFFF80, s3  }
0xec: {  	s11 =	spop (v2sf);
	s8 =	smin.u32 s12, $0xF4180  }
0xed: {  	s12 =	sand.u32 $0xFFF80, s11;
	s8 =	ssub.s32 s3, s8  }
0xee: {  	s12 =	smin.u32 s12, $0xF4180;
	p0 =	slt.s32 s8, $0x7F  }
0xef: {  	s12 =	ssub.s32 s11, s12;
	s8 =	simm.s32 @!p0 $0x7F  }
0xf0: {  	p0 =	slt.s32 s12, $0x7F;
	v50 =	vadd.s32 s8, v0  }
0xf1: {  	s12 =	simm.s32 @!p0 $0x7F;
	v51 =	vadd.s32 s8, v2;
	s8 =	smax.u32 s3, $0xF41C0  }
0xf2: {  	v52 =	vadd.s32 s12, v0;
	s8 =	smin.u32 s8, $0xF423F  }
0xf3: {  	[sflag:s6] =	ssyncset.done $0x0;
	v53 =	vadd.s32 s12, v2;
	s12 =	smax.u32 s11, $0xF41C0;
	s8 =	sadd.s32 $0xFFF0BE40, s8  }
0xf4: {  	[sflag:s6] =	ssyncadd.s32 $0xFFFFF000;
	s12 =	smin.u32 s12, $0xF423F;
	v54 =	vadd.s32 s8, v0  }
0xf5: {  	(v2sf) =	vpush v22, $0x3;
	s12 =	sadd.s32 $0xFFF0BE40, s12;
	v55 =	vadd.s32 s8, v2;
	v25 =	vld.idx.msk [tilespmem:v50+s25+$0x0], $0xffff  }
0xf6: {  	(v2sf) =	vpush v24, $0x3;
	v56 =	vadd.s32 s12, v0;
	v26 =	vld.idx.msk [tilespmem:v51+s25+$0x0], $0xffff  }
0xf7: {  	v57 =	vadd.s32 s12, v2;
	v27 =	vld.idx.msk [tilespmem:v52+s26+$0x0], $0xffff  }
0xf8: {  	v28 =	vld.idx.msk [tilespmem:v53+s26+$0x0], $0xffff  }
0xf9: {  	v29 =	vld.idx.msk [tilespmem:v54+s15+$0x0], $0xffff  }
0xfa: {  	v30 =	vld.idx.msk [tilespmem:v55+s15+$0x0], $0xffff  }
0xfb: {  	v31 =	vld.idx.msk [tilespmem:v56+s16+$0x0], $0xffff  }
0xfc: {  	v32 =	vld.idx.msk [tilespmem:v57+s16+$0x0], $0xffff;
	_ =	sdelay $0x2  }
0xfd: {  	p3 =	sgt.u32 s3, $0xF41FF  }
0xfe: {  	p4 =	sgt.u32 s11, $0xF41FF;
	v25 =	vpsel p3, v29, v25  }
0xff: {  	v26 =	vpsel p3, v30, v26;
	v27 =	vpsel p4, v31, v27;
	v28 =	vpsel p4, v32, v28  }
0x100: {  	v25 =	vmul.f32 v27, v25;
	v26 =	vmul.f32 v28, v26;
	_ =	sdelay $0x1  }
0x101: {  	s12 =	spop (v2sf);
	v25 =	vmul.f32 v25, v19;
	v26 =	vmul.f32 v26, v20  }
0x102: {  	s11 =	spop (v2sf)  }
0x103: {  	s8 =	sand.u32 $0xFFF80, s11;
	v25 =	vadd.f32 v26, v25  }
0x104: {  	s3 =	sand.u32 $0xFFF80, s12;
	s8 =	smin.u32 s8, $0xF4180  }
0x105: {  	s3 =	smin.u32 s3, $0xF4180;
	s8 =	sadd.s32 s1, s8;
	[tilespmem:$0x25B0] =	vst v25  }
0x106: {  	[tilespmem:s25], [sflag:$0x1] =	stream.strided.gather [hbm4b:s8+s17], $0x1000, s18, s17, $0x38;
	[tilespmem:$0x12900] =	vst v63  }
0x107: {  	s3 =	sadd.s32 s2, s3  }
0x108: {  	[tilespmem:s26], [sflag:$0x2] =	stream.strided.gather [hbm4b:s3+s17], $0x1000, s18, s17, $0x38;
	[tilespmem:$0x12900] =	vst v63  }
0x109: {  	_ =	swait.ge [sflag:s5], $0x1000  }
0x10a: {  	[sflag:s5] =	ssyncset.done $0x0  }
0x10b: {  	[sflag:s5] =	ssyncadd.s32 $0xFFFFF000  }
0x10c: {  	_ =	swait.ge [sflag:s6], $0x1000  }
0x10d: {  	(v2sf) =	vpush v21, $0x4;
	_ =	sdelay $0x1  }
0x10e: {  	(v2sf) =	vpush v23, $0x4;
	_ =	sdelay $0xc  }
0x10f: {  	s3 =	spop (v2sf)  }
0x110: {  	s12 =	sand.u32 $0xFFF80, s3  }
0x111: {  	s11 =	spop (v2sf);
	s8 =	smin.u32 s12, $0xF4180  }
0x112: {  	s12 =	sand.u32 $0xFFF80, s11;
	s8 =	ssub.s32 s3, s8  }
0x113: {  	s12 =	smin.u32 s12, $0xF4180;
	p0 =	slt.s32 s8, $0x7F  }
0x114: {  	s12 =	ssub.s32 s11, s12;
	s8 =	simm.s32 @!p0 $0x7F  }
0x115: {  	p0 =	slt.s32 s12, $0x7F;
	v58 =	vadd.s32 s8, v0  }
0x116: {  	s12 =	simm.s32 @!p0 $0x7F;
	v59 =	vadd.s32 s8, v2;
	s8 =	smax.u32 s3, $0xF41C0  }
0x117: {  	v60 =	vadd.s32 s12, v0;
	s8 =	smin.u32 s8, $0xF423F  }
0x118: {  	[sflag:s6] =	ssyncset.done $0x0;
	v61 =	vadd.s32 s12, v2;
	s12 =	smax.u32 s11, $0xF41C0;
	s8 =	sadd.s32 $0xFFF0BE40, s8  }
0x119: {  	[sflag:s6] =	ssyncadd.s32 $0xFFFFF000;
	s12 =	smin.u32 s12, $0xF423F;
	v62 =	vadd.s32 s8, v0  }
0x11a: {  	(v2sf) =	vpush v22, $0x4;
	s12 =	sadd.s32 $0xFFF0BE40, s12;
	v63 =	vadd.s32 s8, v2;
	v25 =	vld.idx.msk [tilespmem:v58+s28+$0x0], $0xffff  }
0x11b: {  	(v2sf) =	vpush v24, $0x4;
	v36 =	vadd.s32 s12, v0;
	v26 =	vld.idx.msk [tilespmem:v59+s28+$0x0], $0xffff  }
0x11c: {  	v37 =	vadd.s32 s12, v2;
	v27 =	vld.idx.msk [tilespmem:v60+s29+$0x0], $0xffff  }
0x11d: {  	v28 =	vld.idx.msk [tilespmem:v61+s29+$0x0], $0xffff  }
0x11e: {  	v29 =	vld.idx.msk [tilespmem:v62+s15+$0x0], $0xffff  }
0x11f: {  	v30 =	vld.idx.msk [tilespmem:v63+s15+$0x0], $0xffff  }
0x120: {  	v31 =	vld.idx.msk [tilespmem:v36+s16+$0x0], $0xffff  }
0x121: {  	v32 =	vld.idx.msk [tilespmem:v37+s16+$0x0], $0xffff;
	_ =	sdelay $0x2  }
0x122: {  	p5 =	sgt.u32 s3, $0xF41FF  }
0x123: {  	p6 =	sgt.u32 s11, $0xF41FF;
	v25 =	vpsel p5, v29, v25  }
0x124: {  	v26 =	vpsel p5, v30, v26;
	v27 =	vpsel p6, v31, v27;
	v28 =	vpsel p6, v32, v28  }
0x125: {  	v25 =	vmul.f32 v27, v25;
	v26 =	vmul.f32 v28, v26;
	_ =	sdelay $0x1  }
0x126: {  	s12 =	spop (v2sf);
	v25 =	vmul.f32 v25, v19;
	v26 =	vmul.f32 v26, v20  }
0x127: {  	s11 =	spop (v2sf)  }
0x128: {  	s8 =	sand.u32 $0xFFF80, s11;
	v25 =	vadd.f32 v26, v25  }
0x129: {  	s3 =	sand.u32 $0xFFF80, s12;
	s8 =	smin.u32 s8, $0xF4180  }
0x12a: {  	s3 =	smin.u32 s3, $0xF4180;
	s8 =	sadd.s32 s1, s8;
	[tilespmem:$0x25C0] =	vst v25  }
0x12b: {  	[tilespmem:s28], [sflag:$0x1] =	stream.strided.gather [hbm4b:s8+s17], $0x1000, s18, s17, $0x38;
	[tilespmem:$0x12900] =	vst v63  }
0x12c: {  	s3 =	sadd.s32 s2, s3  }
0x12d: {  	[tilespmem:s29], [sflag:$0x2] =	stream.strided.gather [hbm4b:s3+s17], $0x1000, s18, s17, $0x38;
	[tilespmem:$0x12900] =	vst v63  }
0x12e: {  	_ =	swait.ge [sflag:s5], $0x1000  }
0x12f: {  	[sflag:s5] =	ssyncset.done $0x0  }
0x130: {  	[sflag:s5] =	ssyncadd.s32 $0xFFFFF000  }
0x131: {  	_ =	swait.ge [sflag:s6], $0x1000  }
0x132: {  	(v2sf) =	vpush v21, $0x5;
	_ =	sdelay $0x1  }
0x133: {  	(v2sf) =	vpush v23, $0x5;
	_ =	sdelay $0xc  }
0x134: {  	s3 =	spop (v2sf)  }
0x135: {  	s12 =	sand.u32 $0xFFF80, s3  }
0x136: {  	s11 =	spop (v2sf);
	s8 =	smin.u32 s12, $0xF4180  }
0x137: {  	s12 =	sand.u32 $0xFFF80, s11;
	s8 =	ssub.s32 s3, s8  }
0x138: {  	s12 =	smin.u32 s12, $0xF4180;
	p0 =	slt.s32 s8, $0x7F  }
0x139: {  	s12 =	ssub.s32 s11, s12;
	s8 =	simm.s32 @!p0 $0x7F  }
0x13a: {  	p0 =	slt.s32 s12, $0x7F;
	v38 =	vadd.s32 s8, v0  }
0x13b: {  	s12 =	simm.s32 @!p0 $0x7F;
	v39 =	vadd.s32 s8, v2;
	s8 =	smax.u32 s3, $0xF41C0  }
0x13c: {  	v40 =	vadd.s32 s12, v0;
	s8 =	smin.u32 s8, $0xF423F  }
0x13d: {  	[sflag:s6] =	ssyncset.done $0x0;
	v41 =	vadd.s32 s12, v2;
	s12 =	smax.u32 s11, $0xF41C0;
	s8 =	sadd.s32 $0xFFF0BE40, s8  }
0x13e: {  	[sflag:s6] =	ssyncadd.s32 $0xFFFFF000;
	s12 =	smin.u32 s12, $0xF423F;
	v42 =	vadd.s32 s8, v0  }
0x13f: {  	(v2sf) =	vpush v22, $0x5;
	s12 =	sadd.s32 $0xFFF0BE40, s12;
	v43 =	vadd.s32 s8, v2;
	v25 =	vld.idx.msk [tilespmem:v38+s30+$0x0], $0xffff  }
0x140: {  	(v2sf) =	vpush v24, $0x5;
	v44 =	vadd.s32 s12, v0;
	v26 =	vld.idx.msk [tilespmem:v39+s30+$0x0], $0xffff  }
0x141: {  	v45 =	vadd.s32 s12, v2;
	v27 =	vld.idx.msk [tilespmem:v40+s31+$0x0], $0xffff  }
0x142: {  	v28 =	vld.idx.msk [tilespmem:v41+s31+$0x0], $0xffff  }
0x143: {  	v29 =	vld.idx.msk [tilespmem:v42+s15+$0x0], $0xffff  }
0x144: {  	v30 =	vld.idx.msk [tilespmem:v43+s15+$0x0], $0xffff  }
0x145: {  	v31 =	vld.idx.msk [tilespmem:v44+s16+$0x0], $0xffff  }
0x146: {  	v32 =	vld.idx.msk [tilespmem:v45+s16+$0x0], $0xffff;
	_ =	sdelay $0x2  }
0x147: {  	p1 =	sgt.u32 s3, $0xF41FF  }
0x148: {  	p2 =	sgt.u32 s11, $0xF41FF;
	v25 =	vpsel p1, v29, v25  }
0x149: {  	v26 =	vpsel p1, v30, v26;
	v27 =	vpsel p2, v31, v27;
	v28 =	vpsel p2, v32, v28  }
0x14a: {  	v25 =	vmul.f32 v27, v25;
	v26 =	vmul.f32 v28, v26;
	_ =	sdelay $0x1  }
0x14b: {  	s12 =	spop (v2sf);
	v25 =	vmul.f32 v25, v19;
	v26 =	vmul.f32 v26, v20  }
0x14c: {  	s11 =	spop (v2sf)  }
0x14d: {  	s8 =	sand.u32 $0xFFF80, s11;
	v25 =	vadd.f32 v26, v25  }
0x14e: {  	s3 =	sand.u32 $0xFFF80, s12;
	s8 =	smin.u32 s8, $0xF4180  }
0x14f: {  	s3 =	smin.u32 s3, $0xF4180;
	s8 =	sadd.s32 s1, s8;
	[tilespmem:$0x25D0] =	vst v25  }
0x150: {  	[tilespmem:s30], [sflag:$0x1] =	stream.strided.gather [hbm4b:s8+s17], $0x1000, s18, s17, $0x38;
	[tilespmem:$0x12900] =	vst v63  }
0x151: {  	s3 =	sadd.s32 s2, s3  }
0x152: {  	[tilespmem:s31], [sflag:$0x2] =	stream.strided.gather [hbm4b:s3+s17], $0x1000, s18, s17, $0x38;
	[tilespmem:$0x12900] =	vst v63  }
0x153: {  	_ =	swait.ge [sflag:s5], $0x1000  }
0x154: {  	[sflag:s5] =	ssyncset.done $0x0  }
0x155: {  	[sflag:s5] =	ssyncadd.s32 $0xFFFFF000  }
0x156: {  	_ =	swait.ge [sflag:s6], $0x1000  }
0x157: {  	(v2sf) =	vpush v21, $0x6;
	_ =	sdelay $0x1  }
0x158: {  	(v2sf) =	vpush v23, $0x6;
	_ =	sdelay $0xc  }
0x159: {  	s3 =	spop (v2sf)  }
0x15a: {  	s12 =	sand.u32 $0xFFF80, s3  }
0x15b: {  	s11 =	spop (v2sf);
	s8 =	smin.u32 s12, $0xF4180  }
0x15c: {  	s12 =	sand.u32 $0xFFF80, s11;
	s8 =	ssub.s32 s3, s8  }
0x15d: {  	s12 =	smin.u32 s12, $0xF4180;
	p0 =	slt.s32 s8, $0x7F  }
0x15e: {  	s12 =	ssub.s32 s11, s12;
	s8 =	simm.s32 @!p0 $0x7F  }
0x15f: {  	p0 =	slt.s32 s12, $0x7F;
	v46 =	vadd.s32 s8, v0  }
0x160: {  	s12 =	simm.s32 @!p0 $0x7F;
	v47 =	vadd.s32 s8, v2;
	s8 =	smax.u32 s3, $0xF41C0  }
0x161: {  	v48 =	vadd.s32 s12, v0;
	s8 =	smin.u32 s8, $0xF423F  }
0x162: {  	[sflag:s6] =	ssyncset.done $0x0;
	v49 =	vadd.s32 s12, v2;
	s12 =	smax.u32 s11, $0xF41C0;
	s8 =	sadd.s32 $0xFFF0BE40, s8  }
0x163: {  	[sflag:s6] =	ssyncadd.s32 $0xFFFFF000;
	s12 =	smin.u32 s12, $0xF423F;
	v50 =	vadd.s32 s8, v0  }
0x164: {  	(v2sf) =	vpush v22, $0x6;
	s12 =	sadd.s32 $0xFFF0BE40, s12;
	v51 =	vadd.s32 s8, v2;
	v25 =	vld.idx.msk [tilespmem:v46+s0+$0x0], $0xffff  }
0x165: {  	(v2sf) =	vpush v24, $0x6;
	v52 =	vadd.s32 s12, v0;
	v26 =	vld.idx.msk [tilespmem:v47+s0+$0x0], $0xffff  }
0x166: {  	v53 =	vadd.s32 s12, v2;
	v27 =	vld.idx.msk [tilespmem:v48+s4+$0x0], $0xffff  }
0x167: {  	v28 =	vld.idx.msk [tilespmem:v49+s4+$0x0], $0xffff  }
0x168: {  	v29 =	vld.idx.msk [tilespmem:v50+s15+$0x0], $0xffff  }
0x169: {  	v30 =	vld.idx.msk [tilespmem:v51+s15+$0x0], $0xffff  }
0x16a: {  	v31 =	vld.idx.msk [tilespmem:v52+s16+$0x0], $0xffff  }
0x16b: {  	v32 =	vld.idx.msk [tilespmem:v53+s16+$0x0], $0xffff;
	_ =	sdelay $0x2  }
0x16c: {  	p3 =	sgt.u32 s3, $0xF41FF  }
0x16d: {  	p4 =	sgt.u32 s11, $0xF41FF;
	v25 =	vpsel p3, v29, v25  }
0x16e: {  	v26 =	vpsel p3, v30, v26;
	v27 =	vpsel p4, v31, v27;
	v28 =	vpsel p4, v32, v28  }
0x16f: {  	v25 =	vmul.f32 v27, v25;
	v26 =	vmul.f32 v28, v26;
	_ =	sdelay $0x1  }
0x170: {  	s12 =	spop (v2sf);
	v25 =	vmul.f32 v25, v19;
	v26 =	vmul.f32 v26, v20  }
0x171: {  	s11 =	spop (v2sf)  }
0x172: {  	s8 =	sand.u32 $0xFFF80, s11;
	v25 =	vadd.f32 v26, v25  }
0x173: {  	s3 =	sand.u32 $0xFFF80, s12;
	s8 =	smin.u32 s8, $0xF4180  }
0x174: {  	s3 =	smin.u32 s3, $0xF4180;
	s8 =	sadd.s32 s1, s8;
	[tilespmem:$0x25E0] =	vst v25  }
0x175: {  	[tilespmem:s0], [sflag:$0x1] =	stream.strided.gather [hbm4b:s8+s17], $0x1000, s18, s17, $0x38;
	[tilespmem:$0x12900] =	vst v63  }
0x176: {  	s3 =	sadd.s32 s2, s3  }
0x177: {  	[tilespmem:s4], [sflag:$0x2] =	stream.strided.gather [hbm4b:s3+s17], $0x1000, s18, s17, $0x38;
	[tilespmem:$0x12900] =	vst v63  }
0x178: {  	_ =	swait.ge [sflag:s5], $0x1000  }
0x179: {  	[sflag:s5] =	ssyncset.done $0x0  }
0x17a: {  	[sflag:s5] =	ssyncadd.s32 $0xFFFFF000  }
0x17b: {  	_ =	swait.ge [sflag:s6], $0x1000  }
0x17c: {  	(v2sf) =	vpush v21, $0x7;
	_ =	sdelay $0x1  }
0x17d: {  	(v2sf) =	vpush v23, $0x7;
	_ =	sdelay $0xc  }
0x17e: {  	s3 =	spop (v2sf)  }
0x17f: {  	s12 =	sand.u32 $0xFFF80, s3  }
0x180: {  	s11 =	spop (v2sf);
	s8 =	smin.u32 s12, $0xF4180  }
0x181: {  	s12 =	sand.u32 $0xFFF80, s11;
	s8 =	ssub.s32 s3, s8  }
0x182: {  	s12 =	smin.u32 s12, $0xF4180;
	p0 =	slt.s32 s8, $0x7F  }
0x183: {  	s12 =	ssub.s32 s11, s12;
	s8 =	simm.s32 @!p0 $0x7F  }
0x184: {  	p0 =	slt.s32 s12, $0x7F;
	v21 =	vadd.s32 s8, v0  }
0x185: {  	s12 =	simm.s32 @!p0 $0x7F;
	v23 =	vadd.s32 s8, v2;
	s8 =	smax.u32 s3, $0xF41C0  }
0x186: {  	v54 =	vadd.s32 s12, v0;
	s8 =	smin.u32 s8, $0xF423F  }
0x187: {  	[sflag:s6] =	ssyncset.done $0x0;
	v55 =	vadd.s32 s12, v2;
	s12 =	smax.u32 s11, $0xF41C0;
	s8 =	sadd.s32 $0xFFF0BE40, s8  }
0x188: {  	[sflag:s6] =	ssyncadd.s32 $0xFFFFF000;
	s12 =	smin.u32 s12, $0xF423F;
	v56 =	vadd.s32 s8, v0  }
0x189: {  	(v2sf) =	vpush v22, $0x7;
	v57 =	vadd.s32 s8, v2;
	s12 =	sadd.s32 $0xFFF0BE40, s12;
	v21 =	vld.idx.msk [tilespmem:v21+s13+$0x0], $0xffff  }
0x18a: {  	(v2sf) =	vpush v24, $0x7;
	v58 =	vadd.s32 s12, v2;
	v22 =	vld.idx.msk [tilespmem:v23+s13+$0x0], $0xffff  }
0x18b: {  	v23 =	vadd.s32 s12, v0;
	v25 =	vld.idx.msk [tilespmem:v54+s14+$0x0], $0xffff  }
0x18c: {  	v26 =	vld.idx.msk [tilespmem:v55+s14+$0x0], $0xffff  }
0x18d: {  	v27 =	vld.idx.msk [tilespmem:v56+s15+$0x0], $0xffff  }
0x18e: {  	v28 =	vld.idx.msk [tilespmem:v57+s15+$0x0], $0xffff  }
0x18f: {  	v24 =	vld.idx.msk [tilespmem:v58+s16+$0x0], $0xffff  }
0x190: {  	v23 =	vld.idx.msk [tilespmem:v23+s16+$0x0], $0xffff;
	_ =	sdelay $0x2  }
0x191: {  	p5 =	sgt.u32 s3, $0xF41FF  }
0x192: {  	p6 =	sgt.u32 s11, $0xF41FF;
	v21 =	vpsel p5, v27, v21  }
0x193: {  	v22 =	vpsel p5, v28, v22;
	v24 =	vpsel p6, v24, v26;
	v23 =	vpsel p6, v23, v25  }
0x194: {  	v22 =	vmul.f32 v24, v22;
	v21 =	vmul.f32 v23, v21;
	_ =	sdelay $0x1  }
0x195: {  	s11 =	spop (v2sf);
	v22 =	vmul.f32 v22, v20;
	v21 =	vmul.f32 v21, v19  }
0x196: {  	s12 =	spop (v2sf)  }
0x197: {  	s8 =	sand.u32 $0xFFF80, s12;
	v21 =	vadd.f32 v22, v21  }
0x198: {  	s3 =	sand.u32 $0xFFF80, s11;
	s8 =	smin.u32 s8, $0xF4180  }
0x199: {  	s3 =	smin.u32 s3, $0xF4180;
	s8 =	sadd.s32 s1, s8;
	[tilespmem:$0x25F0] =	vst v21  }
0x19a: {  	[tilespmem:s13], [sflag:$0x1] =	stream.strided.gather [hbm4b:s8+s17], $0x1000, s18, s17, $0x38;
	[tilespmem:$0x12900] =	vst v63  }
0x19b: {  	s3 =	sadd.s32 s2, s3  }
0x19c: {  	[tilespmem:s14], [sflag:$0x2] =	stream.strided.gather [hbm4b:s3+s17], $0x1000, s18, s17, $0x38;
	[tilespmem:$0x12900] =	vst v63  }
0x19d: {  	v21 =	vld.idx.msk [tilespmem:v1+s7+$0x0], $0xffff;
	_ =	sdelay $0x1  }
0x19e: {  	v22 =	vld.idx.msk [tilespmem:v3+s7+$0x0], $0xffff;
	_ =	sdelay $0x1  }
0x19f: {  	v23 =	vld.idx.msk [tilespmem:v4+s7+$0x0], $0xffff  }
0x1a0: {  	v21 =	vadd.f32 $0.0e+00, v21  }
0x1a1: {  	v59 =	vld.idx.msk [tilespmem:v5+s7+$0x0], $0xffff  }
0x1a2: {  	v21 =	vadd.f32 v22, v21  }
0x1a3: {  	v22 =	vld.idx.msk [tilespmem:v6+s7+$0x0], $0xffff  }
0x1a4: {  	v21 =	vadd.f32 v23, v21  }
0x1a5: {  	v23 =	vld.idx.msk [tilespmem:v7+s7+$0x0], $0xffff  }
0x1a6: {  	v21 =	vadd.f32 v59, v21  }
0x1a7: {  	v60 =	vld.idx.msk [tilespmem:v8+s7+$0x0], $0xffff  }
0x1a8: {  	v21 =	vadd.f32 v22, v21  }
0x1a9: {  	v22 =	vld.idx.msk [tilespmem:v9+s7+$0x0], $0xffff  }
0x1aa: {  	v21 =	vadd.f32 v23, v21  }
0x1ab: {  	v23 =	vld.idx.msk [tilespmem:v10+s7+$0x0], $0xffff  }
0x1ac: {  	v21 =	vadd.f32 v60, v21  }
0x1ad: {  	v61 =	vld.idx.msk [tilespmem:v11+s7+$0x0], $0xffff  }
0x1ae: {  	v21 =	vadd.f32 v22, v21  }
0x1af: {  	v22 =	vld.idx.msk [tilespmem:v12+s7+$0x0], $0xffff  }
0x1b0: {  	v21 =	vadd.f32 v23, v21  }
0x1b1: {  	v23 =	vld.idx.msk [tilespmem:v13+s7+$0x0], $0xffff  }
0x1b2: {  	v21 =	vadd.f32 v61, v21  }
0x1b3: {  	v62 =	vld.idx.msk [tilespmem:v14+s7+$0x0], $0xffff  }
0x1b4: {  	v21 =	vadd.f32 v22, v21  }
0x1b5: {  	v22 =	vld.idx.msk [tilespmem:v15+s7+$0x0], $0xffff  }
0x1b6: {  	v21 =	vadd.f32 v23, v21  }
0x1b7: {  	v23 =	vld.idx.msk [tilespmem:v16+s7+$0x0], $0xffff  }
0x1b8: {  	v21 =	vadd.f32 v62, v21  }
0x1b9: {  	v63 =	vld.idx.msk [tilespmem:v17+s7+$0x0], $0xffff  }
0x1ba: {  	v21 =	vadd.f32 v22, v21;
	_ =	sdelay $0x1  }
0x1bb: {  	v21 =	vadd.f32 v23, v21;
	_ =	sdelay $0x1  }
0x1bc: {  	v21 =	vadd.f32 v63, v21;
	_ =	sdelay $0x1  }
0x1bd: {  	v21 =	vadd.f32 v21, v18;
	_ =	sdelay $0x1  }
0x1be: {  	v21 =	vsub.f32 $0.0e+00, v21;
	_ =	sdelay $0x1  }
0x1bf: {  	v21 =	vmul.f32 $1.442695020e+00, v21;
	_ =	sdelay $0x1  }
0x1c0: {  	(erf) = vpow2.f32 v21;
	_ =	sdelay $0x8  }
0x1c1: {  	v21 =	vpop (erf)  }
0x1c2: {  	v21 =	vadd.f32 $1.000000000e+00, v21;
	_ =	sdelay $0x1  }
0x1c3: {  	(erf) = vrcp.f32 v21;
	_ =	sdelay $0x4  }
0x1c4: {  	p0 =	sne.s32 s9, $0x7C0  }
.Ltmp0:
0x1c5: {  	_ = 	snop;
	(pc) =	sbr.rel @p0 .LBB2_2-.Ltmp0, $3  }
0x1c6: {  	_ =	sdelay $0x1  }
0x1c7: {  	v21 =	vpop (erf)  }
0x1c8: {  	s9 =	sadd.s32 $0x20, s9;
	[tilespmem:s10+$0x2680] =	vst v21  }
0x1c9: {  	v21 =	vld [tilespmem:$0x1F8];
	_ =	sdelay $0x1  }
0x1ca: {  	v22 =	vld [tilespmem:$0x478];
	_ =	sdelay $0x1  }
0x1cb: {  	_ =	swait.ge [sflag:s5], $0x1000  }
0x1cc: {  	[sflag:s5] =	ssyncset.done $0x0;
	vm0 =	vgt.s32 v21, $0x0  }
0x1cd: {  	[sflag:s5] =	ssyncadd.s32 $0xFFFFF000;
	v21 =	vnsel vm0, $0x0, v21  }
0x1ce: {  	_ =	swait.ge [sflag:s6], $0x1000;
	vm15 =	vgt.s32 v22, $0x0;
	v21 =	vmin.u32 v21, $0xF423F  }
0x1cf: {  	v22 =	vnsel vm15, $0x0, v22;
	(v2sf) =	vpush v21, $0x0  }
0x1d0: {  	v22 =	vmin.u32 v22, $0xF423F  }
0x1d1: {  	(v2sf) =	vpush v22, $0x0;
	_ =	sdelay $0xc  }
0x1d2: {  	s3 =	spop (v2sf)  }
0x1d3: {  	s8 =	sand.u32 $0xFFF80, s3  }
0x1d4: {  	s9 =	spop (v2sf);
	s8 =	smin.u32 s8, $0xF4180  }
0x1d5: {  	s10 =	sand.u32 $0xFFF80, s9;
	s8 =	ssub.s32 s3, s8  }
0x1d6: {  	s10 =	smin.u32 s10, $0xF4180;
	p0 =	slt.s32 s8, $0x7F  }
0x1d7: {  	s10 =	ssub.s32 s9, s10;
	s8 =	simm.s32 @!p0 $0x7F  }
0x1d8: {  	p0 =	slt.s32 s10, $0x7F;
	v23 =	vadd.s32 s8, v0  }
0x1d9: {  	s11 =	smax.u32 s3, $0xF41C0;
	s10 =	simm.s32 @!p0 $0x7F;
	v24 =	vadd.s32 s8, v2  }
0x1da: {  	s8 =	smin.u32 s11, $0xF423F;
	v25 =	vadd.s32 s10, v0  }
0x1db: {  	[sflag:s6] =	ssyncset.done $0x0;
	s12 =	smax.u32 s9, $0xF41C0;
	v26 =	vadd.s32 s10, v2;
	s8 =	sadd.s32 $0xFFF0BE40, s8  }
0x1dc: {  	[sflag:s6] =	ssyncadd.s32 $0xFFFFF000;
	s10 =	smin.u32 s12, $0xF423F;
	v27 =	vadd.s32 s8, v0  }
0x1dd: {  	s10 =	sadd.s32 $0xFFF0BE40, s10;
	v28 =	vadd.s32 s8, v2;
	v23 =	vld.idx.msk [tilespmem:v23+s19+$0x0], $0xffff  }
0x1de: {  	v29 =	vadd.s32 s10, v0;
	v24 =	vld.idx.msk [tilespmem:v24+s19+$0x0], $0xffff  }
0x1df: {  	v30 =	vadd.s32 s10, v2;
	v25 =	vld.idx.msk [tilespmem:v25+s20+$0x0], $0xffff  }
0x1e0: {  	v26 =	vld.idx.msk [tilespmem:v26+s20+$0x0], $0xffff  }
0x1e1: {  	v27 =	vld.idx.msk [tilespmem:v27+s15+$0x0], $0xffff  }
0x1e2: {  	v28 =	vld.idx.msk [tilespmem:v28+s15+$0x0], $0xffff  }
0x1e3: {  	v29 =	vld.idx.msk [tilespmem:v29+s16+$0x0], $0xffff  }
0x1e4: {  	v30 =	vld.idx.msk [tilespmem:v30+s16+$0x0], $0xffff;
	_ =	sdelay $0x2  }
0x1e5: {  	p4 =	sgt.u32 s3, $0xF41FF  }
0x1e6: {  	p1 =	sgt.u32 s9, $0xF41FF;
	v23 =	vpsel p4, v27, v23  }
0x1e7: {  	v24 =	vpsel p4, v28, v24;
	v25 =	vpsel p1, v29, v25;
	v26 =	vpsel p1, v30, v26  }
0x1e8: {  	v23 =	vmul.f32 v25, v23;
	v24 =	vmul.f32 v26, v24;
	_ =	sdelay $0x1  }
0x1e9: {  	v23 =	vmul.f32 v23, v19;
	v24 =	vmul.f32 v24, v20;
	_ =	sdelay $0x1  }
0x1ea: {  	v23 =	vadd.f32 v24, v23;
	_ =	sdelay $0x1  }
0x1eb: {  	[tilespmem:$0x2580] =	vst v23  }
0x1ec: {  	_ =	swait.ge [sflag:s5], $0x1000  }
0x1ed: {  	[sflag:s5] =	ssyncset.done $0x0  }
0x1ee: {  	[sflag:s5] =	ssyncadd.s32 $0xFFFFF000  }
0x1ef: {  	_ =	swait.ge [sflag:s6], $0x1000  }
0x1f0: {  	(v2sf) =	vpush v21, $0x1;
	_ =	sdelay $0x1  }
0x1f1: {  	(v2sf) =	vpush v22, $0x1;
	_ =	sdelay $0xc  }
0x1f2: {  	s3 =	spop (v2sf)  }
0x1f3: {  	s11 =	sand.u32 $0xFFF80, s3  }
0x1f4: {  	s9 =	spop (v2sf);
	s8 =	smin.u32 s11, $0xF4180  }
0x1f5: {  	s12 =	sand.u32 $0xFFF80, s9;
	s8 =	ssub.s32 s3, s8  }
0x1f6: {  	s10 =	smin.u32 s12, $0xF4180;
	p0 =	slt.s32 s8, $0x7F  }
0x1f7: {  	s10 =	ssub.s32 s9, s10;
	s8 =	simm.s32 @!p0 $0x7F  }
0x1f8: {  	p0 =	slt.s32 s10, $0x7F;
	v56 =	vadd.s32 s8, v0  }
0x1f9: {  	s11 =	smax.u32 s3, $0xF41C0;
	s10 =	simm.s32 @!p0 $0x7F;
	v57 =	vadd.s32 s8, v2  }
0x1fa: {  	s8 =	smin.u32 s11, $0xF423F;
	v58 =	vadd.s32 s10, v0  }
0x1fb: {  	[sflag:s6] =	ssyncset.done $0x0;
	s12 =	smax.u32 s9, $0xF41C0;
	v59 =	vadd.s32 s10, v2;
	s8 =	sadd.s32 $0xFFF0BE40, s8  }
0x1fc: {  	[sflag:s6] =	ssyncadd.s32 $0xFFFFF000;
	s10 =	smin.u32 s12, $0xF423F;
	v60 =	vadd.s32 s8, v0  }
0x1fd: {  	s10 =	sadd.s32 $0xFFF0BE40, s10;
	v61 =	vadd.s32 s8, v2;
	v23 =	vld.idx.msk [tilespmem:v56+s21+$0x0], $0xffff  }
0x1fe: {  	v62 =	vadd.s32 s10, v0;
	v24 =	vld.idx.msk [tilespmem:v57+s21+$0x0], $0xffff  }
0x1ff: {  	v63 =	vadd.s32 s10, v2;
	v25 =	vld.idx.msk [tilespmem:v58+s22+$0x0], $0xffff  }
0x200: {  	v26 =	vld.idx.msk [tilespmem:v59+s22+$0x0], $0xffff  }
0x201: {  	v27 =	vld.idx.msk [tilespmem:v60+s15+$0x0], $0xffff  }
0x202: {  	v28 =	vld.idx.msk [tilespmem:v61+s15+$0x0], $0xffff  }
0x203: {  	v29 =	vld.idx.msk [tilespmem:v62+s16+$0x0], $0xffff  }
0x204: {  	v30 =	vld.idx.msk [tilespmem:v63+s16+$0x0], $0xffff;
	_ =	sdelay $0x2  }
0x205: {  	p5 =	sgt.u32 s3, $0xF41FF  }
0x206: {  	p6 =	sgt.u32 s9, $0xF41FF;
	v23 =	vpsel p5, v27, v23  }
0x207: {  	v24 =	vpsel p5, v28, v24;
	v25 =	vpsel p6, v29, v25;
	v26 =	vpsel p6, v30, v26  }
0x208: {  	v23 =	vmul.f32 v25, v23;
	v24 =	vmul.f32 v26, v24;
	_ =	sdelay $0x1  }
0x209: {  	v23 =	vmul.f32 v23, v19;
	v24 =	vmul.f32 v24, v20;
	_ =	sdelay $0x1  }
0x20a: {  	v23 =	vadd.f32 v24, v23;
	_ =	sdelay $0x1  }
0x20b: {  	[tilespmem:$0x2590] =	vst v23  }
0x20c: {  	_ =	swait.ge [sflag:s5], $0x1000  }
0x20d: {  	[sflag:s5] =	ssyncset.done $0x0  }
0x20e: {  	[sflag:s5] =	ssyncadd.s32 $0xFFFFF000  }
0x20f: {  	_ =	swait.ge [sflag:s6], $0x1000  }
0x210: {  	(v2sf) =	vpush v21, $0x2;
	_ =	sdelay $0x1  }
0x211: {  	(v2sf) =	vpush v22, $0x2;
	_ =	sdelay $0xc  }
0x212: {  	s3 =	spop (v2sf)  }
0x213: {  	s11 =	sand.u32 $0xFFF80, s3  }
0x214: {  	s9 =	spop (v2sf);
	s8 =	smin.u32 s11, $0xF4180  }
0x215: {  	s12 =	sand.u32 $0xFFF80, s9;
	s8 =	ssub.s32 s3, s8  }
0x216: {  	s10 =	smin.u32 s12, $0xF4180;
	p0 =	slt.s32 s8, $0x7F  }
0x217: {  	s10 =	ssub.s32 s9, s10;
	s8 =	simm.s32 @!p0 $0x7F  }
0x218: {  	p0 =	slt.s32 s10, $0x7F;
	v32 =	vadd.s32 s8, v0  }
0x219: {  	s11 =	smax.u32 s3, $0xF41C0;
	s10 =	simm.s32 @!p0 $0x7F;
	v33 =	vadd.s32 s8, v2  }
0x21a: {  	s8 =	smin.u32 s11, $0xF423F;
	v34 =	vadd.s32 s10, v0  }
0x21b: {  	[sflag:s6] =	ssyncset.done $0x0;
	s12 =	smax.u32 s9, $0xF41C0;
	v35 =	vadd.s32 s10, v2;
	s8 =	sadd.s32 $0xFFF0BE40, s8  }
0x21c: {  	[sflag:s6] =	ssyncadd.s32 $0xFFFFF000;
	s10 =	smin.u32 s12, $0xF423F;
	v36 =	vadd.s32 s8, v0  }
0x21d: {  	s10 =	sadd.s32 $0xFFF0BE40, s10;
	v37 =	vadd.s32 s8, v2;
	v23 =	vld.idx.msk [tilespmem:v32+s23+$0x0], $0xffff  }
0x21e: {  	v38 =	vadd.s32 s10, v0;
	v24 =	vld.idx.msk [tilespmem:v33+s23+$0x0], $0xffff  }
0x21f: {  	v39 =	vadd.s32 s10, v2;
	v25 =	vld.idx.msk [tilespmem:v34+s24+$0x0], $0xffff  }
0x220: {  	v26 =	vld.idx.msk [tilespmem:v35+s24+$0x0], $0xffff  }
0x221: {  	v27 =	vld.idx.msk [tilespmem:v36+s15+$0x0], $0xffff  }
0x222: {  	v28 =	vld.idx.msk [tilespmem:v37+s15+$0x0], $0xffff  }
0x223: {  	v29 =	vld.idx.msk [tilespmem:v38+s16+$0x0], $0xffff  }
0x224: {  	v30 =	vld.idx.msk [tilespmem:v39+s16+$0x0], $0xffff;
	_ =	sdelay $0x2  }
0x225: {  	p1 =	sgt.u32 s3, $0xF41FF  }
0x226: {  	p2 =	sgt.u32 s9, $0xF41FF;
	v23 =	vpsel p1, v27, v23  }
0x227: {  	v24 =	vpsel p1, v28, v24;
	v25 =	vpsel p2, v29, v25;
	v26 =	vpsel p2, v30, v26  }
0x228: {  	v23 =	vmul.f32 v25, v23;
	v24 =	vmul.f32 v26, v24;
	_ =	sdelay $0x1  }
0x229: {  	v23 =	vmul.f32 v23, v19;
	v24 =	vmul.f32 v24, v20;
	_ =	sdelay $0x1  }
0x22a: {  	v23 =	vadd.f32 v24, v23;
	_ =	sdelay $0x1  }
0x22b: {  	[tilespmem:$0x25A0] =	vst v23  }
0x22c: {  	_ =	swait.ge [sflag:s5], $0x1000  }
0x22d: {  	[sflag:s5] =	ssyncset.done $0x0  }
0x22e: {  	[sflag:s5] =	ssyncadd.s32 $0xFFFFF000  }
0x22f: {  	_ =	swait.ge [sflag:s6], $0x1000  }
0x230: {  	(v2sf) =	vpush v21, $0x3;
	_ =	sdelay $0x1  }
0x231: {  	(v2sf) =	vpush v22, $0x3;
	_ =	sdelay $0xc  }
0x232: {  	s3 =	spop (v2sf)  }
0x233: {  	s11 =	sand.u32 $0xFFF80, s3  }
0x234: {  	s9 =	spop (v2sf);
	s8 =	smin.u32 s11, $0xF4180  }
0x235: {  	s12 =	sand.u32 $0xFFF80, s9;
	s8 =	ssub.s32 s3, s8  }
0x236: {  	s10 =	smin.u32 s12, $0xF4180;
	p0 =	slt.s32 s8, $0x7F  }
0x237: {  	s10 =	ssub.s32 s9, s10;
	s8 =	simm.s32 @!p0 $0x7F  }
0x238: {  	p0 =	slt.s32 s10, $0x7F;
	v40 =	vadd.s32 s8, v0  }
0x239: {  	s11 =	smax.u32 s3, $0xF41C0;
	s10 =	simm.s32 @!p0 $0x7F;
	v41 =	vadd.s32 s8, v2  }
0x23a: {  	s8 =	smin.u32 s11, $0xF423F;
	v42 =	vadd.s32 s10, v0  }
0x23b: {  	[sflag:s6] =	ssyncset.done $0x0;
	s12 =	smax.u32 s9, $0xF41C0;
	v43 =	vadd.s32 s10, v2;
	s8 =	sadd.s32 $0xFFF0BE40, s8  }
0x23c: {  	[sflag:s6] =	ssyncadd.s32 $0xFFFFF000;
	s10 =	smin.u32 s12, $0xF423F;
	v44 =	vadd.s32 s8, v0  }
0x23d: {  	s10 =	sadd.s32 $0xFFF0BE40, s10;
	v45 =	vadd.s32 s8, v2;
	v23 =	vld.idx.msk [tilespmem:v40+s25+$0x0], $0xffff  }
0x23e: {  	v46 =	vadd.s32 s10, v0;
	v24 =	vld.idx.msk [tilespmem:v41+s25+$0x0], $0xffff  }
0x23f: {  	v47 =	vadd.s32 s10, v2;
	v25 =	vld.idx.msk [tilespmem:v42+s26+$0x0], $0xffff  }
0x240: {  	v26 =	vld.idx.msk [tilespmem:v43+s26+$0x0], $0xffff  }
0x241: {  	v27 =	vld.idx.msk [tilespmem:v44+s15+$0x0], $0xffff  }
0x242: {  	v28 =	vld.idx.msk [tilespmem:v45+s15+$0x0], $0xffff  }
0x243: {  	v29 =	vld.idx.msk [tilespmem:v46+s16+$0x0], $0xffff  }
0x244: {  	v30 =	vld.idx.msk [tilespmem:v47+s16+$0x0], $0xffff;
	_ =	sdelay $0x2  }
0x245: {  	p3 =	sgt.u32 s3, $0xF41FF  }
0x246: {  	p4 =	sgt.u32 s9, $0xF41FF;
	v23 =	vpsel p3, v27, v23  }
0x247: {  	v24 =	vpsel p3, v28, v24;
	v25 =	vpsel p4, v29, v25;
	v26 =	vpsel p4, v30, v26  }
0x248: {  	v23 =	vmul.f32 v25, v23;
	v24 =	vmul.f32 v26, v24;
	_ =	sdelay $0x1  }
0x249: {  	v23 =	vmul.f32 v23, v19;
	v24 =	vmul.f32 v24, v20;
	_ =	sdelay $0x1  }
0x24a: {  	v23 =	vadd.f32 v24, v23;
	_ =	sdelay $0x1  }
0x24b: {  	[tilespmem:$0x25B0] =	vst v23  }
0x24c: {  	_ =	swait.ge [sflag:s5], $0x1000  }
0x24d: {  	[sflag:s5] =	ssyncset.done $0x0  }
0x24e: {  	[sflag:s5] =	ssyncadd.s32 $0xFFFFF000  }
0x24f: {  	_ =	swait.ge [sflag:s6], $0x1000  }
0x250: {  	(v2sf) =	vpush v21, $0x4;
	_ =	sdelay $0x1  }
0x251: {  	(v2sf) =	vpush v22, $0x4;
	_ =	sdelay $0xc  }
0x252: {  	s3 =	spop (v2sf)  }
0x253: {  	s11 =	sand.u32 $0xFFF80, s3  }
0x254: {  	s9 =	spop (v2sf);
	s8 =	smin.u32 s11, $0xF4180  }
0x255: {  	s12 =	sand.u32 $0xFFF80, s9;
	s8 =	ssub.s32 s3, s8  }
0x256: {  	s10 =	smin.u32 s12, $0xF4180;
	p0 =	slt.s32 s8, $0x7F  }
0x257: {  	s10 =	ssub.s32 s9, s10;
	s8 =	simm.s32 @!p0 $0x7F  }
0x258: {  	p0 =	slt.s32 s10, $0x7F;
	v48 =	vadd.s32 s8, v0  }
0x259: {  	s11 =	smax.u32 s3, $0xF41C0;
	s10 =	simm.s32 @!p0 $0x7F;
	v49 =	vadd.s32 s8, v2  }
0x25a: {  	s8 =	smin.u32 s11, $0xF423F;
	v50 =	vadd.s32 s10, v0  }
0x25b: {  	[sflag:s6] =	ssyncset.done $0x0;
	s12 =	smax.u32 s9, $0xF41C0;
	v51 =	vadd.s32 s10, v2;
	s8 =	sadd.s32 $0xFFF0BE40, s8  }
0x25c: {  	[sflag:s6] =	ssyncadd.s32 $0xFFFFF000;
	s10 =	smin.u32 s12, $0xF423F;
	v52 =	vadd.s32 s8, v0  }
0x25d: {  	s10 =	sadd.s32 $0xFFF0BE40, s10;
	v53 =	vadd.s32 s8, v2;
	v23 =	vld.idx.msk [tilespmem:v48+s28+$0x0], $0xffff  }
0x25e: {  	v54 =	vadd.s32 s10, v0;
	v24 =	vld.idx.msk [tilespmem:v49+s28+$0x0], $0xffff  }
0x25f: {  	v55 =	vadd.s32 s10, v2;
	v25 =	vld.idx.msk [tilespmem:v50+s29+$0x0], $0xffff  }
0x260: {  	v26 =	vld.idx.msk [tilespmem:v51+s29+$0x0], $0xffff  }
0x261: {  	v27 =	vld.idx.msk [tilespmem:v52+s15+$0x0], $0xffff  }
0x262: {  	v28 =	vld.idx.msk [tilespmem:v53+s15+$0x0], $0xffff  }
0x263: {  	v29 =	vld.idx.msk [tilespmem:v54+s16+$0x0], $0xffff  }
0x264: {  	v30 =	vld.idx.msk [tilespmem:v55+s16+$0x0], $0xffff;
	_ =	sdelay $0x2  }
0x265: {  	p5 =	sgt.u32 s3, $0xF41FF  }
0x266: {  	p6 =	sgt.u32 s9, $0xF41FF;
	v23 =	vpsel p5, v27, v23  }
0x267: {  	v24 =	vpsel p5, v28, v24;
	v25 =	vpsel p6, v29, v25;
	v26 =	vpsel p6, v30, v26  }
0x268: {  	v23 =	vmul.f32 v25, v23;
	v24 =	vmul.f32 v26, v24;
	_ =	sdelay $0x1  }
0x269: {  	v23 =	vmul.f32 v23, v19;
	v24 =	vmul.f32 v24, v20;
	_ =	sdelay $0x1  }
0x26a: {  	v23 =	vadd.f32 v24, v23;
	_ =	sdelay $0x1  }
0x26b: {  	[tilespmem:$0x25C0] =	vst v23  }
0x26c: {  	_ =	swait.ge [sflag:s5], $0x1000  }
0x26d: {  	[sflag:s5] =	ssyncset.done $0x0  }
0x26e: {  	[sflag:s5] =	ssyncadd.s32 $0xFFFFF000  }
0x26f: {  	_ =	swait.ge [sflag:s6], $0x1000  }
0x270: {  	(v2sf) =	vpush v21, $0x5;
	_ =	sdelay $0x1  }
0x271: {  	(v2sf) =	vpush v22, $0x5;
	_ =	sdelay $0xc  }
0x272: {  	s3 =	spop (v2sf)  }
0x273: {  	s11 =	sand.u32 $0xFFF80, s3  }
0x274: {  	s9 =	spop (v2sf);
	s8 =	smin.u32 s11, $0xF4180  }
0x275: {  	s12 =	sand.u32 $0xFFF80, s9;
	s8 =	ssub.s32 s3, s8  }
0x276: {  	s10 =	smin.u32 s12, $0xF4180;
	p0 =	slt.s32 s8, $0x7F  }
0x277: {  	s10 =	ssub.s32 s9, s10;
	s8 =	simm.s32 @!p0 $0x7F  }
0x278: {  	p0 =	slt.s32 s10, $0x7F;
	v56 =	vadd.s32 s8, v0  }
0x279: {  	s11 =	smax.u32 s3, $0xF41C0;
	s10 =	simm.s32 @!p0 $0x7F;
	v57 =	vadd.s32 s8, v2  }
0x27a: {  	s8 =	smin.u32 s11, $0xF423F;
	v58 =	vadd.s32 s10, v0  }
0x27b: {  	[sflag:s6] =	ssyncset.done $0x0;
	s12 =	smax.u32 s9, $0xF41C0;
	v59 =	vadd.s32 s10, v2;
	s8 =	sadd.s32 $0xFFF0BE40, s8  }
0x27c: {  	[sflag:s6] =	ssyncadd.s32 $0xFFFFF000;
	s10 =	smin.u32 s12, $0xF423F;
	v60 =	vadd.s32 s8, v0  }
0x27d: {  	s10 =	sadd.s32 $0xFFF0BE40, s10;
	v61 =	vadd.s32 s8, v2;
	v23 =	vld.idx.msk [tilespmem:v56+s30+$0x0], $0xffff  }
0x27e: {  	v62 =	vadd.s32 s10, v0;
	v24 =	vld.idx.msk [tilespmem:v57+s30+$0x0], $0xffff  }
0x27f: {  	v63 =	vadd.s32 s10, v2;
	v25 =	vld.idx.msk [tilespmem:v58+s31+$0x0], $0xffff  }
0x280: {  	v26 =	vld.idx.msk [tilespmem:v59+s31+$0x0], $0xffff  }
0x281: {  	v27 =	vld.idx.msk [tilespmem:v60+s15+$0x0], $0xffff  }
0x282: {  	v28 =	vld.idx.msk [tilespmem:v61+s15+$0x0], $0xffff  }
0x283: {  	v29 =	vld.idx.msk [tilespmem:v62+s16+$0x0], $0xffff  }
0x284: {  	v30 =	vld.idx.msk [tilespmem:v63+s16+$0x0], $0xffff;
	_ =	sdelay $0x2  }
0x285: {  	p1 =	sgt.u32 s3, $0xF41FF  }
0x286: {  	p2 =	sgt.u32 s9, $0xF41FF;
	v23 =	vpsel p1, v27, v23  }
0x287: {  	v24 =	vpsel p1, v28, v24;
	v25 =	vpsel p2, v29, v25;
	v26 =	vpsel p2, v30, v26  }
0x288: {  	v23 =	vmul.f32 v25, v23;
	v24 =	vmul.f32 v26, v24;
	_ =	sdelay $0x1  }
0x289: {  	v23 =	vmul.f32 v23, v19;
	v24 =	vmul.f32 v24, v20;
	_ =	sdelay $0x1  }
0x28a: {  	v23 =	vadd.f32 v24, v23;
	_ =	sdelay $0x1  }
0x28b: {  	[tilespmem:$0x25D0] =	vst v23  }
0x28c: {  	_ =	swait.ge [sflag:s5], $0x1000  }
0x28d: {  	[sflag:s5] =	ssyncset.done $0x0  }
0x28e: {  	[sflag:s5] =	ssyncadd.s32 $0xFFFFF000  }
0x28f: {  	_ =	swait.ge [sflag:s6], $0x1000  }
0x290: {  	(v2sf) =	vpush v21, $0x6;
	_ =	sdelay $0x1  }
0x291: {  	(v2sf) =	vpush v22, $0x6;
	_ =	sdelay $0xc  }
0x292: {  	s3 =	spop (v2sf)  }
0x293: {  	s11 =	sand.u32 $0xFFF80, s3  }
0x294: {  	s9 =	spop (v2sf);
	s8 =	smin.u32 s11, $0xF4180  }
0x295: {  	s12 =	sand.u32 $0xFFF80, s9;
	s8 =	ssub.s32 s3, s8  }
0x296: {  	s10 =	smin.u32 s12, $0xF4180;
	p0 =	slt.s32 s8, $0x7F  }
0x297: {  	s10 =	ssub.s32 s9, s10;
	s8 =	simm.s32 @!p0 $0x7F  }
0x298: {  	p0 =	slt.s32 s10, $0x7F;
	v32 =	vadd.s32 s8, v0  }
0x299: {  	s11 =	smax.u32 s3, $0xF41C0;
	s10 =	simm.s32 @!p0 $0x7F;
	v33 =	vadd.s32 s8, v2  }
0x29a: {  	s8 =	smin.u32 s11, $0xF423F;
	v34 =	vadd.s32 s10, v0  }
0x29b: {  	[sflag:s6] =	ssyncset.done $0x0;
	s12 =	smax.u32 s9, $0xF41C0;
	v35 =	vadd.s32 s10, v2;
	s8 =	sadd.s32 $0xFFF0BE40, s8  }
0x29c: {  	[sflag:s6] =	ssyncadd.s32 $0xFFFFF000;
	s10 =	smin.u32 s12, $0xF423F;
	v36 =	vadd.s32 s8, v0  }
0x29d: {  	s10 =	sadd.s32 $0xFFF0BE40, s10;
	v37 =	vadd.s32 s8, v2;
	v23 =	vld.idx.msk [tilespmem:v32+s0+$0x0], $0xffff  }
0x29e: {  	v38 =	vadd.s32 s10, v0;
	v24 =	vld.idx.msk [tilespmem:v33+s0+$0x0], $0xffff  }
0x29f: {  	v39 =	vadd.s32 s10, v2;
	v25 =	vld.idx.msk [tilespmem:v34+s4+$0x0], $0xffff  }
0x2a0: {  	v26 =	vld.idx.msk [tilespmem:v35+s4+$0x0], $0xffff  }
0x2a1: {  	v27 =	vld.idx.msk [tilespmem:v36+s15+$0x0], $0xffff  }
0x2a2: {  	v28 =	vld.idx.msk [tilespmem:v37+s15+$0x0], $0xffff  }
0x2a3: {  	v29 =	vld.idx.msk [tilespmem:v38+s16+$0x0], $0xffff  }
0x2a4: {  	v30 =	vld.idx.msk [tilespmem:v39+s16+$0x0], $0xffff;
	_ =	sdelay $0x2  }
0x2a5: {  	p3 =	sgt.u32 s3, $0xF41FF  }
0x2a6: {  	p4 =	sgt.u32 s9, $0xF41FF;
	v23 =	vpsel p3, v27, v23  }
0x2a7: {  	v24 =	vpsel p3, v28, v24;
	v25 =	vpsel p4, v29, v25;
	v26 =	vpsel p4, v30, v26  }
0x2a8: {  	v23 =	vmul.f32 v25, v23;
	v24 =	vmul.f32 v26, v24;
	_ =	sdelay $0x1  }
0x2a9: {  	v23 =	vmul.f32 v23, v19;
	v24 =	vmul.f32 v24, v20;
	_ =	sdelay $0x1  }
0x2aa: {  	v23 =	vadd.f32 v24, v23;
	_ =	sdelay $0x1  }
0x2ab: {  	[tilespmem:$0x25E0] =	vst v23  }
0x2ac: {  	_ =	swait.ge [sflag:s5], $0x1000  }
0x2ad: {  	[sflag:s5] =	ssyncset.done $0x0  }
0x2ae: {  	[sflag:s5] =	ssyncadd.s32 $0xFFFFF000  }
0x2af: {  	_ =	swait.ge [sflag:s6], $0x1000  }
0x2b0: {  	(v2sf) =	vpush v21, $0x7;
	_ =	sdelay $0x1  }
0x2b1: {  	(v2sf) =	vpush v22, $0x7;
	_ =	sdelay $0xc  }
0x2b2: {  	s3 =	spop (v2sf)  }
0x2b3: {  	s10 =	sand.u32 $0xFFF80, s3  }
0x2b4: {  	s9 =	spop (v2sf);
	s8 =	smin.u32 s10, $0xF4180  }
0x2b5: {  	s11 =	sand.u32 $0xFFF80, s9;
	s8 =	ssub.s32 s3, s8  }
0x2b6: {  	s10 =	smin.u32 s11, $0xF4180;
	p0 =	slt.s32 s8, $0x7F  }
0x2b7: {  	s10 =	ssub.s32 s9, s10;
	s8 =	simm.s32 @!p0 $0x7F  }
0x2b8: {  	p0 =	slt.s32 s10, $0x7F;
	v40 =	vadd.s32 s8, v0  }
0x2b9: {  	s12 =	smax.u32 s3, $0xF41C0;
	s10 =	simm.s32 @!p0 $0x7F;
	v41 =	vadd.s32 s8, v2  }
0x2ba: {  	s8 =	smin.u32 s12, $0xF423F;
	v42 =	vadd.s32 s10, v0  }
0x2bb: {  	[sflag:s6] =	ssyncset.done $0x0;
	s11 =	smax.u32 s9, $0xF41C0;
	v43 =	vadd.s32 s10, v2;
	s8 =	sadd.s32 $0xFFF0BE40, s8  }
0x2bc: {  	[sflag:s6] =	ssyncadd.s32 $0xFFFFF000;
	s10 =	smin.u32 s11, $0xF423F;
	v44 =	vadd.s32 s8, v0  }
0x2bd: {  	v45 =	vadd.s32 s8, v2;
	s12 =	sadd.s32 $0xFFF0BE40, s10;
	v21 =	vld.idx.msk [tilespmem:v40+s13+$0x0], $0xffff  }
0x2be: {  	v46 =	vadd.s32 s12, v0;
	v22 =	vld.idx.msk [tilespmem:v41+s13+$0x0], $0xffff  }
0x2bf: {  	v47 =	vadd.s32 s12, v2;
	v23 =	vld.idx.msk [tilespmem:v42+s14+$0x0], $0xffff  }
0x2c0: {  	v24 =	vld.idx.msk [tilespmem:v43+s14+$0x0], $0xffff  }
0x2c1: {  	v25 =	vld.idx.msk [tilespmem:v44+s15+$0x0], $0xffff  }
0x2c2: {  	v26 =	vld.idx.msk [tilespmem:v45+s15+$0x0], $0xffff  }
0x2c3: {  	v27 =	vld.idx.msk [tilespmem:v46+s16+$0x0], $0xffff  }
0x2c4: {  	v28 =	vld.idx.msk [tilespmem:v47+s16+$0x0], $0xffff;
	_ =	sdelay $0x2  }
0x2c5: {  	p5 =	sgt.u32 s3, $0xF41FF  }
0x2c6: {  	p6 =	sgt.u32 s9, $0xF41FF;
	v21 =	vpsel p5, v25, v21  }
0x2c7: {  	v22 =	vpsel p5, v26, v22;
	v23 =	vpsel p6, v27, v23;
	v24 =	vpsel p6, v28, v24  }
0x2c8: {  	v21 =	vmul.f32 v23, v21;
	v22 =	vmul.f32 v24, v22;
	_ =	sdelay $0x1  }
0x2c9: {  	v19 =	vmul.f32 v21, v19;
	v48 =	vmul.f32 v22, v20;
	_ =	sdelay $0x1  }
0x2ca: {  	v19 =	vadd.f32 v48, v19;
	_ =	sdelay $0x1  }
0x2cb: {  	[tilespmem:$0x25F0] =	vst v19  }
0x2cc: {  	v19 =	vld.idx.msk [tilespmem:v1+s7+$0x0], $0xffff;
	_ =	sdelay $0x1  }
0x2cd: {  	v49 =	vld.idx.msk [tilespmem:v3+s7+$0x0], $0xffff;
	_ =	sdelay $0x1  }
0x2ce: {  	v50 =	vld.idx.msk [tilespmem:v4+s7+$0x0], $0xffff  }
0x2cf: {  	v19 =	vadd.f32 $0.0e+00, v19  }
0x2d0: {  	v51 =	vld.idx.msk [tilespmem:v5+s7+$0x0], $0xffff  }
0x2d1: {  	v19 =	vadd.f32 v49, v19  }
0x2d2: {  	v52 =	vld.idx.msk [tilespmem:v6+s7+$0x0], $0xffff  }
0x2d3: {  	v19 =	vadd.f32 v50, v19  }
0x2d4: {  	v53 =	vld.idx.msk [tilespmem:v7+s7+$0x0], $0xffff  }
0x2d5: {  	v19 =	vadd.f32 v51, v19  }
0x2d6: {  	v54 =	vld.idx.msk [tilespmem:v8+s7+$0x0], $0xffff  }
0x2d7: {  	v19 =	vadd.f32 v52, v19  }
0x2d8: {  	v55 =	vld.idx.msk [tilespmem:v9+s7+$0x0], $0xffff  }
0x2d9: {  	v19 =	vadd.f32 v53, v19  }
0x2da: {  	v56 =	vld.idx.msk [tilespmem:v10+s7+$0x0], $0xffff  }
0x2db: {  	v19 =	vadd.f32 v54, v19  }
0x2dc: {  	v57 =	vld.idx.msk [tilespmem:v11+s7+$0x0], $0xffff  }
0x2dd: {  	v19 =	vadd.f32 v55, v19  }
0x2de: {  	v58 =	vld.idx.msk [tilespmem:v12+s7+$0x0], $0xffff  }
0x2df: {  	v19 =	vadd.f32 v56, v19  }
0x2e0: {  	v59 =	vld.idx.msk [tilespmem:v13+s7+$0x0], $0xffff  }
0x2e1: {  	v19 =	vadd.f32 v57, v19  }
0x2e2: {  	v60 =	vld.idx.msk [tilespmem:v14+s7+$0x0], $0xffff  }
0x2e3: {  	v19 =	vadd.f32 v58, v19  }
0x2e4: {  	v61 =	vld.idx.msk [tilespmem:v15+s7+$0x0], $0xffff  }
0x2e5: {  	v19 =	vadd.f32 v59, v19  }
0x2e6: {  	v62 =	vld.idx.msk [tilespmem:v16+s7+$0x0], $0xffff  }
0x2e7: {  	v19 =	vadd.f32 v60, v19  }
0x2e8: {  	v63 =	vld.idx.msk [tilespmem:v17+s7+$0x0], $0xffff  }
0x2e9: {  	v19 =	vadd.f32 v61, v19;
	_ =	sdelay $0x1  }
0x2ea: {  	v19 =	vadd.f32 v62, v19;
	_ =	sdelay $0x1  }
0x2eb: {  	v19 =	vadd.f32 v63, v19;
	_ =	sdelay $0x1  }
0x2ec: {  	v18 =	vadd.f32 v19, v18;
	_ =	sdelay $0x1  }
0x2ed: {  	v18 =	vsub.f32 $0.0e+00, v18;
	_ =	sdelay $0x1  }
0x2ee: {  	v18 =	vmul.f32 $1.442695020e+00, v18;
	_ =	sdelay $0x1  }
0x2ef: {  	(erf) = vpow2.f32 v18;
	_ =	sdelay $0x8  }
0x2f0: {  	v18 =	vpop (erf)  }
0x2f1: {  	v18 =	vadd.f32 $1.000000000e+00, v18;
	_ =	sdelay $0x1  }
0x2f2: {  	(erf) = vrcp.f32 v18;
	_ =	sdelay $0x8  }
0x2f3: {  	v18 =	vpop (erf)  }
0x2f4: {  	s3 =	simm.s32 $0x0;
	s9 =	rddreg [dreg:$0xc];
	s10 =	simm.s32 $0x2680;
	[tilespmem:$0x2878] =	vst v18  }
0x2f5: {  	[hbm4b:s9+s3] =	stream.linear.scatter [tilespmem:s10], [sflag:$0x3], $0x200, $0x38;
	[tilespmem:$0x12900] =	vst v63  }
0x2f6: {  	s9 =	simm.s32 $0x3  }
0x2f7: {  	_ =	swait.ge [sflag:s9], $0x200  }
0x2f8: {  	s11 =	rddreg [dreg:$0xe]  }
0x2f9: {  	s12 =	rddreg [dreg:$0xd];
	s10 =	sadd.s32 $0x1, s11  }
0x2fa: {  	p0 =	sne.s32 s10, s12  }
.Ltmp1:
0x2fb: {  	_ = 	snop;
	(pc) =	sbr.rel @p0 .LBB2_1-.Ltmp1, $3  }
0x2fc: {  	_ =	sdelay $0x1  }
0x2fd: {  	[sflag:s9] =	ssyncset.done $0x0  }
0x2fe: {  	[sflag:s9] =	ssyncadd.s32 $0xFFFFFE00  }
0x2ff: {  	_ =	sfence.sel $0x180000  }
0x300: {  	[bflag:$0x0] =	sbarrier.arrive $0xFFFF  }
0x301: {  	_ =	strace $0x90000047  }
0x302: {  	s0 =	stileid.u32;
	[bflag:$0x2] =	sbarrier.arrive $0xFFFF  }
0x303: {  	p0 =	sne.s32 s0, $0x0;
	s0 =	rddreg [dreg:$0x6]  }
0x304: {  	s0 =	sadd.s32 @!p0 $0x100000, s0  }
0x305: {  	[sflag:s0] =	ssyncadd.tile.s32 @!p0 $0x1;
	_ =	shalt  }
.Lfunc_end2:
_tile_overlayer_lowered:
.L_overlay_start_2:
0x306: {  	(tag) =	ssettag $0x2  }
0x307: {  	s0 =	rddreg [dreg:$0x0];
	s2 =	stileid.u32  }
0x308: {  	s1 =	rddreg [dreg:$0x1];
	p0 =	sne.s32 s2, $0x0  }
0x309: {  	s3 =	rddreg [dreg:$0x2];
	[bflag:$0x3] =	sbarrier.arrive $0xFFFF;
	s2 =	simm.s32 @!p0 $0x1C03  }
0x30a: {  	[timem:s3], [sflag:s2] =	dma.local @!p0 [hbm:s0], s1  }
0x30b: {  	s0 =	simm.s32 @!p0 $0x3  }
0x30c: {  	_ =	swait.ge @!p0 [sflag:s0], s1  }
0x30d: {  	s1 =	ssub.s32 @!p0 $0x0, s1;
	[sflag:s0] =	ssyncset.done @!p0 $0x0  }
0x30e: {  	[sflag:s0] =	ssyncadd.s32 @!p0 s1  }
0x30f: {  	[bflag:$0x3] =	sbarrier.arrive $0xFFFF  }
0x310: {  	_ =	shalt  }

</sc_bundles>
